<compile_context>
chip_gen: v7x
topology: tpu7x:2x2x1
jax: 0.10.2.dev20260603
libtpu: 0.0.44.dev20260713+nightly
codegen_flags: <defaults>
</compile_context>

<pallas_src>
import functools
import jax
import jax.numpy as jnp
from jax import lax
from jax.experimental import pallas as pl
from jax.experimental.pallas import tpu as pltpu
from jax.experimental.pallas import tpu_sc as plsc

NUM_FRAMES = 4096
NUM_CLASSES = 1024
NC = 2
NS = 16
L = 16
NW = NC * NS
ROWS_PER_W = NUM_FRAMES // NW
CHUNK = 32
NCHUNK = ROWS_PER_W // CHUNK
NSLICE = NUM_CLASSES // L
NCHAIN = 4
BLANK = 0
BIG = 2**31 - 1


def _row_label(buf, row, lane):
    vs = [jnp.full((L,), -jnp.inf, jnp.float32) for _ in range(NCHAIN)]
    ss = [jnp.zeros((L,), jnp.int32) for _ in range(NCHAIN)]
    for s in range(NSLICE):
        k = s % NCHAIN
        v = buf[row, pl.ds(s * L, L)]
        m = v > vs[k]
        vs[k] = jnp.where(m, v, vs[k])
        ss[k] = jnp.where(m, s, ss[k])
    cs = [ss[k] * L + lane for k in range(NCHAIN)]
    while len(vs) > 1:
        nv, ncl = [], []
        for a in range(0, len(vs), 2):
            b = a + 1
            take_b = (vs[b] > vs[a]) | ((vs[b] == vs[a]) & (cs[b] < cs[a]))
            nv.append(jnp.where(take_b, vs[b], vs[a]))
            ncl.append(jnp.where(take_b, cs[b], cs[a]))
        vs, cs = nv, ncl
    gmax = lax.reduce_max(vs[0], (0,))
    cand = jnp.where(vs[0] == gmax, cs[0], jnp.int32(BIG))
    return lax.reduce_min(cand, (0,))


def _body(em_hbm, out_hbm, buf0, buf1, bufp, labext, decv, sem0, sem1, semp):
    wid = lax.axis_index("s") * NC + lax.axis_index("c")
    row0 = wid * ROWS_PER_W
    lane = lax.broadcasted_iota(jnp.int32, (L,), 0)

    rp = jnp.maximum(row0 - 1, 0)
    cpp = pltpu.async_copy(em_hbm.at[pl.ds(rp, 1), :], bufp, semp)
    bufs = (buf0, buf1)
    sems = (sem0, sem1)
    cps = [pltpu.async_copy(em_hbm.at[pl.ds(row0, CHUNK), :], buf0, sem0),
           None]

    cpp.wait()
    plabel = jnp.where(wid == 0, jnp.int32(-1), _row_label(bufp, 0, lane))
    plsc.store_scatter(
        labext, [jnp.zeros((L,), jnp.int32)],
        jnp.zeros((L,), jnp.int32) + plabel, mask=lane == 0)

    zero = jnp.zeros((L,), jnp.int32)
    lane0 = lane == 0
    for k in range(NCHUNK):
        if k + 1 < NCHUNK:
            cps[(k + 1) % 2] = pltpu.async_copy(
                em_hbm.at[pl.ds(row0 + (k + 1) * CHUNK, CHUNK), :],
                bufs[(k + 1) % 2], sems[(k + 1) % 2])
        cps[k % 2].wait()
        buf = bufs[k % 2]

        def rowstep(r, carry):
            lab = _row_label(buf, r, lane)
            plsc.store_scatter(
                labext, [zero + (k * CHUNK + 1 + r)], zero + lab, mask=lane0)
            return carry

        lax.fori_loop(0, CHUNK, rowstep, 0)

    for g in range(ROWS_PER_W // L):
        cur = plsc.load_gather(labext, [lane + g * L + 1])
        prv = plsc.load_gather(labext, [lane + g * L])
        keep = (cur != prv) & (cur != BLANK)
        decv[pl.ds(g * L, L)] = jnp.where(keep, cur, jnp.int32(-1))

    pltpu.sync_copy(decv, out_hbm.at[pl.ds(row0, ROWS_PER_W)])


def kernel(emission):
    mesh = plsc.VectorSubcoreMesh(core_axis_name="c", subcore_axis_name="s")
    k = functools.partial(
        pl.kernel,
        out_type=jax.ShapeDtypeStruct((NUM_FRAMES,), jnp.int32),
        mesh=mesh,
        compiler_params=pltpu.CompilerParams(needs_layout_passes=False),
        scratch_types=[
            pltpu.VMEM((CHUNK, NUM_CLASSES), jnp.float32),
            pltpu.VMEM((CHUNK, NUM_CLASSES), jnp.float32),
            pltpu.VMEM((1, NUM_CLASSES), jnp.float32),
            pltpu.VMEM((ROWS_PER_W + 1,), jnp.int32),
            pltpu.VMEM((ROWS_PER_W,), jnp.int32),
            pltpu.SemaphoreType.DMA,
            pltpu.SemaphoreType.DMA,
            pltpu.SemaphoreType.DMA,
        ],
    )(_body)
    return k(emission)

# --- scband reference (transcript-rebuilt; emitter-appended) ---
"""Pipeline reference for scband-greedy-ctcdecoder-2465311228160 (READ-ONLY COPY).

The authoritative reference and input builder live on the scoring server;
editing this copy changes nothing except your own understanding.
"""

import jax, jax.numpy as jnp
import numpy as np

BLANK = 0

def setup_inputs(seed: int = 0) -> dict:
    key = jax.random.key(seed)
    emission = jax.random.normal(key, (4096, 1024), dtype=jnp.float32)
    return {"emission": emission}

def reference(emission):
    # Greedy CTC decode, expressed with fixed shapes (jit-friendly):
    # 1) best label per frame
    indices = jnp.argmax(emission, axis=-1)
    # 2) collapse consecutive repeats (torch.unique_consecutive equivalent via mask)
    prev = jnp.concatenate([jnp.full((1,), -1, dtype=indices.dtype), indices[:-1]])
    keep = (indices != prev) & (indices != BLANK)
    # 3) blank / repeated positions are marked -1 instead of being removed,
    #    so the output has a static shape [num_seq]
    decoded = jnp.where(keep, indices, -1)
    return decoded

if __name__ == "__main__":
    import jax
    _d = setup_inputs()
    print(jax.jit(kernel)(*tuple(_d.values())))

</pallas_src>

<mosaic_0001>
#map = affine_map<(d0, d1) -> (0, 0)>
#map1 = affine_map<(d0, d1) -> (0)>
module attributes {stable_mosaic.version = 14 : i64} {
  func.func @_body(%arg0: i32, %arg1: i32, %arg2: memref<4096x1024xf32, #tpu.memory_space<hbm>>, %arg3: memref<4096xi32, #tpu.memory_space<hbm>>, %arg4: memref<32x1024xf32, #tpu.memory_space<vmem>>, %arg5: memref<32x1024xf32, #tpu.memory_space<vmem>>, %arg6: memref<1x1024xf32, #tpu.memory_space<vmem>>, %arg7: memref<129xi32, #tpu.memory_space<vmem>>, %arg8: memref<128xi32, #tpu.memory_space<vmem>>, %arg9: memref<!tpu.dma_semaphore, #tpu.memory_space<semaphore_mem>>, %arg10: memref<!tpu.dma_semaphore, #tpu.memory_space<semaphore_mem>>, %arg11: memref<!tpu.dma_semaphore, #tpu.memory_space<semaphore_mem>>) attributes {dimension_semantics = [#tpu.dimension_semantics<core_parallel>, #tpu.dimension_semantics<subcore_parallel>], iteration_bounds = array<i64: 2, 16>, scalar_prefetch = 0 : i64, scratch_operands = 8 : i64, tpu.core_type = #tpu.core_type<sc_vector_subcore>, window_params = [{transform_indices = #map}, {transform_indices = #map1}]} {
    %mul3A = arith.constant 2 : i32
    %mul3A_0 = arith.muli %arg1, %mul3A : i32
    %add3A = arith.addi %mul3A_0, %arg0 : i32
    %mul3A_1 = arith.constant 128 : i32
    %mul3A_2 = arith.muli %add3A, %mul3A_1 : i32
    %iota3A = tpu.iota {dimensions = array<i32: 0>} : vector<16xi32>
    %sub3A = arith.constant 1 : i32
    %sub3A_3 = arith.subi %mul3A_2, %sub3A : i32
    %max3A = arith.constant 0 : i32
    %max3A_4 = arith.maxsi %sub3A_3, %max3A : i32
    %dma_start3A = arith.constant 0 : i32
    %dma_start3A_5 = tpu.memref_slice %arg2[%max3A_4, %dma_start3A] : memref<4096x1024xf32, #tpu.memory_space<hbm>> -> memref<1x1024xf32, #tpu.memory_space<hbm>>
    %dma_start3A_6 = arith.constant 0 : i32
    %dma_start3A_7 = tpu.memref_slice %arg2[%max3A_4, %dma_start3A_6] : memref<4096x1024xf32, #tpu.memory_space<hbm>> -> memref<1x1024xf32, #tpu.memory_space<hbm>>
    tpu.enqueue_dma source(%dma_start3A_7 : memref<1x1024xf32, #tpu.memory_space<hbm>>) target(%arg6 : memref<1x1024xf32, #tpu.memory_space<vmem>>) target_semaphore(%arg11 : memref<!tpu.dma_semaphore, #tpu.memory_space<semaphore_mem>>)
    %dma_start3A_8 = arith.constant 0 : i32
    %dma_start3A_9 = tpu.memref_slice %arg2[%mul3A_2, %dma_start3A_8] : memref<4096x1024xf32, #tpu.memory_space<hbm>> -> memref<32x1024xf32, #tpu.memory_space<hbm>>
    %dma_start3A_10 = arith.constant 0 : i32
    %dma_start3A_11 = tpu.memref_slice %arg2[%mul3A_2, %dma_start3A_10] : memref<4096x1024xf32, #tpu.memory_space<hbm>> -> memref<32x1024xf32, #tpu.memory_space<hbm>>
    tpu.enqueue_dma source(%dma_start3A_11 : memref<32x1024xf32, #tpu.memory_space<hbm>>) target(%arg4 : memref<32x1024xf32, #tpu.memory_space<vmem>>) target_semaphore(%arg9 : memref<!tpu.dma_semaphore, #tpu.memory_space<semaphore_mem>>)
    %dma_wait3A = arith.constant 0 : i32
    %dma_wait3A_12 = tpu.memref_slice %arg2[%max3A_4, %dma_wait3A] : memref<4096x1024xf32, #tpu.memory_space<hbm>> -> memref<1x1024xf32, #tpu.memory_space<hbm>>
    %dma_wait3A_13 = arith.constant 0 : i32
    %dma_wait3A_14 = tpu.memref_slice %arg2[%max3A_4, %dma_wait3A_13] : memref<4096x1024xf32, #tpu.memory_space<hbm>> -> memref<1x1024xf32, #tpu.memory_space<hbm>>
    tpu.wait_dma2 semaphore(%arg11 : memref<!tpu.dma_semaphore, #tpu.memory_space<semaphore_mem>>) src(%dma_wait3A_14 : memref<1x1024xf32, #tpu.memory_space<hbm>>) dst(%arg6 : memref<1x1024xf32, #tpu.memory_space<vmem>>)
    %eq3A = arith.constant 0 : i32
    %eq3A_15 = arith.cmpi eq, %add3A, %eq3A : i32
    %broadcast_in_dim3A = arith.constant 0xFF800000 : f32
    %broadcast_in_dim3A_16 = vector.broadcast %broadcast_in_dim3A : f32 to vector<16xf32>
    %broadcast_in_dim3A_17 = arith.constant 0xFF800000 : f32
    %broadcast_in_dim3A_18 = vector.broadcast %broadcast_in_dim3A_17 : f32 to vector<16xf32>
    %broadcast_in_dim3A_19 = arith.constant 0xFF800000 : f32
    %broadcast_in_dim3A_20 = vector.broadcast %broadcast_in_dim3A_19 : f32 to vector<16xf32>
    %broadcast_in_dim3A_21 = arith.constant 0xFF800000 : f32
    %broadcast_in_dim3A_22 = vector.broadcast %broadcast_in_dim3A_21 : f32 to vector<16xf32>
    %broadcast_in_dim3A_23 = arith.constant 0 : i32
    %broadcast_in_dim3A_24 = vector.broadcast %broadcast_in_dim3A_23 : i32 to vector<16xi32>
    %broadcast_in_dim3A_25 = arith.constant 0 : i32
    %broadcast_in_dim3A_26 = vector.broadcast %broadcast_in_dim3A_25 : i32 to vector<16xi32>
    %broadcast_in_dim3A_27 = arith.constant 0 : i32
    %broadcast_in_dim3A_28 = vector.broadcast %broadcast_in_dim3A_27 : i32 to vector<16xi32>
    %broadcast_in_dim3A_29 = arith.constant 0 : i32
    %broadcast_in_dim3A_30 = vector.broadcast %broadcast_in_dim3A_29 : i32 to vector<16xi32>
    %get3A = arith.constant 0 : i32
    %get3A_31 = arith.index_cast %get3A : i32 to index
    %get3A_32 = arith.constant 0 : index
    %get3A_33 = tpu.vector_load %arg6[%get3A_31, %get3A_32] {strides = array<i32>} : memref<1x1024xf32, #tpu.memory_space<vmem>>, vector<16xf32>,
    %gt3A = arith.cmpf ogt, %get3A_33, %broadcast_in_dim3A_16 : vector<16xf32>
    %select_n3A = arith.select %gt3A, %get3A_33, %broadcast_in_dim3A_16 : vector<16xi1>, vector<16xf32>
    %jit3A = arith.constant 0 : i32
    %broadcast_in_dim3A_34 = vector.broadcast %jit3A : i32 to vector<16xi32>
    %select_n3A_35 = arith.select %gt3A, %broadcast_in_dim3A_34, %broadcast_in_dim3A_24 : vector<16xi1>, vector<16xi32>
    %get3A_36 = arith.constant 0 : i32
    %get3A_37 = arith.index_cast %get3A_36 : i32 to index
    %get3A_38 = arith.constant 16 : index
    %get3A_39 = tpu.vector_load %arg6[%get3A_37, %get3A_38] {strides = array<i32>} : memref<1x1024xf32, #tpu.memory_space<vmem>>, vector<16xf32>,
    %gt3A_40 = arith.cmpf ogt, %get3A_39, %broadcast_in_dim3A_18 : vector<16xf32>
    %select_n3A_41 = arith.select %gt3A_40, %get3A_39, %broadcast_in_dim3A_18 : vector<16xi1>, vector<16xf32>
    %jit3A_42 = arith.constant 1 : i32
    %broadcast_in_dim3A_43 = vector.broadcast %jit3A_42 : i32 to vector<16xi32>
    %select_n3A_44 = arith.select %gt3A_40, %broadcast_in_dim3A_43, %broadcast_in_dim3A_26 : vector<16xi1>, vector<16xi32>
    %get3A_45 = arith.constant 0 : i32
    %get3A_46 = arith.index_cast %get3A_45 : i32 to index
    %get3A_47 = arith.constant 32 : index
    %get3A_48 = tpu.vector_load %arg6[%get3A_46, %get3A_47] {strides = array<i32>} : memref<1x1024xf32, #tpu.memory_space<vmem>>, vector<16xf32>,
    %gt3A_49 = arith.cmpf ogt, %get3A_48, %broadcast_in_dim3A_20 : vector<16xf32>
    %select_n3A_50 = arith.select %gt3A_49, %get3A_48, %broadcast_in_dim3A_20 : vector<16xi1>, vector<16xf32>
    %jit3A_51 = arith.constant 2 : i32
    %broadcast_in_dim3A_52 = vector.broadcast %jit3A_51 : i32 to vector<16xi32>
    %select_n3A_53 = arith.select %gt3A_49, %broadcast_in_dim3A_52, %broadcast_in_dim3A_28 : vector<16xi1>, vector<16xi32>
    %get3A_54 = arith.constant 0 : i32
    %get3A_55 = arith.index_cast %get3A_54 : i32 to index
    %get3A_56 = arith.constant 48 : index
    %get3A_57 = tpu.vector_load %arg6[%get3A_55, %get3A_56] {strides = array<i32>} : memref<1x1024xf32, #tpu.memory_space<vmem>>, vector<16xf32>,
    %gt3A_58 = arith.cmpf ogt, %get3A_57, %broadcast_in_dim3A_22 : vector<16xf32>
    %select_n3A_59 = arith.select %gt3A_58, %get3A_57, %broadcast_in_dim3A_22 : vector<16xi1>, vector<16xf32>
    %jit3A_60 = arith.constant 3 : i32
    %broadcast_in_dim3A_61 = vector.broadcast %jit3A_60 : i32 to vector<16xi32>
    %select_n3A_62 = arith.select %gt3A_58, %broadcast_in_dim3A_61, %broadcast_in_dim3A_30 : vector<16xi1>, vector<16xi32>
    %get3A_63 = arith.constant 0 : i32
    %get3A_64 = arith.index_cast %get3A_63 : i32 to index
    %get3A_65 = arith.constant 64 : index
    %get3A_66 = tpu.vector_load %arg6[%get3A_64, %get3A_65] {strides = array<i32>} : memref<1x1024xf32, #tpu.memory_space<vmem>>, vector<16xf32>,
    %gt3A_67 = arith.cmpf ogt, %get3A_66, %select_n3A : vector<16xf32>
    %select_n3A_68 = arith.select %gt3A_67, %get3A_66, %select_n3A : vector<16xi1>, vector<16xf32>
    %jit3A_69 = arith.constant 4 : i32
    %broadcast_in_dim3A_70 = vector.broadcast %jit3A_69 : i32 to vector<16xi32>
    %select_n3A_71 = arith.select %gt3A_67, %broadcast_in_dim3A_70, %select_n3A_35 : vector<16xi1>, vector<16xi32>
    %get3A_72 = arith.constant 0 : i32
    %get3A_73 = arith.index_cast %get3A_72 : i32 to index
    %get3A_74 = arith.constant 80 : index
    %get3A_75 = tpu.vector_load %arg6[%get3A_73, %get3A_74] {strides = array<i32>} : memref<1x1024xf32, #tpu.memory_space<vmem>>, vector<16xf32>,
    %gt3A_76 = arith.cmpf ogt, %get3A_75, %select_n3A_41 : vector<16xf32>
    %select_n3A_77 = arith.select %gt3A_76, %get3A_75, %select_n3A_41 : vector<16xi1>, vector<16xf32>
    %jit3A_78 = arith.constant 5 : i32
    %broadcast_in_dim3A_79 = vector.broadcast %jit3A_78 : i32 to vector<16xi32>
    %select_n3A_80 = arith.select %gt3A_76, %broadcast_in_dim3A_79, %select_n3A_44 : vector<16xi1>, vector<16xi32>
    %get3A_81 = arith.constant 0 : i32
    %get3A_82 = arith.index_cast %get3A_81 : i32 to index
    %get3A_83 = arith.constant 96 : index
    %get3A_84 = tpu.vector_load %arg6[%get3A_82, %get3A_83] {strides = array<i32>} : memref<1x1024xf32, #tpu.memory_space<vmem>>, vector<16xf32>,
    %gt3A_85 = arith.cmpf ogt, %get3A_84, %select_n3A_50 : vector<16xf32>
    %select_n3A_86 = arith.select %gt3A_85, %get3A_84, %select_n3A_50 : vector<16xi1>, vector<16xf32>
    %jit3A_87 = arith.constant 6 : i32
    %broadcast_in_dim3A_88 = vector.broadcast %jit3A_87 : i32 to vector<16xi32>
    %select_n3A_89 = arith.select %gt3A_85, %broadcast_in_dim3A_88, %select_n3A_53 : vector<16xi1>, vector<16xi32>
    %get3A_90 = arith.constant 0 : i32
    %get3A_91 = arith.index_cast %get3A_90 : i32 to index
    %get3A_92 = arith.constant 112 : index
    %get3A_93 = tpu.vector_load %arg6[%get3A_91, %get3A_92] {strides = array<i32>} : memref<1x1024xf32, #tpu.memory_space<vmem>>, vector<16xf32>,
    %gt3A_94 = arith.cmpf ogt, %get3A_93, %select_n3A_59 : vector<16xf32>
    %select_n3A_95 = arith.select %gt3A_94, %get3A_93, %select_n3A_59 : vector<16xi1>, vector<16xf32>
    %jit3A_96 = arith.constant 7 : i32
    %broadcast_in_dim3A_97 = vector.broadcast %jit3A_96 : i32 to vector<16xi32>
    %select_n3A_98 = arith.select %gt3A_94, %broadcast_in_dim3A_97, %select_n3A_62 : vector<16xi1>, vector<16xi32>
    %get3A_99 = arith.constant 0 : i32
    %get3A_100 = arith.index_cast %get3A_99 : i32 to index
    %get3A_101 = arith.constant 128 : index
    %get3A_102 = tpu.vector_load %arg6[%get3A_100, %get3A_101] {strides = array<i32>} : memref<1x1024xf32, #tpu.memory_space<vmem>>, vector<16xf32>,
    %gt3A_103 = arith.cmpf ogt, %get3A_102, %select_n3A_68 : vector<16xf32>
    %select_n3A_104 = arith.select %gt3A_103, %get3A_102, %select_n3A_68 : vector<16xi1>, vector<16xf32>
    %jit3A_105 = arith.constant 8 : i32
    %broadcast_in_dim3A_106 = vector.broadcast %jit3A_105 : i32 to vector<16xi32>
    %select_n3A_107 = arith.select %gt3A_103, %broadcast_in_dim3A_106, %select_n3A_71 : vector<16xi1>, vector<16xi32>
    %get3A_108 = arith.constant 0 : i32
    %get3A_109 = arith.index_cast %get3A_108 : i32 to index
    %get3A_110 = arith.constant 144 : index
    %get3A_111 = tpu.vector_load %arg6[%get3A_109, %get3A_110] {strides = array<i32>} : memref<1x1024xf32, #tpu.memory_space<vmem>>, vector<16xf32>,
    %gt3A_112 = arith.cmpf ogt, %get3A_111, %select_n3A_77 : vector<16xf32>
    %select_n3A_113 = arith.select %gt3A_112, %get3A_111, %select_n3A_77 : vector<16xi1>, vector<16xf32>
    %jit3A_114 = arith.constant 9 : i32
    %broadcast_in_dim3A_115 = vector.broadcast %jit3A_114 : i32 to vector<16xi32>
    %select_n3A_116 = arith.select %gt3A_112, %broadcast_in_dim3A_115, %select_n3A_80 : vector<16xi1>, vector<16xi32>
    %get3A_117 = arith.constant 0 : i32
    %get3A_118 = arith.index_cast %get3A_117 : i32 to index
    %get3A_119 = arith.constant 160 : index
    %get3A_120 = tpu.vector_load %arg6[%get3A_118, %get3A_119] {strides = array<i32>} : memref<1x1024xf32, #tpu.memory_space<vmem>>, vector<16xf32>,
    %gt3A_121 = arith.cmpf ogt, %get3A_120, %select_n3A_86 : vector<16xf32>
    %select_n3A_122 = arith.select %gt3A_121, %get3A_120, %select_n3A_86 : vector<16xi1>, vector<16xf32>
    %jit3A_123 = arith.constant 10 : i32
    %broadcast_in_dim3A_124 = vector.broadcast %jit3A_123 : i32 to vector<16xi32>
    %select_n3A_125 = arith.select %gt3A_121, %broadcast_in_dim3A_124, %select_n3A_89 : vector<16xi1>, vector<16xi32>
    %get3A_126 = arith.constant 0 : i32
    %get3A_127 = arith.index_cast %get3A_126 : i32 to index
    %get3A_128 = arith.constant 176 : index
    %get3A_129 = tpu.vector_load %arg6[%get3A_127, %get3A_128] {strides = array<i32>} : memref<1x1024xf32, #tpu.memory_space<vmem>>, vector<16xf32>,
    %gt3A_130 = arith.cmpf ogt, %get3A_129, %select_n3A_95 : vector<16xf32>
    %select_n3A_131 = arith.select %gt3A_130, %get3A_129, %select_n3A_95 : vector<16xi1>, vector<16xf32>
    %jit3A_132 = arith.constant 11 : i32
    %broadcast_in_dim3A_133 = vector.broadcast %jit3A_132 : i32 to vector<16xi32>
    %select_n3A_134 = arith.select %gt3A_130, %broadcast_in_dim3A_133, %select_n3A_98 : vector<16xi1>, vector<16xi32>
    %get3A_135 = arith.constant 0 : i32
    %get3A_136 = arith.index_cast %get3A_135 : i32 to index
    %get3A_137 = arith.constant 192 : index
    %get3A_138 = tpu.vector_load %arg6[%get3A_136, %get3A_137] {strides = array<i32>} : memref<1x1024xf32, #tpu.memory_space<vmem>>, vector<16xf32>,
    %gt3A_139 = arith.cmpf ogt, %get3A_138, %select_n3A_104 : vector<16xf32>
    %select_n3A_140 = arith.select %gt3A_139, %get3A_138, %select_n3A_104 : vector<16xi1>, vector<16xf32>
    %jit3A_141 = arith.constant 12 : i32
    %broadcast_in_dim3A_142 = vector.broadcast %jit3A_141 : i32 to vector<16xi32>
    %select_n3A_143 = arith.select %gt3A_139, %broadcast_in_dim3A_142, %select_n3A_107 : vector<16xi1>, vector<16xi32>
    %get3A_144 = arith.constant 0 : i32
    %get3A_145 = arith.index_cast %get3A_144 : i32 to index
    %get3A_146 = arith.constant 208 : index
    %get3A_147 = tpu.vector_load %arg6[%get3A_145, %get3A_146] {strides = array<i32>} : memref<1x1024xf32, #tpu.memory_space<vmem>>, vector<16xf32>,
    %gt3A_148 = arith.cmpf ogt, %get3A_147, %select_n3A_113 : vector<16xf32>
    %select_n3A_149 = arith.select %gt3A_148, %get3A_147, %select_n3A_113 : vector<16xi1>, vector<16xf32>
    %jit3A_150 = arith.constant 13 : i32
    %broadcast_in_dim3A_151 = vector.broadcast %jit3A_150 : i32 to vector<16xi32>
    %select_n3A_152 = arith.select %gt3A_148, %broadcast_in_dim3A_151, %select_n3A_116 : vector<16xi1>, vector<16xi32>
    %get3A_153 = arith.constant 0 : i32
    %get3A_154 = arith.index_cast %get3A_153 : i32 to index
    %get3A_155 = arith.constant 224 : index
    %get3A_156 = tpu.vector_load %arg6[%get3A_154, %get3A_155] {strides = array<i32>} : memref<1x1024xf32, #tpu.memory_space<vmem>>, vector<16xf32>,
    %gt3A_157 = arith.cmpf ogt, %get3A_156, %select_n3A_122 : vector<16xf32>
    %select_n3A_158 = arith.select %gt3A_157, %get3A_156, %select_n3A_122 : vector<16xi1>, vector<16xf32>
    %jit3A_159 = arith.constant 14 : i32
    %broadcast_in_dim3A_160 = vector.broadcast %jit3A_159 : i32 to vector<16xi32>
    %select_n3A_161 = arith.select %gt3A_157, %broadcast_in_dim3A_160, %select_n3A_125 : vector<16xi1>, vector<16xi32>
    %get3A_162 = arith.constant 0 : i32
    %get3A_163 = arith.index_cast %get3A_162 : i32 to index
    %get3A_164 = arith.constant 240 : index
    %get3A_165 = tpu.vector_load %arg6[%get3A_163, %get3A_164] {strides = array<i32>} : memref<1x1024xf32, #tpu.memory_space<vmem>>, vector<16xf32>,
    %gt3A_166 = arith.cmpf ogt, %get3A_165, %select_n3A_131 : vector<16xf32>
    %select_n3A_167 = arith.select %gt3A_166, %get3A_165, %select_n3A_131 : vector<16xi1>, vector<16xf32>
    %jit3A_168 = arith.constant 15 : i32
    %broadcast_in_dim3A_169 = vector.broadcast %jit3A_168 : i32 to vector<16xi32>
    %select_n3A_170 = arith.select %gt3A_166, %broadcast_in_dim3A_169, %select_n3A_134 : vector<16xi1>, vector<16xi32>
    %get3A_171 = arith.constant 0 : i32
    %get3A_172 = arith.index_cast %get3A_171 : i32 to index
    %get3A_173 = arith.constant 256 : index
    %get3A_174 = tpu.vector_load %arg6[%get3A_172, %get3A_173] {strides = array<i32>} : memref<1x1024xf32, #tpu.memory_space<vmem>>, vector<16xf32>,
    %gt3A_175 = arith.cmpf ogt, %get3A_174, %select_n3A_140 : vector<16xf32>
    %select_n3A_176 = arith.select %gt3A_175, %get3A_174, %select_n3A_140 : vector<16xi1>, vector<16xf32>
    %jit3A_177 = arith.constant 16 : i32
    %broadcast_in_dim3A_178 = vector.broadcast %jit3A_177 : i32 to vector<16xi32>
    %select_n3A_179 = arith.select %gt3A_175, %broadcast_in_dim3A_178, %select_n3A_143 : vector<16xi1>, vector<16xi32>
    %get3A_180 = arith.constant 0 : i32
    %get3A_181 = arith.index_cast %get3A_180 : i32 to index
    %get3A_182 = arith.constant 272 : index
    %get3A_183 = tpu.vector_load %arg6[%get3A_181, %get3A_182] {strides = array<i32>} : memref<1x1024xf32, #tpu.memory_space<vmem>>, vector<16xf32>,
    %gt3A_184 = arith.cmpf ogt, %get3A_183, %select_n3A_149 : vector<16xf32>
    %select_n3A_185 = arith.select %gt3A_184, %get3A_183, %select_n3A_149 : vector<16xi1>, vector<16xf32>
    %jit3A_186 = arith.constant 17 : i32
    %broadcast_in_dim3A_187 = vector.broadcast %jit3A_186 : i32 to vector<16xi32>
    %select_n3A_188 = arith.select %gt3A_184, %broadcast_in_dim3A_187, %select_n3A_152 : vector<16xi1>, vector<16xi32>
    %get3A_189 = arith.constant 0 : i32
    %get3A_190 = arith.index_cast %get3A_189 : i32 to index
    %get3A_191 = arith.constant 288 : index
    %get3A_192 = tpu.vector_load %arg6[%get3A_190, %get3A_191] {strides = array<i32>} : memref<1x1024xf32, #tpu.memory_space<vmem>>, vector<16xf32>,
    %gt3A_193 = arith.cmpf ogt, %get3A_192, %select_n3A_158 : vector<16xf32>
    %select_n3A_194 = arith.select %gt3A_193, %get3A_192, %select_n3A_158 : vector<16xi1>, vector<16xf32>
    %jit3A_195 = arith.constant 18 : i32
    %broadcast_in_dim3A_196 = vector.broadcast %jit3A_195 : i32 to vector<16xi32>
    %select_n3A_197 = arith.select %gt3A_193, %broadcast_in_dim3A_196, %select_n3A_161 : vector<16xi1>, vector<16xi32>
    %get3A_198 = arith.constant 0 : i32
    %get3A_199 = arith.index_cast %get3A_198 : i32 to index
    %get3A_200 = arith.constant 304 : index
    %get3A_201 = tpu.vector_load %arg6[%get3A_199, %get3A_200] {strides = array<i32>} : memref<1x1024xf32, #tpu.memory_space<vmem>>, vector<16xf32>,
    %gt3A_202 = arith.cmpf ogt, %get3A_201, %select_n3A_167 : vector<16xf32>
    %select_n3A_203 = arith.select %gt3A_202, %get3A_201, %select_n3A_167 : vector<16xi1>, vector<16xf32>
    %jit3A_204 = arith.constant 19 : i32
    %broadcast_in_dim3A_205 = vector.broadcast %jit3A_204 : i32 to vector<16xi32>
    %select_n3A_206 = arith.select %gt3A_202, %broadcast_in_dim3A_205, %select_n3A_170 : vector<16xi1>, vector<16xi32>
    %get3A_207 = arith.constant 0 : i32
    %get3A_208 = arith.index_cast %get3A_207 : i32 to index
    %get3A_209 = arith.constant 320 : index
    %get3A_210 = tpu.vector_load %arg6[%get3A_208, %get3A_209] {strides = array<i32>} : memref<1x1024xf32, #tpu.memory_space<vmem>>, vector<16xf32>,
    %gt3A_211 = arith.cmpf ogt, %get3A_210, %select_n3A_176 : vector<16xf32>
    %select_n3A_212 = arith.select %gt3A_211, %get3A_210, %select_n3A_176 : vector<16xi1>, vector<16xf32>
    %jit3A_213 = arith.constant 20 : i32
    %broadcast_in_dim3A_214 = vector.broadcast %jit3A_213 : i32 to vector<16xi32>
    %select_n3A_215 = arith.select %gt3A_211, %broadcast_in_dim3A_214, %select_n3A_179 : vector<16xi1>, vector<16xi32>
    %get3A_216 = arith.constant 0 : i32
    %get3A_217 = arith.index_cast %get3A_216 : i32 to index
    %get3A_218 = arith.constant 336 : index
    %get3A_219 = tpu.vector_load %arg6[%get3A_217, %get3A_218] {strides = array<i32>} : memref<1x1024xf32, #tpu.memory_space<vmem>>, vector<16xf32>,
    %gt3A_220 = arith.cmpf ogt, %get3A_219, %select_n3A_185 : vector<16xf32>
    %select_n3A_221 = arith.select %gt3A_220, %get3A_219, %select_n3A_185 : vector<16xi1>, vector<16xf32>
    %jit3A_222 = arith.constant 21 : i32
    %broadcast_in_dim3A_223 = vector.broadcast %jit3A_222 : i32 to vector<16xi32>
    %select_n3A_224 = arith.select %gt3A_220, %broadcast_in_dim3A_223, %select_n3A_188 : vector<16xi1>, vector<16xi32>
    %get3A_225 = arith.constant 0 : i32
    %get3A_226 = arith.index_cast %get3A_225 : i32 to index
    %get3A_227 = arith.constant 352 : index
    %get3A_228 = tpu.vector_load %arg6[%get3A_226, %get3A_227] {strides = array<i32>} : memref<1x1024xf32, #tpu.memory_space<vmem>>, vector<16xf32>,
    %gt3A_229 = arith.cmpf ogt, %get3A_228, %select_n3A_194 : vector<16xf32>
    %select_n3A_230 = arith.select %gt3A_229, %get3A_228, %select_n3A_194 : vector<16xi1>, vector<16xf32>
    %jit3A_231 = arith.constant 22 : i32
    %broadcast_in_dim3A_232 = vector.broadcast %jit3A_231 : i32 to vector<16xi32>
    %select_n3A_233 = arith.select %gt3A_229, %broadcast_in_dim3A_232, %select_n3A_197 : vector<16xi1>, vector<16xi32>
    %get3A_234 = arith.constant 0 : i32
    %get3A_235 = arith.index_cast %get3A_234 : i32 to index
    %get3A_236 = arith.constant 368 : index
    %get3A_237 = tpu.vector_load %arg6[%get3A_235, %get3A_236] {strides = array<i32>} : memref<1x1024xf32, #tpu.memory_space<vmem>>, vector<16xf32>,
    %gt3A_238 = arith.cmpf ogt, %get3A_237, %select_n3A_203 : vector<16xf32>
    %select_n3A_239 = arith.select %gt3A_238, %get3A_237, %select_n3A_203 : vector<16xi1>, vector<16xf32>
    %jit3A_240 = arith.constant 23 : i32
    %broadcast_in_dim3A_241 = vector.broadcast %jit3A_240 : i32 to vector<16xi32>
    %select_n3A_242 = arith.select %gt3A_238, %broadcast_in_dim3A_241, %select_n3A_206 : vector<16xi1>, vector<16xi32>
    %get3A_243 = arith.constant 0 : i32
    %get3A_244 = arith.index_cast %get3A_243 : i32 to index
    %get3A_245 = arith.constant 384 : index
    %get3A_246 = tpu.vector_load %arg6[%get3A_244, %get3A_245] {strides = array<i32>} : memref<1x1024xf32, #tpu.memory_space<vmem>>, vector<16xf32>,
    %gt3A_247 = arith.cmpf ogt, %get3A_246, %select_n3A_212 : vector<16xf32>
    %select_n3A_248 = arith.select %gt3A_247, %get3A_246, %select_n3A_212 : vector<16xi1>, vector<16xf32>
    %jit3A_249 = arith.constant 24 : i32
    %broadcast_in_dim3A_250 = vector.broadcast %jit3A_249 : i32 to vector<16xi32>
    %select_n3A_251 = arith.select %gt3A_247, %broadcast_in_dim3A_250, %select_n3A_215 : vector<16xi1>, vector<16xi32>
    %get3A_252 = arith.constant 0 : i32
    %get3A_253 = arith.index_cast %get3A_252 : i32 to index
    %get3A_254 = arith.constant 400 : index
    %get3A_255 = tpu.vector_load %arg6[%get3A_253, %get3A_254] {strides = array<i32>} : memref<1x1024xf32, #tpu.memory_space<vmem>>, vector<16xf32>,
    %gt3A_256 = arith.cmpf ogt, %get3A_255, %select_n3A_221 : vector<16xf32>
    %select_n3A_257 = arith.select %gt3A_256, %get3A_255, %select_n3A_221 : vector<16xi1>, vector<16xf32>
    %jit3A_258 = arith.constant 25 : i32
    %broadcast_in_dim3A_259 = vector.broadcast %jit3A_258 : i32 to vector<16xi32>
    %select_n3A_260 = arith.select %gt3A_256, %broadcast_in_dim3A_259, %select_n3A_224 : vector<16xi1>, vector<16xi32>
    %get3A_261 = arith.constant 0 : i32
    %get3A_262 = arith.index_cast %get3A_261 : i32 to index
    %get3A_263 = arith.constant 416 : index
    %get3A_264 = tpu.vector_load %arg6[%get3A_262, %get3A_263] {strides = array<i32>} : memref<1x1024xf32, #tpu.memory_space<vmem>>, vector<16xf32>,
    %gt3A_265 = arith.cmpf ogt, %get3A_264, %select_n3A_230 : vector<16xf32>
    %select_n3A_266 = arith.select %gt3A_265, %get3A_264, %select_n3A_230 : vector<16xi1>, vector<16xf32>
    %jit3A_267 = arith.constant 26 : i32
    %broadcast_in_dim3A_268 = vector.broadcast %jit3A_267 : i32 to vector<16xi32>
    %select_n3A_269 = arith.select %gt3A_265, %broadcast_in_dim3A_268, %select_n3A_233 : vector<16xi1>, vector<16xi32>
    %get3A_270 = arith.constant 0 : i32
    %get3A_271 = arith.index_cast %get3A_270 : i32 to index
    %get3A_272 = arith.constant 432 : index
    %get3A_273 = tpu.vector_load %arg6[%get3A_271, %get3A_272] {strides = array<i32>} : memref<1x1024xf32, #tpu.memory_space<vmem>>, vector<16xf32>,
    %gt3A_274 = arith.cmpf ogt, %get3A_273, %select_n3A_239 : vector<16xf32>
    %select_n3A_275 = arith.select %gt3A_274, %get3A_273, %select_n3A_239 : vector<16xi1>, vector<16xf32>
    %jit3A_276 = arith.constant 27 : i32
    %broadcast_in_dim3A_277 = vector.broadcast %jit3A_276 : i32 to vector<16xi32>
    %select_n3A_278 = arith.select %gt3A_274, %broadcast_in_dim3A_277, %select_n3A_242 : vector<16xi1>, vector<16xi32>
    %get3A_279 = arith.constant 0 : i32
    %get3A_280 = arith.index_cast %get3A_279 : i32 to index
    %get3A_281 = arith.constant 448 : index
    %get3A_282 = tpu.vector_load %arg6[%get3A_280, %get3A_281] {strides = array<i32>} : memref<1x1024xf32, #tpu.memory_space<vmem>>, vector<16xf32>,
    %gt3A_283 = arith.cmpf ogt, %get3A_282, %select_n3A_248 : vector<16xf32>
    %select_n3A_284 = arith.select %gt3A_283, %get3A_282, %select_n3A_248 : vector<16xi1>, vector<16xf32>
    %jit3A_285 = arith.constant 28 : i32
    %broadcast_in_dim3A_286 = vector.broadcast %jit3A_285 : i32 to vector<16xi32>
    %select_n3A_287 = arith.select %gt3A_283, %broadcast_in_dim3A_286, %select_n3A_251 : vector<16xi1>, vector<16xi32>
    %get3A_288 = arith.constant 0 : i32
    %get3A_289 = arith.index_cast %get3A_288 : i32 to index
    %get3A_290 = arith.constant 464 : index
    %get3A_291 = tpu.vector_load %arg6[%get3A_289, %get3A_290] {strides = array<i32>} : memref<1x1024xf32, #tpu.memory_space<vmem>>, vector<16xf32>,
    %gt3A_292 = arith.cmpf ogt, %get3A_291, %select_n3A_257 : vector<16xf32>
    %select_n3A_293 = arith.select %gt3A_292, %get3A_291, %select_n3A_257 : vector<16xi1>, vector<16xf32>
    %jit3A_294 = arith.constant 29 : i32
    %broadcast_in_dim3A_295 = vector.broadcast %jit3A_294 : i32 to vector<16xi32>
    %select_n3A_296 = arith.select %gt3A_292, %broadcast_in_dim3A_295, %select_n3A_260 : vector<16xi1>, vector<16xi32>
    %get3A_297 = arith.constant 0 : i32
    %get3A_298 = arith.index_cast %get3A_297 : i32 to index
    %get3A_299 = arith.constant 480 : index
    %get3A_300 = tpu.vector_load %arg6[%get3A_298, %get3A_299] {strides = array<i32>} : memref<1x1024xf32, #tpu.memory_space<vmem>>, vector<16xf32>,
    %gt3A_301 = arith.cmpf ogt, %get3A_300, %select_n3A_266 : vector<16xf32>
    %select_n3A_302 = arith.select %gt3A_301, %get3A_300, %select_n3A_266 : vector<16xi1>, vector<16xf32>
    %jit3A_303 = arith.constant 30 : i32
    %broadcast_in_dim3A_304 = vector.broadcast %jit3A_303 : i32 to vector<16xi32>
    %select_n3A_305 = arith.select %gt3A_301, %broadcast_in_dim3A_304, %select_n3A_269 : vector<16xi1>, vector<16xi32>
    %get3A_306 = arith.constant 0 : i32
    %get3A_307 = arith.index_cast %get3A_306 : i32 to index
    %get3A_308 = arith.constant 496 : index
    %get3A_309 = tpu.vector_load %arg6[%get3A_307, %get3A_308] {strides = array<i32>} : memref<1x1024xf32, #tpu.memory_space<vmem>>, vector<16xf32>,
    %gt3A_310 = arith.cmpf ogt, %get3A_309, %select_n3A_275 : vector<16xf32>
    %select_n3A_311 = arith.select %gt3A_310, %get3A_309, %select_n3A_275 : vector<16xi1>, vector<16xf32>
    %jit3A_312 = arith.constant 31 : i32
    %broadcast_in_dim3A_313 = vector.broadcast %jit3A_312 : i32 to vector<16xi32>
    %select_n3A_314 = arith.select %gt3A_310, %broadcast_in_dim3A_313, %select_n3A_278 : vector<16xi1>, vector<16xi32>
    %get3A_315 = arith.constant 0 : i32
    %get3A_316 = arith.index_cast %get3A_315 : i32 to index
    %get3A_317 = arith.constant 512 : index
    %get3A_318 = tpu.vector_load %arg6[%get3A_316, %get3A_317] {strides = array<i32>} : memref<1x1024xf32, #tpu.memory_space<vmem>>, vector<16xf32>,
    %gt3A_319 = arith.cmpf ogt, %get3A_318, %select_n3A_284 : vector<16xf32>
    %select_n3A_320 = arith.select %gt3A_319, %get3A_318, %select_n3A_284 : vector<16xi1>, vector<16xf32>
    %jit3A_321 = arith.constant 32 : i32
    %broadcast_in_dim3A_322 = vector.broadcast %jit3A_321 : i32 to vector<16xi32>
    %select_n3A_323 = arith.select %gt3A_319, %broadcast_in_dim3A_322, %select_n3A_287 : vector<16xi1>, vector<16xi32>
    %get3A_324 = arith.constant 0 : i32
    %get3A_325 = arith.index_cast %get3A_324 : i32 to index
    %get3A_326 = arith.constant 528 : index
    %get3A_327 = tpu.vector_load %arg6[%get3A_325, %get3A_326] {strides = array<i32>} : memref<1x1024xf32, #tpu.memory_space<vmem>>, vector<16xf32>,
    %gt3A_328 = arith.cmpf ogt, %get3A_327, %select_n3A_293 : vector<16xf32>
    %select_n3A_329 = arith.select %gt3A_328, %get3A_327, %select_n3A_293 : vector<16xi1>, vector<16xf32>
    %jit3A_330 = arith.constant 33 : i32
    %broadcast_in_dim3A_331 = vector.broadcast %jit3A_330 : i32 to vector<16xi32>
    %select_n3A_332 = arith.select %gt3A_328, %broadcast_in_dim3A_331, %select_n3A_296 : vector<16xi1>, vector<16xi32>
    %get3A_333 = arith.constant 0 : i32
    %get3A_334 = arith.index_cast %get3A_333 : i32 to index
    %get3A_335 = arith.constant 544 : index
    %get3A_336 = tpu.vector_load %arg6[%get3A_334, %get3A_335] {strides = array<i32>} : memref<1x1024xf32, #tpu.memory_space<vmem>>, vector<16xf32>,
    %gt3A_337 = arith.cmpf ogt, %get3A_336, %select_n3A_302 : vector<16xf32>
    %select_n3A_338 = arith.select %gt3A_337, %get3A_336, %select_n3A_302 : vector<16xi1>, vector<16xf32>
    %jit3A_339 = arith.constant 34 : i32
    %broadcast_in_dim3A_340 = vector.broadcast %jit3A_339 : i32 to vector<16xi32>
    %select_n3A_341 = arith.select %gt3A_337, %broadcast_in_dim3A_340, %select_n3A_305 : vector<16xi1>, vector<16xi32>
    %get3A_342 = arith.constant 0 : i32
    %get3A_343 = arith.index_cast %get3A_342 : i32 to index
    %get3A_344 = arith.constant 560 : index
    %get3A_345 = tpu.vector_load %arg6[%get3A_343, %get3A_344] {strides = array<i32>} : memref<1x1024xf32, #tpu.memory_space<vmem>>, vector<16xf32>,
    %gt3A_346 = arith.cmpf ogt, %get3A_345, %select_n3A_311 : vector<16xf32>
    %select_n3A_347 = arith.select %gt3A_346, %get3A_345, %select_n3A_311 : vector<16xi1>, vector<16xf32>
    %jit3A_348 = arith.constant 35 : i32
    %broadcast_in_dim3A_349 = vector.broadcast %jit3A_348 : i32 to vector<16xi32>
    %select_n3A_350 = arith.select %gt3A_346, %broadcast_in_dim3A_349, %select_n3A_314 : vector<16xi1>, vector<16xi32>
    %get3A_351 = arith.constant 0 : i32
    %get3A_352 = arith.index_cast %get3A_351 : i32 to index
    %get3A_353 = arith.constant 576 : index
    %get3A_354 = tpu.vector_load %arg6[%get3A_352, %get3A_353] {strides = array<i32>} : memref<1x1024xf32, #tpu.memory_space<vmem>>, vector<16xf32>,
    %gt3A_355 = arith.cmpf ogt, %get3A_354, %select_n3A_320 : vector<16xf32>
    %select_n3A_356 = arith.select %gt3A_355, %get3A_354, %select_n3A_320 : vector<16xi1>, vector<16xf32>
    %jit3A_357 = arith.constant 36 : i32
    %broadcast_in_dim3A_358 = vector.broadcast %jit3A_357 : i32 to vector<16xi32>
    %select_n3A_359 = arith.select %gt3A_355, %broadcast_in_dim3A_358, %select_n3A_323 : vector<16xi1>, vector<16xi32>
    %get3A_360 = arith.constant 0 : i32
    %get3A_361 = arith.index_cast %get3A_360 : i32 to index
    %get3A_362 = arith.constant 592 : index
    %get3A_363 = tpu.vector_load %arg6[%get3A_361, %get3A_362] {strides = array<i32>} : memref<1x1024xf32, #tpu.memory_space<vmem>>, vector<16xf32>,
    %gt3A_364 = arith.cmpf ogt, %get3A_363, %select_n3A_329 : vector<16xf32>
    %select_n3A_365 = arith.select %gt3A_364, %get3A_363, %select_n3A_329 : vector<16xi1>, vector<16xf32>
    %jit3A_366 = arith.constant 37 : i32
    %broadcast_in_dim3A_367 = vector.broadcast %jit3A_366 : i32 to vector<16xi32>
    %select_n3A_368 = arith.select %gt3A_364, %broadcast_in_dim3A_367, %select_n3A_332 : vector<16xi1>, vector<16xi32>
    %get3A_369 = arith.constant 0 : i32
    %get3A_370 = arith.index_cast %get3A_369 : i32 to index
    %get3A_371 = arith.constant 608 : index
    %get3A_372 = tpu.vector_load %arg6[%get3A_370, %get3A_371] {strides = array<i32>} : memref<1x1024xf32, #tpu.memory_space<vmem>>, vector<16xf32>,
    %gt3A_373 = arith.cmpf ogt, %get3A_372, %select_n3A_338 : vector<16xf32>
    %select_n3A_374 = arith.select %gt3A_373, %get3A_372, %select_n3A_338 : vector<16xi1>, vector<16xf32>
    %jit3A_375 = arith.constant 38 : i32
    %broadcast_in_dim3A_376 = vector.broadcast %jit3A_375 : i32 to vector<16xi32>
    %select_n3A_377 = arith.select %gt3A_373, %broadcast_in_dim3A_376, %select_n3A_341 : vector<16xi1>, vector<16xi32>
    %get3A_378 = arith.constant 0 : i32
    %get3A_379 = arith.index_cast %get3A_378 : i32 to index
    %get3A_380 = arith.constant 624 : index
    %get3A_381 = tpu.vector_load %arg6[%get3A_379, %get3A_380] {strides = array<i32>} : memref<1x1024xf32, #tpu.memory_space<vmem>>, vector<16xf32>,
    %gt3A_382 = arith.cmpf ogt, %get3A_381, %select_n3A_347 : vector<16xf32>
    %select_n3A_383 = arith.select %gt3A_382, %get3A_381, %select_n3A_347 : vector<16xi1>, vector<16xf32>
    %jit3A_384 = arith.constant 39 : i32
    %broadcast_in_dim3A_385 = vector.broadcast %jit3A_384 : i32 to vector<16xi32>
    %select_n3A_386 = arith.select %gt3A_382, %broadcast_in_dim3A_385, %select_n3A_350 : vector<16xi1>, vector<16xi32>
    %get3A_387 = arith.constant 0 : i32
    %get3A_388 = arith.index_cast %get3A_387 : i32 to index
    %get3A_389 = arith.constant 640 : index
    %get3A_390 = tpu.vector_load %arg6[%get3A_388, %get3A_389] {strides = array<i32>} : memref<1x1024xf32, #tpu.memory_space<vmem>>, vector<16xf32>,
    %gt3A_391 = arith.cmpf ogt, %get3A_390, %select_n3A_356 : vector<16xf32>
    %select_n3A_392 = arith.select %gt3A_391, %get3A_390, %select_n3A_356 : vector<16xi1>, vector<16xf32>
    %jit3A_393 = arith.constant 40 : i32
    %broadcast_in_dim3A_394 = vector.broadcast %jit3A_393 : i32 to vector<16xi32>
    %select_n3A_395 = arith.select %gt3A_391, %broadcast_in_dim3A_394, %select_n3A_359 : vector<16xi1>, vector<16xi32>
    %get3A_396 = arith.constant 0 : i32
    %get3A_397 = arith.index_cast %get3A_396 : i32 to index
    %get3A_398 = arith.constant 656 : index
    %get3A_399 = tpu.vector_load %arg6[%get3A_397, %get3A_398] {strides = array<i32>} : memref<1x1024xf32, #tpu.memory_space<vmem>>, vector<16xf32>,
    %gt3A_400 = arith.cmpf ogt, %get3A_399, %select_n3A_365 : vector<16xf32>
    %select_n3A_401 = arith.select %gt3A_400, %get3A_399, %select_n3A_365 : vector<16xi1>, vector<16xf32>
    %jit3A_402 = arith.constant 41 : i32
    %broadcast_in_dim3A_403 = vector.broadcast %jit3A_402 : i32 to vector<16xi32>
    %select_n3A_404 = arith.select %gt3A_400, %broadcast_in_dim3A_403, %select_n3A_368 : vector<16xi1>, vector<16xi32>
    %get3A_405 = arith.constant 0 : i32
    %get3A_406 = arith.index_cast %get3A_405 : i32 to index
    %get3A_407 = arith.constant 672 : index
    %get3A_408 = tpu.vector_load %arg6[%get3A_406, %get3A_407] {strides = array<i32>} : memref<1x1024xf32, #tpu.memory_space<vmem>>, vector<16xf32>,
    %gt3A_409 = arith.cmpf ogt, %get3A_408, %select_n3A_374 : vector<16xf32>
    %select_n3A_410 = arith.select %gt3A_409, %get3A_408, %select_n3A_374 : vector<16xi1>, vector<16xf32>
    %jit3A_411 = arith.constant 42 : i32
    %broadcast_in_dim3A_412 = vector.broadcast %jit3A_411 : i32 to vector<16xi32>
    %select_n3A_413 = arith.select %gt3A_409, %broadcast_in_dim3A_412, %select_n3A_377 : vector<16xi1>, vector<16xi32>
    %get3A_414 = arith.constant 0 : i32
    %get3A_415 = arith.index_cast %get3A_414 : i32 to index
    %get3A_416 = arith.constant 688 : index
    %get3A_417 = tpu.vector_load %arg6[%get3A_415, %get3A_416] {strides = array<i32>} : memref<1x1024xf32, #tpu.memory_space<vmem>>, vector<16xf32>,
    %gt3A_418 = arith.cmpf ogt, %get3A_417, %select_n3A_383 : vector<16xf32>
    %select_n3A_419 = arith.select %gt3A_418, %get3A_417, %select_n3A_383 : vector<16xi1>, vector<16xf32>
    %jit3A_420 = arith.constant 43 : i32
    %broadcast_in_dim3A_421 = vector.broadcast %jit3A_420 : i32 to vector<16xi32>
    %select_n3A_422 = arith.select %gt3A_418, %broadcast_in_dim3A_421, %select_n3A_386 : vector<16xi1>, vector<16xi32>
    %get3A_423 = arith.constant 0 : i32
    %get3A_424 = arith.index_cast %get3A_423 : i32 to index
    %get3A_425 = arith.constant 704 : index
    %get3A_426 = tpu.vector_load %arg6[%get3A_424, %get3A_425] {strides = array<i32>} : memref<1x1024xf32, #tpu.memory_space<vmem>>, vector<16xf32>,
    %gt3A_427 = arith.cmpf ogt, %get3A_426, %select_n3A_392 : vector<16xf32>
    %select_n3A_428 = arith.select %gt3A_427, %get3A_426, %select_n3A_392 : vector<16xi1>, vector<16xf32>
    %jit3A_429 = arith.constant 44 : i32
    %broadcast_in_dim3A_430 = vector.broadcast %jit3A_429 : i32 to vector<16xi32>
    %select_n3A_431 = arith.select %gt3A_427, %broadcast_in_dim3A_430, %select_n3A_395 : vector<16xi1>, vector<16xi32>
    %get3A_432 = arith.constant 0 : i32
    %get3A_433 = arith.index_cast %get3A_432 : i32 to index
    %get3A_434 = arith.constant 720 : index
    %get3A_435 = tpu.vector_load %arg6[%get3A_433, %get3A_434] {strides = array<i32>} : memref<1x1024xf32, #tpu.memory_space<vmem>>, vector<16xf32>,
    %gt3A_436 = arith.cmpf ogt, %get3A_435, %select_n3A_401 : vector<16xf32>
    %select_n3A_437 = arith.select %gt3A_436, %get3A_435, %select_n3A_401 : vector<16xi1>, vector<16xf32>
    %jit3A_438 = arith.constant 45 : i32
    %broadcast_in_dim3A_439 = vector.broadcast %jit3A_438 : i32 to vector<16xi32>
    %select_n3A_440 = arith.select %gt3A_436, %broadcast_in_dim3A_439, %select_n3A_404 : vector<16xi1>, vector<16xi32>
    %get3A_441 = arith.constant 0 : i32
    %get3A_442 = arith.index_cast %get3A_441 : i32 to index
    %get3A_443 = arith.constant 736 : index
    %get3A_444 = tpu.vector_load %arg6[%get3A_442, %get3A_443] {strides = array<i32>} : memref<1x1024xf32, #tpu.memory_space<vmem>>, vector<16xf32>,
    %gt3A_445 = arith.cmpf ogt, %get3A_444, %select_n3A_410 : vector<16xf32>
    %select_n3A_446 = arith.select %gt3A_445, %get3A_444, %select_n3A_410 : vector<16xi1>, vector<16xf32>
    %jit3A_447 = arith.constant 46 : i32
    %broadcast_in_dim3A_448 = vector.broadcast %jit3A_447 : i32 to vector<16xi32>
    %select_n3A_449 = arith.select %gt3A_445, %broadcast_in_dim3A_448, %select_n3A_413 : vector<16xi1>, vector<16xi32>
    %get3A_450 = arith.constant 0 : i32
    %get3A_451 = arith.index_cast %get3A_450 : i32 to index
    %get3A_452 = arith.constant 752 : index
    %get3A_453 = tpu.vector_load %arg6[%get3A_451, %get3A_452] {strides = array<i32>} : memref<1x1024xf32, #tpu.memory_space<vmem>>, vector<16xf32>,
    %gt3A_454 = arith.cmpf ogt, %get3A_453, %select_n3A_419 : vector<16xf32>
    %select_n3A_455 = arith.select %gt3A_454, %get3A_453, %select_n3A_419 : vector<16xi1>, vector<16xf32>
    %jit3A_456 = arith.constant 47 : i32
    %broadcast_in_dim3A_457 = vector.broadcast %jit3A_456 : i32 to vector<16xi32>
    %select_n3A_458 = arith.select %gt3A_454, %broadcast_in_dim3A_457, %select_n3A_422 : vector<16xi1>, vector<16xi32>
    %get3A_459 = arith.constant 0 : i32
    %get3A_460 = arith.index_cast %get3A_459 : i32 to index
    %get3A_461 = arith.constant 768 : index
    %get3A_462 = tpu.vector_load %arg6[%get3A_460, %get3A_461] {strides = array<i32>} : memref<1x1024xf32, #tpu.memory_space<vmem>>, vector<16xf32>,
    %gt3A_463 = arith.cmpf ogt, %get3A_462, %select_n3A_428 : vector<16xf32>
    %select_n3A_464 = arith.select %gt3A_463, %get3A_462, %select_n3A_428 : vector<16xi1>, vector<16xf32>
    %jit3A_465 = arith.constant 48 : i32
    %broadcast_in_dim3A_466 = vector.broadcast %jit3A_465 : i32 to vector<16xi32>
    %select_n3A_467 = arith.select %gt3A_463, %broadcast_in_dim3A_466, %select_n3A_431 : vector<16xi1>, vector<16xi32>
    %get3A_468 = arith.constant 0 : i32
    %get3A_469 = arith.index_cast %get3A_468 : i32 to index
    %get3A_470 = arith.constant 784 : index
    %get3A_471 = tpu.vector_load %arg6[%get3A_469, %get3A_470] {strides = array<i32>} : memref<1x1024xf32, #tpu.memory_space<vmem>>, vector<16xf32>,
    %gt3A_472 = arith.cmpf ogt, %get3A_471, %select_n3A_437 : vector<16xf32>
    %select_n3A_473 = arith.select %gt3A_472, %get3A_471, %select_n3A_437 : vector<16xi1>, vector<16xf32>
    %jit3A_474 = arith.constant 49 : i32
    %broadcast_in_dim3A_475 = vector.broadcast %jit3A_474 : i32 to vector<16xi32>
    %select_n3A_476 = arith.select %gt3A_472, %broadcast_in_dim3A_475, %select_n3A_440 : vector<16xi1>, vector<16xi32>
    %get3A_477 = arith.constant 0 : i32
    %get3A_478 = arith.index_cast %get3A_477 : i32 to index
    %get3A_479 = arith.constant 800 : index
    %get3A_480 = tpu.vector_load %arg6[%get3A_478, %get3A_479] {strides = array<i32>} : memref<1x1024xf32, #tpu.memory_space<vmem>>, vector<16xf32>,
    %gt3A_481 = arith.cmpf ogt, %get3A_480, %select_n3A_446 : vector<16xf32>
    %select_n3A_482 = arith.select %gt3A_481, %get3A_480, %select_n3A_446 : vector<16xi1>, vector<16xf32>
    %jit3A_483 = arith.constant 50 : i32
    %broadcast_in_dim3A_484 = vector.broadcast %jit3A_483 : i32 to vector<16xi32>
    %select_n3A_485 = arith.select %gt3A_481, %broadcast_in_dim3A_484, %select_n3A_449 : vector<16xi1>, vector<16xi32>
    %get3A_486 = arith.constant 0 : i32
    %get3A_487 = arith.index_cast %get3A_486 : i32 to index
    %get3A_488 = arith.constant 816 : index
    %get3A_489 = tpu.vector_load %arg6[%get3A_487, %get3A_488] {strides = array<i32>} : memref<1x1024xf32, #tpu.memory_space<vmem>>, vector<16xf32>,
    %gt3A_490 = arith.cmpf ogt, %get3A_489, %select_n3A_455 : vector<16xf32>
    %select_n3A_491 = arith.select %gt3A_490, %get3A_489, %select_n3A_455 : vector<16xi1>, vector<16xf32>
    %jit3A_492 = arith.constant 51 : i32
    %broadcast_in_dim3A_493 = vector.broadcast %jit3A_492 : i32 to vector<16xi32>
    %select_n3A_494 = arith.select %gt3A_490, %broadcast_in_dim3A_493, %select_n3A_458 : vector<16xi1>, vector<16xi32>
    %get3A_495 = arith.constant 0 : i32
    %get3A_496 = arith.index_cast %get3A_495 : i32 to index
    %get3A_497 = arith.constant 832 : index
    %get3A_498 = tpu.vector_load %arg6[%get3A_496, %get3A_497] {strides = array<i32>} : memref<1x1024xf32, #tpu.memory_space<vmem>>, vector<16xf32>,
    %gt3A_499 = arith.cmpf ogt, %get3A_498, %select_n3A_464 : vector<16xf32>
    %select_n3A_500 = arith.select %gt3A_499, %get3A_498, %select_n3A_464 : vector<16xi1>, vector<16xf32>
    %jit3A_501 = arith.constant 52 : i32
    %broadcast_in_dim3A_502 = vector.broadcast %jit3A_501 : i32 to vector<16xi32>
    %select_n3A_503 = arith.select %gt3A_499, %broadcast_in_dim3A_502, %select_n3A_467 : vector<16xi1>, vector<16xi32>
    %get3A_504 = arith.constant 0 : i32
    %get3A_505 = arith.index_cast %get3A_504 : i32 to index
    %get3A_506 = arith.constant 848 : index
    %get3A_507 = tpu.vector_load %arg6[%get3A_505, %get3A_506] {strides = array<i32>} : memref<1x1024xf32, #tpu.memory_space<vmem>>, vector<16xf32>,
    %gt3A_508 = arith.cmpf ogt, %get3A_507, %select_n3A_473 : vector<16xf32>
    %select_n3A_509 = arith.select %gt3A_508, %get3A_507, %select_n3A_473 : vector<16xi1>, vector<16xf32>
    %jit3A_510 = arith.constant 53 : i32
    %broadcast_in_dim3A_511 = vector.broadcast %jit3A_510 : i32 to vector<16xi32>
    %select_n3A_512 = arith.select %gt3A_508, %broadcast_in_dim3A_511, %select_n3A_476 : vector<16xi1>, vector<16xi32>
    %get3A_513 = arith.constant 0 : i32
    %get3A_514 = arith.index_cast %get3A_513 : i32 to index
    %get3A_515 = arith.constant 864 : index
    %get3A_516 = tpu.vector_load %arg6[%get3A_514, %get3A_515] {strides = array<i32>} : memref<1x1024xf32, #tpu.memory_space<vmem>>, vector<16xf32>,
    %gt3A_517 = arith.cmpf ogt, %get3A_516, %select_n3A_482 : vector<16xf32>
    %select_n3A_518 = arith.select %gt3A_517, %get3A_516, %select_n3A_482 : vector<16xi1>, vector<16xf32>
    %jit3A_519 = arith.constant 54 : i32
    %broadcast_in_dim3A_520 = vector.broadcast %jit3A_519 : i32 to vector<16xi32>
    %select_n3A_521 = arith.select %gt3A_517, %broadcast_in_dim3A_520, %select_n3A_485 : vector<16xi1>, vector<16xi32>
    %get3A_522 = arith.constant 0 : i32
    %get3A_523 = arith.index_cast %get3A_522 : i32 to index
    %get3A_524 = arith.constant 880 : index
    %get3A_525 = tpu.vector_load %arg6[%get3A_523, %get3A_524] {strides = array<i32>} : memref<1x1024xf32, #tpu.memory_space<vmem>>, vector<16xf32>,
    %gt3A_526 = arith.cmpf ogt, %get3A_525, %select_n3A_491 : vector<16xf32>
    %select_n3A_527 = arith.select %gt3A_526, %get3A_525, %select_n3A_491 : vector<16xi1>, vector<16xf32>
    %jit3A_528 = arith.constant 55 : i32
    %broadcast_in_dim3A_529 = vector.broadcast %jit3A_528 : i32 to vector<16xi32>
    %select_n3A_530 = arith.select %gt3A_526, %broadcast_in_dim3A_529, %select_n3A_494 : vector<16xi1>, vector<16xi32>
    %get3A_531 = arith.constant 0 : i32
    %get3A_532 = arith.index_cast %get3A_531 : i32 to index
    %get3A_533 = arith.constant 896 : index
    %get3A_534 = tpu.vector_load %arg6[%get3A_532, %get3A_533] {strides = array<i32>} : memref<1x1024xf32, #tpu.memory_space<vmem>>, vector<16xf32>,
    %gt3A_535 = arith.cmpf ogt, %get3A_534, %select_n3A_500 : vector<16xf32>
    %select_n3A_536 = arith.select %gt3A_535, %get3A_534, %select_n3A_500 : vector<16xi1>, vector<16xf32>
    %jit3A_537 = arith.constant 56 : i32
    %broadcast_in_dim3A_538 = vector.broadcast %jit3A_537 : i32 to vector<16xi32>
    %select_n3A_539 = arith.select %gt3A_535, %broadcast_in_dim3A_538, %select_n3A_503 : vector<16xi1>, vector<16xi32>
    %get3A_540 = arith.constant 0 : i32
    %get3A_541 = arith.index_cast %get3A_540 : i32 to index
    %get3A_542 = arith.constant 912 : index
    %get3A_543 = tpu.vector_load %arg6[%get3A_541, %get3A_542] {strides = array<i32>} : memref<1x1024xf32, #tpu.memory_space<vmem>>, vector<16xf32>,
    %gt3A_544 = arith.cmpf ogt, %get3A_543, %select_n3A_509 : vector<16xf32>
    %select_n3A_545 = arith.select %gt3A_544, %get3A_543, %select_n3A_509 : vector<16xi1>, vector<16xf32>
    %jit3A_546 = arith.constant 57 : i32
    %broadcast_in_dim3A_547 = vector.broadcast %jit3A_546 : i32 to vector<16xi32>
    %select_n3A_548 = arith.select %gt3A_544, %broadcast_in_dim3A_547, %select_n3A_512 : vector<16xi1>, vector<16xi32>
    %get3A_549 = arith.constant 0 : i32
    %get3A_550 = arith.index_cast %get3A_549 : i32 to index
    %get3A_551 = arith.constant 928 : index
    %get3A_552 = tpu.vector_load %arg6[%get3A_550, %get3A_551] {strides = array<i32>} : memref<1x1024xf32, #tpu.memory_space<vmem>>, vector<16xf32>,
    %gt3A_553 = arith.cmpf ogt, %get3A_552, %select_n3A_518 : vector<16xf32>
    %select_n3A_554 = arith.select %gt3A_553, %get3A_552, %select_n3A_518 : vector<16xi1>, vector<16xf32>
    %jit3A_555 = arith.constant 58 : i32
    %broadcast_in_dim3A_556 = vector.broadcast %jit3A_555 : i32 to vector<16xi32>
    %select_n3A_557 = arith.select %gt3A_553, %broadcast_in_dim3A_556, %select_n3A_521 : vector<16xi1>, vector<16xi32>
    %get3A_558 = arith.constant 0 : i32
    %get3A_559 = arith.index_cast %get3A_558 : i32 to index
    %get3A_560 = arith.constant 944 : index
    %get3A_561 = tpu.vector_load %arg6[%get3A_559, %get3A_560] {strides = array<i32>} : memref<1x1024xf32, #tpu.memory_space<vmem>>, vector<16xf32>,
    %gt3A_562 = arith.cmpf ogt, %get3A_561, %select_n3A_527 : vector<16xf32>
    %select_n3A_563 = arith.select %gt3A_562, %get3A_561, %select_n3A_527 : vector<16xi1>, vector<16xf32>
    %jit3A_564 = arith.constant 59 : i32
    %broadcast_in_dim3A_565 = vector.broadcast %jit3A_564 : i32 to vector<16xi32>
    %select_n3A_566 = arith.select %gt3A_562, %broadcast_in_dim3A_565, %select_n3A_530 : vector<16xi1>, vector<16xi32>
    %get3A_567 = arith.constant 0 : i32
    %get3A_568 = arith.index_cast %get3A_567 : i32 to index
    %get3A_569 = arith.constant 960 : index
    %get3A_570 = tpu.vector_load %arg6[%get3A_568, %get3A_569] {strides = array<i32>} : memref<1x1024xf32, #tpu.memory_space<vmem>>, vector<16xf32>,
    %gt3A_571 = arith.cmpf ogt, %get3A_570, %select_n3A_536 : vector<16xf32>
    %select_n3A_572 = arith.select %gt3A_571, %get3A_570, %select_n3A_536 : vector<16xi1>, vector<16xf32>
    %jit3A_573 = arith.constant 60 : i32
    %broadcast_in_dim3A_574 = vector.broadcast %jit3A_573 : i32 to vector<16xi32>
    %select_n3A_575 = arith.select %gt3A_571, %broadcast_in_dim3A_574, %select_n3A_539 : vector<16xi1>, vector<16xi32>
    %get3A_576 = arith.constant 0 : i32
    %get3A_577 = arith.index_cast %get3A_576 : i32 to index
    %get3A_578 = arith.constant 976 : index
    %get3A_579 = tpu.vector_load %arg6[%get3A_577, %get3A_578] {strides = array<i32>} : memref<1x1024xf32, #tpu.memory_space<vmem>>, vector<16xf32>,
    %gt3A_580 = arith.cmpf ogt, %get3A_579, %select_n3A_545 : vector<16xf32>
    %select_n3A_581 = arith.select %gt3A_580, %get3A_579, %select_n3A_545 : vector<16xi1>, vector<16xf32>
    %jit3A_582 = arith.constant 61 : i32
    %broadcast_in_dim3A_583 = vector.broadcast %jit3A_582 : i32 to vector<16xi32>
    %select_n3A_584 = arith.select %gt3A_580, %broadcast_in_dim3A_583, %select_n3A_548 : vector<16xi1>, vector<16xi32>
    %get3A_585 = arith.constant 0 : i32
    %get3A_586 = arith.index_cast %get3A_585 : i32 to index
    %get3A_587 = arith.constant 992 : index
    %get3A_588 = tpu.vector_load %arg6[%get3A_586, %get3A_587] {strides = array<i32>} : memref<1x1024xf32, #tpu.memory_space<vmem>>, vector<16xf32>,
    %gt3A_589 = arith.cmpf ogt, %get3A_588, %select_n3A_554 : vector<16xf32>
    %select_n3A_590 = arith.select %gt3A_589, %get3A_588, %select_n3A_554 : vector<16xi1>, vector<16xf32>
    %jit3A_591 = arith.constant 62 : i32
    %broadcast_in_dim3A_592 = vector.broadcast %jit3A_591 : i32 to vector<16xi32>
    %select_n3A_593 = arith.select %gt3A_589, %broadcast_in_dim3A_592, %select_n3A_557 : vector<16xi1>, vector<16xi32>
    %get3A_594 = arith.constant 0 : i32
    %get3A_595 = arith.index_cast %get3A_594 : i32 to index
    %get3A_596 = arith.constant 1008 : index
    %get3A_597 = tpu.vector_load %arg6[%get3A_595, %get3A_596] {strides = array<i32>} : memref<1x1024xf32, #tpu.memory_space<vmem>>, vector<16xf32>,
    %gt3A_598 = arith.cmpf ogt, %get3A_597, %select_n3A_563 : vector<16xf32>
    %select_n3A_599 = arith.select %gt3A_598, %get3A_597, %select_n3A_563 : vector<16xi1>, vector<16xf32>
    %jit3A_600 = arith.constant 63 : i32
    %broadcast_in_dim3A_601 = vector.broadcast %jit3A_600 : i32 to vector<16xi32>
    %select_n3A_602 = arith.select %gt3A_598, %broadcast_in_dim3A_601, %select_n3A_566 : vector<16xi1>, vector<16xi32>
    %mul3A_603 = arith.constant 16 : i32
    %mul3A_604 = vector.broadcast %mul3A_603 : i32 to vector<16xi32>
    %mul3A_605 = arith.muli %select_n3A_575, %mul3A_604 : vector<16xi32>
    %add3A_606 = arith.addi %mul3A_605, %iota3A : vector<16xi32>
    %mul3A_607 = arith.constant 16 : i32
    %mul3A_608 = vector.broadcast %mul3A_607 : i32 to vector<16xi32>
    %mul3A_609 = arith.muli %select_n3A_584, %mul3A_608 : vector<16xi32>
    %add3A_610 = arith.addi %mul3A_609, %iota3A : vector<16xi32>
    %mul3A_611 = arith.constant 16 : i32
    %mul3A_612 = vector.broadcast %mul3A_611 : i32 to vector<16xi32>
    %mul3A_613 = arith.muli %select_n3A_593, %mul3A_612 : vector<16xi32>
    %add3A_614 = arith.addi %mul3A_613, %iota3A : vector<16xi32>
    %mul3A_615 = arith.constant 16 : i32
    %mul3A_616 = vector.broadcast %mul3A_615 : i32 to vector<16xi32>
    %mul3A_617 = arith.muli %select_n3A_602, %mul3A_616 : vector<16xi32>
    %add3A_618 = arith.addi %mul3A_617, %iota3A : vector<16xi32>
    %gt3A_619 = arith.cmpf ogt, %select_n3A_581, %select_n3A_572 : vector<16xf32>
    %eq3A_620 = arith.cmpf oeq, %select_n3A_581, %select_n3A_572 : vector<16xf32>
    %lt3A = arith.cmpi slt, %add3A_610, %add3A_606 : vector<16xi32>
    %and3A = arith.andi %eq3A_620, %lt3A : vector<16xi1>
    %or3A = arith.ori %gt3A_619, %and3A : vector<16xi1>
    %select_n3A_621 = arith.select %or3A, %select_n3A_581, %select_n3A_572 : vector<16xi1>, vector<16xf32>
    %select_n3A_622 = arith.select %or3A, %add3A_610, %add3A_606 : vector<16xi1>, vector<16xi32>
    %gt3A_623 = arith.cmpf ogt, %select_n3A_599, %select_n3A_590 : vector<16xf32>
    %eq3A_624 = arith.cmpf oeq, %select_n3A_599, %select_n3A_590 : vector<16xf32>
    %lt3A_625 = arith.cmpi slt, %add3A_618, %add3A_614 : vector<16xi32>
    %and3A_626 = arith.andi %eq3A_624, %lt3A_625 : vector<16xi1>
    %or3A_627 = arith.ori %gt3A_623, %and3A_626 : vector<16xi1>
    %select_n3A_628 = arith.select %or3A_627, %select_n3A_599, %select_n3A_590 : vector<16xi1>, vector<16xf32>
    %select_n3A_629 = arith.select %or3A_627, %add3A_618, %add3A_614 : vector<16xi1>, vector<16xi32>
    %gt3A_630 = arith.cmpf ogt, %select_n3A_628, %select_n3A_621 : vector<16xf32>
    %eq3A_631 = arith.cmpf oeq, %select_n3A_628, %select_n3A_621 : vector<16xf32>
    %lt3A_632 = arith.cmpi slt, %select_n3A_629, %select_n3A_622 : vector<16xi32>
    %and3A_633 = arith.andi %eq3A_631, %lt3A_632 : vector<16xi1>
    %or3A_634 = arith.ori %gt3A_630, %and3A_633 : vector<16xi1>
    %select_n3A_635 = arith.select %or3A_634, %select_n3A_628, %select_n3A_621 : vector<16xi1>, vector<16xf32>
    %select_n3A_636 = arith.select %or3A_634, %select_n3A_629, %select_n3A_622 : vector<16xi1>, vector<16xi32>
    %reduce_max3A = arith.constant true
    %reduce_max3A_637 = vector.broadcast %reduce_max3A : i1 to vector<16xi1>
    %reduce_max3A_638 = tpu.scan <max>, %select_n3A_635 masked %reduce_max3A_637 : vector<16xf32>, vector<16xi1> -> vector<16xf32>
    %reduce_max3A_639 = vector.extract %reduce_max3A_638[15] : f32 from vector<16xf32>
    %eq3A_640 = vector.broadcast %reduce_max3A_639 : f32 to vector<16xf32>
    %eq3A_641 = arith.cmpf oeq, %select_n3A_635, %eq3A_640 : vector<16xf32>
    %jit3A_642 = arith.constant 2147483647 : i32
    %broadcast_in_dim3A_643 = vector.broadcast %jit3A_642 : i32 to vector<16xi32>
    %select_n3A_644 = arith.select %eq3A_641, %select_n3A_636, %broadcast_in_dim3A_643 : vector<16xi1>, vector<16xi32>
    %reduce_min3A = arith.constant true
    %reduce_min3A_645 = vector.broadcast %reduce_min3A : i1 to vector<16xi1>
    %reduce_min3A_646 = arith.constant -2147483648 : i32
    %reduce_min3A_647 = vector.broadcast %reduce_min3A_646 : i32 to vector<16xi32>
    %reduce_min3A_648 = arith.xori %select_n3A_644, %reduce_min3A_647 : vector<16xi32>
    %reduce_min3A_649 = tpu.scan <min>, %reduce_min3A_648 masked %reduce_min3A_645 : vector<16xi32>, vector<16xi1> -> vector<16xi32>
    %reduce_min3A_650 = arith.xori %reduce_min3A_649, %reduce_min3A_647 : vector<16xi32>
    %reduce_min3A_651 = vector.extract %reduce_min3A_650[15] : i32 from vector<16xi32>
    %jit3A_652 = arith.constant -1 : i32
    %select_n3A_653 = arith.select %eq3A_15, %jit3A_652, %reduce_min3A_651 : i32
    %broadcast_in_dim3A_654 = arith.constant 0 : i32
    %broadcast_in_dim3A_655 = vector.broadcast %broadcast_in_dim3A_654 : i32 to vector<16xi32>
    %broadcast_in_dim3A_656 = arith.constant 0 : i32
    %broadcast_in_dim3A_657 = vector.broadcast %broadcast_in_dim3A_656 : i32 to vector<16xi32>
    %add3A_658 = vector.broadcast %select_n3A_653 : i32 to vector<16xi32>
    %add3A_659 = arith.addi %broadcast_in_dim3A_657, %add3A_658 : vector<16xi32>
    %eq3A_660 = arith.constant 0 : i32
    %eq3A_661 = vector.broadcast %eq3A_660 : i32 to vector<16xi32>
    %eq3A_662 = arith.cmpi eq, %iota3A, %eq3A_661 : vector<16xi32>
    tpu.vector_store_idx %arg7[%broadcast_in_dim3A_655], %add3A_659 masked %eq3A_662 : memref<129xi32, #tpu.memory_space<vmem>>[vector<16xi32>], vector<16xi32>, vector<16xi1>
    %broadcast_in_dim3A_663 = arith.constant 0 : i32
    %broadcast_in_dim3A_664 = vector.broadcast %broadcast_in_dim3A_663 : i32 to vector<16xi32>
    %eq3A_665 = arith.constant 0 : i32
    %eq3A_666 = vector.broadcast %eq3A_665 : i32 to vector<16xi32>
    %eq3A_667 = arith.cmpi eq, %iota3A, %eq3A_666 : vector<16xi32>
    %add3A_668 = arith.constant 32 : i32
    %add3A_669 = arith.addi %mul3A_2, %add3A_668 : i32
    %dma_start3A_670 = arith.constant 0 : i32
    %dma_start3A_671 = tpu.memref_slice %arg2[%add3A_669, %dma_start3A_670] : memref<4096x1024xf32, #tpu.memory_space<hbm>> -> memref<32x1024xf32, #tpu.memory_space<hbm>>
    %dma_start3A_672 = arith.constant 0 : i32
    %dma_start3A_673 = tpu.memref_slice %arg2[%add3A_669, %dma_start3A_672] : memref<4096x1024xf32, #tpu.memory_space<hbm>> -> memref<32x1024xf32, #tpu.memory_space<hbm>>
    tpu.enqueue_dma source(%dma_start3A_673 : memref<32x1024xf32, #tpu.memory_space<hbm>>) target(%arg5 : memref<32x1024xf32, #tpu.memory_space<vmem>>) target_semaphore(%arg10 : memref<!tpu.dma_semaphore, #tpu.memory_space<semaphore_mem>>)
    %dma_wait3A_674 = arith.constant 0 : i32
    %dma_wait3A_675 = tpu.memref_slice %arg2[%mul3A_2, %dma_wait3A_674] : memref<4096x1024xf32, #tpu.memory_space<hbm>> -> memref<32x1024xf32, #tpu.memory_space<hbm>>
    %dma_wait3A_676 = arith.constant 0 : i32
    %dma_wait3A_677 = tpu.memref_slice %arg2[%mul3A_2, %dma_wait3A_676] : memref<4096x1024xf32, #tpu.memory_space<hbm>> -> memref<32x1024xf32, #tpu.memory_space<hbm>>
    tpu.wait_dma2 semaphore(%arg9 : memref<!tpu.dma_semaphore, #tpu.memory_space<semaphore_mem>>) src(%dma_wait3A_677 : memref<32x1024xf32, #tpu.memory_space<hbm>>) dst(%arg4 : memref<32x1024xf32, #tpu.memory_space<vmem>>)
    %scan3A = arith.constant 0 : i32
    %scan3A_678 = arith.constant 0 : i32
    %scan3A_679 = arith.constant 32 : i32
    %scan3A_680 = arith.addi %scan3A_678, %scan3A_679 : i32
    %scan3A_681 = arith.constant 1 : i32
    scf.for %scan3A_890 = %scan3A_678 to %scan3A_680 step %scan3A_681  : i32 {
      %broadcast_in_dim3A_891 = arith.constant 0xFF800000 : f32
      %broadcast_in_dim3A_892 = vector.broadcast %broadcast_in_dim3A_891 : f32 to vector<16xf32>
      %broadcast_in_dim3A_893 = arith.constant 0xFF800000 : f32
      %broadcast_in_dim3A_894 = vector.broadcast %broadcast_in_dim3A_893 : f32 to vector<16xf32>
      %broadcast_in_dim3A_895 = arith.constant 0xFF800000 : f32
      %broadcast_in_dim3A_896 = vector.broadcast %broadcast_in_dim3A_895 : f32 to vector<16xf32>
      %broadcast_in_dim3A_897 = arith.constant 0xFF800000 : f32
      %broadcast_in_dim3A_898 = vector.broadcast %broadcast_in_dim3A_897 : f32 to vector<16xf32>
      %broadcast_in_dim3A_899 = arith.constant 0 : i32
      %broadcast_in_dim3A_900 = vector.broadcast %broadcast_in_dim3A_899 : i32 to vector<16xi32>
      %broadcast_in_dim3A_901 = arith.constant 0 : i32
      %broadcast_in_dim3A_902 = vector.broadcast %broadcast_in_dim3A_901 : i32 to vector<16xi32>
      %broadcast_in_dim3A_903 = arith.constant 0 : i32
      %broadcast_in_dim3A_904 = vector.broadcast %broadcast_in_dim3A_903 : i32 to vector<16xi32>
      %broadcast_in_dim3A_905 = arith.constant 0 : i32
      %broadcast_in_dim3A_906 = vector.broadcast %broadcast_in_dim3A_905 : i32 to vector<16xi32>
      %get3A_907 = arith.index_cast %scan3A_890 : i32 to index
      %get3A_908 = arith.constant 0 : index
      %get3A_909 = tpu.vector_load %arg4[%get3A_907, %get3A_908] {strides = array<i32>} : memref<32x1024xf32, #tpu.memory_space<vmem>>, vector<16xf32>,
      %gt3A_910 = arith.cmpf ogt, %get3A_909, %broadcast_in_dim3A_892 : vector<16xf32>
      %select_n3A_911 = arith.select %gt3A_910, %get3A_909, %broadcast_in_dim3A_892 : vector<16xi1>, vector<16xf32>
      %jit3A_912 = arith.constant 0 : i32
      %broadcast_in_dim3A_913 = vector.broadcast %jit3A_912 : i32 to vector<16xi32>
      %select_n3A_914 = arith.select %gt3A_910, %broadcast_in_dim3A_913, %broadcast_in_dim3A_900 : vector<16xi1>, vector<16xi32>
      %get3A_915 = arith.index_cast %scan3A_890 : i32 to index
      %get3A_916 = arith.constant 16 : index
      %get3A_917 = tpu.vector_load %arg4[%get3A_915, %get3A_916] {strides = array<i32>} : memref<32x1024xf32, #tpu.memory_space<vmem>>, vector<16xf32>,
      %gt3A_918 = arith.cmpf ogt, %get3A_917, %broadcast_in_dim3A_894 : vector<16xf32>
      %select_n3A_919 = arith.select %gt3A_918, %get3A_917, %broadcast_in_dim3A_894 : vector<16xi1>, vector<16xf32>
      %jit3A_920 = arith.constant 1 : i32
      %broadcast_in_dim3A_921 = vector.broadcast %jit3A_920 : i32 to vector<16xi32>
      %select_n3A_922 = arith.select %gt3A_918, %broadcast_in_dim3A_921, %broadcast_in_dim3A_902 : vector<16xi1>, vector<16xi32>
      %get3A_923 = arith.index_cast %scan3A_890 : i32 to index
      %get3A_924 = arith.constant 32 : index
      %get3A_925 = tpu.vector_load %arg4[%get3A_923, %get3A_924] {strides = array<i32>} : memref<32x1024xf32, #tpu.memory_space<vmem>>, vector<16xf32>,
      %gt3A_926 = arith.cmpf ogt, %get3A_925, %broadcast_in_dim3A_896 : vector<16xf32>
      %select_n3A_927 = arith.select %gt3A_926, %get3A_925, %broadcast_in_dim3A_896 : vector<16xi1>, vector<16xf32>
      %jit3A_928 = arith.constant 2 : i32
      %broadcast_in_dim3A_929 = vector.broadcast %jit3A_928 : i32 to vector<16xi32>
      %select_n3A_930 = arith.select %gt3A_926, %broadcast_in_dim3A_929, %broadcast_in_dim3A_904 : vector<16xi1>, vector<16xi32>
      %get3A_931 = arith.index_cast %scan3A_890 : i32 to index
      %get3A_932 = arith.constant 48 : index
      %get3A_933 = tpu.vector_load %arg4[%get3A_931, %get3A_932] {strides = array<i32>} : memref<32x1024xf32, #tpu.memory_space<vmem>>, vector<16xf32>,
      %gt3A_934 = arith.cmpf ogt, %get3A_933, %broadcast_in_dim3A_898 : vector<16xf32>
      %select_n3A_935 = arith.select %gt3A_934, %get3A_933, %broadcast_in_dim3A_898 : vector<16xi1>, vector<16xf32>
      %jit3A_936 = arith.constant 3 : i32
      %broadcast_in_dim3A_937 = vector.broadcast %jit3A_936 : i32 to vector<16xi32>
      %select_n3A_938 = arith.select %gt3A_934, %broadcast_in_dim3A_937, %broadcast_in_dim3A_906 : vector<16xi1>, vector<16xi32>
      %get3A_939 = arith.index_cast %scan3A_890 : i32 to index
      %get3A_940 = arith.constant 64 : index
      %get3A_941 = tpu.vector_load %arg4[%get3A_939, %get3A_940] {strides = array<i32>} : memref<32x1024xf32, #tpu.memory_space<vmem>>, vector<16xf32>,
      %gt3A_942 = arith.cmpf ogt, %get3A_941, %select_n3A_911 : vector<16xf32>
      %select_n3A_943 = arith.select %gt3A_942, %get3A_941, %select_n3A_911 : vector<16xi1>, vector<16xf32>
      %jit3A_944 = arith.constant 4 : i32
      %broadcast_in_dim3A_945 = vector.broadcast %jit3A_944 : i32 to vector<16xi32>
      %select_n3A_946 = arith.select %gt3A_942, %broadcast_in_dim3A_945, %select_n3A_914 : vector<16xi1>, vector<16xi32>
      %get3A_947 = arith.index_cast %scan3A_890 : i32 to index
      %get3A_948 = arith.constant 80 : index
      %get3A_949 = tpu.vector_load %arg4[%get3A_947, %get3A_948] {strides = array<i32>} : memref<32x1024xf32, #tpu.memory_space<vmem>>, vector<16xf32>,
      %gt3A_950 = arith.cmpf ogt, %get3A_949, %select_n3A_919 : vector<16xf32>
      %select_n3A_951 = arith.select %gt3A_950, %get3A_949, %select_n3A_919 : vector<16xi1>, vector<16xf32>
      %jit3A_952 = arith.constant 5 : i32
      %broadcast_in_dim3A_953 = vector.broadcast %jit3A_952 : i32 to vector<16xi32>
      %select_n3A_954 = arith.select %gt3A_950, %broadcast_in_dim3A_953, %select_n3A_922 : vector<16xi1>, vector<16xi32>
      %get3A_955 = arith.index_cast %scan3A_890 : i32 to index
      %get3A_956 = arith.constant 96 : index
      %get3A_957 = tpu.vector_load %arg4[%get3A_955, %get3A_956] {strides = array<i32>} : memref<32x1024xf32, #tpu.memory_space<vmem>>, vector<16xf32>,
      %gt3A_958 = arith.cmpf ogt, %get3A_957, %select_n3A_927 : vector<16xf32>
      %select_n3A_959 = arith.select %gt3A_958, %get3A_957, %select_n3A_927 : vector<16xi1>, vector<16xf32>
      %jit3A_960 = arith.constant 6 : i32
      %broadcast_in_dim3A_961 = vector.broadcast %jit3A_960 : i32 to vector<16xi32>
      %select_n3A_962 = arith.select %gt3A_958, %broadcast_in_dim3A_961, %select_n3A_930 : vector<16xi1>, vector<16xi32>
      %get3A_963 = arith.index_cast %scan3A_890 : i32 to index
      %get3A_964 = arith.constant 112 : index
      %get3A_965 = tpu.vector_load %arg4[%get3A_963, %get3A_964] {strides = array<i32>} : memref<32x1024xf32, #tpu.memory_space<vmem>>, vector<16xf32>,
      %gt3A_966 = arith.cmpf ogt, %get3A_965, %select_n3A_935 : vector<16xf32>
      %select_n3A_967 = arith.select %gt3A_966, %get3A_965, %select_n3A_935 : vector<16xi1>, vector<16xf32>
      %jit3A_968 = arith.constant 7 : i32
      %broadcast_in_dim3A_969 = vector.broadcast %jit3A_968 : i32 to vector<16xi32>
      %select_n3A_970 = arith.select %gt3A_966, %broadcast_in_dim3A_969, %select_n3A_938 : vector<16xi1>, vector<16xi32>
      %get3A_971 = arith.index_cast %scan3A_890 : i32 to index
      %get3A_972 = arith.constant 128 : index
      %get3A_973 = tpu.vector_load %arg4[%get3A_971, %get3A_972] {strides = array<i32>} : memref<32x1024xf32, #tpu.memory_space<vmem>>, vector<16xf32>,
      %gt3A_974 = arith.cmpf ogt, %get3A_973, %select_n3A_943 : vector<16xf32>
      %select_n3A_975 = arith.select %gt3A_974, %get3A_973, %select_n3A_943 : vector<16xi1>, vector<16xf32>
      %jit3A_976 = arith.constant 8 : i32
      %broadcast_in_dim3A_977 = vector.broadcast %jit3A_976 : i32 to vector<16xi32>
      %select_n3A_978 = arith.select %gt3A_974, %broadcast_in_dim3A_977, %select_n3A_946 : vector<16xi1>, vector<16xi32>
      %get3A_979 = arith.index_cast %scan3A_890 : i32 to index
      %get3A_980 = arith.constant 144 : index
      %get3A_981 = tpu.vector_load %arg4[%get3A_979, %get3A_980] {strides = array<i32>} : memref<32x1024xf32, #tpu.memory_space<vmem>>, vector<16xf32>,
      %gt3A_982 = arith.cmpf ogt, %get3A_981, %select_n3A_951 : vector<16xf32>
      %select_n3A_983 = arith.select %gt3A_982, %get3A_981, %select_n3A_951 : vector<16xi1>, vector<16xf32>
      %jit3A_984 = arith.constant 9 : i32
      %broadcast_in_dim3A_985 = vector.broadcast %jit3A_984 : i32 to vector<16xi32>
      %select_n3A_986 = arith.select %gt3A_982, %broadcast_in_dim3A_985, %select_n3A_954 : vector<16xi1>, vector<16xi32>
      %get3A_987 = arith.index_cast %scan3A_890 : i32 to index
      %get3A_988 = arith.constant 160 : index
      %get3A_989 = tpu.vector_load %arg4[%get3A_987, %get3A_988] {strides = array<i32>} : memref<32x1024xf32, #tpu.memory_space<vmem>>, vector<16xf32>,
      %gt3A_990 = arith.cmpf ogt, %get3A_989, %select_n3A_959 : vector<16xf32>
      %select_n3A_991 = arith.select %gt3A_990, %get3A_989, %select_n3A_959 : vector<16xi1>, vector<16xf32>
      %jit3A_992 = arith.constant 10 : i32
      %broadcast_in_dim3A_993 = vector.broadcast %jit3A_992 : i32 to vector<16xi32>
      %select_n3A_994 = arith.select %gt3A_990, %broadcast_in_dim3A_993, %select_n3A_962 : vector<16xi1>, vector<16xi32>
      %get3A_995 = arith.index_cast %scan3A_890 : i32 to index
      %get3A_996 = arith.constant 176 : index
      %get3A_997 = tpu.vector_load %arg4[%get3A_995, %get3A_996] {strides = array<i32>} : memref<32x1024xf32, #tpu.memory_space<vmem>>, vector<16xf32>,
      %gt3A_998 = arith.cmpf ogt, %get3A_997, %select_n3A_967 : vector<16xf32>
      %select_n3A_999 = arith.select %gt3A_998, %get3A_997, %select_n3A_967 : vector<16xi1>, vector<16xf32>
      %jit3A_1000 = arith.constant 11 : i32
      %broadcast_in_dim3A_1001 = vector.broadcast %jit3A_1000 : i32 to vector<16xi32>
      %select_n3A_1002 = arith.select %gt3A_998, %broadcast_in_dim3A_1001, %select_n3A_970 : vector<16xi1>, vector<16xi32>
      %get3A_1003 = arith.index_cast %scan3A_890 : i32 to index
      %get3A_1004 = arith.constant 192 : index
      %get3A_1005 = tpu.vector_load %arg4[%get3A_1003, %get3A_1004] {strides = array<i32>} : memref<32x1024xf32, #tpu.memory_space<vmem>>, vector<16xf32>,
      %gt3A_1006 = arith.cmpf ogt, %get3A_1005, %select_n3A_975 : vector<16xf32>
      %select_n3A_1007 = arith.select %gt3A_1006, %get3A_1005, %select_n3A_975 : vector<16xi1>, vector<16xf32>
      %jit3A_1008 = arith.constant 12 : i32
      %broadcast_in_dim3A_1009 = vector.broadcast %jit3A_1008 : i32 to vector<16xi32>
      %select_n3A_1010 = arith.select %gt3A_1006, %broadcast_in_dim3A_1009, %select_n3A_978 : vector<16xi1>, vector<16xi32>
      %get3A_1011 = arith.index_cast %scan3A_890 : i32 to index
      %get3A_1012 = arith.constant 208 : index
      %get3A_1013 = tpu.vector_load %arg4[%get3A_1011, %get3A_1012] {strides = array<i32>} : memref<32x1024xf32, #tpu.memory_space<vmem>>, vector<16xf32>,
      %gt3A_1014 = arith.cmpf ogt, %get3A_1013, %select_n3A_983 : vector<16xf32>
      %select_n3A_1015 = arith.select %gt3A_1014, %get3A_1013, %select_n3A_983 : vector<16xi1>, vector<16xf32>
      %jit3A_1016 = arith.constant 13 : i32
      %broadcast_in_dim3A_1017 = vector.broadcast %jit3A_1016 : i32 to vector<16xi32>
      %select_n3A_1018 = arith.select %gt3A_1014, %broadcast_in_dim3A_1017, %select_n3A_986 : vector<16xi1>, vector<16xi32>
      %get3A_1019 = arith.index_cast %scan3A_890 : i32 to index
      %get3A_1020 = arith.constant 224 : index
      %get3A_1021 = tpu.vector_load %arg4[%get3A_1019, %get3A_1020] {strides = array<i32>} : memref<32x1024xf32, #tpu.memory_space<vmem>>, vector<16xf32>,
      %gt3A_1022 = arith.cmpf ogt, %get3A_1021, %select_n3A_991 : vector<16xf32>
      %select_n3A_1023 = arith.select %gt3A_1022, %get3A_1021, %select_n3A_991 : vector<16xi1>, vector<16xf32>
      %jit3A_1024 = arith.constant 14 : i32
      %broadcast_in_dim3A_1025 = vector.broadcast %jit3A_1024 : i32 to vector<16xi32>
      %select_n3A_1026 = arith.select %gt3A_1022, %broadcast_in_dim3A_1025, %select_n3A_994 : vector<16xi1>, vector<16xi32>
      %get3A_1027 = arith.index_cast %scan3A_890 : i32 to index
      %get3A_1028 = arith.constant 240 : index
      %get3A_1029 = tpu.vector_load %arg4[%get3A_1027, %get3A_1028] {strides = array<i32>} : memref<32x1024xf32, #tpu.memory_space<vmem>>, vector<16xf32>,
      %gt3A_1030 = arith.cmpf ogt, %get3A_1029, %select_n3A_999 : vector<16xf32>
      %select_n3A_1031 = arith.select %gt3A_1030, %get3A_1029, %select_n3A_999 : vector<16xi1>, vector<16xf32>
      %jit3A_1032 = arith.constant 15 : i32
      %broadcast_in_dim3A_1033 = vector.broadcast %jit3A_1032 : i32 to vector<16xi32>
      %select_n3A_1034 = arith.select %gt3A_1030, %broadcast_in_dim3A_1033, %select_n3A_1002 : vector<16xi1>, vector<16xi32>
      %get3A_1035 = arith.index_cast %scan3A_890 : i32 to index
      %get3A_1036 = arith.constant 256 : index
      %get3A_1037 = tpu.vector_load %arg4[%get3A_1035, %get3A_1036] {strides = array<i32>} : memref<32x1024xf32, #tpu.memory_space<vmem>>, vector<16xf32>,
      %gt3A_1038 = arith.cmpf ogt, %get3A_1037, %select_n3A_1007 : vector<16xf32>
      %select_n3A_1039 = arith.select %gt3A_1038, %get3A_1037, %select_n3A_1007 : vector<16xi1>, vector<16xf32>
      %jit3A_1040 = arith.constant 16 : i32
      %broadcast_in_dim3A_1041 = vector.broadcast %jit3A_1040 : i32 to vector<16xi32>
      %select_n3A_1042 = arith.select %gt3A_1038, %broadcast_in_dim3A_1041, %select_n3A_1010 : vector<16xi1>, vector<16xi32>
      %get3A_1043 = arith.index_cast %scan3A_890 : i32 to index
      %get3A_1044 = arith.constant 272 : index
      %get3A_1045 = tpu.vector_load %arg4[%get3A_1043, %get3A_1044] {strides = array<i32>} : memref<32x1024xf32, #tpu.memory_space<vmem>>, vector<16xf32>,
      %gt3A_1046 = arith.cmpf ogt, %get3A_1045, %select_n3A_1015 : vector<16xf32>
      %select_n3A_1047 = arith.select %gt3A_1046, %get3A_1045, %select_n3A_1015 : vector<16xi1>, vector<16xf32>
      %jit3A_1048 = arith.constant 17 : i32
      %broadcast_in_dim3A_1049 = vector.broadcast %jit3A_1048 : i32 to vector<16xi32>
      %select_n3A_1050 = arith.select %gt3A_1046, %broadcast_in_dim3A_1049, %select_n3A_1018 : vector<16xi1>, vector<16xi32>
      %get3A_1051 = arith.index_cast %scan3A_890 : i32 to index
      %get3A_1052 = arith.constant 288 : index
      %get3A_1053 = tpu.vector_load %arg4[%get3A_1051, %get3A_1052] {strides = array<i32>} : memref<32x1024xf32, #tpu.memory_space<vmem>>, vector<16xf32>,
      %gt3A_1054 = arith.cmpf ogt, %get3A_1053, %select_n3A_1023 : vector<16xf32>
      %select_n3A_1055 = arith.select %gt3A_1054, %get3A_1053, %select_n3A_1023 : vector<16xi1>, vector<16xf32>
      %jit3A_1056 = arith.constant 18 : i32
      %broadcast_in_dim3A_1057 = vector.broadcast %jit3A_1056 : i32 to vector<16xi32>
      %select_n3A_1058 = arith.select %gt3A_1054, %broadcast_in_dim3A_1057, %select_n3A_1026 : vector<16xi1>, vector<16xi32>
      %get3A_1059 = arith.index_cast %scan3A_890 : i32 to index
      %get3A_1060 = arith.constant 304 : index
      %get3A_1061 = tpu.vector_load %arg4[%get3A_1059, %get3A_1060] {strides = array<i32>} : memref<32x1024xf32, #tpu.memory_space<vmem>>, vector<16xf32>,
      %gt3A_1062 = arith.cmpf ogt, %get3A_1061, %select_n3A_1031 : vector<16xf32>
      %select_n3A_1063 = arith.select %gt3A_1062, %get3A_1061, %select_n3A_1031 : vector<16xi1>, vector<16xf32>
      %jit3A_1064 = arith.constant 19 : i32
      %broadcast_in_dim3A_1065 = vector.broadcast %jit3A_1064 : i32 to vector<16xi32>
      %select_n3A_1066 = arith.select %gt3A_1062, %broadcast_in_dim3A_1065, %select_n3A_1034 : vector<16xi1>, vector<16xi32>
      %get3A_1067 = arith.index_cast %scan3A_890 : i32 to index
      %get3A_1068 = arith.constant 320 : index
      %get3A_1069 = tpu.vector_load %arg4[%get3A_1067, %get3A_1068] {strides = array<i32>} : memref<32x1024xf32, #tpu.memory_space<vmem>>, vector<16xf32>,
      %gt3A_1070 = arith.cmpf ogt, %get3A_1069, %select_n3A_1039 : vector<16xf32>
      %select_n3A_1071 = arith.select %gt3A_1070, %get3A_1069, %select_n3A_1039 : vector<16xi1>, vector<16xf32>
      %jit3A_1072 = arith.constant 20 : i32
      %broadcast_in_dim3A_1073 = vector.broadcast %jit3A_1072 : i32 to vector<16xi32>
      %select_n3A_1074 = arith.select %gt3A_1070, %broadcast_in_dim3A_1073, %select_n3A_1042 : vector<16xi1>, vector<16xi32>
      %get3A_1075 = arith.index_cast %scan3A_890 : i32 to index
      %get3A_1076 = arith.constant 336 : index
      %get3A_1077 = tpu.vector_load %arg4[%get3A_1075, %get3A_1076] {strides = array<i32>} : memref<32x1024xf32, #tpu.memory_space<vmem>>, vector<16xf32>,
      %gt3A_1078 = arith.cmpf ogt, %get3A_1077, %select_n3A_1047 : vector<16xf32>
      %select_n3A_1079 = arith.select %gt3A_1078, %get3A_1077, %select_n3A_1047 : vector<16xi1>, vector<16xf32>
      %jit3A_1080 = arith.constant 21 : i32
      %broadcast_in_dim3A_1081 = vector.broadcast %jit3A_1080 : i32 to vector<16xi32>
      %select_n3A_1082 = arith.select %gt3A_1078, %broadcast_in_dim3A_1081, %select_n3A_1050 : vector<16xi1>, vector<16xi32>
      %get3A_1083 = arith.index_cast %scan3A_890 : i32 to index
      %get3A_1084 = arith.constant 352 : index
      %get3A_1085 = tpu.vector_load %arg4[%get3A_1083, %get3A_1084] {strides = array<i32>} : memref<32x1024xf32, #tpu.memory_space<vmem>>, vector<16xf32>,
      %gt3A_1086 = arith.cmpf ogt, %get3A_1085, %select_n3A_1055 : vector<16xf32>
      %select_n3A_1087 = arith.select %gt3A_1086, %get3A_1085, %select_n3A_1055 : vector<16xi1>, vector<16xf32>
      %jit3A_1088 = arith.constant 22 : i32
      %broadcast_in_dim3A_1089 = vector.broadcast %jit3A_1088 : i32 to vector<16xi32>
      %select_n3A_1090 = arith.select %gt3A_1086, %broadcast_in_dim3A_1089, %select_n3A_1058 : vector<16xi1>, vector<16xi32>
      %get3A_1091 = arith.index_cast %scan3A_890 : i32 to index
      %get3A_1092 = arith.constant 368 : index
      %get3A_1093 = tpu.vector_load %arg4[%get3A_1091, %get3A_1092] {strides = array<i32>} : memref<32x1024xf32, #tpu.memory_space<vmem>>, vector<16xf32>,
      %gt3A_1094 = arith.cmpf ogt, %get3A_1093, %select_n3A_1063 : vector<16xf32>
      %select_n3A_1095 = arith.select %gt3A_1094, %get3A_1093, %select_n3A_1063 : vector<16xi1>, vector<16xf32>
      %jit3A_1096 = arith.constant 23 : i32
      %broadcast_in_dim3A_1097 = vector.broadcast %jit3A_1096 : i32 to vector<16xi32>
      %select_n3A_1098 = arith.select %gt3A_1094, %broadcast_in_dim3A_1097, %select_n3A_1066 : vector<16xi1>, vector<16xi32>
      %get3A_1099 = arith.index_cast %scan3A_890 : i32 to index
      %get3A_1100 = arith.constant 384 : index
      %get3A_1101 = tpu.vector_load %arg4[%get3A_1099, %get3A_1100] {strides = array<i32>} : memref<32x1024xf32, #tpu.memory_space<vmem>>, vector<16xf32>,
      %gt3A_1102 = arith.cmpf ogt, %get3A_1101, %select_n3A_1071 : vector<16xf32>
      %select_n3A_1103 = arith.select %gt3A_1102, %get3A_1101, %select_n3A_1071 : vector<16xi1>, vector<16xf32>
      %jit3A_1104 = arith.constant 24 : i32
      %broadcast_in_dim3A_1105 = vector.broadcast %jit3A_1104 : i32 to vector<16xi32>
      %select_n3A_1106 = arith.select %gt3A_1102, %broadcast_in_dim3A_1105, %select_n3A_1074 : vector<16xi1>, vector<16xi32>
      %get3A_1107 = arith.index_cast %scan3A_890 : i32 to index
      %get3A_1108 = arith.constant 400 : index
      %get3A_1109 = tpu.vector_load %arg4[%get3A_1107, %get3A_1108] {strides = array<i32>} : memref<32x1024xf32, #tpu.memory_space<vmem>>, vector<16xf32>,
      %gt3A_1110 = arith.cmpf ogt, %get3A_1109, %select_n3A_1079 : vector<16xf32>
      %select_n3A_1111 = arith.select %gt3A_1110, %get3A_1109, %select_n3A_1079 : vector<16xi1>, vector<16xf32>
      %jit3A_1112 = arith.constant 25 : i32
      %broadcast_in_dim3A_1113 = vector.broadcast %jit3A_1112 : i32 to vector<16xi32>
      %select_n3A_1114 = arith.select %gt3A_1110, %broadcast_in_dim3A_1113, %select_n3A_1082 : vector<16xi1>, vector<16xi32>
      %get3A_1115 = arith.index_cast %scan3A_890 : i32 to index
      %get3A_1116 = arith.constant 416 : index
      %get3A_1117 = tpu.vector_load %arg4[%get3A_1115, %get3A_1116] {strides = array<i32>} : memref<32x1024xf32, #tpu.memory_space<vmem>>, vector<16xf32>,
      %gt3A_1118 = arith.cmpf ogt, %get3A_1117, %select_n3A_1087 : vector<16xf32>
      %select_n3A_1119 = arith.select %gt3A_1118, %get3A_1117, %select_n3A_1087 : vector<16xi1>, vector<16xf32>
      %jit3A_1120 = arith.constant 26 : i32
      %broadcast_in_dim3A_1121 = vector.broadcast %jit3A_1120 : i32 to vector<16xi32>
      %select_n3A_1122 = arith.select %gt3A_1118, %broadcast_in_dim3A_1121, %select_n3A_1090 : vector<16xi1>, vector<16xi32>
      %get3A_1123 = arith.index_cast %scan3A_890 : i32 to index
      %get3A_1124 = arith.constant 432 : index
      %get3A_1125 = tpu.vector_load %arg4[%get3A_1123, %get3A_1124] {strides = array<i32>} : memref<32x1024xf32, #tpu.memory_space<vmem>>, vector<16xf32>,
      %gt3A_1126 = arith.cmpf ogt, %get3A_1125, %select_n3A_1095 : vector<16xf32>
      %select_n3A_1127 = arith.select %gt3A_1126, %get3A_1125, %select_n3A_1095 : vector<16xi1>, vector<16xf32>
      %jit3A_1128 = arith.constant 27 : i32
      %broadcast_in_dim3A_1129 = vector.broadcast %jit3A_1128 : i32 to vector<16xi32>
      %select_n3A_1130 = arith.select %gt3A_1126, %broadcast_in_dim3A_1129, %select_n3A_1098 : vector<16xi1>, vector<16xi32>
      %get3A_1131 = arith.index_cast %scan3A_890 : i32 to index
      %get3A_1132 = arith.constant 448 : index
      %get3A_1133 = tpu.vector_load %arg4[%get3A_1131, %get3A_1132] {strides = array<i32>} : memref<32x1024xf32, #tpu.memory_space<vmem>>, vector<16xf32>,
      %gt3A_1134 = arith.cmpf ogt, %get3A_1133, %select_n3A_1103 : vector<16xf32>
      %select_n3A_1135 = arith.select %gt3A_1134, %get3A_1133, %select_n3A_1103 : vector<16xi1>, vector<16xf32>
      %jit3A_1136 = arith.constant 28 : i32
      %broadcast_in_dim3A_1137 = vector.broadcast %jit3A_1136 : i32 to vector<16xi32>
      %select_n3A_1138 = arith.select %gt3A_1134, %broadcast_in_dim3A_1137, %select_n3A_1106 : vector<16xi1>, vector<16xi32>
      %get3A_1139 = arith.index_cast %scan3A_890 : i32 to index
      %get3A_1140 = arith.constant 464 : index
      %get3A_1141 = tpu.vector_load %arg4[%get3A_1139, %get3A_1140] {strides = array<i32>} : memref<32x1024xf32, #tpu.memory_space<vmem>>, vector<16xf32>,
      %gt3A_1142 = arith.cmpf ogt, %get3A_1141, %select_n3A_1111 : vector<16xf32>
      %select_n3A_1143 = arith.select %gt3A_1142, %get3A_1141, %select_n3A_1111 : vector<16xi1>, vector<16xf32>
      %jit3A_1144 = arith.constant 29 : i32
      %broadcast_in_dim3A_1145 = vector.broadcast %jit3A_1144 : i32 to vector<16xi32>
      %select_n3A_1146 = arith.select %gt3A_1142, %broadcast_in_dim3A_1145, %select_n3A_1114 : vector<16xi1>, vector<16xi32>
      %get3A_1147 = arith.index_cast %scan3A_890 : i32 to index
      %get3A_1148 = arith.constant 480 : index
      %get3A_1149 = tpu.vector_load %arg4[%get3A_1147, %get3A_1148] {strides = array<i32>} : memref<32x1024xf32, #tpu.memory_space<vmem>>, vector<16xf32>,
      %gt3A_1150 = arith.cmpf ogt, %get3A_1149, %select_n3A_1119 : vector<16xf32>
      %select_n3A_1151 = arith.select %gt3A_1150, %get3A_1149, %select_n3A_1119 : vector<16xi1>, vector<16xf32>
      %jit3A_1152 = arith.constant 30 : i32
      %broadcast_in_dim3A_1153 = vector.broadcast %jit3A_1152 : i32 to vector<16xi32>
      %select_n3A_1154 = arith.select %gt3A_1150, %broadcast_in_dim3A_1153, %select_n3A_1122 : vector<16xi1>, vector<16xi32>
      %get3A_1155 = arith.index_cast %scan3A_890 : i32 to index
      %get3A_1156 = arith.constant 496 : index
      %get3A_1157 = tpu.vector_load %arg4[%get3A_1155, %get3A_1156] {strides = array<i32>} : memref<32x1024xf32, #tpu.memory_space<vmem>>, vector<16xf32>,
      %gt3A_1158 = arith.cmpf ogt, %get3A_1157, %select_n3A_1127 : vector<16xf32>
      %select_n3A_1159 = arith.select %gt3A_1158, %get3A_1157, %select_n3A_1127 : vector<16xi1>, vector<16xf32>
      %jit3A_1160 = arith.constant 31 : i32
      %broadcast_in_dim3A_1161 = vector.broadcast %jit3A_1160 : i32 to vector<16xi32>
      %select_n3A_1162 = arith.select %gt3A_1158, %broadcast_in_dim3A_1161, %select_n3A_1130 : vector<16xi1>, vector<16xi32>
      %get3A_1163 = arith.index_cast %scan3A_890 : i32 to index
      %get3A_1164 = arith.constant 512 : index
      %get3A_1165 = tpu.vector_load %arg4[%get3A_1163, %get3A_1164] {strides = array<i32>} : memref<32x1024xf32, #tpu.memory_space<vmem>>, vector<16xf32>,
      %gt3A_1166 = arith.cmpf ogt, %get3A_1165, %select_n3A_1135 : vector<16xf32>
      %select_n3A_1167 = arith.select %gt3A_1166, %get3A_1165, %select_n3A_1135 : vector<16xi1>, vector<16xf32>
      %jit3A_1168 = arith.constant 32 : i32
      %broadcast_in_dim3A_1169 = vector.broadcast %jit3A_1168 : i32 to vector<16xi32>
      %select_n3A_1170 = arith.select %gt3A_1166, %broadcast_in_dim3A_1169, %select_n3A_1138 : vector<16xi1>, vector<16xi32>
      %get3A_1171 = arith.index_cast %scan3A_890 : i32 to index
      %get3A_1172 = arith.constant 528 : index
      %get3A_1173 = tpu.vector_load %arg4[%get3A_1171, %get3A_1172] {strides = array<i32>} : memref<32x1024xf32, #tpu.memory_space<vmem>>, vector<16xf32>,
      %gt3A_1174 = arith.cmpf ogt, %get3A_1173, %select_n3A_1143 : vector<16xf32>
      %select_n3A_1175 = arith.select %gt3A_1174, %get3A_1173, %select_n3A_1143 : vector<16xi1>, vector<16xf32>
      %jit3A_1176 = arith.constant 33 : i32
      %broadcast_in_dim3A_1177 = vector.broadcast %jit3A_1176 : i32 to vector<16xi32>
      %select_n3A_1178 = arith.select %gt3A_1174, %broadcast_in_dim3A_1177, %select_n3A_1146 : vector<16xi1>, vector<16xi32>
      %get3A_1179 = arith.index_cast %scan3A_890 : i32 to index
      %get3A_1180 = arith.constant 544 : index
      %get3A_1181 = tpu.vector_load %arg4[%get3A_1179, %get3A_1180] {strides = array<i32>} : memref<32x1024xf32, #tpu.memory_space<vmem>>, vector<16xf32>,
      %gt3A_1182 = arith.cmpf ogt, %get3A_1181, %select_n3A_1151 : vector<16xf32>
      %select_n3A_1183 = arith.select %gt3A_1182, %get3A_1181, %select_n3A_1151 : vector<16xi1>, vector<16xf32>
      %jit3A_1184 = arith.constant 34 : i32
      %broadcast_in_dim3A_1185 = vector.broadcast %jit3A_1184 : i32 to vector<16xi32>
      %select_n3A_1186 = arith.select %gt3A_1182, %broadcast_in_dim3A_1185, %select_n3A_1154 : vector<16xi1>, vector<16xi32>
      %get3A_1187 = arith.index_cast %scan3A_890 : i32 to index
      %get3A_1188 = arith.constant 560 : index
      %get3A_1189 = tpu.vector_load %arg4[%get3A_1187, %get3A_1188] {strides = array<i32>} : memref<32x1024xf32, #tpu.memory_space<vmem>>, vector<16xf32>,
      %gt3A_1190 = arith.cmpf ogt, %get3A_1189, %select_n3A_1159 : vector<16xf32>
      %select_n3A_1191 = arith.select %gt3A_1190, %get3A_1189, %select_n3A_1159 : vector<16xi1>, vector<16xf32>
      %jit3A_1192 = arith.constant 35 : i32
      %broadcast_in_dim3A_1193 = vector.broadcast %jit3A_1192 : i32 to vector<16xi32>
      %select_n3A_1194 = arith.select %gt3A_1190, %broadcast_in_dim3A_1193, %select_n3A_1162 : vector<16xi1>, vector<16xi32>
      %get3A_1195 = arith.index_cast %scan3A_890 : i32 to index
      %get3A_1196 = arith.constant 576 : index
      %get3A_1197 = tpu.vector_load %arg4[%get3A_1195, %get3A_1196] {strides = array<i32>} : memref<32x1024xf32, #tpu.memory_space<vmem>>, vector<16xf32>,
      %gt3A_1198 = arith.cmpf ogt, %get3A_1197, %select_n3A_1167 : vector<16xf32>
      %select_n3A_1199 = arith.select %gt3A_1198, %get3A_1197, %select_n3A_1167 : vector<16xi1>, vector<16xf32>
      %jit3A_1200 = arith.constant 36 : i32
      %broadcast_in_dim3A_1201 = vector.broadcast %jit3A_1200 : i32 to vector<16xi32>
      %select_n3A_1202 = arith.select %gt3A_1198, %broadcast_in_dim3A_1201, %select_n3A_1170 : vector<16xi1>, vector<16xi32>
      %get3A_1203 = arith.index_cast %scan3A_890 : i32 to index
      %get3A_1204 = arith.constant 592 : index
      %get3A_1205 = tpu.vector_load %arg4[%get3A_1203, %get3A_1204] {strides = array<i32>} : memref<32x1024xf32, #tpu.memory_space<vmem>>, vector<16xf32>,
      %gt3A_1206 = arith.cmpf ogt, %get3A_1205, %select_n3A_1175 : vector<16xf32>
      %select_n3A_1207 = arith.select %gt3A_1206, %get3A_1205, %select_n3A_1175 : vector<16xi1>, vector<16xf32>
      %jit3A_1208 = arith.constant 37 : i32
      %broadcast_in_dim3A_1209 = vector.broadcast %jit3A_1208 : i32 to vector<16xi32>
      %select_n3A_1210 = arith.select %gt3A_1206, %broadcast_in_dim3A_1209, %select_n3A_1178 : vector<16xi1>, vector<16xi32>
      %get3A_1211 = arith.index_cast %scan3A_890 : i32 to index
      %get3A_1212 = arith.constant 608 : index
      %get3A_1213 = tpu.vector_load %arg4[%get3A_1211, %get3A_1212] {strides = array<i32>} : memref<32x1024xf32, #tpu.memory_space<vmem>>, vector<16xf32>,
      %gt3A_1214 = arith.cmpf ogt, %get3A_1213, %select_n3A_1183 : vector<16xf32>
      %select_n3A_1215 = arith.select %gt3A_1214, %get3A_1213, %select_n3A_1183 : vector<16xi1>, vector<16xf32>
      %jit3A_1216 = arith.constant 38 : i32
      %broadcast_in_dim3A_1217 = vector.broadcast %jit3A_1216 : i32 to vector<16xi32>
      %select_n3A_1218 = arith.select %gt3A_1214, %broadcast_in_dim3A_1217, %select_n3A_1186 : vector<16xi1>, vector<16xi32>
      %get3A_1219 = arith.index_cast %scan3A_890 : i32 to index
      %get3A_1220 = arith.constant 624 : index
      %get3A_1221 = tpu.vector_load %arg4[%get3A_1219, %get3A_1220] {strides = array<i32>} : memref<32x1024xf32, #tpu.memory_space<vmem>>, vector<16xf32>,
      %gt3A_1222 = arith.cmpf ogt, %get3A_1221, %select_n3A_1191 : vector<16xf32>
      %select_n3A_1223 = arith.select %gt3A_1222, %get3A_1221, %select_n3A_1191 : vector<16xi1>, vector<16xf32>
      %jit3A_1224 = arith.constant 39 : i32
      %broadcast_in_dim3A_1225 = vector.broadcast %jit3A_1224 : i32 to vector<16xi32>
      %select_n3A_1226 = arith.select %gt3A_1222, %broadcast_in_dim3A_1225, %select_n3A_1194 : vector<16xi1>, vector<16xi32>
      %get3A_1227 = arith.index_cast %scan3A_890 : i32 to index
      %get3A_1228 = arith.constant 640 : index
      %get3A_1229 = tpu.vector_load %arg4[%get3A_1227, %get3A_1228] {strides = array<i32>} : memref<32x1024xf32, #tpu.memory_space<vmem>>, vector<16xf32>,
      %gt3A_1230 = arith.cmpf ogt, %get3A_1229, %select_n3A_1199 : vector<16xf32>
      %select_n3A_1231 = arith.select %gt3A_1230, %get3A_1229, %select_n3A_1199 : vector<16xi1>, vector<16xf32>
      %jit3A_1232 = arith.constant 40 : i32
      %broadcast_in_dim3A_1233 = vector.broadcast %jit3A_1232 : i32 to vector<16xi32>
      %select_n3A_1234 = arith.select %gt3A_1230, %broadcast_in_dim3A_1233, %select_n3A_1202 : vector<16xi1>, vector<16xi32>
      %get3A_1235 = arith.index_cast %scan3A_890 : i32 to index
      %get3A_1236 = arith.constant 656 : index
      %get3A_1237 = tpu.vector_load %arg4[%get3A_1235, %get3A_1236] {strides = array<i32>} : memref<32x1024xf32, #tpu.memory_space<vmem>>, vector<16xf32>,
      %gt3A_1238 = arith.cmpf ogt, %get3A_1237, %select_n3A_1207 : vector<16xf32>
      %select_n3A_1239 = arith.select %gt3A_1238, %get3A_1237, %select_n3A_1207 : vector<16xi1>, vector<16xf32>
      %jit3A_1240 = arith.constant 41 : i32
      %broadcast_in_dim3A_1241 = vector.broadcast %jit3A_1240 : i32 to vector<16xi32>
      %select_n3A_1242 = arith.select %gt3A_1238, %broadcast_in_dim3A_1241, %select_n3A_1210 : vector<16xi1>, vector<16xi32>
      %get3A_1243 = arith.index_cast %scan3A_890 : i32 to index
      %get3A_1244 = arith.constant 672 : index
      %get3A_1245 = tpu.vector_load %arg4[%get3A_1243, %get3A_1244] {strides = array<i32>} : memref<32x1024xf32, #tpu.memory_space<vmem>>, vector<16xf32>,
      %gt3A_1246 = arith.cmpf ogt, %get3A_1245, %select_n3A_1215 : vector<16xf32>
      %select_n3A_1247 = arith.select %gt3A_1246, %get3A_1245, %select_n3A_1215 : vector<16xi1>, vector<16xf32>
      %jit3A_1248 = arith.constant 42 : i32
      %broadcast_in_dim3A_1249 = vector.broadcast %jit3A_1248 : i32 to vector<16xi32>
      %select_n3A_1250 = arith.select %gt3A_1246, %broadcast_in_dim3A_1249, %select_n3A_1218 : vector<16xi1>, vector<16xi32>
      %get3A_1251 = arith.index_cast %scan3A_890 : i32 to index
      %get3A_1252 = arith.constant 688 : index
      %get3A_1253 = tpu.vector_load %arg4[%get3A_1251, %get3A_1252] {strides = array<i32>} : memref<32x1024xf32, #tpu.memory_space<vmem>>, vector<16xf32>,
      %gt3A_1254 = arith.cmpf ogt, %get3A_1253, %select_n3A_1223 : vector<16xf32>
      %select_n3A_1255 = arith.select %gt3A_1254, %get3A_1253, %select_n3A_1223 : vector<16xi1>, vector<16xf32>
      %jit3A_1256 = arith.constant 43 : i32
      %broadcast_in_dim3A_1257 = vector.broadcast %jit3A_1256 : i32 to vector<16xi32>
      %select_n3A_1258 = arith.select %gt3A_1254, %broadcast_in_dim3A_1257, %select_n3A_1226 : vector<16xi1>, vector<16xi32>
      %get3A_1259 = arith.index_cast %scan3A_890 : i32 to index
      %get3A_1260 = arith.constant 704 : index
      %get3A_1261 = tpu.vector_load %arg4[%get3A_1259, %get3A_1260] {strides = array<i32>} : memref<32x1024xf32, #tpu.memory_space<vmem>>, vector<16xf32>,
      %gt3A_1262 = arith.cmpf ogt, %get3A_1261, %select_n3A_1231 : vector<16xf32>
      %select_n3A_1263 = arith.select %gt3A_1262, %get3A_1261, %select_n3A_1231 : vector<16xi1>, vector<16xf32>
      %jit3A_1264 = arith.constant 44 : i32
      %broadcast_in_dim3A_1265 = vector.broadcast %jit3A_1264 : i32 to vector<16xi32>
      %select_n3A_1266 = arith.select %gt3A_1262, %broadcast_in_dim3A_1265, %select_n3A_1234 : vector<16xi1>, vector<16xi32>
      %get3A_1267 = arith.index_cast %scan3A_890 : i32 to index
      %get3A_1268 = arith.constant 720 : index
      %get3A_1269 = tpu.vector_load %arg4[%get3A_1267, %get3A_1268] {strides = array<i32>} : memref<32x1024xf32, #tpu.memory_space<vmem>>, vector<16xf32>,
      %gt3A_1270 = arith.cmpf ogt, %get3A_1269, %select_n3A_1239 : vector<16xf32>
      %select_n3A_1271 = arith.select %gt3A_1270, %get3A_1269, %select_n3A_1239 : vector<16xi1>, vector<16xf32>
      %jit3A_1272 = arith.constant 45 : i32
      %broadcast_in_dim3A_1273 = vector.broadcast %jit3A_1272 : i32 to vector<16xi32>
      %select_n3A_1274 = arith.select %gt3A_1270, %broadcast_in_dim3A_1273, %select_n3A_1242 : vector<16xi1>, vector<16xi32>
      %get3A_1275 = arith.index_cast %scan3A_890 : i32 to index
      %get3A_1276 = arith.constant 736 : index
      %get3A_1277 = tpu.vector_load %arg4[%get3A_1275, %get3A_1276] {strides = array<i32>} : memref<32x1024xf32, #tpu.memory_space<vmem>>, vector<16xf32>,
      %gt3A_1278 = arith.cmpf ogt, %get3A_1277, %select_n3A_1247 : vector<16xf32>
      %select_n3A_1279 = arith.select %gt3A_1278, %get3A_1277, %select_n3A_1247 : vector<16xi1>, vector<16xf32>
      %jit3A_1280 = arith.constant 46 : i32
      %broadcast_in_dim3A_1281 = vector.broadcast %jit3A_1280 : i32 to vector<16xi32>
      %select_n3A_1282 = arith.select %gt3A_1278, %broadcast_in_dim3A_1281, %select_n3A_1250 : vector<16xi1>, vector<16xi32>
      %get3A_1283 = arith.index_cast %scan3A_890 : i32 to index
      %get3A_1284 = arith.constant 752 : index
      %get3A_1285 = tpu.vector_load %arg4[%get3A_1283, %get3A_1284] {strides = array<i32>} : memref<32x1024xf32, #tpu.memory_space<vmem>>, vector<16xf32>,
      %gt3A_1286 = arith.cmpf ogt, %get3A_1285, %select_n3A_1255 : vector<16xf32>
      %select_n3A_1287 = arith.select %gt3A_1286, %get3A_1285, %select_n3A_1255 : vector<16xi1>, vector<16xf32>
      %jit3A_1288 = arith.constant 47 : i32
      %broadcast_in_dim3A_1289 = vector.broadcast %jit3A_1288 : i32 to vector<16xi32>
      %select_n3A_1290 = arith.select %gt3A_1286, %broadcast_in_dim3A_1289, %select_n3A_1258 : vector<16xi1>, vector<16xi32>
      %get3A_1291 = arith.index_cast %scan3A_890 : i32 to index
      %get3A_1292 = arith.constant 768 : index
      %get3A_1293 = tpu.vector_load %arg4[%get3A_1291, %get3A_1292] {strides = array<i32>} : memref<32x1024xf32, #tpu.memory_space<vmem>>, vector<16xf32>,
      %gt3A_1294 = arith.cmpf ogt, %get3A_1293, %select_n3A_1263 : vector<16xf32>
      %select_n3A_1295 = arith.select %gt3A_1294, %get3A_1293, %select_n3A_1263 : vector<16xi1>, vector<16xf32>
      %jit3A_1296 = arith.constant 48 : i32
      %broadcast_in_dim3A_1297 = vector.broadcast %jit3A_1296 : i32 to vector<16xi32>
      %select_n3A_1298 = arith.select %gt3A_1294, %broadcast_in_dim3A_1297, %select_n3A_1266 : vector<16xi1>, vector<16xi32>
      %get3A_1299 = arith.index_cast %scan3A_890 : i32 to index
      %get3A_1300 = arith.constant 784 : index
      %get3A_1301 = tpu.vector_load %arg4[%get3A_1299, %get3A_1300] {strides = array<i32>} : memref<32x1024xf32, #tpu.memory_space<vmem>>, vector<16xf32>,
      %gt3A_1302 = arith.cmpf ogt, %get3A_1301, %select_n3A_1271 : vector<16xf32>
      %select_n3A_1303 = arith.select %gt3A_1302, %get3A_1301, %select_n3A_1271 : vector<16xi1>, vector<16xf32>
      %jit3A_1304 = arith.constant 49 : i32
      %broadcast_in_dim3A_1305 = vector.broadcast %jit3A_1304 : i32 to vector<16xi32>
      %select_n3A_1306 = arith.select %gt3A_1302, %broadcast_in_dim3A_1305, %select_n3A_1274 : vector<16xi1>, vector<16xi32>
      %get3A_1307 = arith.index_cast %scan3A_890 : i32 to index
      %get3A_1308 = arith.constant 800 : index
      %get3A_1309 = tpu.vector_load %arg4[%get3A_1307, %get3A_1308] {strides = array<i32>} : memref<32x1024xf32, #tpu.memory_space<vmem>>, vector<16xf32>,
      %gt3A_1310 = arith.cmpf ogt, %get3A_1309, %select_n3A_1279 : vector<16xf32>
      %select_n3A_1311 = arith.select %gt3A_1310, %get3A_1309, %select_n3A_1279 : vector<16xi1>, vector<16xf32>
      %jit3A_1312 = arith.constant 50 : i32
      %broadcast_in_dim3A_1313 = vector.broadcast %jit3A_1312 : i32 to vector<16xi32>
      %select_n3A_1314 = arith.select %gt3A_1310, %broadcast_in_dim3A_1313, %select_n3A_1282 : vector<16xi1>, vector<16xi32>
      %get3A_1315 = arith.index_cast %scan3A_890 : i32 to index
      %get3A_1316 = arith.constant 816 : index
      %get3A_1317 = tpu.vector_load %arg4[%get3A_1315, %get3A_1316] {strides = array<i32>} : memref<32x1024xf32, #tpu.memory_space<vmem>>, vector<16xf32>,
      %gt3A_1318 = arith.cmpf ogt, %get3A_1317, %select_n3A_1287 : vector<16xf32>
      %select_n3A_1319 = arith.select %gt3A_1318, %get3A_1317, %select_n3A_1287 : vector<16xi1>, vector<16xf32>
      %jit3A_1320 = arith.constant 51 : i32
      %broadcast_in_dim3A_1321 = vector.broadcast %jit3A_1320 : i32 to vector<16xi32>
      %select_n3A_1322 = arith.select %gt3A_1318, %broadcast_in_dim3A_1321, %select_n3A_1290 : vector<16xi1>, vector<16xi32>
      %get3A_1323 = arith.index_cast %scan3A_890 : i32 to index
      %get3A_1324 = arith.constant 832 : index
      %get3A_1325 = tpu.vector_load %arg4[%get3A_1323, %get3A_1324] {strides = array<i32>} : memref<32x1024xf32, #tpu.memory_space<vmem>>, vector<16xf32>,
      %gt3A_1326 = arith.cmpf ogt, %get3A_1325, %select_n3A_1295 : vector<16xf32>
      %select_n3A_1327 = arith.select %gt3A_1326, %get3A_1325, %select_n3A_1295 : vector<16xi1>, vector<16xf32>
      %jit3A_1328 = arith.constant 52 : i32
      %broadcast_in_dim3A_1329 = vector.broadcast %jit3A_1328 : i32 to vector<16xi32>
      %select_n3A_1330 = arith.select %gt3A_1326, %broadcast_in_dim3A_1329, %select_n3A_1298 : vector<16xi1>, vector<16xi32>
      %get3A_1331 = arith.index_cast %scan3A_890 : i32 to index
      %get3A_1332 = arith.constant 848 : index
      %get3A_1333 = tpu.vector_load %arg4[%get3A_1331, %get3A_1332] {strides = array<i32>} : memref<32x1024xf32, #tpu.memory_space<vmem>>, vector<16xf32>,
      %gt3A_1334 = arith.cmpf ogt, %get3A_1333, %select_n3A_1303 : vector<16xf32>
      %select_n3A_1335 = arith.select %gt3A_1334, %get3A_1333, %select_n3A_1303 : vector<16xi1>, vector<16xf32>
      %jit3A_1336 = arith.constant 53 : i32
      %broadcast_in_dim3A_1337 = vector.broadcast %jit3A_1336 : i32 to vector<16xi32>
      %select_n3A_1338 = arith.select %gt3A_1334, %broadcast_in_dim3A_1337, %select_n3A_1306 : vector<16xi1>, vector<16xi32>
      %get3A_1339 = arith.index_cast %scan3A_890 : i32 to index
      %get3A_1340 = arith.constant 864 : index
      %get3A_1341 = tpu.vector_load %arg4[%get3A_1339, %get3A_1340] {strides = array<i32>} : memref<32x1024xf32, #tpu.memory_space<vmem>>, vector<16xf32>,
      %gt3A_1342 = arith.cmpf ogt, %get3A_1341, %select_n3A_1311 : vector<16xf32>
      %select_n3A_1343 = arith.select %gt3A_1342, %get3A_1341, %select_n3A_1311 : vector<16xi1>, vector<16xf32>
      %jit3A_1344 = arith.constant 54 : i32
      %broadcast_in_dim3A_1345 = vector.broadcast %jit3A_1344 : i32 to vector<16xi32>
      %select_n3A_1346 = arith.select %gt3A_1342, %broadcast_in_dim3A_1345, %select_n3A_1314 : vector<16xi1>, vector<16xi32>
      %get3A_1347 = arith.index_cast %scan3A_890 : i32 to index
      %get3A_1348 = arith.constant 880 : index
      %get3A_1349 = tpu.vector_load %arg4[%get3A_1347, %get3A_1348] {strides = array<i32>} : memref<32x1024xf32, #tpu.memory_space<vmem>>, vector<16xf32>,
      %gt3A_1350 = arith.cmpf ogt, %get3A_1349, %select_n3A_1319 : vector<16xf32>
      %select_n3A_1351 = arith.select %gt3A_1350, %get3A_1349, %select_n3A_1319 : vector<16xi1>, vector<16xf32>
      %jit3A_1352 = arith.constant 55 : i32
      %broadcast_in_dim3A_1353 = vector.broadcast %jit3A_1352 : i32 to vector<16xi32>
      %select_n3A_1354 = arith.select %gt3A_1350, %broadcast_in_dim3A_1353, %select_n3A_1322 : vector<16xi1>, vector<16xi32>
      %get3A_1355 = arith.index_cast %scan3A_890 : i32 to index
      %get3A_1356 = arith.constant 896 : index
      %get3A_1357 = tpu.vector_load %arg4[%get3A_1355, %get3A_1356] {strides = array<i32>} : memref<32x1024xf32, #tpu.memory_space<vmem>>, vector<16xf32>,
      %gt3A_1358 = arith.cmpf ogt, %get3A_1357, %select_n3A_1327 : vector<16xf32>
      %select_n3A_1359 = arith.select %gt3A_1358, %get3A_1357, %select_n3A_1327 : vector<16xi1>, vector<16xf32>
      %jit3A_1360 = arith.constant 56 : i32
      %broadcast_in_dim3A_1361 = vector.broadcast %jit3A_1360 : i32 to vector<16xi32>
      %select_n3A_1362 = arith.select %gt3A_1358, %broadcast_in_dim3A_1361, %select_n3A_1330 : vector<16xi1>, vector<16xi32>
      %get3A_1363 = arith.index_cast %scan3A_890 : i32 to index
      %get3A_1364 = arith.constant 912 : index
      %get3A_1365 = tpu.vector_load %arg4[%get3A_1363, %get3A_1364] {strides = array<i32>} : memref<32x1024xf32, #tpu.memory_space<vmem>>, vector<16xf32>,
      %gt3A_1366 = arith.cmpf ogt, %get3A_1365, %select_n3A_1335 : vector<16xf32>
      %select_n3A_1367 = arith.select %gt3A_1366, %get3A_1365, %select_n3A_1335 : vector<16xi1>, vector<16xf32>
      %jit3A_1368 = arith.constant 57 : i32
      %broadcast_in_dim3A_1369 = vector.broadcast %jit3A_1368 : i32 to vector<16xi32>
      %select_n3A_1370 = arith.select %gt3A_1366, %broadcast_in_dim3A_1369, %select_n3A_1338 : vector<16xi1>, vector<16xi32>
      %get3A_1371 = arith.index_cast %scan3A_890 : i32 to index
      %get3A_1372 = arith.constant 928 : index
      %get3A_1373 = tpu.vector_load %arg4[%get3A_1371, %get3A_1372] {strides = array<i32>} : memref<32x1024xf32, #tpu.memory_space<vmem>>, vector<16xf32>,
      %gt3A_1374 = arith.cmpf ogt, %get3A_1373, %select_n3A_1343 : vector<16xf32>
      %select_n3A_1375 = arith.select %gt3A_1374, %get3A_1373, %select_n3A_1343 : vector<16xi1>, vector<16xf32>
      %jit3A_1376 = arith.constant 58 : i32
      %broadcast_in_dim3A_1377 = vector.broadcast %jit3A_1376 : i32 to vector<16xi32>
      %select_n3A_1378 = arith.select %gt3A_1374, %broadcast_in_dim3A_1377, %select_n3A_1346 : vector<16xi1>, vector<16xi32>
      %get3A_1379 = arith.index_cast %scan3A_890 : i32 to index
      %get3A_1380 = arith.constant 944 : index
      %get3A_1381 = tpu.vector_load %arg4[%get3A_1379, %get3A_1380] {strides = array<i32>} : memref<32x1024xf32, #tpu.memory_space<vmem>>, vector<16xf32>,
      %gt3A_1382 = arith.cmpf ogt, %get3A_1381, %select_n3A_1351 : vector<16xf32>
      %select_n3A_1383 = arith.select %gt3A_1382, %get3A_1381, %select_n3A_1351 : vector<16xi1>, vector<16xf32>
      %jit3A_1384 = arith.constant 59 : i32
      %broadcast_in_dim3A_1385 = vector.broadcast %jit3A_1384 : i32 to vector<16xi32>
      %select_n3A_1386 = arith.select %gt3A_1382, %broadcast_in_dim3A_1385, %select_n3A_1354 : vector<16xi1>, vector<16xi32>
      %get3A_1387 = arith.index_cast %scan3A_890 : i32 to index
      %get3A_1388 = arith.constant 960 : index
      %get3A_1389 = tpu.vector_load %arg4[%get3A_1387, %get3A_1388] {strides = array<i32>} : memref<32x1024xf32, #tpu.memory_space<vmem>>, vector<16xf32>,
      %gt3A_1390 = arith.cmpf ogt, %get3A_1389, %select_n3A_1359 : vector<16xf32>
      %select_n3A_1391 = arith.select %gt3A_1390, %get3A_1389, %select_n3A_1359 : vector<16xi1>, vector<16xf32>
      %jit3A_1392 = arith.constant 60 : i32
      %broadcast_in_dim3A_1393 = vector.broadcast %jit3A_1392 : i32 to vector<16xi32>
      %select_n3A_1394 = arith.select %gt3A_1390, %broadcast_in_dim3A_1393, %select_n3A_1362 : vector<16xi1>, vector<16xi32>
      %get3A_1395 = arith.index_cast %scan3A_890 : i32 to index
      %get3A_1396 = arith.constant 976 : index
      %get3A_1397 = tpu.vector_load %arg4[%get3A_1395, %get3A_1396] {strides = array<i32>} : memref<32x1024xf32, #tpu.memory_space<vmem>>, vector<16xf32>,
      %gt3A_1398 = arith.cmpf ogt, %get3A_1397, %select_n3A_1367 : vector<16xf32>
      %select_n3A_1399 = arith.select %gt3A_1398, %get3A_1397, %select_n3A_1367 : vector<16xi1>, vector<16xf32>
      %jit3A_1400 = arith.constant 61 : i32
      %broadcast_in_dim3A_1401 = vector.broadcast %jit3A_1400 : i32 to vector<16xi32>
      %select_n3A_1402 = arith.select %gt3A_1398, %broadcast_in_dim3A_1401, %select_n3A_1370 : vector<16xi1>, vector<16xi32>
      %get3A_1403 = arith.index_cast %scan3A_890 : i32 to index
      %get3A_1404 = arith.constant 992 : index
      %get3A_1405 = tpu.vector_load %arg4[%get3A_1403, %get3A_1404] {strides = array<i32>} : memref<32x1024xf32, #tpu.memory_space<vmem>>, vector<16xf32>,
      %gt3A_1406 = arith.cmpf ogt, %get3A_1405, %select_n3A_1375 : vector<16xf32>
      %select_n3A_1407 = arith.select %gt3A_1406, %get3A_1405, %select_n3A_1375 : vector<16xi1>, vector<16xf32>
      %jit3A_1408 = arith.constant 62 : i32
      %broadcast_in_dim3A_1409 = vector.broadcast %jit3A_1408 : i32 to vector<16xi32>
      %select_n3A_1410 = arith.select %gt3A_1406, %broadcast_in_dim3A_1409, %select_n3A_1378 : vector<16xi1>, vector<16xi32>
      %get3A_1411 = arith.index_cast %scan3A_890 : i32 to index
      %get3A_1412 = arith.constant 1008 : index
      %get3A_1413 = tpu.vector_load %arg4[%get3A_1411, %get3A_1412] {strides = array<i32>} : memref<32x1024xf32, #tpu.memory_space<vmem>>, vector<16xf32>,
      %gt3A_1414 = arith.cmpf ogt, %get3A_1413, %select_n3A_1383 : vector<16xf32>
      %select_n3A_1415 = arith.select %gt3A_1414, %get3A_1413, %select_n3A_1383 : vector<16xi1>, vector<16xf32>
      %jit3A_1416 = arith.constant 63 : i32
      %broadcast_in_dim3A_1417 = vector.broadcast %jit3A_1416 : i32 to vector<16xi32>
      %select_n3A_1418 = arith.select %gt3A_1414, %broadcast_in_dim3A_1417, %select_n3A_1386 : vector<16xi1>, vector<16xi32>
      %mul3A_1419 = arith.constant 16 : i32
      %mul3A_1420 = vector.broadcast %mul3A_1419 : i32 to vector<16xi32>
      %mul3A_1421 = arith.muli %select_n3A_1394, %mul3A_1420 : vector<16xi32>
      %add3A_1422 = arith.addi %mul3A_1421, %iota3A : vector<16xi32>
      %mul3A_1423 = arith.constant 16 : i32
      %mul3A_1424 = vector.broadcast %mul3A_1423 : i32 to vector<16xi32>
      %mul3A_1425 = arith.muli %select_n3A_1402, %mul3A_1424 : vector<16xi32>
      %add3A_1426 = arith.addi %mul3A_1425, %iota3A : vector<16xi32>
      %mul3A_1427 = arith.constant 16 : i32
      %mul3A_1428 = vector.broadcast %mul3A_1427 : i32 to vector<16xi32>
      %mul3A_1429 = arith.muli %select_n3A_1410, %mul3A_1428 : vector<16xi32>
      %add3A_1430 = arith.addi %mul3A_1429, %iota3A : vector<16xi32>
      %mul3A_1431 = arith.constant 16 : i32
      %mul3A_1432 = vector.broadcast %mul3A_1431 : i32 to vector<16xi32>
      %mul3A_1433 = arith.muli %select_n3A_1418, %mul3A_1432 : vector<16xi32>
      %add3A_1434 = arith.addi %mul3A_1433, %iota3A : vector<16xi32>
      %gt3A_1435 = arith.cmpf ogt, %select_n3A_1399, %select_n3A_1391 : vector<16xf32>
      %eq3A_1436 = arith.cmpf oeq, %select_n3A_1399, %select_n3A_1391 : vector<16xf32>
      %lt3A_1437 = arith.cmpi slt, %add3A_1426, %add3A_1422 : vector<16xi32>
      %and3A_1438 = arith.andi %eq3A_1436, %lt3A_1437 : vector<16xi1>
      %or3A_1439 = arith.ori %gt3A_1435, %and3A_1438 : vector<16xi1>
      %select_n3A_1440 = arith.select %or3A_1439, %select_n3A_1399, %select_n3A_1391 : vector<16xi1>, vector<16xf32>
      %select_n3A_1441 = arith.select %or3A_1439, %add3A_1426, %add3A_1422 : vector<16xi1>, vector<16xi32>
      %gt3A_1442 = arith.cmpf ogt, %select_n3A_1415, %select_n3A_1407 : vector<16xf32>
      %eq3A_1443 = arith.cmpf oeq, %select_n3A_1415, %select_n3A_1407 : vector<16xf32>
      %lt3A_1444 = arith.cmpi slt, %add3A_1434, %add3A_1430 : vector<16xi32>
      %and3A_1445 = arith.andi %eq3A_1443, %lt3A_1444 : vector<16xi1>
      %or3A_1446 = arith.ori %gt3A_1442, %and3A_1445 : vector<16xi1>
      %select_n3A_1447 = arith.select %or3A_1446, %select_n3A_1415, %select_n3A_1407 : vector<16xi1>, vector<16xf32>
      %select_n3A_1448 = arith.select %or3A_1446, %add3A_1434, %add3A_1430 : vector<16xi1>, vector<16xi32>
      %gt3A_1449 = arith.cmpf ogt, %select_n3A_1447, %select_n3A_1440 : vector<16xf32>
      %eq3A_1450 = arith.cmpf oeq, %select_n3A_1447, %select_n3A_1440 : vector<16xf32>
      %lt3A_1451 = arith.cmpi slt, %select_n3A_1448, %select_n3A_1441 : vector<16xi32>
      %and3A_1452 = arith.andi %eq3A_1450, %lt3A_1451 : vector<16xi1>
      %or3A_1453 = arith.ori %gt3A_1449, %and3A_1452 : vector<16xi1>
      %select_n3A_1454 = arith.select %or3A_1453, %select_n3A_1447, %select_n3A_1440 : vector<16xi1>, vector<16xf32>
      %select_n3A_1455 = arith.select %or3A_1453, %select_n3A_1448, %select_n3A_1441 : vector<16xi1>, vector<16xi32>
      %reduce_max3A_1456 = arith.constant true
      %reduce_max3A_1457 = vector.broadcast %reduce_max3A_1456 : i1 to vector<16xi1>
      %reduce_max3A_1458 = tpu.scan <max>, %select_n3A_1454 masked %reduce_max3A_1457 : vector<16xf32>, vector<16xi1> -> vector<16xf32>
      %reduce_max3A_1459 = vector.extract %reduce_max3A_1458[15] : f32 from vector<16xf32>
      %eq3A_1460 = vector.broadcast %reduce_max3A_1459 : f32 to vector<16xf32>
      %eq3A_1461 = arith.cmpf oeq, %select_n3A_1454, %eq3A_1460 : vector<16xf32>
      %jit3A_1462 = arith.constant 2147483647 : i32
      %broadcast_in_dim3A_1463 = vector.broadcast %jit3A_1462 : i32 to vector<16xi32>
      %select_n3A_1464 = arith.select %eq3A_1461, %select_n3A_1455, %broadcast_in_dim3A_1463 : vector<16xi1>, vector<16xi32>
      %reduce_min3A_1465 = arith.constant true
      %reduce_min3A_1466 = vector.broadcast %reduce_min3A_1465 : i1 to vector<16xi1>
      %reduce_min3A_1467 = arith.constant -2147483648 : i32
      %reduce_min3A_1468 = vector.broadcast %reduce_min3A_1467 : i32 to vector<16xi32>
      %reduce_min3A_1469 = arith.xori %select_n3A_1464, %reduce_min3A_1468 : vector<16xi32>
      %reduce_min3A_1470 = tpu.scan <min>, %reduce_min3A_1469 masked %reduce_min3A_1466 : vector<16xi32>, vector<16xi1> -> vector<16xi32>
      %reduce_min3A_1471 = arith.xori %reduce_min3A_1470, %reduce_min3A_1468 : vector<16xi32>
      %reduce_min3A_1472 = vector.extract %reduce_min3A_1471[15] : i32 from vector<16xi32>
      %add3A_1473 = arith.constant 1 : i32
      %add3A_1474 = arith.addi %add3A_1473, %scan3A_890 : i32
      %add3A_1475 = vector.broadcast %add3A_1474 : i32 to vector<16xi32>
      %add3A_1476 = arith.addi %broadcast_in_dim3A_664, %add3A_1475 : vector<16xi32>
      %add3A_1477 = vector.broadcast %reduce_min3A_1472 : i32 to vector<16xi32>
      %add3A_1478 = arith.addi %broadcast_in_dim3A_664, %add3A_1477 : vector<16xi32>
      tpu.vector_store_idx %arg7[%add3A_1476], %add3A_1478 masked %eq3A_667 : memref<129xi32, #tpu.memory_space<vmem>>[vector<16xi32>], vector<16xi32>, vector<16xi1>
    }
    %scan3A_682 = arith.constant 32 : i32
    %add3A_683 = arith.constant 64 : i32
    %add3A_684 = arith.addi %mul3A_2, %add3A_683 : i32
    %dma_start3A_685 = arith.constant 0 : i32
    %dma_start3A_686 = tpu.memref_slice %arg2[%add3A_684, %dma_start3A_685] : memref<4096x1024xf32, #tpu.memory_space<hbm>> -> memref<32x1024xf32, #tpu.memory_space<hbm>>
    %dma_start3A_687 = arith.constant 0 : i32
    %dma_start3A_688 = tpu.memref_slice %arg2[%add3A_684, %dma_start3A_687] : memref<4096x1024xf32, #tpu.memory_space<hbm>> -> memref<32x1024xf32, #tpu.memory_space<hbm>>
    tpu.enqueue_dma source(%dma_start3A_688 : memref<32x1024xf32, #tpu.memory_space<hbm>>) target(%arg4 : memref<32x1024xf32, #tpu.memory_space<vmem>>) target_semaphore(%arg9 : memref<!tpu.dma_semaphore, #tpu.memory_space<semaphore_mem>>)
    %dma_wait3A_689 = arith.constant 0 : i32
    %dma_wait3A_690 = tpu.memref_slice %arg2[%add3A_669, %dma_wait3A_689] : memref<4096x1024xf32, #tpu.memory_space<hbm>> -> memref<32x1024xf32, #tpu.memory_space<hbm>>
    %dma_wait3A_691 = arith.constant 0 : i32
    %dma_wait3A_692 = tpu.memref_slice %arg2[%add3A_669, %dma_wait3A_691] : memref<4096x1024xf32, #tpu.memory_space<hbm>> -> memref<32x1024xf32, #tpu.memory_space<hbm>>
    tpu.wait_dma2 semaphore(%arg10 : memref<!tpu.dma_semaphore, #tpu.memory_space<semaphore_mem>>) src(%dma_wait3A_692 : memref<32x1024xf32, #tpu.memory_space<hbm>>) dst(%arg5 : memref<32x1024xf32, #tpu.memory_space<vmem>>)
    %scan3A_693 = arith.constant 0 : i32
    %scan3A_694 = arith.constant 0 : i32
    %scan3A_695 = arith.constant 32 : i32
    %scan3A_696 = arith.addi %scan3A_694, %scan3A_695 : i32
    %scan3A_697 = arith.constant 1 : i32
    scf.for %scan3A_890 = %scan3A_694 to %scan3A_696 step %scan3A_697  : i32 {
      %broadcast_in_dim3A_891 = arith.constant 0xFF800000 : f32
      %broadcast_in_dim3A_892 = vector.broadcast %broadcast_in_dim3A_891 : f32 to vector<16xf32>
      %broadcast_in_dim3A_893 = arith.constant 0xFF800000 : f32
      %broadcast_in_dim3A_894 = vector.broadcast %broadcast_in_dim3A_893 : f32 to vector<16xf32>
      %broadcast_in_dim3A_895 = arith.constant 0xFF800000 : f32
      %broadcast_in_dim3A_896 = vector.broadcast %broadcast_in_dim3A_895 : f32 to vector<16xf32>
      %broadcast_in_dim3A_897 = arith.constant 0xFF800000 : f32
      %broadcast_in_dim3A_898 = vector.broadcast %broadcast_in_dim3A_897 : f32 to vector<16xf32>
      %broadcast_in_dim3A_899 = arith.constant 0 : i32
      %broadcast_in_dim3A_900 = vector.broadcast %broadcast_in_dim3A_899 : i32 to vector<16xi32>
      %broadcast_in_dim3A_901 = arith.constant 0 : i32
      %broadcast_in_dim3A_902 = vector.broadcast %broadcast_in_dim3A_901 : i32 to vector<16xi32>
      %broadcast_in_dim3A_903 = arith.constant 0 : i32
      %broadcast_in_dim3A_904 = vector.broadcast %broadcast_in_dim3A_903 : i32 to vector<16xi32>
      %broadcast_in_dim3A_905 = arith.constant 0 : i32
      %broadcast_in_dim3A_906 = vector.broadcast %broadcast_in_dim3A_905 : i32 to vector<16xi32>
      %get3A_907 = arith.index_cast %scan3A_890 : i32 to index
      %get3A_908 = arith.constant 0 : index
      %get3A_909 = tpu.vector_load %arg5[%get3A_907, %get3A_908] {strides = array<i32>} : memref<32x1024xf32, #tpu.memory_space<vmem>>, vector<16xf32>,
      %gt3A_910 = arith.cmpf ogt, %get3A_909, %broadcast_in_dim3A_892 : vector<16xf32>
      %select_n3A_911 = arith.select %gt3A_910, %get3A_909, %broadcast_in_dim3A_892 : vector<16xi1>, vector<16xf32>
      %jit3A_912 = arith.constant 0 : i32
      %broadcast_in_dim3A_913 = vector.broadcast %jit3A_912 : i32 to vector<16xi32>
      %select_n3A_914 = arith.select %gt3A_910, %broadcast_in_dim3A_913, %broadcast_in_dim3A_900 : vector<16xi1>, vector<16xi32>
      %get3A_915 = arith.index_cast %scan3A_890 : i32 to index
      %get3A_916 = arith.constant 16 : index
      %get3A_917 = tpu.vector_load %arg5[%get3A_915, %get3A_916] {strides = array<i32>} : memref<32x1024xf32, #tpu.memory_space<vmem>>, vector<16xf32>,
      %gt3A_918 = arith.cmpf ogt, %get3A_917, %broadcast_in_dim3A_894 : vector<16xf32>
      %select_n3A_919 = arith.select %gt3A_918, %get3A_917, %broadcast_in_dim3A_894 : vector<16xi1>, vector<16xf32>
      %jit3A_920 = arith.constant 1 : i32
      %broadcast_in_dim3A_921 = vector.broadcast %jit3A_920 : i32 to vector<16xi32>
      %select_n3A_922 = arith.select %gt3A_918, %broadcast_in_dim3A_921, %broadcast_in_dim3A_902 : vector<16xi1>, vector<16xi32>
      %get3A_923 = arith.index_cast %scan3A_890 : i32 to index
      %get3A_924 = arith.constant 32 : index
      %get3A_925 = tpu.vector_load %arg5[%get3A_923, %get3A_924] {strides = array<i32>} : memref<32x1024xf32, #tpu.memory_space<vmem>>, vector<16xf32>,
      %gt3A_926 = arith.cmpf ogt, %get3A_925, %broadcast_in_dim3A_896 : vector<16xf32>
      %select_n3A_927 = arith.select %gt3A_926, %get3A_925, %broadcast_in_dim3A_896 : vector<16xi1>, vector<16xf32>
      %jit3A_928 = arith.constant 2 : i32
      %broadcast_in_dim3A_929 = vector.broadcast %jit3A_928 : i32 to vector<16xi32>
      %select_n3A_930 = arith.select %gt3A_926, %broadcast_in_dim3A_929, %broadcast_in_dim3A_904 : vector<16xi1>, vector<16xi32>
      %get3A_931 = arith.index_cast %scan3A_890 : i32 to index
      %get3A_932 = arith.constant 48 : index
      %get3A_933 = tpu.vector_load %arg5[%get3A_931, %get3A_932] {strides = array<i32>} : memref<32x1024xf32, #tpu.memory_space<vmem>>, vector<16xf32>,
      %gt3A_934 = arith.cmpf ogt, %get3A_933, %broadcast_in_dim3A_898 : vector<16xf32>
      %select_n3A_935 = arith.select %gt3A_934, %get3A_933, %broadcast_in_dim3A_898 : vector<16xi1>, vector<16xf32>
      %jit3A_936 = arith.constant 3 : i32
      %broadcast_in_dim3A_937 = vector.broadcast %jit3A_936 : i32 to vector<16xi32>
      %select_n3A_938 = arith.select %gt3A_934, %broadcast_in_dim3A_937, %broadcast_in_dim3A_906 : vector<16xi1>, vector<16xi32>
      %get3A_939 = arith.index_cast %scan3A_890 : i32 to index
      %get3A_940 = arith.constant 64 : index
      %get3A_941 = tpu.vector_load %arg5[%get3A_939, %get3A_940] {strides = array<i32>} : memref<32x1024xf32, #tpu.memory_space<vmem>>, vector<16xf32>,
      %gt3A_942 = arith.cmpf ogt, %get3A_941, %select_n3A_911 : vector<16xf32>
      %select_n3A_943 = arith.select %gt3A_942, %get3A_941, %select_n3A_911 : vector<16xi1>, vector<16xf32>
      %jit3A_944 = arith.constant 4 : i32
      %broadcast_in_dim3A_945 = vector.broadcast %jit3A_944 : i32 to vector<16xi32>
      %select_n3A_946 = arith.select %gt3A_942, %broadcast_in_dim3A_945, %select_n3A_914 : vector<16xi1>, vector<16xi32>
      %get3A_947 = arith.index_cast %scan3A_890 : i32 to index
      %get3A_948 = arith.constant 80 : index
      %get3A_949 = tpu.vector_load %arg5[%get3A_947, %get3A_948] {strides = array<i32>} : memref<32x1024xf32, #tpu.memory_space<vmem>>, vector<16xf32>,
      %gt3A_950 = arith.cmpf ogt, %get3A_949, %select_n3A_919 : vector<16xf32>
      %select_n3A_951 = arith.select %gt3A_950, %get3A_949, %select_n3A_919 : vector<16xi1>, vector<16xf32>
      %jit3A_952 = arith.constant 5 : i32
      %broadcast_in_dim3A_953 = vector.broadcast %jit3A_952 : i32 to vector<16xi32>
      %select_n3A_954 = arith.select %gt3A_950, %broadcast_in_dim3A_953, %select_n3A_922 : vector<16xi1>, vector<16xi32>
      %get3A_955 = arith.index_cast %scan3A_890 : i32 to index
      %get3A_956 = arith.constant 96 : index
      %get3A_957 = tpu.vector_load %arg5[%get3A_955, %get3A_956] {strides = array<i32>} : memref<32x1024xf32, #tpu.memory_space<vmem>>, vector<16xf32>,
      %gt3A_958 = arith.cmpf ogt, %get3A_957, %select_n3A_927 : vector<16xf32>
      %select_n3A_959 = arith.select %gt3A_958, %get3A_957, %select_n3A_927 : vector<16xi1>, vector<16xf32>
      %jit3A_960 = arith.constant 6 : i32
      %broadcast_in_dim3A_961 = vector.broadcast %jit3A_960 : i32 to vector<16xi32>
      %select_n3A_962 = arith.select %gt3A_958, %broadcast_in_dim3A_961, %select_n3A_930 : vector<16xi1>, vector<16xi32>
      %get3A_963 = arith.index_cast %scan3A_890 : i32 to index
      %get3A_964 = arith.constant 112 : index
      %get3A_965 = tpu.vector_load %arg5[%get3A_963, %get3A_964] {strides = array<i32>} : memref<32x1024xf32, #tpu.memory_space<vmem>>, vector<16xf32>,
      %gt3A_966 = arith.cmpf ogt, %get3A_965, %select_n3A_935 : vector<16xf32>
      %select_n3A_967 = arith.select %gt3A_966, %get3A_965, %select_n3A_935 : vector<16xi1>, vector<16xf32>
      %jit3A_968 = arith.constant 7 : i32
      %broadcast_in_dim3A_969 = vector.broadcast %jit3A_968 : i32 to vector<16xi32>
      %select_n3A_970 = arith.select %gt3A_966, %broadcast_in_dim3A_969, %select_n3A_938 : vector<16xi1>, vector<16xi32>
      %get3A_971 = arith.index_cast %scan3A_890 : i32 to index
      %get3A_972 = arith.constant 128 : index
      %get3A_973 = tpu.vector_load %arg5[%get3A_971, %get3A_972] {strides = array<i32>} : memref<32x1024xf32, #tpu.memory_space<vmem>>, vector<16xf32>,
      %gt3A_974 = arith.cmpf ogt, %get3A_973, %select_n3A_943 : vector<16xf32>
      %select_n3A_975 = arith.select %gt3A_974, %get3A_973, %select_n3A_943 : vector<16xi1>, vector<16xf32>
      %jit3A_976 = arith.constant 8 : i32
      %broadcast_in_dim3A_977 = vector.broadcast %jit3A_976 : i32 to vector<16xi32>
      %select_n3A_978 = arith.select %gt3A_974, %broadcast_in_dim3A_977, %select_n3A_946 : vector<16xi1>, vector<16xi32>
      %get3A_979 = arith.index_cast %scan3A_890 : i32 to index
      %get3A_980 = arith.constant 144 : index
      %get3A_981 = tpu.vector_load %arg5[%get3A_979, %get3A_980] {strides = array<i32>} : memref<32x1024xf32, #tpu.memory_space<vmem>>, vector<16xf32>,
      %gt3A_982 = arith.cmpf ogt, %get3A_981, %select_n3A_951 : vector<16xf32>
      %select_n3A_983 = arith.select %gt3A_982, %get3A_981, %select_n3A_951 : vector<16xi1>, vector<16xf32>
      %jit3A_984 = arith.constant 9 : i32
      %broadcast_in_dim3A_985 = vector.broadcast %jit3A_984 : i32 to vector<16xi32>
      %select_n3A_986 = arith.select %gt3A_982, %broadcast_in_dim3A_985, %select_n3A_954 : vector<16xi1>, vector<16xi32>
      %get3A_987 = arith.index_cast %scan3A_890 : i32 to index
      %get3A_988 = arith.constant 160 : index
      %get3A_989 = tpu.vector_load %arg5[%get3A_987, %get3A_988] {strides = array<i32>} : memref<32x1024xf32, #tpu.memory_space<vmem>>, vector<16xf32>,
      %gt3A_990 = arith.cmpf ogt, %get3A_989, %select_n3A_959 : vector<16xf32>
      %select_n3A_991 = arith.select %gt3A_990, %get3A_989, %select_n3A_959 : vector<16xi1>, vector<16xf32>
      %jit3A_992 = arith.constant 10 : i32
      %broadcast_in_dim3A_993 = vector.broadcast %jit3A_992 : i32 to vector<16xi32>
      %select_n3A_994 = arith.select %gt3A_990, %broadcast_in_dim3A_993, %select_n3A_962 : vector<16xi1>, vector<16xi32>
      %get3A_995 = arith.index_cast %scan3A_890 : i32 to index
      %get3A_996 = arith.constant 176 : index
      %get3A_997 = tpu.vector_load %arg5[%get3A_995, %get3A_996] {strides = array<i32>} : memref<32x1024xf32, #tpu.memory_space<vmem>>, vector<16xf32>,
      %gt3A_998 = arith.cmpf ogt, %get3A_997, %select_n3A_967 : vector<16xf32>
      %select_n3A_999 = arith.select %gt3A_998, %get3A_997, %select_n3A_967 : vector<16xi1>, vector<16xf32>
      %jit3A_1000 = arith.constant 11 : i32
      %broadcast_in_dim3A_1001 = vector.broadcast %jit3A_1000 : i32 to vector<16xi32>
      %select_n3A_1002 = arith.select %gt3A_998, %broadcast_in_dim3A_1001, %select_n3A_970 : vector<16xi1>, vector<16xi32>
      %get3A_1003 = arith.index_cast %scan3A_890 : i32 to index
      %get3A_1004 = arith.constant 192 : index
      %get3A_1005 = tpu.vector_load %arg5[%get3A_1003, %get3A_1004] {strides = array<i32>} : memref<32x1024xf32, #tpu.memory_space<vmem>>, vector<16xf32>,
      %gt3A_1006 = arith.cmpf ogt, %get3A_1005, %select_n3A_975 : vector<16xf32>
      %select_n3A_1007 = arith.select %gt3A_1006, %get3A_1005, %select_n3A_975 : vector<16xi1>, vector<16xf32>
      %jit3A_1008 = arith.constant 12 : i32
      %broadcast_in_dim3A_1009 = vector.broadcast %jit3A_1008 : i32 to vector<16xi32>
      %select_n3A_1010 = arith.select %gt3A_1006, %broadcast_in_dim3A_1009, %select_n3A_978 : vector<16xi1>, vector<16xi32>
      %get3A_1011 = arith.index_cast %scan3A_890 : i32 to index
      %get3A_1012 = arith.constant 208 : index
      %get3A_1013 = tpu.vector_load %arg5[%get3A_1011, %get3A_1012] {strides = array<i32>} : memref<32x1024xf32, #tpu.memory_space<vmem>>, vector<16xf32>,
      %gt3A_1014 = arith.cmpf ogt, %get3A_1013, %select_n3A_983 : vector<16xf32>
      %select_n3A_1015 = arith.select %gt3A_1014, %get3A_1013, %select_n3A_983 : vector<16xi1>, vector<16xf32>
      %jit3A_1016 = arith.constant 13 : i32
      %broadcast_in_dim3A_1017 = vector.broadcast %jit3A_1016 : i32 to vector<16xi32>
      %select_n3A_1018 = arith.select %gt3A_1014, %broadcast_in_dim3A_1017, %select_n3A_986 : vector<16xi1>, vector<16xi32>
      %get3A_1019 = arith.index_cast %scan3A_890 : i32 to index
      %get3A_1020 = arith.constant 224 : index
      %get3A_1021 = tpu.vector_load %arg5[%get3A_1019, %get3A_1020] {strides = array<i32>} : memref<32x1024xf32, #tpu.memory_space<vmem>>, vector<16xf32>,
      %gt3A_1022 = arith.cmpf ogt, %get3A_1021, %select_n3A_991 : vector<16xf32>
      %select_n3A_1023 = arith.select %gt3A_1022, %get3A_1021, %select_n3A_991 : vector<16xi1>, vector<16xf32>
      %jit3A_1024 = arith.constant 14 : i32
      %broadcast_in_dim3A_1025 = vector.broadcast %jit3A_1024 : i32 to vector<16xi32>
      %select_n3A_1026 = arith.select %gt3A_1022, %broadcast_in_dim3A_1025, %select_n3A_994 : vector<16xi1>, vector<16xi32>
      %get3A_1027 = arith.index_cast %scan3A_890 : i32 to index
      %get3A_1028 = arith.constant 240 : index
      %get3A_1029 = tpu.vector_load %arg5[%get3A_1027, %get3A_1028] {strides = array<i32>} : memref<32x1024xf32, #tpu.memory_space<vmem>>, vector<16xf32>,
      %gt3A_1030 = arith.cmpf ogt, %get3A_1029, %select_n3A_999 : vector<16xf32>
      %select_n3A_1031 = arith.select %gt3A_1030, %get3A_1029, %select_n3A_999 : vector<16xi1>, vector<16xf32>
      %jit3A_1032 = arith.constant 15 : i32
      %broadcast_in_dim3A_1033 = vector.broadcast %jit3A_1032 : i32 to vector<16xi32>
      %select_n3A_1034 = arith.select %gt3A_1030, %broadcast_in_dim3A_1033, %select_n3A_1002 : vector<16xi1>, vector<16xi32>
      %get3A_1035 = arith.index_cast %scan3A_890 : i32 to index
      %get3A_1036 = arith.constant 256 : index
      %get3A_1037 = tpu.vector_load %arg5[%get3A_1035, %get3A_1036] {strides = array<i32>} : memref<32x1024xf32, #tpu.memory_space<vmem>>, vector<16xf32>,
      %gt3A_1038 = arith.cmpf ogt, %get3A_1037, %select_n3A_1007 : vector<16xf32>
      %select_n3A_1039 = arith.select %gt3A_1038, %get3A_1037, %select_n3A_1007 : vector<16xi1>, vector<16xf32>
      %jit3A_1040 = arith.constant 16 : i32
      %broadcast_in_dim3A_1041 = vector.broadcast %jit3A_1040 : i32 to vector<16xi32>
      %select_n3A_1042 = arith.select %gt3A_1038, %broadcast_in_dim3A_1041, %select_n3A_1010 : vector<16xi1>, vector<16xi32>
      %get3A_1043 = arith.index_cast %scan3A_890 : i32 to index
      %get3A_1044 = arith.constant 272 : index
      %get3A_1045 = tpu.vector_load %arg5[%get3A_1043, %get3A_1044] {strides = array<i32>} : memref<32x1024xf32, #tpu.memory_space<vmem>>, vector<16xf32>,
      %gt3A_1046 = arith.cmpf ogt, %get3A_1045, %select_n3A_1015 : vector<16xf32>
      %select_n3A_1047 = arith.select %gt3A_1046, %get3A_1045, %select_n3A_1015 : vector<16xi1>, vector<16xf32>
      %jit3A_1048 = arith.constant 17 : i32
      %broadcast_in_dim3A_1049 = vector.broadcast %jit3A_1048 : i32 to vector<16xi32>
      %select_n3A_1050 = arith.select %gt3A_1046, %broadcast_in_dim3A_1049, %select_n3A_1018 : vector<16xi1>, vector<16xi32>
      %get3A_1051 = arith.index_cast %scan3A_890 : i32 to index
      %get3A_1052 = arith.constant 288 : index
      %get3A_1053 = tpu.vector_load %arg5[%get3A_1051, %get3A_1052] {strides = array<i32>} : memref<32x1024xf32, #tpu.memory_space<vmem>>, vector<16xf32>,
      %gt3A_1054 = arith.cmpf ogt, %get3A_1053, %select_n3A_1023 : vector<16xf32>
      %select_n3A_1055 = arith.select %gt3A_1054, %get3A_1053, %select_n3A_1023 : vector<16xi1>, vector<16xf32>
      %jit3A_1056 = arith.constant 18 : i32
      %broadcast_in_dim3A_1057 = vector.broadcast %jit3A_1056 : i32 to vector<16xi32>
      %select_n3A_1058 = arith.select %gt3A_1054, %broadcast_in_dim3A_1057, %select_n3A_1026 : vector<16xi1>, vector<16xi32>
      %get3A_1059 = arith.index_cast %scan3A_890 : i32 to index
      %get3A_1060 = arith.constant 304 : index
      %get3A_1061 = tpu.vector_load %arg5[%get3A_1059, %get3A_1060] {strides = array<i32>} : memref<32x1024xf32, #tpu.memory_space<vmem>>, vector<16xf32>,
      %gt3A_1062 = arith.cmpf ogt, %get3A_1061, %select_n3A_1031 : vector<16xf32>
      %select_n3A_1063 = arith.select %gt3A_1062, %get3A_1061, %select_n3A_1031 : vector<16xi1>, vector<16xf32>
      %jit3A_1064 = arith.constant 19 : i32
      %broadcast_in_dim3A_1065 = vector.broadcast %jit3A_1064 : i32 to vector<16xi32>
      %select_n3A_1066 = arith.select %gt3A_1062, %broadcast_in_dim3A_1065, %select_n3A_1034 : vector<16xi1>, vector<16xi32>
      %get3A_1067 = arith.index_cast %scan3A_890 : i32 to index
      %get3A_1068 = arith.constant 320 : index
      %get3A_1069 = tpu.vector_load %arg5[%get3A_1067, %get3A_1068] {strides = array<i32>} : memref<32x1024xf32, #tpu.memory_space<vmem>>, vector<16xf32>,
      %gt3A_1070 = arith.cmpf ogt, %get3A_1069, %select_n3A_1039 : vector<16xf32>
      %select_n3A_1071 = arith.select %gt3A_1070, %get3A_1069, %select_n3A_1039 : vector<16xi1>, vector<16xf32>
      %jit3A_1072 = arith.constant 20 : i32
      %broadcast_in_dim3A_1073 = vector.broadcast %jit3A_1072 : i32 to vector<16xi32>
      %select_n3A_1074 = arith.select %gt3A_1070, %broadcast_in_dim3A_1073, %select_n3A_1042 : vector<16xi1>, vector<16xi32>
      %get3A_1075 = arith.index_cast %scan3A_890 : i32 to index
      %get3A_1076 = arith.constant 336 : index
      %get3A_1077 = tpu.vector_load %arg5[%get3A_1075, %get3A_1076] {strides = array<i32>} : memref<32x1024xf32, #tpu.memory_space<vmem>>, vector<16xf32>,
      %gt3A_1078 = arith.cmpf ogt, %get3A_1077, %select_n3A_1047 : vector<16xf32>
      %select_n3A_1079 = arith.select %gt3A_1078, %get3A_1077, %select_n3A_1047 : vector<16xi1>, vector<16xf32>
      %jit3A_1080 = arith.constant 21 : i32
      %broadcast_in_dim3A_1081 = vector.broadcast %jit3A_1080 : i32 to vector<16xi32>
      %select_n3A_1082 = arith.select %gt3A_1078, %broadcast_in_dim3A_1081, %select_n3A_1050 : vector<16xi1>, vector<16xi32>
      %get3A_1083 = arith.index_cast %scan3A_890 : i32 to index
      %get3A_1084 = arith.constant 352 : index
      %get3A_1085 = tpu.vector_load %arg5[%get3A_1083, %get3A_1084] {strides = array<i32>} : memref<32x1024xf32, #tpu.memory_space<vmem>>, vector<16xf32>,
      %gt3A_1086 = arith.cmpf ogt, %get3A_1085, %select_n3A_1055 : vector<16xf32>
      %select_n3A_1087 = arith.select %gt3A_1086, %get3A_1085, %select_n3A_1055 : vector<16xi1>, vector<16xf32>
      %jit3A_1088 = arith.constant 22 : i32
      %broadcast_in_dim3A_1089 = vector.broadcast %jit3A_1088 : i32 to vector<16xi32>
      %select_n3A_1090 = arith.select %gt3A_1086, %broadcast_in_dim3A_1089, %select_n3A_1058 : vector<16xi1>, vector<16xi32>
      %get3A_1091 = arith.index_cast %scan3A_890 : i32 to index
      %get3A_1092 = arith.constant 368 : index
      %get3A_1093 = tpu.vector_load %arg5[%get3A_1091, %get3A_1092] {strides = array<i32>} : memref<32x1024xf32, #tpu.memory_space<vmem>>, vector<16xf32>,
      %gt3A_1094 = arith.cmpf ogt, %get3A_1093, %select_n3A_1063 : vector<16xf32>
      %select_n3A_1095 = arith.select %gt3A_1094, %get3A_1093, %select_n3A_1063 : vector<16xi1>, vector<16xf32>
      %jit3A_1096 = arith.constant 23 : i32
      %broadcast_in_dim3A_1097 = vector.broadcast %jit3A_1096 : i32 to vector<16xi32>
      %select_n3A_1098 = arith.select %gt3A_1094, %broadcast_in_dim3A_1097, %select_n3A_1066 : vector<16xi1>, vector<16xi32>
      %get3A_1099 = arith.index_cast %scan3A_890 : i32 to index
      %get3A_1100 = arith.constant 384 : index
      %get3A_1101 = tpu.vector_load %arg5[%get3A_1099, %get3A_1100] {strides = array<i32>} : memref<32x1024xf32, #tpu.memory_space<vmem>>, vector<16xf32>,
      %gt3A_1102 = arith.cmpf ogt, %get3A_1101, %select_n3A_1071 : vector<16xf32>
      %select_n3A_1103 = arith.select %gt3A_1102, %get3A_1101, %select_n3A_1071 : vector<16xi1>, vector<16xf32>
      %jit3A_1104 = arith.constant 24 : i32
      %broadcast_in_dim3A_1105 = vector.broadcast %jit3A_1104 : i32 to vector<16xi32>
      %select_n3A_1106 = arith.select %gt3A_1102, %broadcast_in_dim3A_1105, %select_n3A_1074 : vector<16xi1>, vector<16xi32>
      %get3A_1107 = arith.index_cast %scan3A_890 : i32 to index
      %get3A_1108 = arith.constant 400 : index
      %get3A_1109 = tpu.vector_load %arg5[%get3A_1107, %get3A_1108] {strides = array<i32>} : memref<32x1024xf32, #tpu.memory_space<vmem>>, vector<16xf32>,
      %gt3A_1110 = arith.cmpf ogt, %get3A_1109, %select_n3A_1079 : vector<16xf32>
      %select_n3A_1111 = arith.select %gt3A_1110, %get3A_1109, %select_n3A_1079 : vector<16xi1>, vector<16xf32>
      %jit3A_1112 = arith.constant 25 : i32
      %broadcast_in_dim3A_1113 = vector.broadcast %jit3A_1112 : i32 to vector<16xi32>
      %select_n3A_1114 = arith.select %gt3A_1110, %broadcast_in_dim3A_1113, %select_n3A_1082 : vector<16xi1>, vector<16xi32>
      %get3A_1115 = arith.index_cast %scan3A_890 : i32 to index
      %get3A_1116 = arith.constant 416 : index
      %get3A_1117 = tpu.vector_load %arg5[%get3A_1115, %get3A_1116] {strides = array<i32>} : memref<32x1024xf32, #tpu.memory_space<vmem>>, vector<16xf32>,
      %gt3A_1118 = arith.cmpf ogt, %get3A_1117, %select_n3A_1087 : vector<16xf32>
      %select_n3A_1119 = arith.select %gt3A_1118, %get3A_1117, %select_n3A_1087 : vector<16xi1>, vector<16xf32>
      %jit3A_1120 = arith.constant 26 : i32
      %broadcast_in_dim3A_1121 = vector.broadcast %jit3A_1120 : i32 to vector<16xi32>
      %select_n3A_1122 = arith.select %gt3A_1118, %broadcast_in_dim3A_1121, %select_n3A_1090 : vector<16xi1>, vector<16xi32>
      %get3A_1123 = arith.index_cast %scan3A_890 : i32 to index
      %get3A_1124 = arith.constant 432 : index
      %get3A_1125 = tpu.vector_load %arg5[%get3A_1123, %get3A_1124] {strides = array<i32>} : memref<32x1024xf32, #tpu.memory_space<vmem>>, vector<16xf32>,
      %gt3A_1126 = arith.cmpf ogt, %get3A_1125, %select_n3A_1095 : vector<16xf32>
      %select_n3A_1127 = arith.select %gt3A_1126, %get3A_1125, %select_n3A_1095 : vector<16xi1>, vector<16xf32>
      %jit3A_1128 = arith.constant 27 : i32
      %broadcast_in_dim3A_1129 = vector.broadcast %jit3A_1128 : i32 to vector<16xi32>
      %select_n3A_1130 = arith.select %gt3A_1126, %broadcast_in_dim3A_1129, %select_n3A_1098 : vector<16xi1>, vector<16xi32>
      %get3A_1131 = arith.index_cast %scan3A_890 : i32 to index
      %get3A_1132 = arith.constant 448 : index
      %get3A_1133 = tpu.vector_load %arg5[%get3A_1131, %get3A_1132] {strides = array<i32>} : memref<32x1024xf32, #tpu.memory_space<vmem>>, vector<16xf32>,
      %gt3A_1134 = arith.cmpf ogt, %get3A_1133, %select_n3A_1103 : vector<16xf32>
      %select_n3A_1135 = arith.select %gt3A_1134, %get3A_1133, %select_n3A_1103 : vector<16xi1>, vector<16xf32>
      %jit3A_1136 = arith.constant 28 : i32
      %broadcast_in_dim3A_1137 = vector.broadcast %jit3A_1136 : i32 to vector<16xi32>
      %select_n3A_1138 = arith.select %gt3A_1134, %broadcast_in_dim3A_1137, %select_n3A_1106 : vector<16xi1>, vector<16xi32>
      %get3A_1139 = arith.index_cast %scan3A_890 : i32 to index
      %get3A_1140 = arith.constant 464 : index
      %get3A_1141 = tpu.vector_load %arg5[%get3A_1139, %get3A_1140] {strides = array<i32>} : memref<32x1024xf32, #tpu.memory_space<vmem>>, vector<16xf32>,
      %gt3A_1142 = arith.cmpf ogt, %get3A_1141, %select_n3A_1111 : vector<16xf32>
      %select_n3A_1143 = arith.select %gt3A_1142, %get3A_1141, %select_n3A_1111 : vector<16xi1>, vector<16xf32>
      %jit3A_1144 = arith.constant 29 : i32
      %broadcast_in_dim3A_1145 = vector.broadcast %jit3A_1144 : i32 to vector<16xi32>
      %select_n3A_1146 = arith.select %gt3A_1142, %broadcast_in_dim3A_1145, %select_n3A_1114 : vector<16xi1>, vector<16xi32>
      %get3A_1147 = arith.index_cast %scan3A_890 : i32 to index
      %get3A_1148 = arith.constant 480 : index
      %get3A_1149 = tpu.vector_load %arg5[%get3A_1147, %get3A_1148] {strides = array<i32>} : memref<32x1024xf32, #tpu.memory_space<vmem>>, vector<16xf32>,
      %gt3A_1150 = arith.cmpf ogt, %get3A_1149, %select_n3A_1119 : vector<16xf32>
      %select_n3A_1151 = arith.select %gt3A_1150, %get3A_1149, %select_n3A_1119 : vector<16xi1>, vector<16xf32>
      %jit3A_1152 = arith.constant 30 : i32
      %broadcast_in_dim3A_1153 = vector.broadcast %jit3A_1152 : i32 to vector<16xi32>
      %select_n3A_1154 = arith.select %gt3A_1150, %broadcast_in_dim3A_1153, %select_n3A_1122 : vector<16xi1>, vector<16xi32>
      %get3A_1155 = arith.index_cast %scan3A_890 : i32 to index
      %get3A_1156 = arith.constant 496 : index
      %get3A_1157 = tpu.vector_load %arg5[%get3A_1155, %get3A_1156] {strides = array<i32>} : memref<32x1024xf32, #tpu.memory_space<vmem>>, vector<16xf32>,
      %gt3A_1158 = arith.cmpf ogt, %get3A_1157, %select_n3A_1127 : vector<16xf32>
      %select_n3A_1159 = arith.select %gt3A_1158, %get3A_1157, %select_n3A_1127 : vector<16xi1>, vector<16xf32>
      %jit3A_1160 = arith.constant 31 : i32
      %broadcast_in_dim3A_1161 = vector.broadcast %jit3A_1160 : i32 to vector<16xi32>
      %select_n3A_1162 = arith.select %gt3A_1158, %broadcast_in_dim3A_1161, %select_n3A_1130 : vector<16xi1>, vector<16xi32>
      %get3A_1163 = arith.index_cast %scan3A_890 : i32 to index
      %get3A_1164 = arith.constant 512 : index
      %get3A_1165 = tpu.vector_load %arg5[%get3A_1163, %get3A_1164] {strides = array<i32>} : memref<32x1024xf32, #tpu.memory_space<vmem>>, vector<16xf32>,
      %gt3A_1166 = arith.cmpf ogt, %get3A_1165, %select_n3A_1135 : vector<16xf32>
      %select_n3A_1167 = arith.select %gt3A_1166, %get3A_1165, %select_n3A_1135 : vector<16xi1>, vector<16xf32>
      %jit3A_1168 = arith.constant 32 : i32
      %broadcast_in_dim3A_1169 = vector.broadcast %jit3A_1168 : i32 to vector<16xi32>
      %select_n3A_1170 = arith.select %gt3A_1166, %broadcast_in_dim3A_1169, %select_n3A_1138 : vector<16xi1>, vector<16xi32>
      %get3A_1171 = arith.index_cast %scan3A_890 : i32 to index
      %get3A_1172 = arith.constant 528 : index
      %get3A_1173 = tpu.vector_load %arg5[%get3A_1171, %get3A_1172] {strides = array<i32>} : memref<32x1024xf32, #tpu.memory_space<vmem>>, vector<16xf32>,
      %gt3A_1174 = arith.cmpf ogt, %get3A_1173, %select_n3A_1143 : vector<16xf32>
      %select_n3A_1175 = arith.select %gt3A_1174, %get3A_1173, %select_n3A_1143 : vector<16xi1>, vector<16xf32>
      %jit3A_1176 = arith.constant 33 : i32
      %broadcast_in_dim3A_1177 = vector.broadcast %jit3A_1176 : i32 to vector<16xi32>
      %select_n3A_1178 = arith.select %gt3A_1174, %broadcast_in_dim3A_1177, %select_n3A_1146 : vector<16xi1>, vector<16xi32>
      %get3A_1179 = arith.index_cast %scan3A_890 : i32 to index
      %get3A_1180 = arith.constant 544 : index
      %get3A_1181 = tpu.vector_load %arg5[%get3A_1179, %get3A_1180] {strides = array<i32>} : memref<32x1024xf32, #tpu.memory_space<vmem>>, vector<16xf32>,
      %gt3A_1182 = arith.cmpf ogt, %get3A_1181, %select_n3A_1151 : vector<16xf32>
      %select_n3A_1183 = arith.select %gt3A_1182, %get3A_1181, %select_n3A_1151 : vector<16xi1>, vector<16xf32>
      %jit3A_1184 = arith.constant 34 : i32
      %broadcast_in_dim3A_1185 = vector.broadcast %jit3A_1184 : i32 to vector<16xi32>
      %select_n3A_1186 = arith.select %gt3A_1182, %broadcast_in_dim3A_1185, %select_n3A_1154 : vector<16xi1>, vector<16xi32>
      %get3A_1187 = arith.index_cast %scan3A_890 : i32 to index
      %get3A_1188 = arith.constant 560 : index
      %get3A_1189 = tpu.vector_load %arg5[%get3A_1187, %get3A_1188] {strides = array<i32>} : memref<32x1024xf32, #tpu.memory_space<vmem>>, vector<16xf32>,
      %gt3A_1190 = arith.cmpf ogt, %get3A_1189, %select_n3A_1159 : vector<16xf32>
      %select_n3A_1191 = arith.select %gt3A_1190, %get3A_1189, %select_n3A_1159 : vector<16xi1>, vector<16xf32>
      %jit3A_1192 = arith.constant 35 : i32
      %broadcast_in_dim3A_1193 = vector.broadcast %jit3A_1192 : i32 to vector<16xi32>
      %select_n3A_1194 = arith.select %gt3A_1190, %broadcast_in_dim3A_1193, %select_n3A_1162 : vector<16xi1>, vector<16xi32>
      %get3A_1195 = arith.index_cast %scan3A_890 : i32 to index
      %get3A_1196 = arith.constant 576 : index
      %get3A_1197 = tpu.vector_load %arg5[%get3A_1195, %get3A_1196] {strides = array<i32>} : memref<32x1024xf32, #tpu.memory_space<vmem>>, vector<16xf32>,
      %gt3A_1198 = arith.cmpf ogt, %get3A_1197, %select_n3A_1167 : vector<16xf32>
      %select_n3A_1199 = arith.select %gt3A_1198, %get3A_1197, %select_n3A_1167 : vector<16xi1>, vector<16xf32>
      %jit3A_1200 = arith.constant 36 : i32
      %broadcast_in_dim3A_1201 = vector.broadcast %jit3A_1200 : i32 to vector<16xi32>
      %select_n3A_1202 = arith.select %gt3A_1198, %broadcast_in_dim3A_1201, %select_n3A_1170 : vector<16xi1>, vector<16xi32>
      %get3A_1203 = arith.index_cast %scan3A_890 : i32 to index
      %get3A_1204 = arith.constant 592 : index
      %get3A_1205 = tpu.vector_load %arg5[%get3A_1203, %get3A_1204] {strides = array<i32>} : memref<32x1024xf32, #tpu.memory_space<vmem>>, vector<16xf32>,
      %gt3A_1206 = arith.cmpf ogt, %get3A_1205, %select_n3A_1175 : vector<16xf32>
      %select_n3A_1207 = arith.select %gt3A_1206, %get3A_1205, %select_n3A_1175 : vector<16xi1>, vector<16xf32>
      %jit3A_1208 = arith.constant 37 : i32
      %broadcast_in_dim3A_1209 = vector.broadcast %jit3A_1208 : i32 to vector<16xi32>
      %select_n3A_1210 = arith.select %gt3A_1206, %broadcast_in_dim3A_1209, %select_n3A_1178 : vector<16xi1>, vector<16xi32>
      %get3A_1211 = arith.index_cast %scan3A_890 : i32 to index
      %get3A_1212 = arith.constant 608 : index
      %get3A_1213 = tpu.vector_load %arg5[%get3A_1211, %get3A_1212] {strides = array<i32>} : memref<32x1024xf32, #tpu.memory_space<vmem>>, vector<16xf32>,
      %gt3A_1214 = arith.cmpf ogt, %get3A_1213, %select_n3A_1183 : vector<16xf32>
      %select_n3A_1215 = arith.select %gt3A_1214, %get3A_1213, %select_n3A_1183 : vector<16xi1>, vector<16xf32>
      %jit3A_1216 = arith.constant 38 : i32
      %broadcast_in_dim3A_1217 = vector.broadcast %jit3A_1216 : i32 to vector<16xi32>
      %select_n3A_1218 = arith.select %gt3A_1214, %broadcast_in_dim3A_1217, %select_n3A_1186 : vector<16xi1>, vector<16xi32>
      %get3A_1219 = arith.index_cast %scan3A_890 : i32 to index
      %get3A_1220 = arith.constant 624 : index
      %get3A_1221 = tpu.vector_load %arg5[%get3A_1219, %get3A_1220] {strides = array<i32>} : memref<32x1024xf32, #tpu.memory_space<vmem>>, vector<16xf32>,
      %gt3A_1222 = arith.cmpf ogt, %get3A_1221, %select_n3A_1191 : vector<16xf32>
      %select_n3A_1223 = arith.select %gt3A_1222, %get3A_1221, %select_n3A_1191 : vector<16xi1>, vector<16xf32>
      %jit3A_1224 = arith.constant 39 : i32
      %broadcast_in_dim3A_1225 = vector.broadcast %jit3A_1224 : i32 to vector<16xi32>
      %select_n3A_1226 = arith.select %gt3A_1222, %broadcast_in_dim3A_1225, %select_n3A_1194 : vector<16xi1>, vector<16xi32>
      %get3A_1227 = arith.index_cast %scan3A_890 : i32 to index
      %get3A_1228 = arith.constant 640 : index
      %get3A_1229 = tpu.vector_load %arg5[%get3A_1227, %get3A_1228] {strides = array<i32>} : memref<32x1024xf32, #tpu.memory_space<vmem>>, vector<16xf32>,
      %gt3A_1230 = arith.cmpf ogt, %get3A_1229, %select_n3A_1199 : vector<16xf32>
      %select_n3A_1231 = arith.select %gt3A_1230, %get3A_1229, %select_n3A_1199 : vector<16xi1>, vector<16xf32>
      %jit3A_1232 = arith.constant 40 : i32
      %broadcast_in_dim3A_1233 = vector.broadcast %jit3A_1232 : i32 to vector<16xi32>
      %select_n3A_1234 = arith.select %gt3A_1230, %broadcast_in_dim3A_1233, %select_n3A_1202 : vector<16xi1>, vector<16xi32>
      %get3A_1235 = arith.index_cast %scan3A_890 : i32 to index
      %get3A_1236 = arith.constant 656 : index
      %get3A_1237 = tpu.vector_load %arg5[%get3A_1235, %get3A_1236] {strides = array<i32>} : memref<32x1024xf32, #tpu.memory_space<vmem>>, vector<16xf32>,
      %gt3A_1238 = arith.cmpf ogt, %get3A_1237, %select_n3A_1207 : vector<16xf32>
      %select_n3A_1239 = arith.select %gt3A_1238, %get3A_1237, %select_n3A_1207 : vector<16xi1>, vector<16xf32>
      %jit3A_1240 = arith.constant 41 : i32
      %broadcast_in_dim3A_1241 = vector.broadcast %jit3A_1240 : i32 to vector<16xi32>
      %select_n3A_1242 = arith.select %gt3A_1238, %broadcast_in_dim3A_1241, %select_n3A_1210 : vector<16xi1>, vector<16xi32>
      %get3A_1243 = arith.index_cast %scan3A_890 : i32 to index
      %get3A_1244 = arith.constant 672 : index
      %get3A_1245 = tpu.vector_load %arg5[%get3A_1243, %get3A_1244] {strides = array<i32>} : memref<32x1024xf32, #tpu.memory_space<vmem>>, vector<16xf32>,
      %gt3A_1246 = arith.cmpf ogt, %get3A_1245, %select_n3A_1215 : vector<16xf32>
      %select_n3A_1247 = arith.select %gt3A_1246, %get3A_1245, %select_n3A_1215 : vector<16xi1>, vector<16xf32>
      %jit3A_1248 = arith.constant 42 : i32
      %broadcast_in_dim3A_1249 = vector.broadcast %jit3A_1248 : i32 to vector<16xi32>
      %select_n3A_1250 = arith.select %gt3A_1246, %broadcast_in_dim3A_1249, %select_n3A_1218 : vector<16xi1>, vector<16xi32>
      %get3A_1251 = arith.index_cast %scan3A_890 : i32 to index
      %get3A_1252 = arith.constant 688 : index
      %get3A_1253 = tpu.vector_load %arg5[%get3A_1251, %get3A_1252] {strides = array<i32>} : memref<32x1024xf32, #tpu.memory_space<vmem>>, vector<16xf32>,
      %gt3A_1254 = arith.cmpf ogt, %get3A_1253, %select_n3A_1223 : vector<16xf32>
      %select_n3A_1255 = arith.select %gt3A_1254, %get3A_1253, %select_n3A_1223 : vector<16xi1>, vector<16xf32>
      %jit3A_1256 = arith.constant 43 : i32
      %broadcast_in_dim3A_1257 = vector.broadcast %jit3A_1256 : i32 to vector<16xi32>
      %select_n3A_1258 = arith.select %gt3A_1254, %broadcast_in_dim3A_1257, %select_n3A_1226 : vector<16xi1>, vector<16xi32>
      %get3A_1259 = arith.index_cast %scan3A_890 : i32 to index
      %get3A_1260 = arith.constant 704 : index
      %get3A_1261 = tpu.vector_load %arg5[%get3A_1259, %get3A_1260] {strides = array<i32>} : memref<32x1024xf32, #tpu.memory_space<vmem>>, vector<16xf32>,
      %gt3A_1262 = arith.cmpf ogt, %get3A_1261, %select_n3A_1231 : vector<16xf32>
      %select_n3A_1263 = arith.select %gt3A_1262, %get3A_1261, %select_n3A_1231 : vector<16xi1>, vector<16xf32>
      %jit3A_1264 = arith.constant 44 : i32
      %broadcast_in_dim3A_1265 = vector.broadcast %jit3A_1264 : i32 to vector<16xi32>
      %select_n3A_1266 = arith.select %gt3A_1262, %broadcast_in_dim3A_1265, %select_n3A_1234 : vector<16xi1>, vector<16xi32>
      %get3A_1267 = arith.index_cast %scan3A_890 : i32 to index
      %get3A_1268 = arith.constant 720 : index
      %get3A_1269 = tpu.vector_load %arg5[%get3A_1267, %get3A_1268] {strides = array<i32>} : memref<32x1024xf32, #tpu.memory_space<vmem>>, vector<16xf32>,
      %gt3A_1270 = arith.cmpf ogt, %get3A_1269, %select_n3A_1239 : vector<16xf32>
      %select_n3A_1271 = arith.select %gt3A_1270, %get3A_1269, %select_n3A_1239 : vector<16xi1>, vector<16xf32>
      %jit3A_1272 = arith.constant 45 : i32
      %broadcast_in_dim3A_1273 = vector.broadcast %jit3A_1272 : i32 to vector<16xi32>
      %select_n3A_1274 = arith.select %gt3A_1270, %broadcast_in_dim3A_1273, %select_n3A_1242 : vector<16xi1>, vector<16xi32>
      %get3A_1275 = arith.index_cast %scan3A_890 : i32 to index
      %get3A_1276 = arith.constant 736 : index
      %get3A_1277 = tpu.vector_load %arg5[%get3A_1275, %get3A_1276] {strides = array<i32>} : memref<32x1024xf32, #tpu.memory_space<vmem>>, vector<16xf32>,
      %gt3A_1278 = arith.cmpf ogt, %get3A_1277, %select_n3A_1247 : vector<16xf32>
      %select_n3A_1279 = arith.select %gt3A_1278, %get3A_1277, %select_n3A_1247 : vector<16xi1>, vector<16xf32>
      %jit3A_1280 = arith.constant 46 : i32
      %broadcast_in_dim3A_1281 = vector.broadcast %jit3A_1280 : i32 to vector<16xi32>
      %select_n3A_1282 = arith.select %gt3A_1278, %broadcast_in_dim3A_1281, %select_n3A_1250 : vector<16xi1>, vector<16xi32>
      %get3A_1283 = arith.index_cast %scan3A_890 : i32 to index
      %get3A_1284 = arith.constant 752 : index
      %get3A_1285 = tpu.vector_load %arg5[%get3A_1283, %get3A_1284] {strides = array<i32>} : memref<32x1024xf32, #tpu.memory_space<vmem>>, vector<16xf32>,
      %gt3A_1286 = arith.cmpf ogt, %get3A_1285, %select_n3A_1255 : vector<16xf32>
      %select_n3A_1287 = arith.select %gt3A_1286, %get3A_1285, %select_n3A_1255 : vector<16xi1>, vector<16xf32>
      %jit3A_1288 = arith.constant 47 : i32
      %broadcast_in_dim3A_1289 = vector.broadcast %jit3A_1288 : i32 to vector<16xi32>
      %select_n3A_1290 = arith.select %gt3A_1286, %broadcast_in_dim3A_1289, %select_n3A_1258 : vector<16xi1>, vector<16xi32>
      %get3A_1291 = arith.index_cast %scan3A_890 : i32 to index
      %get3A_1292 = arith.constant 768 : index
      %get3A_1293 = tpu.vector_load %arg5[%get3A_1291, %get3A_1292] {strides = array<i32>} : memref<32x1024xf32, #tpu.memory_space<vmem>>, vector<16xf32>,
      %gt3A_1294 = arith.cmpf ogt, %get3A_1293, %select_n3A_1263 : vector<16xf32>
      %select_n3A_1295 = arith.select %gt3A_1294, %get3A_1293, %select_n3A_1263 : vector<16xi1>, vector<16xf32>
      %jit3A_1296 = arith.constant 48 : i32
      %broadcast_in_dim3A_1297 = vector.broadcast %jit3A_1296 : i32 to vector<16xi32>
      %select_n3A_1298 = arith.select %gt3A_1294, %broadcast_in_dim3A_1297, %select_n3A_1266 : vector<16xi1>, vector<16xi32>
      %get3A_1299 = arith.index_cast %scan3A_890 : i32 to index
      %get3A_1300 = arith.constant 784 : index
      %get3A_1301 = tpu.vector_load %arg5[%get3A_1299, %get3A_1300] {strides = array<i32>} : memref<32x1024xf32, #tpu.memory_space<vmem>>, vector<16xf32>,
      %gt3A_1302 = arith.cmpf ogt, %get3A_1301, %select_n3A_1271 : vector<16xf32>
      %select_n3A_1303 = arith.select %gt3A_1302, %get3A_1301, %select_n3A_1271 : vector<16xi1>, vector<16xf32>
      %jit3A_1304 = arith.constant 49 : i32
      %broadcast_in_dim3A_1305 = vector.broadcast %jit3A_1304 : i32 to vector<16xi32>
      %select_n3A_1306 = arith.select %gt3A_1302, %broadcast_in_dim3A_1305, %select_n3A_1274 : vector<16xi1>, vector<16xi32>
      %get3A_1307 = arith.index_cast %scan3A_890 : i32 to index
      %get3A_1308 = arith.constant 800 : index
      %get3A_1309 = tpu.vector_load %arg5[%get3A_1307, %get3A_1308] {strides = array<i32>} : memref<32x1024xf32, #tpu.memory_space<vmem>>, vector<16xf32>,
      %gt3A_1310 = arith.cmpf ogt, %get3A_1309, %select_n3A_1279 : vector<16xf32>
      %select_n3A_1311 = arith.select %gt3A_1310, %get3A_1309, %select_n3A_1279 : vector<16xi1>, vector<16xf32>
      %jit3A_1312 = arith.constant 50 : i32
      %broadcast_in_dim3A_1313 = vector.broadcast %jit3A_1312 : i32 to vector<16xi32>
      %select_n3A_1314 = arith.select %gt3A_1310, %broadcast_in_dim3A_1313, %select_n3A_1282 : vector<16xi1>, vector<16xi32>
      %get3A_1315 = arith.index_cast %scan3A_890 : i32 to index
      %get3A_1316 = arith.constant 816 : index
      %get3A_1317 = tpu.vector_load %arg5[%get3A_1315, %get3A_1316] {strides = array<i32>} : memref<32x1024xf32, #tpu.memory_space<vmem>>, vector<16xf32>,
      %gt3A_1318 = arith.cmpf ogt, %get3A_1317, %select_n3A_1287 : vector<16xf32>
      %select_n3A_1319 = arith.select %gt3A_1318, %get3A_1317, %select_n3A_1287 : vector<16xi1>, vector<16xf32>
      %jit3A_1320 = arith.constant 51 : i32
      %broadcast_in_dim3A_1321 = vector.broadcast %jit3A_1320 : i32 to vector<16xi32>
      %select_n3A_1322 = arith.select %gt3A_1318, %broadcast_in_dim3A_1321, %select_n3A_1290 : vector<16xi1>, vector<16xi32>
      %get3A_1323 = arith.index_cast %scan3A_890 : i32 to index
      %get3A_1324 = arith.constant 832 : index
      %get3A_1325 = tpu.vector_load %arg5[%get3A_1323, %get3A_1324] {strides = array<i32>} : memref<32x1024xf32, #tpu.memory_space<vmem>>, vector<16xf32>,
      %gt3A_1326 = arith.cmpf ogt, %get3A_1325, %select_n3A_1295 : vector<16xf32>
      %select_n3A_1327 = arith.select %gt3A_1326, %get3A_1325, %select_n3A_1295 : vector<16xi1>, vector<16xf32>
      %jit3A_1328 = arith.constant 52 : i32
      %broadcast_in_dim3A_1329 = vector.broadcast %jit3A_1328 : i32 to vector<16xi32>
      %select_n3A_1330 = arith.select %gt3A_1326, %broadcast_in_dim3A_1329, %select_n3A_1298 : vector<16xi1>, vector<16xi32>
      %get3A_1331 = arith.index_cast %scan3A_890 : i32 to index
      %get3A_1332 = arith.constant 848 : index
      %get3A_1333 = tpu.vector_load %arg5[%get3A_1331, %get3A_1332] {strides = array<i32>} : memref<32x1024xf32, #tpu.memory_space<vmem>>, vector<16xf32>,
      %gt3A_1334 = arith.cmpf ogt, %get3A_1333, %select_n3A_1303 : vector<16xf32>
      %select_n3A_1335 = arith.select %gt3A_1334, %get3A_1333, %select_n3A_1303 : vector<16xi1>, vector<16xf32>
      %jit3A_1336 = arith.constant 53 : i32
      %broadcast_in_dim3A_1337 = vector.broadcast %jit3A_1336 : i32 to vector<16xi32>
      %select_n3A_1338 = arith.select %gt3A_1334, %broadcast_in_dim3A_1337, %select_n3A_1306 : vector<16xi1>, vector<16xi32>
      %get3A_1339 = arith.index_cast %scan3A_890 : i32 to index
      %get3A_1340 = arith.constant 864 : index
      %get3A_1341 = tpu.vector_load %arg5[%get3A_1339, %get3A_1340] {strides = array<i32>} : memref<32x1024xf32, #tpu.memory_space<vmem>>, vector<16xf32>,
      %gt3A_1342 = arith.cmpf ogt, %get3A_1341, %select_n3A_1311 : vector<16xf32>
      %select_n3A_1343 = arith.select %gt3A_1342, %get3A_1341, %select_n3A_1311 : vector<16xi1>, vector<16xf32>
      %jit3A_1344 = arith.constant 54 : i32
      %broadcast_in_dim3A_1345 = vector.broadcast %jit3A_1344 : i32 to vector<16xi32>
      %select_n3A_1346 = arith.select %gt3A_1342, %broadcast_in_dim3A_1345, %select_n3A_1314 : vector<16xi1>, vector<16xi32>
      %get3A_1347 = arith.index_cast %scan3A_890 : i32 to index
      %get3A_1348 = arith.constant 880 : index
      %get3A_1349 = tpu.vector_load %arg5[%get3A_1347, %get3A_1348] {strides = array<i32>} : memref<32x1024xf32, #tpu.memory_space<vmem>>, vector<16xf32>,
      %gt3A_1350 = arith.cmpf ogt, %get3A_1349, %select_n3A_1319 : vector<16xf32>
      %select_n3A_1351 = arith.select %gt3A_1350, %get3A_1349, %select_n3A_1319 : vector<16xi1>, vector<16xf32>
      %jit3A_1352 = arith.constant 55 : i32
      %broadcast_in_dim3A_1353 = vector.broadcast %jit3A_1352 : i32 to vector<16xi32>
      %select_n3A_1354 = arith.select %gt3A_1350, %broadcast_in_dim3A_1353, %select_n3A_1322 : vector<16xi1>, vector<16xi32>
      %get3A_1355 = arith.index_cast %scan3A_890 : i32 to index
      %get3A_1356 = arith.constant 896 : index
      %get3A_1357 = tpu.vector_load %arg5[%get3A_1355, %get3A_1356] {strides = array<i32>} : memref<32x1024xf32, #tpu.memory_space<vmem>>, vector<16xf32>,
      %gt3A_1358 = arith.cmpf ogt, %get3A_1357, %select_n3A_1327 : vector<16xf32>
      %select_n3A_1359 = arith.select %gt3A_1358, %get3A_1357, %select_n3A_1327 : vector<16xi1>, vector<16xf32>
      %jit3A_1360 = arith.constant 56 : i32
      %broadcast_in_dim3A_1361 = vector.broadcast %jit3A_1360 : i32 to vector<16xi32>
      %select_n3A_1362 = arith.select %gt3A_1358, %broadcast_in_dim3A_1361, %select_n3A_1330 : vector<16xi1>, vector<16xi32>
      %get3A_1363 = arith.index_cast %scan3A_890 : i32 to index
      %get3A_1364 = arith.constant 912 : index
      %get3A_1365 = tpu.vector_load %arg5[%get3A_1363, %get3A_1364] {strides = array<i32>} : memref<32x1024xf32, #tpu.memory_space<vmem>>, vector<16xf32>,
      %gt3A_1366 = arith.cmpf ogt, %get3A_1365, %select_n3A_1335 : vector<16xf32>
      %select_n3A_1367 = arith.select %gt3A_1366, %get3A_1365, %select_n3A_1335 : vector<16xi1>, vector<16xf32>
      %jit3A_1368 = arith.constant 57 : i32
      %broadcast_in_dim3A_1369 = vector.broadcast %jit3A_1368 : i32 to vector<16xi32>
      %select_n3A_1370 = arith.select %gt3A_1366, %broadcast_in_dim3A_1369, %select_n3A_1338 : vector<16xi1>, vector<16xi32>
      %get3A_1371 = arith.index_cast %scan3A_890 : i32 to index
      %get3A_1372 = arith.constant 928 : index
      %get3A_1373 = tpu.vector_load %arg5[%get3A_1371, %get3A_1372] {strides = array<i32>} : memref<32x1024xf32, #tpu.memory_space<vmem>>, vector<16xf32>,
      %gt3A_1374 = arith.cmpf ogt, %get3A_1373, %select_n3A_1343 : vector<16xf32>
      %select_n3A_1375 = arith.select %gt3A_1374, %get3A_1373, %select_n3A_1343 : vector<16xi1>, vector<16xf32>
      %jit3A_1376 = arith.constant 58 : i32
      %broadcast_in_dim3A_1377 = vector.broadcast %jit3A_1376 : i32 to vector<16xi32>
      %select_n3A_1378 = arith.select %gt3A_1374, %broadcast_in_dim3A_1377, %select_n3A_1346 : vector<16xi1>, vector<16xi32>
      %get3A_1379 = arith.index_cast %scan3A_890 : i32 to index
      %get3A_1380 = arith.constant 944 : index
      %get3A_1381 = tpu.vector_load %arg5[%get3A_1379, %get3A_1380] {strides = array<i32>} : memref<32x1024xf32, #tpu.memory_space<vmem>>, vector<16xf32>,
      %gt3A_1382 = arith.cmpf ogt, %get3A_1381, %select_n3A_1351 : vector<16xf32>
      %select_n3A_1383 = arith.select %gt3A_1382, %get3A_1381, %select_n3A_1351 : vector<16xi1>, vector<16xf32>
      %jit3A_1384 = arith.constant 59 : i32
      %broadcast_in_dim3A_1385 = vector.broadcast %jit3A_1384 : i32 to vector<16xi32>
      %select_n3A_1386 = arith.select %gt3A_1382, %broadcast_in_dim3A_1385, %select_n3A_1354 : vector<16xi1>, vector<16xi32>
      %get3A_1387 = arith.index_cast %scan3A_890 : i32 to index
      %get3A_1388 = arith.constant 960 : index
      %get3A_1389 = tpu.vector_load %arg5[%get3A_1387, %get3A_1388] {strides = array<i32>} : memref<32x1024xf32, #tpu.memory_space<vmem>>, vector<16xf32>,
      %gt3A_1390 = arith.cmpf ogt, %get3A_1389, %select_n3A_1359 : vector<16xf32>
      %select_n3A_1391 = arith.select %gt3A_1390, %get3A_1389, %select_n3A_1359 : vector<16xi1>, vector<16xf32>
      %jit3A_1392 = arith.constant 60 : i32
      %broadcast_in_dim3A_1393 = vector.broadcast %jit3A_1392 : i32 to vector<16xi32>
      %select_n3A_1394 = arith.select %gt3A_1390, %broadcast_in_dim3A_1393, %select_n3A_1362 : vector<16xi1>, vector<16xi32>
      %get3A_1395 = arith.index_cast %scan3A_890 : i32 to index
      %get3A_1396 = arith.constant 976 : index
      %get3A_1397 = tpu.vector_load %arg5[%get3A_1395, %get3A_1396] {strides = array<i32>} : memref<32x1024xf32, #tpu.memory_space<vmem>>, vector<16xf32>,
      %gt3A_1398 = arith.cmpf ogt, %get3A_1397, %select_n3A_1367 : vector<16xf32>
      %select_n3A_1399 = arith.select %gt3A_1398, %get3A_1397, %select_n3A_1367 : vector<16xi1>, vector<16xf32>
      %jit3A_1400 = arith.constant 61 : i32
      %broadcast_in_dim3A_1401 = vector.broadcast %jit3A_1400 : i32 to vector<16xi32>
      %select_n3A_1402 = arith.select %gt3A_1398, %broadcast_in_dim3A_1401, %select_n3A_1370 : vector<16xi1>, vector<16xi32>
      %get3A_1403 = arith.index_cast %scan3A_890 : i32 to index
      %get3A_1404 = arith.constant 992 : index
      %get3A_1405 = tpu.vector_load %arg5[%get3A_1403, %get3A_1404] {strides = array<i32>} : memref<32x1024xf32, #tpu.memory_space<vmem>>, vector<16xf32>,
      %gt3A_1406 = arith.cmpf ogt, %get3A_1405, %select_n3A_1375 : vector<16xf32>
      %select_n3A_1407 = arith.select %gt3A_1406, %get3A_1405, %select_n3A_1375 : vector<16xi1>, vector<16xf32>
      %jit3A_1408 = arith.constant 62 : i32
      %broadcast_in_dim3A_1409 = vector.broadcast %jit3A_1408 : i32 to vector<16xi32>
      %select_n3A_1410 = arith.select %gt3A_1406, %broadcast_in_dim3A_1409, %select_n3A_1378 : vector<16xi1>, vector<16xi32>
      %get3A_1411 = arith.index_cast %scan3A_890 : i32 to index
      %get3A_1412 = arith.constant 1008 : index
      %get3A_1413 = tpu.vector_load %arg5[%get3A_1411, %get3A_1412] {strides = array<i32>} : memref<32x1024xf32, #tpu.memory_space<vmem>>, vector<16xf32>,
      %gt3A_1414 = arith.cmpf ogt, %get3A_1413, %select_n3A_1383 : vector<16xf32>
      %select_n3A_1415 = arith.select %gt3A_1414, %get3A_1413, %select_n3A_1383 : vector<16xi1>, vector<16xf32>
      %jit3A_1416 = arith.constant 63 : i32
      %broadcast_in_dim3A_1417 = vector.broadcast %jit3A_1416 : i32 to vector<16xi32>
      %select_n3A_1418 = arith.select %gt3A_1414, %broadcast_in_dim3A_1417, %select_n3A_1386 : vector<16xi1>, vector<16xi32>
      %mul3A_1419 = arith.constant 16 : i32
      %mul3A_1420 = vector.broadcast %mul3A_1419 : i32 to vector<16xi32>
      %mul3A_1421 = arith.muli %select_n3A_1394, %mul3A_1420 : vector<16xi32>
      %add3A_1422 = arith.addi %mul3A_1421, %iota3A : vector<16xi32>
      %mul3A_1423 = arith.constant 16 : i32
      %mul3A_1424 = vector.broadcast %mul3A_1423 : i32 to vector<16xi32>
      %mul3A_1425 = arith.muli %select_n3A_1402, %mul3A_1424 : vector<16xi32>
      %add3A_1426 = arith.addi %mul3A_1425, %iota3A : vector<16xi32>
      %mul3A_1427 = arith.constant 16 : i32
      %mul3A_1428 = vector.broadcast %mul3A_1427 : i32 to vector<16xi32>
      %mul3A_1429 = arith.muli %select_n3A_1410, %mul3A_1428 : vector<16xi32>
      %add3A_1430 = arith.addi %mul3A_1429, %iota3A : vector<16xi32>
      %mul3A_1431 = arith.constant 16 : i32
      %mul3A_1432 = vector.broadcast %mul3A_1431 : i32 to vector<16xi32>
      %mul3A_1433 = arith.muli %select_n3A_1418, %mul3A_1432 : vector<16xi32>
      %add3A_1434 = arith.addi %mul3A_1433, %iota3A : vector<16xi32>
      %gt3A_1435 = arith.cmpf ogt, %select_n3A_1399, %select_n3A_1391 : vector<16xf32>
      %eq3A_1436 = arith.cmpf oeq, %select_n3A_1399, %select_n3A_1391 : vector<16xf32>
      %lt3A_1437 = arith.cmpi slt, %add3A_1426, %add3A_1422 : vector<16xi32>
      %and3A_1438 = arith.andi %eq3A_1436, %lt3A_1437 : vector<16xi1>
      %or3A_1439 = arith.ori %gt3A_1435, %and3A_1438 : vector<16xi1>
      %select_n3A_1440 = arith.select %or3A_1439, %select_n3A_1399, %select_n3A_1391 : vector<16xi1>, vector<16xf32>
      %select_n3A_1441 = arith.select %or3A_1439, %add3A_1426, %add3A_1422 : vector<16xi1>, vector<16xi32>
      %gt3A_1442 = arith.cmpf ogt, %select_n3A_1415, %select_n3A_1407 : vector<16xf32>
      %eq3A_1443 = arith.cmpf oeq, %select_n3A_1415, %select_n3A_1407 : vector<16xf32>
      %lt3A_1444 = arith.cmpi slt, %add3A_1434, %add3A_1430 : vector<16xi32>
      %and3A_1445 = arith.andi %eq3A_1443, %lt3A_1444 : vector<16xi1>
      %or3A_1446 = arith.ori %gt3A_1442, %and3A_1445 : vector<16xi1>
      %select_n3A_1447 = arith.select %or3A_1446, %select_n3A_1415, %select_n3A_1407 : vector<16xi1>, vector<16xf32>
      %select_n3A_1448 = arith.select %or3A_1446, %add3A_1434, %add3A_1430 : vector<16xi1>, vector<16xi32>
      %gt3A_1449 = arith.cmpf ogt, %select_n3A_1447, %select_n3A_1440 : vector<16xf32>
      %eq3A_1450 = arith.cmpf oeq, %select_n3A_1447, %select_n3A_1440 : vector<16xf32>
      %lt3A_1451 = arith.cmpi slt, %select_n3A_1448, %select_n3A_1441 : vector<16xi32>
      %and3A_1452 = arith.andi %eq3A_1450, %lt3A_1451 : vector<16xi1>
      %or3A_1453 = arith.ori %gt3A_1449, %and3A_1452 : vector<16xi1>
      %select_n3A_1454 = arith.select %or3A_1453, %select_n3A_1447, %select_n3A_1440 : vector<16xi1>, vector<16xf32>
      %select_n3A_1455 = arith.select %or3A_1453, %select_n3A_1448, %select_n3A_1441 : vector<16xi1>, vector<16xi32>
      %reduce_max3A_1456 = arith.constant true
      %reduce_max3A_1457 = vector.broadcast %reduce_max3A_1456 : i1 to vector<16xi1>
      %reduce_max3A_1458 = tpu.scan <max>, %select_n3A_1454 masked %reduce_max3A_1457 : vector<16xf32>, vector<16xi1> -> vector<16xf32>
      %reduce_max3A_1459 = vector.extract %reduce_max3A_1458[15] : f32 from vector<16xf32>
      %eq3A_1460 = vector.broadcast %reduce_max3A_1459 : f32 to vector<16xf32>
      %eq3A_1461 = arith.cmpf oeq, %select_n3A_1454, %eq3A_1460 : vector<16xf32>
      %jit3A_1462 = arith.constant 2147483647 : i32
      %broadcast_in_dim3A_1463 = vector.broadcast %jit3A_1462 : i32 to vector<16xi32>
      %select_n3A_1464 = arith.select %eq3A_1461, %select_n3A_1455, %broadcast_in_dim3A_1463 : vector<16xi1>, vector<16xi32>
      %reduce_min3A_1465 = arith.constant true
      %reduce_min3A_1466 = vector.broadcast %reduce_min3A_1465 : i1 to vector<16xi1>
      %reduce_min3A_1467 = arith.constant -2147483648 : i32
      %reduce_min3A_1468 = vector.broadcast %reduce_min3A_1467 : i32 to vector<16xi32>
      %reduce_min3A_1469 = arith.xori %select_n3A_1464, %reduce_min3A_1468 : vector<16xi32>
      %reduce_min3A_1470 = tpu.scan <min>, %reduce_min3A_1469 masked %reduce_min3A_1466 : vector<16xi32>, vector<16xi1> -> vector<16xi32>
      %reduce_min3A_1471 = arith.xori %reduce_min3A_1470, %reduce_min3A_1468 : vector<16xi32>
      %reduce_min3A_1472 = vector.extract %reduce_min3A_1471[15] : i32 from vector<16xi32>
      %add3A_1473 = arith.constant 33 : i32
      %add3A_1474 = arith.addi %add3A_1473, %scan3A_890 : i32
      %add3A_1475 = vector.broadcast %add3A_1474 : i32 to vector<16xi32>
      %add3A_1476 = arith.addi %broadcast_in_dim3A_664, %add3A_1475 : vector<16xi32>
      %add3A_1477 = vector.broadcast %reduce_min3A_1472 : i32 to vector<16xi32>
      %add3A_1478 = arith.addi %broadcast_in_dim3A_664, %add3A_1477 : vector<16xi32>
      tpu.vector_store_idx %arg7[%add3A_1476], %add3A_1478 masked %eq3A_667 : memref<129xi32, #tpu.memory_space<vmem>>[vector<16xi32>], vector<16xi32>, vector<16xi1>
    }
    %scan3A_698 = arith.constant 32 : i32
    %add3A_699 = arith.constant 96 : i32
    %add3A_700 = arith.addi %mul3A_2, %add3A_699 : i32
    %dma_start3A_701 = arith.constant 0 : i32
    %dma_start3A_702 = tpu.memref_slice %arg2[%add3A_700, %dma_start3A_701] : memref<4096x1024xf32, #tpu.memory_space<hbm>> -> memref<32x1024xf32, #tpu.memory_space<hbm>>
    %dma_start3A_703 = arith.constant 0 : i32
    %dma_start3A_704 = tpu.memref_slice %arg2[%add3A_700, %dma_start3A_703] : memref<4096x1024xf32, #tpu.memory_space<hbm>> -> memref<32x1024xf32, #tpu.memory_space<hbm>>
    tpu.enqueue_dma source(%dma_start3A_704 : memref<32x1024xf32, #tpu.memory_space<hbm>>) target(%arg5 : memref<32x1024xf32, #tpu.memory_space<vmem>>) target_semaphore(%arg10 : memref<!tpu.dma_semaphore, #tpu.memory_space<semaphore_mem>>)
    %dma_wait3A_705 = arith.constant 0 : i32
    %dma_wait3A_706 = tpu.memref_slice %arg2[%add3A_684, %dma_wait3A_705] : memref<4096x1024xf32, #tpu.memory_space<hbm>> -> memref<32x1024xf32, #tpu.memory_space<hbm>>
    %dma_wait3A_707 = arith.constant 0 : i32
    %dma_wait3A_708 = tpu.memref_slice %arg2[%add3A_684, %dma_wait3A_707] : memref<4096x1024xf32, #tpu.memory_space<hbm>> -> memref<32x1024xf32, #tpu.memory_space<hbm>>
    tpu.wait_dma2 semaphore(%arg9 : memref<!tpu.dma_semaphore, #tpu.memory_space<semaphore_mem>>) src(%dma_wait3A_708 : memref<32x1024xf32, #tpu.memory_space<hbm>>) dst(%arg4 : memref<32x1024xf32, #tpu.memory_space<vmem>>)
    %scan3A_709 = arith.constant 0 : i32
    %scan3A_710 = arith.constant 0 : i32
    %scan3A_711 = arith.constant 32 : i32
    %scan3A_712 = arith.addi %scan3A_710, %scan3A_711 : i32
    %scan3A_713 = arith.constant 1 : i32
    scf.for %scan3A_890 = %scan3A_710 to %scan3A_712 step %scan3A_713  : i32 {
      %broadcast_in_dim3A_891 = arith.constant 0xFF800000 : f32
      %broadcast_in_dim3A_892 = vector.broadcast %broadcast_in_dim3A_891 : f32 to vector<16xf32>
      %broadcast_in_dim3A_893 = arith.constant 0xFF800000 : f32
      %broadcast_in_dim3A_894 = vector.broadcast %broadcast_in_dim3A_893 : f32 to vector<16xf32>
      %broadcast_in_dim3A_895 = arith.constant 0xFF800000 : f32
      %broadcast_in_dim3A_896 = vector.broadcast %broadcast_in_dim3A_895 : f32 to vector<16xf32>
      %broadcast_in_dim3A_897 = arith.constant 0xFF800000 : f32
      %broadcast_in_dim3A_898 = vector.broadcast %broadcast_in_dim3A_897 : f32 to vector<16xf32>
      %broadcast_in_dim3A_899 = arith.constant 0 : i32
      %broadcast_in_dim3A_900 = vector.broadcast %broadcast_in_dim3A_899 : i32 to vector<16xi32>
      %broadcast_in_dim3A_901 = arith.constant 0 : i32
      %broadcast_in_dim3A_902 = vector.broadcast %broadcast_in_dim3A_901 : i32 to vector<16xi32>
      %broadcast_in_dim3A_903 = arith.constant 0 : i32
      %broadcast_in_dim3A_904 = vector.broadcast %broadcast_in_dim3A_903 : i32 to vector<16xi32>
      %broadcast_in_dim3A_905 = arith.constant 0 : i32
      %broadcast_in_dim3A_906 = vector.broadcast %broadcast_in_dim3A_905 : i32 to vector<16xi32>
      %get3A_907 = arith.index_cast %scan3A_890 : i32 to index
      %get3A_908 = arith.constant 0 : index
      %get3A_909 = tpu.vector_load %arg4[%get3A_907, %get3A_908] {strides = array<i32>} : memref<32x1024xf32, #tpu.memory_space<vmem>>, vector<16xf32>,
      %gt3A_910 = arith.cmpf ogt, %get3A_909, %broadcast_in_dim3A_892 : vector<16xf32>
      %select_n3A_911 = arith.select %gt3A_910, %get3A_909, %broadcast_in_dim3A_892 : vector<16xi1>, vector<16xf32>
      %jit3A_912 = arith.constant 0 : i32
      %broadcast_in_dim3A_913 = vector.broadcast %jit3A_912 : i32 to vector<16xi32>
      %select_n3A_914 = arith.select %gt3A_910, %broadcast_in_dim3A_913, %broadcast_in_dim3A_900 : vector<16xi1>, vector<16xi32>
      %get3A_915 = arith.index_cast %scan3A_890 : i32 to index
      %get3A_916 = arith.constant 16 : index
      %get3A_917 = tpu.vector_load %arg4[%get3A_915, %get3A_916] {strides = array<i32>} : memref<32x1024xf32, #tpu.memory_space<vmem>>, vector<16xf32>,
      %gt3A_918 = arith.cmpf ogt, %get3A_917, %broadcast_in_dim3A_894 : vector<16xf32>
      %select_n3A_919 = arith.select %gt3A_918, %get3A_917, %broadcast_in_dim3A_894 : vector<16xi1>, vector<16xf32>
      %jit3A_920 = arith.constant 1 : i32
      %broadcast_in_dim3A_921 = vector.broadcast %jit3A_920 : i32 to vector<16xi32>
      %select_n3A_922 = arith.select %gt3A_918, %broadcast_in_dim3A_921, %broadcast_in_dim3A_902 : vector<16xi1>, vector<16xi32>
      %get3A_923 = arith.index_cast %scan3A_890 : i32 to index
      %get3A_924 = arith.constant 32 : index
      %get3A_925 = tpu.vector_load %arg4[%get3A_923, %get3A_924] {strides = array<i32>} : memref<32x1024xf32, #tpu.memory_space<vmem>>, vector<16xf32>,
      %gt3A_926 = arith.cmpf ogt, %get3A_925, %broadcast_in_dim3A_896 : vector<16xf32>
      %select_n3A_927 = arith.select %gt3A_926, %get3A_925, %broadcast_in_dim3A_896 : vector<16xi1>, vector<16xf32>
      %jit3A_928 = arith.constant 2 : i32
      %broadcast_in_dim3A_929 = vector.broadcast %jit3A_928 : i32 to vector<16xi32>
      %select_n3A_930 = arith.select %gt3A_926, %broadcast_in_dim3A_929, %broadcast_in_dim3A_904 : vector<16xi1>, vector<16xi32>
      %get3A_931 = arith.index_cast %scan3A_890 : i32 to index
      %get3A_932 = arith.constant 48 : index
      %get3A_933 = tpu.vector_load %arg4[%get3A_931, %get3A_932] {strides = array<i32>} : memref<32x1024xf32, #tpu.memory_space<vmem>>, vector<16xf32>,
      %gt3A_934 = arith.cmpf ogt, %get3A_933, %broadcast_in_dim3A_898 : vector<16xf32>
      %select_n3A_935 = arith.select %gt3A_934, %get3A_933, %broadcast_in_dim3A_898 : vector<16xi1>, vector<16xf32>
      %jit3A_936 = arith.constant 3 : i32
      %broadcast_in_dim3A_937 = vector.broadcast %jit3A_936 : i32 to vector<16xi32>
      %select_n3A_938 = arith.select %gt3A_934, %broadcast_in_dim3A_937, %broadcast_in_dim3A_906 : vector<16xi1>, vector<16xi32>
      %get3A_939 = arith.index_cast %scan3A_890 : i32 to index
      %get3A_940 = arith.constant 64 : index
      %get3A_941 = tpu.vector_load %arg4[%get3A_939, %get3A_940] {strides = array<i32>} : memref<32x1024xf32, #tpu.memory_space<vmem>>, vector<16xf32>,
      %gt3A_942 = arith.cmpf ogt, %get3A_941, %select_n3A_911 : vector<16xf32>
      %select_n3A_943 = arith.select %gt3A_942, %get3A_941, %select_n3A_911 : vector<16xi1>, vector<16xf32>
      %jit3A_944 = arith.constant 4 : i32
      %broadcast_in_dim3A_945 = vector.broadcast %jit3A_944 : i32 to vector<16xi32>
      %select_n3A_946 = arith.select %gt3A_942, %broadcast_in_dim3A_945, %select_n3A_914 : vector<16xi1>, vector<16xi32>
      %get3A_947 = arith.index_cast %scan3A_890 : i32 to index
      %get3A_948 = arith.constant 80 : index
      %get3A_949 = tpu.vector_load %arg4[%get3A_947, %get3A_948] {strides = array<i32>} : memref<32x1024xf32, #tpu.memory_space<vmem>>, vector<16xf32>,
      %gt3A_950 = arith.cmpf ogt, %get3A_949, %select_n3A_919 : vector<16xf32>
      %select_n3A_951 = arith.select %gt3A_950, %get3A_949, %select_n3A_919 : vector<16xi1>, vector<16xf32>
      %jit3A_952 = arith.constant 5 : i32
      %broadcast_in_dim3A_953 = vector.broadcast %jit3A_952 : i32 to vector<16xi32>
      %select_n3A_954 = arith.select %gt3A_950, %broadcast_in_dim3A_953, %select_n3A_922 : vector<16xi1>, vector<16xi32>
      %get3A_955 = arith.index_cast %scan3A_890 : i32 to index
      %get3A_956 = arith.constant 96 : index
      %get3A_957 = tpu.vector_load %arg4[%get3A_955, %get3A_956] {strides = array<i32>} : memref<32x1024xf32, #tpu.memory_space<vmem>>, vector<16xf32>,
      %gt3A_958 = arith.cmpf ogt, %get3A_957, %select_n3A_927 : vector<16xf32>
      %select_n3A_959 = arith.select %gt3A_958, %get3A_957, %select_n3A_927 : vector<16xi1>, vector<16xf32>
      %jit3A_960 = arith.constant 6 : i32
      %broadcast_in_dim3A_961 = vector.broadcast %jit3A_960 : i32 to vector<16xi32>
      %select_n3A_962 = arith.select %gt3A_958, %broadcast_in_dim3A_961, %select_n3A_930 : vector<16xi1>, vector<16xi32>
      %get3A_963 = arith.index_cast %scan3A_890 : i32 to index
      %get3A_964 = arith.constant 112 : index
      %get3A_965 = tpu.vector_load %arg4[%get3A_963, %get3A_964] {strides = array<i32>} : memref<32x1024xf32, #tpu.memory_space<vmem>>, vector<16xf32>,
      %gt3A_966 = arith.cmpf ogt, %get3A_965, %select_n3A_935 : vector<16xf32>
      %select_n3A_967 = arith.select %gt3A_966, %get3A_965, %select_n3A_935 : vector<16xi1>, vector<16xf32>
      %jit3A_968 = arith.constant 7 : i32
      %broadcast_in_dim3A_969 = vector.broadcast %jit3A_968 : i32 to vector<16xi32>
      %select_n3A_970 = arith.select %gt3A_966, %broadcast_in_dim3A_969, %select_n3A_938 : vector<16xi1>, vector<16xi32>
      %get3A_971 = arith.index_cast %scan3A_890 : i32 to index
      %get3A_972 = arith.constant 128 : index
      %get3A_973 = tpu.vector_load %arg4[%get3A_971, %get3A_972] {strides = array<i32>} : memref<32x1024xf32, #tpu.memory_space<vmem>>, vector<16xf32>,
      %gt3A_974 = arith.cmpf ogt, %get3A_973, %select_n3A_943 : vector<16xf32>
      %select_n3A_975 = arith.select %gt3A_974, %get3A_973, %select_n3A_943 : vector<16xi1>, vector<16xf32>
      %jit3A_976 = arith.constant 8 : i32
      %broadcast_in_dim3A_977 = vector.broadcast %jit3A_976 : i32 to vector<16xi32>
      %select_n3A_978 = arith.select %gt3A_974, %broadcast_in_dim3A_977, %select_n3A_946 : vector<16xi1>, vector<16xi32>
      %get3A_979 = arith.index_cast %scan3A_890 : i32 to index
      %get3A_980 = arith.constant 144 : index
      %get3A_981 = tpu.vector_load %arg4[%get3A_979, %get3A_980] {strides = array<i32>} : memref<32x1024xf32, #tpu.memory_space<vmem>>, vector<16xf32>,
      %gt3A_982 = arith.cmpf ogt, %get3A_981, %select_n3A_951 : vector<16xf32>
      %select_n3A_983 = arith.select %gt3A_982, %get3A_981, %select_n3A_951 : vector<16xi1>, vector<16xf32>
      %jit3A_984 = arith.constant 9 : i32
      %broadcast_in_dim3A_985 = vector.broadcast %jit3A_984 : i32 to vector<16xi32>
      %select_n3A_986 = arith.select %gt3A_982, %broadcast_in_dim3A_985, %select_n3A_954 : vector<16xi1>, vector<16xi32>
      %get3A_987 = arith.index_cast %scan3A_890 : i32 to index
      %get3A_988 = arith.constant 160 : index
      %get3A_989 = tpu.vector_load %arg4[%get3A_987, %get3A_988] {strides = array<i32>} : memref<32x1024xf32, #tpu.memory_space<vmem>>, vector<16xf32>,
      %gt3A_990 = arith.cmpf ogt, %get3A_989, %select_n3A_959 : vector<16xf32>
      %select_n3A_991 = arith.select %gt3A_990, %get3A_989, %select_n3A_959 : vector<16xi1>, vector<16xf32>
      %jit3A_992 = arith.constant 10 : i32
      %broadcast_in_dim3A_993 = vector.broadcast %jit3A_992 : i32 to vector<16xi32>
      %select_n3A_994 = arith.select %gt3A_990, %broadcast_in_dim3A_993, %select_n3A_962 : vector<16xi1>, vector<16xi32>
      %get3A_995 = arith.index_cast %scan3A_890 : i32 to index
      %get3A_996 = arith.constant 176 : index
      %get3A_997 = tpu.vector_load %arg4[%get3A_995, %get3A_996] {strides = array<i32>} : memref<32x1024xf32, #tpu.memory_space<vmem>>, vector<16xf32>,
      %gt3A_998 = arith.cmpf ogt, %get3A_997, %select_n3A_967 : vector<16xf32>
      %select_n3A_999 = arith.select %gt3A_998, %get3A_997, %select_n3A_967 : vector<16xi1>, vector<16xf32>
      %jit3A_1000 = arith.constant 11 : i32
      %broadcast_in_dim3A_1001 = vector.broadcast %jit3A_1000 : i32 to vector<16xi32>
      %select_n3A_1002 = arith.select %gt3A_998, %broadcast_in_dim3A_1001, %select_n3A_970 : vector<16xi1>, vector<16xi32>
      %get3A_1003 = arith.index_cast %scan3A_890 : i32 to index
      %get3A_1004 = arith.constant 192 : index
      %get3A_1005 = tpu.vector_load %arg4[%get3A_1003, %get3A_1004] {strides = array<i32>} : memref<32x1024xf32, #tpu.memory_space<vmem>>, vector<16xf32>,
      %gt3A_1006 = arith.cmpf ogt, %get3A_1005, %select_n3A_975 : vector<16xf32>
      %select_n3A_1007 = arith.select %gt3A_1006, %get3A_1005, %select_n3A_975 : vector<16xi1>, vector<16xf32>
      %jit3A_1008 = arith.constant 12 : i32
      %broadcast_in_dim3A_1009 = vector.broadcast %jit3A_1008 : i32 to vector<16xi32>
      %select_n3A_1010 = arith.select %gt3A_1006, %broadcast_in_dim3A_1009, %select_n3A_978 : vector<16xi1>, vector<16xi32>
      %get3A_1011 = arith.index_cast %scan3A_890 : i32 to index
      %get3A_1012 = arith.constant 208 : index
      %get3A_1013 = tpu.vector_load %arg4[%get3A_1011, %get3A_1012] {strides = array<i32>} : memref<32x1024xf32, #tpu.memory_space<vmem>>, vector<16xf32>,
      %gt3A_1014 = arith.cmpf ogt, %get3A_1013, %select_n3A_983 : vector<16xf32>
      %select_n3A_1015 = arith.select %gt3A_1014, %get3A_1013, %select_n3A_983 : vector<16xi1>, vector<16xf32>
      %jit3A_1016 = arith.constant 13 : i32
      %broadcast_in_dim3A_1017 = vector.broadcast %jit3A_1016 : i32 to vector<16xi32>
      %select_n3A_1018 = arith.select %gt3A_1014, %broadcast_in_dim3A_1017, %select_n3A_986 : vector<16xi1>, vector<16xi32>
      %get3A_1019 = arith.index_cast %scan3A_890 : i32 to index
      %get3A_1020 = arith.constant 224 : index
      %get3A_1021 = tpu.vector_load %arg4[%get3A_1019, %get3A_1020] {strides = array<i32>} : memref<32x1024xf32, #tpu.memory_space<vmem>>, vector<16xf32>,
      %gt3A_1022 = arith.cmpf ogt, %get3A_1021, %select_n3A_991 : vector<16xf32>
      %select_n3A_1023 = arith.select %gt3A_1022, %get3A_1021, %select_n3A_991 : vector<16xi1>, vector<16xf32>
      %jit3A_1024 = arith.constant 14 : i32
      %broadcast_in_dim3A_1025 = vector.broadcast %jit3A_1024 : i32 to vector<16xi32>
      %select_n3A_1026 = arith.select %gt3A_1022, %broadcast_in_dim3A_1025, %select_n3A_994 : vector<16xi1>, vector<16xi32>
      %get3A_1027 = arith.index_cast %scan3A_890 : i32 to index
      %get3A_1028 = arith.constant 240 : index
      %get3A_1029 = tpu.vector_load %arg4[%get3A_1027, %get3A_1028] {strides = array<i32>} : memref<32x1024xf32, #tpu.memory_space<vmem>>, vector<16xf32>,
      %gt3A_1030 = arith.cmpf ogt, %get3A_1029, %select_n3A_999 : vector<16xf32>
      %select_n3A_1031 = arith.select %gt3A_1030, %get3A_1029, %select_n3A_999 : vector<16xi1>, vector<16xf32>
      %jit3A_1032 = arith.constant 15 : i32
      %broadcast_in_dim3A_1033 = vector.broadcast %jit3A_1032 : i32 to vector<16xi32>
      %select_n3A_1034 = arith.select %gt3A_1030, %broadcast_in_dim3A_1033, %select_n3A_1002 : vector<16xi1>, vector<16xi32>
      %get3A_1035 = arith.index_cast %scan3A_890 : i32 to index
      %get3A_1036 = arith.constant 256 : index
      %get3A_1037 = tpu.vector_load %arg4[%get3A_1035, %get3A_1036] {strides = array<i32>} : memref<32x1024xf32, #tpu.memory_space<vmem>>, vector<16xf32>,
      %gt3A_1038 = arith.cmpf ogt, %get3A_1037, %select_n3A_1007 : vector<16xf32>
      %select_n3A_1039 = arith.select %gt3A_1038, %get3A_1037, %select_n3A_1007 : vector<16xi1>, vector<16xf32>
      %jit3A_1040 = arith.constant 16 : i32
      %broadcast_in_dim3A_1041 = vector.broadcast %jit3A_1040 : i32 to vector<16xi32>
      %select_n3A_1042 = arith.select %gt3A_1038, %broadcast_in_dim3A_1041, %select_n3A_1010 : vector<16xi1>, vector<16xi32>
      %get3A_1043 = arith.index_cast %scan3A_890 : i32 to index
      %get3A_1044 = arith.constant 272 : index
      %get3A_1045 = tpu.vector_load %arg4[%get3A_1043, %get3A_1044] {strides = array<i32>} : memref<32x1024xf32, #tpu.memory_space<vmem>>, vector<16xf32>,
      %gt3A_1046 = arith.cmpf ogt, %get3A_1045, %select_n3A_1015 : vector<16xf32>
      %select_n3A_1047 = arith.select %gt3A_1046, %get3A_1045, %select_n3A_1015 : vector<16xi1>, vector<16xf32>
      %jit3A_1048 = arith.constant 17 : i32
      %broadcast_in_dim3A_1049 = vector.broadcast %jit3A_1048 : i32 to vector<16xi32>
      %select_n3A_1050 = arith.select %gt3A_1046, %broadcast_in_dim3A_1049, %select_n3A_1018 : vector<16xi1>, vector<16xi32>
      %get3A_1051 = arith.index_cast %scan3A_890 : i32 to index
      %get3A_1052 = arith.constant 288 : index
      %get3A_1053 = tpu.vector_load %arg4[%get3A_1051, %get3A_1052] {strides = array<i32>} : memref<32x1024xf32, #tpu.memory_space<vmem>>, vector<16xf32>,
      %gt3A_1054 = arith.cmpf ogt, %get3A_1053, %select_n3A_1023 : vector<16xf32>
      %select_n3A_1055 = arith.select %gt3A_1054, %get3A_1053, %select_n3A_1023 : vector<16xi1>, vector<16xf32>
      %jit3A_1056 = arith.constant 18 : i32
      %broadcast_in_dim3A_1057 = vector.broadcast %jit3A_1056 : i32 to vector<16xi32>
      %select_n3A_1058 = arith.select %gt3A_1054, %broadcast_in_dim3A_1057, %select_n3A_1026 : vector<16xi1>, vector<16xi32>
      %get3A_1059 = arith.index_cast %scan3A_890 : i32 to index
      %get3A_1060 = arith.constant 304 : index
      %get3A_1061 = tpu.vector_load %arg4[%get3A_1059, %get3A_1060] {strides = array<i32>} : memref<32x1024xf32, #tpu.memory_space<vmem>>, vector<16xf32>,
      %gt3A_1062 = arith.cmpf ogt, %get3A_1061, %select_n3A_1031 : vector<16xf32>
      %select_n3A_1063 = arith.select %gt3A_1062, %get3A_1061, %select_n3A_1031 : vector<16xi1>, vector<16xf32>
      %jit3A_1064 = arith.constant 19 : i32
      %broadcast_in_dim3A_1065 = vector.broadcast %jit3A_1064 : i32 to vector<16xi32>
      %select_n3A_1066 = arith.select %gt3A_1062, %broadcast_in_dim3A_1065, %select_n3A_1034 : vector<16xi1>, vector<16xi32>
      %get3A_1067 = arith.index_cast %scan3A_890 : i32 to index
      %get3A_1068 = arith.constant 320 : index
      %get3A_1069 = tpu.vector_load %arg4[%get3A_1067, %get3A_1068] {strides = array<i32>} : memref<32x1024xf32, #tpu.memory_space<vmem>>, vector<16xf32>,
      %gt3A_1070 = arith.cmpf ogt, %get3A_1069, %select_n3A_1039 : vector<16xf32>
      %select_n3A_1071 = arith.select %gt3A_1070, %get3A_1069, %select_n3A_1039 : vector<16xi1>, vector<16xf32>
      %jit3A_1072 = arith.constant 20 : i32
      %broadcast_in_dim3A_1073 = vector.broadcast %jit3A_1072 : i32 to vector<16xi32>
      %select_n3A_1074 = arith.select %gt3A_1070, %broadcast_in_dim3A_1073, %select_n3A_1042 : vector<16xi1>, vector<16xi32>
      %get3A_1075 = arith.index_cast %scan3A_890 : i32 to index
      %get3A_1076 = arith.constant 336 : index
      %get3A_1077 = tpu.vector_load %arg4[%get3A_1075, %get3A_1076] {strides = array<i32>} : memref<32x1024xf32, #tpu.memory_space<vmem>>, vector<16xf32>,
      %gt3A_1078 = arith.cmpf ogt, %get3A_1077, %select_n3A_1047 : vector<16xf32>
      %select_n3A_1079 = arith.select %gt3A_1078, %get3A_1077, %select_n3A_1047 : vector<16xi1>, vector<16xf32>
      %jit3A_1080 = arith.constant 21 : i32
      %broadcast_in_dim3A_1081 = vector.broadcast %jit3A_1080 : i32 to vector<16xi32>
      %select_n3A_1082 = arith.select %gt3A_1078, %broadcast_in_dim3A_1081, %select_n3A_1050 : vector<16xi1>, vector<16xi32>
      %get3A_1083 = arith.index_cast %scan3A_890 : i32 to index
      %get3A_1084 = arith.constant 352 : index
      %get3A_1085 = tpu.vector_load %arg4[%get3A_1083, %get3A_1084] {strides = array<i32>} : memref<32x1024xf32, #tpu.memory_space<vmem>>, vector<16xf32>,
      %gt3A_1086 = arith.cmpf ogt, %get3A_1085, %select_n3A_1055 : vector<16xf32>
      %select_n3A_1087 = arith.select %gt3A_1086, %get3A_1085, %select_n3A_1055 : vector<16xi1>, vector<16xf32>
      %jit3A_1088 = arith.constant 22 : i32
      %broadcast_in_dim3A_1089 = vector.broadcast %jit3A_1088 : i32 to vector<16xi32>
      %select_n3A_1090 = arith.select %gt3A_1086, %broadcast_in_dim3A_1089, %select_n3A_1058 : vector<16xi1>, vector<16xi32>
      %get3A_1091 = arith.index_cast %scan3A_890 : i32 to index
      %get3A_1092 = arith.constant 368 : index
      %get3A_1093 = tpu.vector_load %arg4[%get3A_1091, %get3A_1092] {strides = array<i32>} : memref<32x1024xf32, #tpu.memory_space<vmem>>, vector<16xf32>,
      %gt3A_1094 = arith.cmpf ogt, %get3A_1093, %select_n3A_1063 : vector<16xf32>
      %select_n3A_1095 = arith.select %gt3A_1094, %get3A_1093, %select_n3A_1063 : vector<16xi1>, vector<16xf32>
      %jit3A_1096 = arith.constant 23 : i32
      %broadcast_in_dim3A_1097 = vector.broadcast %jit3A_1096 : i32 to vector<16xi32>
      %select_n3A_1098 = arith.select %gt3A_1094, %broadcast_in_dim3A_1097, %select_n3A_1066 : vector<16xi1>, vector<16xi32>
      %get3A_1099 = arith.index_cast %scan3A_890 : i32 to index
      %get3A_1100 = arith.constant 384 : index
      %get3A_1101 = tpu.vector_load %arg4[%get3A_1099, %get3A_1100] {strides = array<i32>} : memref<32x1024xf32, #tpu.memory_space<vmem>>, vector<16xf32>,
      %gt3A_1102 = arith.cmpf ogt, %get3A_1101, %select_n3A_1071 : vector<16xf32>
      %select_n3A_1103 = arith.select %gt3A_1102, %get3A_1101, %select_n3A_1071 : vector<16xi1>, vector<16xf32>
      %jit3A_1104 = arith.constant 24 : i32
      %broadcast_in_dim3A_1105 = vector.broadcast %jit3A_1104 : i32 to vector<16xi32>
      %select_n3A_1106 = arith.select %gt3A_1102, %broadcast_in_dim3A_1105, %select_n3A_1074 : vector<16xi1>, vector<16xi32>
      %get3A_1107 = arith.index_cast %scan3A_890 : i32 to index
      %get3A_1108 = arith.constant 400 : index
      %get3A_1109 = tpu.vector_load %arg4[%get3A_1107, %get3A_1108] {strides = array<i32>} : memref<32x1024xf32, #tpu.memory_space<vmem>>, vector<16xf32>,
      %gt3A_1110 = arith.cmpf ogt, %get3A_1109, %select_n3A_1079 : vector<16xf32>
      %select_n3A_1111 = arith.select %gt3A_1110, %get3A_1109, %select_n3A_1079 : vector<16xi1>, vector<16xf32>
      %jit3A_1112 = arith.constant 25 : i32
      %broadcast_in_dim3A_1113 = vector.broadcast %jit3A_1112 : i32 to vector<16xi32>
      %select_n3A_1114 = arith.select %gt3A_1110, %broadcast_in_dim3A_1113, %select_n3A_1082 : vector<16xi1>, vector<16xi32>
      %get3A_1115 = arith.index_cast %scan3A_890 : i32 to index
      %get3A_1116 = arith.constant 416 : index
      %get3A_1117 = tpu.vector_load %arg4[%get3A_1115, %get3A_1116] {strides = array<i32>} : memref<32x1024xf32, #tpu.memory_space<vmem>>, vector<16xf32>,
      %gt3A_1118 = arith.cmpf ogt, %get3A_1117, %select_n3A_1087 : vector<16xf32>
      %select_n3A_1119 = arith.select %gt3A_1118, %get3A_1117, %select_n3A_1087 : vector<16xi1>, vector<16xf32>
      %jit3A_1120 = arith.constant 26 : i32
      %broadcast_in_dim3A_1121 = vector.broadcast %jit3A_1120 : i32 to vector<16xi32>
      %select_n3A_1122 = arith.select %gt3A_1118, %broadcast_in_dim3A_1121, %select_n3A_1090 : vector<16xi1>, vector<16xi32>
      %get3A_1123 = arith.index_cast %scan3A_890 : i32 to index
      %get3A_1124 = arith.constant 432 : index
      %get3A_1125 = tpu.vector_load %arg4[%get3A_1123, %get3A_1124] {strides = array<i32>} : memref<32x1024xf32, #tpu.memory_space<vmem>>, vector<16xf32>,
      %gt3A_1126 = arith.cmpf ogt, %get3A_1125, %select_n3A_1095 : vector<16xf32>
      %select_n3A_1127 = arith.select %gt3A_1126, %get3A_1125, %select_n3A_1095 : vector<16xi1>, vector<16xf32>
      %jit3A_1128 = arith.constant 27 : i32
      %broadcast_in_dim3A_1129 = vector.broadcast %jit3A_1128 : i32 to vector<16xi32>
      %select_n3A_1130 = arith.select %gt3A_1126, %broadcast_in_dim3A_1129, %select_n3A_1098 : vector<16xi1>, vector<16xi32>
      %get3A_1131 = arith.index_cast %scan3A_890 : i32 to index
      %get3A_1132 = arith.constant 448 : index
      %get3A_1133 = tpu.vector_load %arg4[%get3A_1131, %get3A_1132] {strides = array<i32>} : memref<32x1024xf32, #tpu.memory_space<vmem>>, vector<16xf32>,
      %gt3A_1134 = arith.cmpf ogt, %get3A_1133, %select_n3A_1103 : vector<16xf32>
      %select_n3A_1135 = arith.select %gt3A_1134, %get3A_1133, %select_n3A_1103 : vector<16xi1>, vector<16xf32>
      %jit3A_1136 = arith.constant 28 : i32
      %broadcast_in_dim3A_1137 = vector.broadcast %jit3A_1136 : i32 to vector<16xi32>
      %select_n3A_1138 = arith.select %gt3A_1134, %broadcast_in_dim3A_1137, %select_n3A_1106 : vector<16xi1>, vector<16xi32>
      %get3A_1139 = arith.index_cast %scan3A_890 : i32 to index
      %get3A_1140 = arith.constant 464 : index
      %get3A_1141 = tpu.vector_load %arg4[%get3A_1139, %get3A_1140] {strides = array<i32>} : memref<32x1024xf32, #tpu.memory_space<vmem>>, vector<16xf32>,
      %gt3A_1142 = arith.cmpf ogt, %get3A_1141, %select_n3A_1111 : vector<16xf32>
      %select_n3A_1143 = arith.select %gt3A_1142, %get3A_1141, %select_n3A_1111 : vector<16xi1>, vector<16xf32>
      %jit3A_1144 = arith.constant 29 : i32
      %broadcast_in_dim3A_1145 = vector.broadcast %jit3A_1144 : i32 to vector<16xi32>
      %select_n3A_1146 = arith.select %gt3A_1142, %broadcast_in_dim3A_1145, %select_n3A_1114 : vector<16xi1>, vector<16xi32>
      %get3A_1147 = arith.index_cast %scan3A_890 : i32 to index
      %get3A_1148 = arith.constant 480 : index
      %get3A_1149 = tpu.vector_load %arg4[%get3A_1147, %get3A_1148] {strides = array<i32>} : memref<32x1024xf32, #tpu.memory_space<vmem>>, vector<16xf32>,
      %gt3A_1150 = arith.cmpf ogt, %get3A_1149, %select_n3A_1119 : vector<16xf32>
      %select_n3A_1151 = arith.select %gt3A_1150, %get3A_1149, %select_n3A_1119 : vector<16xi1>, vector<16xf32>
      %jit3A_1152 = arith.constant 30 : i32
      %broadcast_in_dim3A_1153 = vector.broadcast %jit3A_1152 : i32 to vector<16xi32>
      %select_n3A_1154 = arith.select %gt3A_1150, %broadcast_in_dim3A_1153, %select_n3A_1122 : vector<16xi1>, vector<16xi32>
      %get3A_1155 = arith.index_cast %scan3A_890 : i32 to index
      %get3A_1156 = arith.constant 496 : index
      %get3A_1157 = tpu.vector_load %arg4[%get3A_1155, %get3A_1156] {strides = array<i32>} : memref<32x1024xf32, #tpu.memory_space<vmem>>, vector<16xf32>,
      %gt3A_1158 = arith.cmpf ogt, %get3A_1157, %select_n3A_1127 : vector<16xf32>
      %select_n3A_1159 = arith.select %gt3A_1158, %get3A_1157, %select_n3A_1127 : vector<16xi1>, vector<16xf32>
      %jit3A_1160 = arith.constant 31 : i32
      %broadcast_in_dim3A_1161 = vector.broadcast %jit3A_1160 : i32 to vector<16xi32>
      %select_n3A_1162 = arith.select %gt3A_1158, %broadcast_in_dim3A_1161, %select_n3A_1130 : vector<16xi1>, vector<16xi32>
      %get3A_1163 = arith.index_cast %scan3A_890 : i32 to index
      %get3A_1164 = arith.constant 512 : index
      %get3A_1165 = tpu.vector_load %arg4[%get3A_1163, %get3A_1164] {strides = array<i32>} : memref<32x1024xf32, #tpu.memory_space<vmem>>, vector<16xf32>,
      %gt3A_1166 = arith.cmpf ogt, %get3A_1165, %select_n3A_1135 : vector<16xf32>
      %select_n3A_1167 = arith.select %gt3A_1166, %get3A_1165, %select_n3A_1135 : vector<16xi1>, vector<16xf32>
      %jit3A_1168 = arith.constant 32 : i32
      %broadcast_in_dim3A_1169 = vector.broadcast %jit3A_1168 : i32 to vector<16xi32>
      %select_n3A_1170 = arith.select %gt3A_1166, %broadcast_in_dim3A_1169, %select_n3A_1138 : vector<16xi1>, vector<16xi32>
      %get3A_1171 = arith.index_cast %scan3A_890 : i32 to index
      %get3A_1172 = arith.constant 528 : index
      %get3A_1173 = tpu.vector_load %arg4[%get3A_1171, %get3A_1172] {strides = array<i32>} : memref<32x1024xf32, #tpu.memory_space<vmem>>, vector<16xf32>,
      %gt3A_1174 = arith.cmpf ogt, %get3A_1173, %select_n3A_1143 : vector<16xf32>
      %select_n3A_1175 = arith.select %gt3A_1174, %get3A_1173, %select_n3A_1143 : vector<16xi1>, vector<16xf32>
      %jit3A_1176 = arith.constant 33 : i32
      %broadcast_in_dim3A_1177 = vector.broadcast %jit3A_1176 : i32 to vector<16xi32>
      %select_n3A_1178 = arith.select %gt3A_1174, %broadcast_in_dim3A_1177, %select_n3A_1146 : vector<16xi1>, vector<16xi32>
      %get3A_1179 = arith.index_cast %scan3A_890 : i32 to index
      %get3A_1180 = arith.constant 544 : index
      %get3A_1181 = tpu.vector_load %arg4[%get3A_1179, %get3A_1180] {strides = array<i32>} : memref<32x1024xf32, #tpu.memory_space<vmem>>, vector<16xf32>,
      %gt3A_1182 = arith.cmpf ogt, %get3A_1181, %select_n3A_1151 : vector<16xf32>
      %select_n3A_1183 = arith.select %gt3A_1182, %get3A_1181, %select_n3A_1151 : vector<16xi1>, vector<16xf32>
      %jit3A_1184 = arith.constant 34 : i32
      %broadcast_in_dim3A_1185 = vector.broadcast %jit3A_1184 : i32 to vector<16xi32>
      %select_n3A_1186 = arith.select %gt3A_1182, %broadcast_in_dim3A_1185, %select_n3A_1154 : vector<16xi1>, vector<16xi32>
      %get3A_1187 = arith.index_cast %scan3A_890 : i32 to index
      %get3A_1188 = arith.constant 560 : index
      %get3A_1189 = tpu.vector_load %arg4[%get3A_1187, %get3A_1188] {strides = array<i32>} : memref<32x1024xf32, #tpu.memory_space<vmem>>, vector<16xf32>,
      %gt3A_1190 = arith.cmpf ogt, %get3A_1189, %select_n3A_1159 : vector<16xf32>
      %select_n3A_1191 = arith.select %gt3A_1190, %get3A_1189, %select_n3A_1159 : vector<16xi1>, vector<16xf32>
      %jit3A_1192 = arith.constant 35 : i32
      %broadcast_in_dim3A_1193 = vector.broadcast %jit3A_1192 : i32 to vector<16xi32>
      %select_n3A_1194 = arith.select %gt3A_1190, %broadcast_in_dim3A_1193, %select_n3A_1162 : vector<16xi1>, vector<16xi32>
      %get3A_1195 = arith.index_cast %scan3A_890 : i32 to index
      %get3A_1196 = arith.constant 576 : index
      %get3A_1197 = tpu.vector_load %arg4[%get3A_1195, %get3A_1196] {strides = array<i32>} : memref<32x1024xf32, #tpu.memory_space<vmem>>, vector<16xf32>,
      %gt3A_1198 = arith.cmpf ogt, %get3A_1197, %select_n3A_1167 : vector<16xf32>
      %select_n3A_1199 = arith.select %gt3A_1198, %get3A_1197, %select_n3A_1167 : vector<16xi1>, vector<16xf32>
      %jit3A_1200 = arith.constant 36 : i32
      %broadcast_in_dim3A_1201 = vector.broadcast %jit3A_1200 : i32 to vector<16xi32>
      %select_n3A_1202 = arith.select %gt3A_1198, %broadcast_in_dim3A_1201, %select_n3A_1170 : vector<16xi1>, vector<16xi32>
      %get3A_1203 = arith.index_cast %scan3A_890 : i32 to index
      %get3A_1204 = arith.constant 592 : index
      %get3A_1205 = tpu.vector_load %arg4[%get3A_1203, %get3A_1204] {strides = array<i32>} : memref<32x1024xf32, #tpu.memory_space<vmem>>, vector<16xf32>,
      %gt3A_1206 = arith.cmpf ogt, %get3A_1205, %select_n3A_1175 : vector<16xf32>
      %select_n3A_1207 = arith.select %gt3A_1206, %get3A_1205, %select_n3A_1175 : vector<16xi1>, vector<16xf32>
      %jit3A_1208 = arith.constant 37 : i32
      %broadcast_in_dim3A_1209 = vector.broadcast %jit3A_1208 : i32 to vector<16xi32>
      %select_n3A_1210 = arith.select %gt3A_1206, %broadcast_in_dim3A_1209, %select_n3A_1178 : vector<16xi1>, vector<16xi32>
      %get3A_1211 = arith.index_cast %scan3A_890 : i32 to index
      %get3A_1212 = arith.constant 608 : index
      %get3A_1213 = tpu.vector_load %arg4[%get3A_1211, %get3A_1212] {strides = array<i32>} : memref<32x1024xf32, #tpu.memory_space<vmem>>, vector<16xf32>,
      %gt3A_1214 = arith.cmpf ogt, %get3A_1213, %select_n3A_1183 : vector<16xf32>
      %select_n3A_1215 = arith.select %gt3A_1214, %get3A_1213, %select_n3A_1183 : vector<16xi1>, vector<16xf32>
      %jit3A_1216 = arith.constant 38 : i32
      %broadcast_in_dim3A_1217 = vector.broadcast %jit3A_1216 : i32 to vector<16xi32>
      %select_n3A_1218 = arith.select %gt3A_1214, %broadcast_in_dim3A_1217, %select_n3A_1186 : vector<16xi1>, vector<16xi32>
      %get3A_1219 = arith.index_cast %scan3A_890 : i32 to index
      %get3A_1220 = arith.constant 624 : index
      %get3A_1221 = tpu.vector_load %arg4[%get3A_1219, %get3A_1220] {strides = array<i32>} : memref<32x1024xf32, #tpu.memory_space<vmem>>, vector<16xf32>,
      %gt3A_1222 = arith.cmpf ogt, %get3A_1221, %select_n3A_1191 : vector<16xf32>
      %select_n3A_1223 = arith.select %gt3A_1222, %get3A_1221, %select_n3A_1191 : vector<16xi1>, vector<16xf32>
      %jit3A_1224 = arith.constant 39 : i32
      %broadcast_in_dim3A_1225 = vector.broadcast %jit3A_1224 : i32 to vector<16xi32>
      %select_n3A_1226 = arith.select %gt3A_1222, %broadcast_in_dim3A_1225, %select_n3A_1194 : vector<16xi1>, vector<16xi32>
      %get3A_1227 = arith.index_cast %scan3A_890 : i32 to index
      %get3A_1228 = arith.constant 640 : index
      %get3A_1229 = tpu.vector_load %arg4[%get3A_1227, %get3A_1228] {strides = array<i32>} : memref<32x1024xf32, #tpu.memory_space<vmem>>, vector<16xf32>,
      %gt3A_1230 = arith.cmpf ogt, %get3A_1229, %select_n3A_1199 : vector<16xf32>
      %select_n3A_1231 = arith.select %gt3A_1230, %get3A_1229, %select_n3A_1199 : vector<16xi1>, vector<16xf32>
      %jit3A_1232 = arith.constant 40 : i32
      %broadcast_in_dim3A_1233 = vector.broadcast %jit3A_1232 : i32 to vector<16xi32>
      %select_n3A_1234 = arith.select %gt3A_1230, %broadcast_in_dim3A_1233, %select_n3A_1202 : vector<16xi1>, vector<16xi32>
      %get3A_1235 = arith.index_cast %scan3A_890 : i32 to index
      %get3A_1236 = arith.constant 656 : index
      %get3A_1237 = tpu.vector_load %arg4[%get3A_1235, %get3A_1236] {strides = array<i32>} : memref<32x1024xf32, #tpu.memory_space<vmem>>, vector<16xf32>,
      %gt3A_1238 = arith.cmpf ogt, %get3A_1237, %select_n3A_1207 : vector<16xf32>
      %select_n3A_1239 = arith.select %gt3A_1238, %get3A_1237, %select_n3A_1207 : vector<16xi1>, vector<16xf32>
      %jit3A_1240 = arith.constant 41 : i32
      %broadcast_in_dim3A_1241 = vector.broadcast %jit3A_1240 : i32 to vector<16xi32>
      %select_n3A_1242 = arith.select %gt3A_1238, %broadcast_in_dim3A_1241, %select_n3A_1210 : vector<16xi1>, vector<16xi32>
      %get3A_1243 = arith.index_cast %scan3A_890 : i32 to index
      %get3A_1244 = arith.constant 672 : index
      %get3A_1245 = tpu.vector_load %arg4[%get3A_1243, %get3A_1244] {strides = array<i32>} : memref<32x1024xf32, #tpu.memory_space<vmem>>, vector<16xf32>,
      %gt3A_1246 = arith.cmpf ogt, %get3A_1245, %select_n3A_1215 : vector<16xf32>
      %select_n3A_1247 = arith.select %gt3A_1246, %get3A_1245, %select_n3A_1215 : vector<16xi1>, vector<16xf32>
      %jit3A_1248 = arith.constant 42 : i32
      %broadcast_in_dim3A_1249 = vector.broadcast %jit3A_1248 : i32 to vector<16xi32>
      %select_n3A_1250 = arith.select %gt3A_1246, %broadcast_in_dim3A_1249, %select_n3A_1218 : vector<16xi1>, vector<16xi32>
      %get3A_1251 = arith.index_cast %scan3A_890 : i32 to index
      %get3A_1252 = arith.constant 688 : index
      %get3A_1253 = tpu.vector_load %arg4[%get3A_1251, %get3A_1252] {strides = array<i32>} : memref<32x1024xf32, #tpu.memory_space<vmem>>, vector<16xf32>,
      %gt3A_1254 = arith.cmpf ogt, %get3A_1253, %select_n3A_1223 : vector<16xf32>
      %select_n3A_1255 = arith.select %gt3A_1254, %get3A_1253, %select_n3A_1223 : vector<16xi1>, vector<16xf32>
      %jit3A_1256 = arith.constant 43 : i32
      %broadcast_in_dim3A_1257 = vector.broadcast %jit3A_1256 : i32 to vector<16xi32>
      %select_n3A_1258 = arith.select %gt3A_1254, %broadcast_in_dim3A_1257, %select_n3A_1226 : vector<16xi1>, vector<16xi32>
      %get3A_1259 = arith.index_cast %scan3A_890 : i32 to index
      %get3A_1260 = arith.constant 704 : index
      %get3A_1261 = tpu.vector_load %arg4[%get3A_1259, %get3A_1260] {strides = array<i32>} : memref<32x1024xf32, #tpu.memory_space<vmem>>, vector<16xf32>,
      %gt3A_1262 = arith.cmpf ogt, %get3A_1261, %select_n3A_1231 : vector<16xf32>
      %select_n3A_1263 = arith.select %gt3A_1262, %get3A_1261, %select_n3A_1231 : vector<16xi1>, vector<16xf32>
      %jit3A_1264 = arith.constant 44 : i32
      %broadcast_in_dim3A_1265 = vector.broadcast %jit3A_1264 : i32 to vector<16xi32>
      %select_n3A_1266 = arith.select %gt3A_1262, %broadcast_in_dim3A_1265, %select_n3A_1234 : vector<16xi1>, vector<16xi32>
      %get3A_1267 = arith.index_cast %scan3A_890 : i32 to index
      %get3A_1268 = arith.constant 720 : index
      %get3A_1269 = tpu.vector_load %arg4[%get3A_1267, %get3A_1268] {strides = array<i32>} : memref<32x1024xf32, #tpu.memory_space<vmem>>, vector<16xf32>,
      %gt3A_1270 = arith.cmpf ogt, %get3A_1269, %select_n3A_1239 : vector<16xf32>
      %select_n3A_1271 = arith.select %gt3A_1270, %get3A_1269, %select_n3A_1239 : vector<16xi1>, vector<16xf32>
      %jit3A_1272 = arith.constant 45 : i32
      %broadcast_in_dim3A_1273 = vector.broadcast %jit3A_1272 : i32 to vector<16xi32>
      %select_n3A_1274 = arith.select %gt3A_1270, %broadcast_in_dim3A_1273, %select_n3A_1242 : vector<16xi1>, vector<16xi32>
      %get3A_1275 = arith.index_cast %scan3A_890 : i32 to index
      %get3A_1276 = arith.constant 736 : index
      %get3A_1277 = tpu.vector_load %arg4[%get3A_1275, %get3A_1276] {strides = array<i32>} : memref<32x1024xf32, #tpu.memory_space<vmem>>, vector<16xf32>,
      %gt3A_1278 = arith.cmpf ogt, %get3A_1277, %select_n3A_1247 : vector<16xf32>
      %select_n3A_1279 = arith.select %gt3A_1278, %get3A_1277, %select_n3A_1247 : vector<16xi1>, vector<16xf32>
      %jit3A_1280 = arith.constant 46 : i32
      %broadcast_in_dim3A_1281 = vector.broadcast %jit3A_1280 : i32 to vector<16xi32>
      %select_n3A_1282 = arith.select %gt3A_1278, %broadcast_in_dim3A_1281, %select_n3A_1250 : vector<16xi1>, vector<16xi32>
      %get3A_1283 = arith.index_cast %scan3A_890 : i32 to index
      %get3A_1284 = arith.constant 752 : index
      %get3A_1285 = tpu.vector_load %arg4[%get3A_1283, %get3A_1284] {strides = array<i32>} : memref<32x1024xf32, #tpu.memory_space<vmem>>, vector<16xf32>,
      %gt3A_1286 = arith.cmpf ogt, %get3A_1285, %select_n3A_1255 : vector<16xf32>
      %select_n3A_1287 = arith.select %gt3A_1286, %get3A_1285, %select_n3A_1255 : vector<16xi1>, vector<16xf32>
      %jit3A_1288 = arith.constant 47 : i32
      %broadcast_in_dim3A_1289 = vector.broadcast %jit3A_1288 : i32 to vector<16xi32>
      %select_n3A_1290 = arith.select %gt3A_1286, %broadcast_in_dim3A_1289, %select_n3A_1258 : vector<16xi1>, vector<16xi32>
      %get3A_1291 = arith.index_cast %scan3A_890 : i32 to index
      %get3A_1292 = arith.constant 768 : index
      %get3A_1293 = tpu.vector_load %arg4[%get3A_1291, %get3A_1292] {strides = array<i32>} : memref<32x1024xf32, #tpu.memory_space<vmem>>, vector<16xf32>,
      %gt3A_1294 = arith.cmpf ogt, %get3A_1293, %select_n3A_1263 : vector<16xf32>
      %select_n3A_1295 = arith.select %gt3A_1294, %get3A_1293, %select_n3A_1263 : vector<16xi1>, vector<16xf32>
      %jit3A_1296 = arith.constant 48 : i32
      %broadcast_in_dim3A_1297 = vector.broadcast %jit3A_1296 : i32 to vector<16xi32>
      %select_n3A_1298 = arith.select %gt3A_1294, %broadcast_in_dim3A_1297, %select_n3A_1266 : vector<16xi1>, vector<16xi32>
      %get3A_1299 = arith.index_cast %scan3A_890 : i32 to index
      %get3A_1300 = arith.constant 784 : index
      %get3A_1301 = tpu.vector_load %arg4[%get3A_1299, %get3A_1300] {strides = array<i32>} : memref<32x1024xf32, #tpu.memory_space<vmem>>, vector<16xf32>,
      %gt3A_1302 = arith.cmpf ogt, %get3A_1301, %select_n3A_1271 : vector<16xf32>
      %select_n3A_1303 = arith.select %gt3A_1302, %get3A_1301, %select_n3A_1271 : vector<16xi1>, vector<16xf32>
      %jit3A_1304 = arith.constant 49 : i32
      %broadcast_in_dim3A_1305 = vector.broadcast %jit3A_1304 : i32 to vector<16xi32>
      %select_n3A_1306 = arith.select %gt3A_1302, %broadcast_in_dim3A_1305, %select_n3A_1274 : vector<16xi1>, vector<16xi32>
      %get3A_1307 = arith.index_cast %scan3A_890 : i32 to index
      %get3A_1308 = arith.constant 800 : index
      %get3A_1309 = tpu.vector_load %arg4[%get3A_1307, %get3A_1308] {strides = array<i32>} : memref<32x1024xf32, #tpu.memory_space<vmem>>, vector<16xf32>,
      %gt3A_1310 = arith.cmpf ogt, %get3A_1309, %select_n3A_1279 : vector<16xf32>
      %select_n3A_1311 = arith.select %gt3A_1310, %get3A_1309, %select_n3A_1279 : vector<16xi1>, vector<16xf32>
      %jit3A_1312 = arith.constant 50 : i32
      %broadcast_in_dim3A_1313 = vector.broadcast %jit3A_1312 : i32 to vector<16xi32>
      %select_n3A_1314 = arith.select %gt3A_1310, %broadcast_in_dim3A_1313, %select_n3A_1282 : vector<16xi1>, vector<16xi32>
      %get3A_1315 = arith.index_cast %scan3A_890 : i32 to index
      %get3A_1316 = arith.constant 816 : index
      %get3A_1317 = tpu.vector_load %arg4[%get3A_1315, %get3A_1316] {strides = array<i32>} : memref<32x1024xf32, #tpu.memory_space<vmem>>, vector<16xf32>,
      %gt3A_1318 = arith.cmpf ogt, %get3A_1317, %select_n3A_1287 : vector<16xf32>
      %select_n3A_1319 = arith.select %gt3A_1318, %get3A_1317, %select_n3A_1287 : vector<16xi1>, vector<16xf32>
      %jit3A_1320 = arith.constant 51 : i32
      %broadcast_in_dim3A_1321 = vector.broadcast %jit3A_1320 : i32 to vector<16xi32>
      %select_n3A_1322 = arith.select %gt3A_1318, %broadcast_in_dim3A_1321, %select_n3A_1290 : vector<16xi1>, vector<16xi32>
      %get3A_1323 = arith.index_cast %scan3A_890 : i32 to index
      %get3A_1324 = arith.constant 832 : index
      %get3A_1325 = tpu.vector_load %arg4[%get3A_1323, %get3A_1324] {strides = array<i32>} : memref<32x1024xf32, #tpu.memory_space<vmem>>, vector<16xf32>,
      %gt3A_1326 = arith.cmpf ogt, %get3A_1325, %select_n3A_1295 : vector<16xf32>
      %select_n3A_1327 = arith.select %gt3A_1326, %get3A_1325, %select_n3A_1295 : vector<16xi1>, vector<16xf32>
      %jit3A_1328 = arith.constant 52 : i32
      %broadcast_in_dim3A_1329 = vector.broadcast %jit3A_1328 : i32 to vector<16xi32>
      %select_n3A_1330 = arith.select %gt3A_1326, %broadcast_in_dim3A_1329, %select_n3A_1298 : vector<16xi1>, vector<16xi32>
      %get3A_1331 = arith.index_cast %scan3A_890 : i32 to index
      %get3A_1332 = arith.constant 848 : index
      %get3A_1333 = tpu.vector_load %arg4[%get3A_1331, %get3A_1332] {strides = array<i32>} : memref<32x1024xf32, #tpu.memory_space<vmem>>, vector<16xf32>,
      %gt3A_1334 = arith.cmpf ogt, %get3A_1333, %select_n3A_1303 : vector<16xf32>
      %select_n3A_1335 = arith.select %gt3A_1334, %get3A_1333, %select_n3A_1303 : vector<16xi1>, vector<16xf32>
      %jit3A_1336 = arith.constant 53 : i32
      %broadcast_in_dim3A_1337 = vector.broadcast %jit3A_1336 : i32 to vector<16xi32>
      %select_n3A_1338 = arith.select %gt3A_1334, %broadcast_in_dim3A_1337, %select_n3A_1306 : vector<16xi1>, vector<16xi32>
      %get3A_1339 = arith.index_cast %scan3A_890 : i32 to index
      %get3A_1340 = arith.constant 864 : index
      %get3A_1341 = tpu.vector_load %arg4[%get3A_1339, %get3A_1340] {strides = array<i32>} : memref<32x1024xf32, #tpu.memory_space<vmem>>, vector<16xf32>,
      %gt3A_1342 = arith.cmpf ogt, %get3A_1341, %select_n3A_1311 : vector<16xf32>
      %select_n3A_1343 = arith.select %gt3A_1342, %get3A_1341, %select_n3A_1311 : vector<16xi1>, vector<16xf32>
      %jit3A_1344 = arith.constant 54 : i32
      %broadcast_in_dim3A_1345 = vector.broadcast %jit3A_1344 : i32 to vector<16xi32>
      %select_n3A_1346 = arith.select %gt3A_1342, %broadcast_in_dim3A_1345, %select_n3A_1314 : vector<16xi1>, vector<16xi32>
      %get3A_1347 = arith.index_cast %scan3A_890 : i32 to index
      %get3A_1348 = arith.constant 880 : index
      %get3A_1349 = tpu.vector_load %arg4[%get3A_1347, %get3A_1348] {strides = array<i32>} : memref<32x1024xf32, #tpu.memory_space<vmem>>, vector<16xf32>,
      %gt3A_1350 = arith.cmpf ogt, %get3A_1349, %select_n3A_1319 : vector<16xf32>
      %select_n3A_1351 = arith.select %gt3A_1350, %get3A_1349, %select_n3A_1319 : vector<16xi1>, vector<16xf32>
      %jit3A_1352 = arith.constant 55 : i32
      %broadcast_in_dim3A_1353 = vector.broadcast %jit3A_1352 : i32 to vector<16xi32>
      %select_n3A_1354 = arith.select %gt3A_1350, %broadcast_in_dim3A_1353, %select_n3A_1322 : vector<16xi1>, vector<16xi32>
      %get3A_1355 = arith.index_cast %scan3A_890 : i32 to index
      %get3A_1356 = arith.constant 896 : index
      %get3A_1357 = tpu.vector_load %arg4[%get3A_1355, %get3A_1356] {strides = array<i32>} : memref<32x1024xf32, #tpu.memory_space<vmem>>, vector<16xf32>,
      %gt3A_1358 = arith.cmpf ogt, %get3A_1357, %select_n3A_1327 : vector<16xf32>
      %select_n3A_1359 = arith.select %gt3A_1358, %get3A_1357, %select_n3A_1327 : vector<16xi1>, vector<16xf32>
      %jit3A_1360 = arith.constant 56 : i32
      %broadcast_in_dim3A_1361 = vector.broadcast %jit3A_1360 : i32 to vector<16xi32>
      %select_n3A_1362 = arith.select %gt3A_1358, %broadcast_in_dim3A_1361, %select_n3A_1330 : vector<16xi1>, vector<16xi32>
      %get3A_1363 = arith.index_cast %scan3A_890 : i32 to index
      %get3A_1364 = arith.constant 912 : index
      %get3A_1365 = tpu.vector_load %arg4[%get3A_1363, %get3A_1364] {strides = array<i32>} : memref<32x1024xf32, #tpu.memory_space<vmem>>, vector<16xf32>,
      %gt3A_1366 = arith.cmpf ogt, %get3A_1365, %select_n3A_1335 : vector<16xf32>
      %select_n3A_1367 = arith.select %gt3A_1366, %get3A_1365, %select_n3A_1335 : vector<16xi1>, vector<16xf32>
      %jit3A_1368 = arith.constant 57 : i32
      %broadcast_in_dim3A_1369 = vector.broadcast %jit3A_1368 : i32 to vector<16xi32>
      %select_n3A_1370 = arith.select %gt3A_1366, %broadcast_in_dim3A_1369, %select_n3A_1338 : vector<16xi1>, vector<16xi32>
      %get3A_1371 = arith.index_cast %scan3A_890 : i32 to index
      %get3A_1372 = arith.constant 928 : index
      %get3A_1373 = tpu.vector_load %arg4[%get3A_1371, %get3A_1372] {strides = array<i32>} : memref<32x1024xf32, #tpu.memory_space<vmem>>, vector<16xf32>,
      %gt3A_1374 = arith.cmpf ogt, %get3A_1373, %select_n3A_1343 : vector<16xf32>
      %select_n3A_1375 = arith.select %gt3A_1374, %get3A_1373, %select_n3A_1343 : vector<16xi1>, vector<16xf32>
      %jit3A_1376 = arith.constant 58 : i32
      %broadcast_in_dim3A_1377 = vector.broadcast %jit3A_1376 : i32 to vector<16xi32>
      %select_n3A_1378 = arith.select %gt3A_1374, %broadcast_in_dim3A_1377, %select_n3A_1346 : vector<16xi1>, vector<16xi32>
      %get3A_1379 = arith.index_cast %scan3A_890 : i32 to index
      %get3A_1380 = arith.constant 944 : index
      %get3A_1381 = tpu.vector_load %arg4[%get3A_1379, %get3A_1380] {strides = array<i32>} : memref<32x1024xf32, #tpu.memory_space<vmem>>, vector<16xf32>,
      %gt3A_1382 = arith.cmpf ogt, %get3A_1381, %select_n3A_1351 : vector<16xf32>
      %select_n3A_1383 = arith.select %gt3A_1382, %get3A_1381, %select_n3A_1351 : vector<16xi1>, vector<16xf32>
      %jit3A_1384 = arith.constant 59 : i32
      %broadcast_in_dim3A_1385 = vector.broadcast %jit3A_1384 : i32 to vector<16xi32>
      %select_n3A_1386 = arith.select %gt3A_1382, %broadcast_in_dim3A_1385, %select_n3A_1354 : vector<16xi1>, vector<16xi32>
      %get3A_1387 = arith.index_cast %scan3A_890 : i32 to index
      %get3A_1388 = arith.constant 960 : index
      %get3A_1389 = tpu.vector_load %arg4[%get3A_1387, %get3A_1388] {strides = array<i32>} : memref<32x1024xf32, #tpu.memory_space<vmem>>, vector<16xf32>,
      %gt3A_1390 = arith.cmpf ogt, %get3A_1389, %select_n3A_1359 : vector<16xf32>
      %select_n3A_1391 = arith.select %gt3A_1390, %get3A_1389, %select_n3A_1359 : vector<16xi1>, vector<16xf32>
      %jit3A_1392 = arith.constant 60 : i32
      %broadcast_in_dim3A_1393 = vector.broadcast %jit3A_1392 : i32 to vector<16xi32>
      %select_n3A_1394 = arith.select %gt3A_1390, %broadcast_in_dim3A_1393, %select_n3A_1362 : vector<16xi1>, vector<16xi32>
      %get3A_1395 = arith.index_cast %scan3A_890 : i32 to index
      %get3A_1396 = arith.constant 976 : index
      %get3A_1397 = tpu.vector_load %arg4[%get3A_1395, %get3A_1396] {strides = array<i32>} : memref<32x1024xf32, #tpu.memory_space<vmem>>, vector<16xf32>,
      %gt3A_1398 = arith.cmpf ogt, %get3A_1397, %select_n3A_1367 : vector<16xf32>
      %select_n3A_1399 = arith.select %gt3A_1398, %get3A_1397, %select_n3A_1367 : vector<16xi1>, vector<16xf32>
      %jit3A_1400 = arith.constant 61 : i32
      %broadcast_in_dim3A_1401 = vector.broadcast %jit3A_1400 : i32 to vector<16xi32>
      %select_n3A_1402 = arith.select %gt3A_1398, %broadcast_in_dim3A_1401, %select_n3A_1370 : vector<16xi1>, vector<16xi32>
      %get3A_1403 = arith.index_cast %scan3A_890 : i32 to index
      %get3A_1404 = arith.constant 992 : index
      %get3A_1405 = tpu.vector_load %arg4[%get3A_1403, %get3A_1404] {strides = array<i32>} : memref<32x1024xf32, #tpu.memory_space<vmem>>, vector<16xf32>,
      %gt3A_1406 = arith.cmpf ogt, %get3A_1405, %select_n3A_1375 : vector<16xf32>
      %select_n3A_1407 = arith.select %gt3A_1406, %get3A_1405, %select_n3A_1375 : vector<16xi1>, vector<16xf32>
      %jit3A_1408 = arith.constant 62 : i32
      %broadcast_in_dim3A_1409 = vector.broadcast %jit3A_1408 : i32 to vector<16xi32>
      %select_n3A_1410 = arith.select %gt3A_1406, %broadcast_in_dim3A_1409, %select_n3A_1378 : vector<16xi1>, vector<16xi32>
      %get3A_1411 = arith.index_cast %scan3A_890 : i32 to index
      %get3A_1412 = arith.constant 1008 : index
      %get3A_1413 = tpu.vector_load %arg4[%get3A_1411, %get3A_1412] {strides = array<i32>} : memref<32x1024xf32, #tpu.memory_space<vmem>>, vector<16xf32>,
      %gt3A_1414 = arith.cmpf ogt, %get3A_1413, %select_n3A_1383 : vector<16xf32>
      %select_n3A_1415 = arith.select %gt3A_1414, %get3A_1413, %select_n3A_1383 : vector<16xi1>, vector<16xf32>
      %jit3A_1416 = arith.constant 63 : i32
      %broadcast_in_dim3A_1417 = vector.broadcast %jit3A_1416 : i32 to vector<16xi32>
      %select_n3A_1418 = arith.select %gt3A_1414, %broadcast_in_dim3A_1417, %select_n3A_1386 : vector<16xi1>, vector<16xi32>
      %mul3A_1419 = arith.constant 16 : i32
      %mul3A_1420 = vector.broadcast %mul3A_1419 : i32 to vector<16xi32>
      %mul3A_1421 = arith.muli %select_n3A_1394, %mul3A_1420 : vector<16xi32>
      %add3A_1422 = arith.addi %mul3A_1421, %iota3A : vector<16xi32>
      %mul3A_1423 = arith.constant 16 : i32
      %mul3A_1424 = vector.broadcast %mul3A_1423 : i32 to vector<16xi32>
      %mul3A_1425 = arith.muli %select_n3A_1402, %mul3A_1424 : vector<16xi32>
      %add3A_1426 = arith.addi %mul3A_1425, %iota3A : vector<16xi32>
      %mul3A_1427 = arith.constant 16 : i32
      %mul3A_1428 = vector.broadcast %mul3A_1427 : i32 to vector<16xi32>
      %mul3A_1429 = arith.muli %select_n3A_1410, %mul3A_1428 : vector<16xi32>
      %add3A_1430 = arith.addi %mul3A_1429, %iota3A : vector<16xi32>
      %mul3A_1431 = arith.constant 16 : i32
      %mul3A_1432 = vector.broadcast %mul3A_1431 : i32 to vector<16xi32>
      %mul3A_1433 = arith.muli %select_n3A_1418, %mul3A_1432 : vector<16xi32>
      %add3A_1434 = arith.addi %mul3A_1433, %iota3A : vector<16xi32>
      %gt3A_1435 = arith.cmpf ogt, %select_n3A_1399, %select_n3A_1391 : vector<16xf32>
      %eq3A_1436 = arith.cmpf oeq, %select_n3A_1399, %select_n3A_1391 : vector<16xf32>
      %lt3A_1437 = arith.cmpi slt, %add3A_1426, %add3A_1422 : vector<16xi32>
      %and3A_1438 = arith.andi %eq3A_1436, %lt3A_1437 : vector<16xi1>
      %or3A_1439 = arith.ori %gt3A_1435, %and3A_1438 : vector<16xi1>
      %select_n3A_1440 = arith.select %or3A_1439, %select_n3A_1399, %select_n3A_1391 : vector<16xi1>, vector<16xf32>
      %select_n3A_1441 = arith.select %or3A_1439, %add3A_1426, %add3A_1422 : vector<16xi1>, vector<16xi32>
      %gt3A_1442 = arith.cmpf ogt, %select_n3A_1415, %select_n3A_1407 : vector<16xf32>
      %eq3A_1443 = arith.cmpf oeq, %select_n3A_1415, %select_n3A_1407 : vector<16xf32>
      %lt3A_1444 = arith.cmpi slt, %add3A_1434, %add3A_1430 : vector<16xi32>
      %and3A_1445 = arith.andi %eq3A_1443, %lt3A_1444 : vector<16xi1>
      %or3A_1446 = arith.ori %gt3A_1442, %and3A_1445 : vector<16xi1>
      %select_n3A_1447 = arith.select %or3A_1446, %select_n3A_1415, %select_n3A_1407 : vector<16xi1>, vector<16xf32>
      %select_n3A_1448 = arith.select %or3A_1446, %add3A_1434, %add3A_1430 : vector<16xi1>, vector<16xi32>
      %gt3A_1449 = arith.cmpf ogt, %select_n3A_1447, %select_n3A_1440 : vector<16xf32>
      %eq3A_1450 = arith.cmpf oeq, %select_n3A_1447, %select_n3A_1440 : vector<16xf32>
      %lt3A_1451 = arith.cmpi slt, %select_n3A_1448, %select_n3A_1441 : vector<16xi32>
      %and3A_1452 = arith.andi %eq3A_1450, %lt3A_1451 : vector<16xi1>
      %or3A_1453 = arith.ori %gt3A_1449, %and3A_1452 : vector<16xi1>
      %select_n3A_1454 = arith.select %or3A_1453, %select_n3A_1447, %select_n3A_1440 : vector<16xi1>, vector<16xf32>
      %select_n3A_1455 = arith.select %or3A_1453, %select_n3A_1448, %select_n3A_1441 : vector<16xi1>, vector<16xi32>
      %reduce_max3A_1456 = arith.constant true
      %reduce_max3A_1457 = vector.broadcast %reduce_max3A_1456 : i1 to vector<16xi1>
      %reduce_max3A_1458 = tpu.scan <max>, %select_n3A_1454 masked %reduce_max3A_1457 : vector<16xf32>, vector<16xi1> -> vector<16xf32>
      %reduce_max3A_1459 = vector.extract %reduce_max3A_1458[15] : f32 from vector<16xf32>
      %eq3A_1460 = vector.broadcast %reduce_max3A_1459 : f32 to vector<16xf32>
      %eq3A_1461 = arith.cmpf oeq, %select_n3A_1454, %eq3A_1460 : vector<16xf32>
      %jit3A_1462 = arith.constant 2147483647 : i32
      %broadcast_in_dim3A_1463 = vector.broadcast %jit3A_1462 : i32 to vector<16xi32>
      %select_n3A_1464 = arith.select %eq3A_1461, %select_n3A_1455, %broadcast_in_dim3A_1463 : vector<16xi1>, vector<16xi32>
      %reduce_min3A_1465 = arith.constant true
      %reduce_min3A_1466 = vector.broadcast %reduce_min3A_1465 : i1 to vector<16xi1>
      %reduce_min3A_1467 = arith.constant -2147483648 : i32
      %reduce_min3A_1468 = vector.broadcast %reduce_min3A_1467 : i32 to vector<16xi32>
      %reduce_min3A_1469 = arith.xori %select_n3A_1464, %reduce_min3A_1468 : vector<16xi32>
      %reduce_min3A_1470 = tpu.scan <min>, %reduce_min3A_1469 masked %reduce_min3A_1466 : vector<16xi32>, vector<16xi1> -> vector<16xi32>
      %reduce_min3A_1471 = arith.xori %reduce_min3A_1470, %reduce_min3A_1468 : vector<16xi32>
      %reduce_min3A_1472 = vector.extract %reduce_min3A_1471[15] : i32 from vector<16xi32>
      %add3A_1473 = arith.constant 65 : i32
      %add3A_1474 = arith.addi %add3A_1473, %scan3A_890 : i32
      %add3A_1475 = vector.broadcast %add3A_1474 : i32 to vector<16xi32>
      %add3A_1476 = arith.addi %broadcast_in_dim3A_664, %add3A_1475 : vector<16xi32>
      %add3A_1477 = vector.broadcast %reduce_min3A_1472 : i32 to vector<16xi32>
      %add3A_1478 = arith.addi %broadcast_in_dim3A_664, %add3A_1477 : vector<16xi32>
      tpu.vector_store_idx %arg7[%add3A_1476], %add3A_1478 masked %eq3A_667 : memref<129xi32, #tpu.memory_space<vmem>>[vector<16xi32>], vector<16xi32>, vector<16xi1>
    }
    %scan3A_714 = arith.constant 32 : i32
    %dma_wait3A_715 = arith.constant 0 : i32
    %dma_wait3A_716 = tpu.memref_slice %arg2[%add3A_700, %dma_wait3A_715] : memref<4096x1024xf32, #tpu.memory_space<hbm>> -> memref<32x1024xf32, #tpu.memory_space<hbm>>
    %dma_wait3A_717 = arith.constant 0 : i32
    %dma_wait3A_718 = tpu.memref_slice %arg2[%add3A_700, %dma_wait3A_717] : memref<4096x1024xf32, #tpu.memory_space<hbm>> -> memref<32x1024xf32, #tpu.memory_space<hbm>>
    tpu.wait_dma2 semaphore(%arg10 : memref<!tpu.dma_semaphore, #tpu.memory_space<semaphore_mem>>) src(%dma_wait3A_718 : memref<32x1024xf32, #tpu.memory_space<hbm>>) dst(%arg5 : memref<32x1024xf32, #tpu.memory_space<vmem>>)
    %scan3A_719 = arith.constant 0 : i32
    %scan3A_720 = arith.constant 0 : i32
    %scan3A_721 = arith.constant 32 : i32
    %scan3A_722 = arith.addi %scan3A_720, %scan3A_721 : i32
    %scan3A_723 = arith.constant 1 : i32
    scf.for %scan3A_890 = %scan3A_720 to %scan3A_722 step %scan3A_723  : i32 {
      %broadcast_in_dim3A_891 = arith.constant 0xFF800000 : f32
      %broadcast_in_dim3A_892 = vector.broadcast %broadcast_in_dim3A_891 : f32 to vector<16xf32>
      %broadcast_in_dim3A_893 = arith.constant 0xFF800000 : f32
      %broadcast_in_dim3A_894 = vector.broadcast %broadcast_in_dim3A_893 : f32 to vector<16xf32>
      %broadcast_in_dim3A_895 = arith.constant 0xFF800000 : f32
      %broadcast_in_dim3A_896 = vector.broadcast %broadcast_in_dim3A_895 : f32 to vector<16xf32>
      %broadcast_in_dim3A_897 = arith.constant 0xFF800000 : f32
      %broadcast_in_dim3A_898 = vector.broadcast %broadcast_in_dim3A_897 : f32 to vector<16xf32>
      %broadcast_in_dim3A_899 = arith.constant 0 : i32
      %broadcast_in_dim3A_900 = vector.broadcast %broadcast_in_dim3A_899 : i32 to vector<16xi32>
      %broadcast_in_dim3A_901 = arith.constant 0 : i32
      %broadcast_in_dim3A_902 = vector.broadcast %broadcast_in_dim3A_901 : i32 to vector<16xi32>
      %broadcast_in_dim3A_903 = arith.constant 0 : i32
      %broadcast_in_dim3A_904 = vector.broadcast %broadcast_in_dim3A_903 : i32 to vector<16xi32>
      %broadcast_in_dim3A_905 = arith.constant 0 : i32
      %broadcast_in_dim3A_906 = vector.broadcast %broadcast_in_dim3A_905 : i32 to vector<16xi32>
      %get3A_907 = arith.index_cast %scan3A_890 : i32 to index
      %get3A_908 = arith.constant 0 : index
      %get3A_909 = tpu.vector_load %arg5[%get3A_907, %get3A_908] {strides = array<i32>} : memref<32x1024xf32, #tpu.memory_space<vmem>>, vector<16xf32>,
      %gt3A_910 = arith.cmpf ogt, %get3A_909, %broadcast_in_dim3A_892 : vector<16xf32>
      %select_n3A_911 = arith.select %gt3A_910, %get3A_909, %broadcast_in_dim3A_892 : vector<16xi1>, vector<16xf32>
      %jit3A_912 = arith.constant 0 : i32
      %broadcast_in_dim3A_913 = vector.broadcast %jit3A_912 : i32 to vector<16xi32>
      %select_n3A_914 = arith.select %gt3A_910, %broadcast_in_dim3A_913, %broadcast_in_dim3A_900 : vector<16xi1>, vector<16xi32>
      %get3A_915 = arith.index_cast %scan3A_890 : i32 to index
      %get3A_916 = arith.constant 16 : index
      %get3A_917 = tpu.vector_load %arg5[%get3A_915, %get3A_916] {strides = array<i32>} : memref<32x1024xf32, #tpu.memory_space<vmem>>, vector<16xf32>,
      %gt3A_918 = arith.cmpf ogt, %get3A_917, %broadcast_in_dim3A_894 : vector<16xf32>
      %select_n3A_919 = arith.select %gt3A_918, %get3A_917, %broadcast_in_dim3A_894 : vector<16xi1>, vector<16xf32>
      %jit3A_920 = arith.constant 1 : i32
      %broadcast_in_dim3A_921 = vector.broadcast %jit3A_920 : i32 to vector<16xi32>
      %select_n3A_922 = arith.select %gt3A_918, %broadcast_in_dim3A_921, %broadcast_in_dim3A_902 : vector<16xi1>, vector<16xi32>
      %get3A_923 = arith.index_cast %scan3A_890 : i32 to index
      %get3A_924 = arith.constant 32 : index
      %get3A_925 = tpu.vector_load %arg5[%get3A_923, %get3A_924] {strides = array<i32>} : memref<32x1024xf32, #tpu.memory_space<vmem>>, vector<16xf32>,
      %gt3A_926 = arith.cmpf ogt, %get3A_925, %broadcast_in_dim3A_896 : vector<16xf32>
      %select_n3A_927 = arith.select %gt3A_926, %get3A_925, %broadcast_in_dim3A_896 : vector<16xi1>, vector<16xf32>
      %jit3A_928 = arith.constant 2 : i32
      %broadcast_in_dim3A_929 = vector.broadcast %jit3A_928 : i32 to vector<16xi32>
      %select_n3A_930 = arith.select %gt3A_926, %broadcast_in_dim3A_929, %broadcast_in_dim3A_904 : vector<16xi1>, vector<16xi32>
      %get3A_931 = arith.index_cast %scan3A_890 : i32 to index
      %get3A_932 = arith.constant 48 : index
      %get3A_933 = tpu.vector_load %arg5[%get3A_931, %get3A_932] {strides = array<i32>} : memref<32x1024xf32, #tpu.memory_space<vmem>>, vector<16xf32>,
      %gt3A_934 = arith.cmpf ogt, %get3A_933, %broadcast_in_dim3A_898 : vector<16xf32>
      %select_n3A_935 = arith.select %gt3A_934, %get3A_933, %broadcast_in_dim3A_898 : vector<16xi1>, vector<16xf32>
      %jit3A_936 = arith.constant 3 : i32
      %broadcast_in_dim3A_937 = vector.broadcast %jit3A_936 : i32 to vector<16xi32>
      %select_n3A_938 = arith.select %gt3A_934, %broadcast_in_dim3A_937, %broadcast_in_dim3A_906 : vector<16xi1>, vector<16xi32>
      %get3A_939 = arith.index_cast %scan3A_890 : i32 to index
      %get3A_940 = arith.constant 64 : index
      %get3A_941 = tpu.vector_load %arg5[%get3A_939, %get3A_940] {strides = array<i32>} : memref<32x1024xf32, #tpu.memory_space<vmem>>, vector<16xf32>,
      %gt3A_942 = arith.cmpf ogt, %get3A_941, %select_n3A_911 : vector<16xf32>
      %select_n3A_943 = arith.select %gt3A_942, %get3A_941, %select_n3A_911 : vector<16xi1>, vector<16xf32>
      %jit3A_944 = arith.constant 4 : i32
      %broadcast_in_dim3A_945 = vector.broadcast %jit3A_944 : i32 to vector<16xi32>
      %select_n3A_946 = arith.select %gt3A_942, %broadcast_in_dim3A_945, %select_n3A_914 : vector<16xi1>, vector<16xi32>
      %get3A_947 = arith.index_cast %scan3A_890 : i32 to index
      %get3A_948 = arith.constant 80 : index
      %get3A_949 = tpu.vector_load %arg5[%get3A_947, %get3A_948] {strides = array<i32>} : memref<32x1024xf32, #tpu.memory_space<vmem>>, vector<16xf32>,
      %gt3A_950 = arith.cmpf ogt, %get3A_949, %select_n3A_919 : vector<16xf32>
      %select_n3A_951 = arith.select %gt3A_950, %get3A_949, %select_n3A_919 : vector<16xi1>, vector<16xf32>
      %jit3A_952 = arith.constant 5 : i32
      %broadcast_in_dim3A_953 = vector.broadcast %jit3A_952 : i32 to vector<16xi32>
      %select_n3A_954 = arith.select %gt3A_950, %broadcast_in_dim3A_953, %select_n3A_922 : vector<16xi1>, vector<16xi32>
      %get3A_955 = arith.index_cast %scan3A_890 : i32 to index
      %get3A_956 = arith.constant 96 : index
      %get3A_957 = tpu.vector_load %arg5[%get3A_955, %get3A_956] {strides = array<i32>} : memref<32x1024xf32, #tpu.memory_space<vmem>>, vector<16xf32>,
      %gt3A_958 = arith.cmpf ogt, %get3A_957, %select_n3A_927 : vector<16xf32>
      %select_n3A_959 = arith.select %gt3A_958, %get3A_957, %select_n3A_927 : vector<16xi1>, vector<16xf32>
      %jit3A_960 = arith.constant 6 : i32
      %broadcast_in_dim3A_961 = vector.broadcast %jit3A_960 : i32 to vector<16xi32>
      %select_n3A_962 = arith.select %gt3A_958, %broadcast_in_dim3A_961, %select_n3A_930 : vector<16xi1>, vector<16xi32>
      %get3A_963 = arith.index_cast %scan3A_890 : i32 to index
      %get3A_964 = arith.constant 112 : index
      %get3A_965 = tpu.vector_load %arg5[%get3A_963, %get3A_964] {strides = array<i32>} : memref<32x1024xf32, #tpu.memory_space<vmem>>, vector<16xf32>,
      %gt3A_966 = arith.cmpf ogt, %get3A_965, %select_n3A_935 : vector<16xf32>
      %select_n3A_967 = arith.select %gt3A_966, %get3A_965, %select_n3A_935 : vector<16xi1>, vector<16xf32>
      %jit3A_968 = arith.constant 7 : i32
      %broadcast_in_dim3A_969 = vector.broadcast %jit3A_968 : i32 to vector<16xi32>
      %select_n3A_970 = arith.select %gt3A_966, %broadcast_in_dim3A_969, %select_n3A_938 : vector<16xi1>, vector<16xi32>
      %get3A_971 = arith.index_cast %scan3A_890 : i32 to index
      %get3A_972 = arith.constant 128 : index
      %get3A_973 = tpu.vector_load %arg5[%get3A_971, %get3A_972] {strides = array<i32>} : memref<32x1024xf32, #tpu.memory_space<vmem>>, vector<16xf32>,
      %gt3A_974 = arith.cmpf ogt, %get3A_973, %select_n3A_943 : vector<16xf32>
      %select_n3A_975 = arith.select %gt3A_974, %get3A_973, %select_n3A_943 : vector<16xi1>, vector<16xf32>
      %jit3A_976 = arith.constant 8 : i32
      %broadcast_in_dim3A_977 = vector.broadcast %jit3A_976 : i32 to vector<16xi32>
      %select_n3A_978 = arith.select %gt3A_974, %broadcast_in_dim3A_977, %select_n3A_946 : vector<16xi1>, vector<16xi32>
      %get3A_979 = arith.index_cast %scan3A_890 : i32 to index
      %get3A_980 = arith.constant 144 : index
      %get3A_981 = tpu.vector_load %arg5[%get3A_979, %get3A_980] {strides = array<i32>} : memref<32x1024xf32, #tpu.memory_space<vmem>>, vector<16xf32>,
      %gt3A_982 = arith.cmpf ogt, %get3A_981, %select_n3A_951 : vector<16xf32>
      %select_n3A_983 = arith.select %gt3A_982, %get3A_981, %select_n3A_951 : vector<16xi1>, vector<16xf32>
      %jit3A_984 = arith.constant 9 : i32
      %broadcast_in_dim3A_985 = vector.broadcast %jit3A_984 : i32 to vector<16xi32>
      %select_n3A_986 = arith.select %gt3A_982, %broadcast_in_dim3A_985, %select_n3A_954 : vector<16xi1>, vector<16xi32>
      %get3A_987 = arith.index_cast %scan3A_890 : i32 to index
      %get3A_988 = arith.constant 160 : index
      %get3A_989 = tpu.vector_load %arg5[%get3A_987, %get3A_988] {strides = array<i32>} : memref<32x1024xf32, #tpu.memory_space<vmem>>, vector<16xf32>,
      %gt3A_990 = arith.cmpf ogt, %get3A_989, %select_n3A_959 : vector<16xf32>
      %select_n3A_991 = arith.select %gt3A_990, %get3A_989, %select_n3A_959 : vector<16xi1>, vector<16xf32>
      %jit3A_992 = arith.constant 10 : i32
      %broadcast_in_dim3A_993 = vector.broadcast %jit3A_992 : i32 to vector<16xi32>
      %select_n3A_994 = arith.select %gt3A_990, %broadcast_in_dim3A_993, %select_n3A_962 : vector<16xi1>, vector<16xi32>
      %get3A_995 = arith.index_cast %scan3A_890 : i32 to index
      %get3A_996 = arith.constant 176 : index
      %get3A_997 = tpu.vector_load %arg5[%get3A_995, %get3A_996] {strides = array<i32>} : memref<32x1024xf32, #tpu.memory_space<vmem>>, vector<16xf32>,
      %gt3A_998 = arith.cmpf ogt, %get3A_997, %select_n3A_967 : vector<16xf32>
      %select_n3A_999 = arith.select %gt3A_998, %get3A_997, %select_n3A_967 : vector<16xi1>, vector<16xf32>
      %jit3A_1000 = arith.constant 11 : i32
      %broadcast_in_dim3A_1001 = vector.broadcast %jit3A_1000 : i32 to vector<16xi32>
      %select_n3A_1002 = arith.select %gt3A_998, %broadcast_in_dim3A_1001, %select_n3A_970 : vector<16xi1>, vector<16xi32>
      %get3A_1003 = arith.index_cast %scan3A_890 : i32 to index
      %get3A_1004 = arith.constant 192 : index
      %get3A_1005 = tpu.vector_load %arg5[%get3A_1003, %get3A_1004] {strides = array<i32>} : memref<32x1024xf32, #tpu.memory_space<vmem>>, vector<16xf32>,
      %gt3A_1006 = arith.cmpf ogt, %get3A_1005, %select_n3A_975 : vector<16xf32>
      %select_n3A_1007 = arith.select %gt3A_1006, %get3A_1005, %select_n3A_975 : vector<16xi1>, vector<16xf32>
      %jit3A_1008 = arith.constant 12 : i32
      %broadcast_in_dim3A_1009 = vector.broadcast %jit3A_1008 : i32 to vector<16xi32>
      %select_n3A_1010 = arith.select %gt3A_1006, %broadcast_in_dim3A_1009, %select_n3A_978 : vector<16xi1>, vector<16xi32>
      %get3A_1011 = arith.index_cast %scan3A_890 : i32 to index
      %get3A_1012 = arith.constant 208 : index
      %get3A_1013 = tpu.vector_load %arg5[%get3A_1011, %get3A_1012] {strides = array<i32>} : memref<32x1024xf32, #tpu.memory_space<vmem>>, vector<16xf32>,
      %gt3A_1014 = arith.cmpf ogt, %get3A_1013, %select_n3A_983 : vector<16xf32>
      %select_n3A_1015 = arith.select %gt3A_1014, %get3A_1013, %select_n3A_983 : vector<16xi1>, vector<16xf32>
      %jit3A_1016 = arith.constant 13 : i32
      %broadcast_in_dim3A_1017 = vector.broadcast %jit3A_1016 : i32 to vector<16xi32>
      %select_n3A_1018 = arith.select %gt3A_1014, %broadcast_in_dim3A_1017, %select_n3A_986 : vector<16xi1>, vector<16xi32>
      %get3A_1019 = arith.index_cast %scan3A_890 : i32 to index
      %get3A_1020 = arith.constant 224 : index
      %get3A_1021 = tpu.vector_load %arg5[%get3A_1019, %get3A_1020] {strides = array<i32>} : memref<32x1024xf32, #tpu.memory_space<vmem>>, vector<16xf32>,
      %gt3A_1022 = arith.cmpf ogt, %get3A_1021, %select_n3A_991 : vector<16xf32>
      %select_n3A_1023 = arith.select %gt3A_1022, %get3A_1021, %select_n3A_991 : vector<16xi1>, vector<16xf32>
      %jit3A_1024 = arith.constant 14 : i32
      %broadcast_in_dim3A_1025 = vector.broadcast %jit3A_1024 : i32 to vector<16xi32>
      %select_n3A_1026 = arith.select %gt3A_1022, %broadcast_in_dim3A_1025, %select_n3A_994 : vector<16xi1>, vector<16xi32>
      %get3A_1027 = arith.index_cast %scan3A_890 : i32 to index
      %get3A_1028 = arith.constant 240 : index
      %get3A_1029 = tpu.vector_load %arg5[%get3A_1027, %get3A_1028] {strides = array<i32>} : memref<32x1024xf32, #tpu.memory_space<vmem>>, vector<16xf32>,
      %gt3A_1030 = arith.cmpf ogt, %get3A_1029, %select_n3A_999 : vector<16xf32>
      %select_n3A_1031 = arith.select %gt3A_1030, %get3A_1029, %select_n3A_999 : vector<16xi1>, vector<16xf32>
      %jit3A_1032 = arith.constant 15 : i32
      %broadcast_in_dim3A_1033 = vector.broadcast %jit3A_1032 : i32 to vector<16xi32>
      %select_n3A_1034 = arith.select %gt3A_1030, %broadcast_in_dim3A_1033, %select_n3A_1002 : vector<16xi1>, vector<16xi32>
      %get3A_1035 = arith.index_cast %scan3A_890 : i32 to index
      %get3A_1036 = arith.constant 256 : index
      %get3A_1037 = tpu.vector_load %arg5[%get3A_1035, %get3A_1036] {strides = array<i32>} : memref<32x1024xf32, #tpu.memory_space<vmem>>, vector<16xf32>,
      %gt3A_1038 = arith.cmpf ogt, %get3A_1037, %select_n3A_1007 : vector<16xf32>
      %select_n3A_1039 = arith.select %gt3A_1038, %get3A_1037, %select_n3A_1007 : vector<16xi1>, vector<16xf32>
      %jit3A_1040 = arith.constant 16 : i32
      %broadcast_in_dim3A_1041 = vector.broadcast %jit3A_1040 : i32 to vector<16xi32>
      %select_n3A_1042 = arith.select %gt3A_1038, %broadcast_in_dim3A_1041, %select_n3A_1010 : vector<16xi1>, vector<16xi32>
      %get3A_1043 = arith.index_cast %scan3A_890 : i32 to index
      %get3A_1044 = arith.constant 272 : index
      %get3A_1045 = tpu.vector_load %arg5[%get3A_1043, %get3A_1044] {strides = array<i32>} : memref<32x1024xf32, #tpu.memory_space<vmem>>, vector<16xf32>,
      %gt3A_1046 = arith.cmpf ogt, %get3A_1045, %select_n3A_1015 : vector<16xf32>
      %select_n3A_1047 = arith.select %gt3A_1046, %get3A_1045, %select_n3A_1015 : vector<16xi1>, vector<16xf32>
      %jit3A_1048 = arith.constant 17 : i32
      %broadcast_in_dim3A_1049 = vector.broadcast %jit3A_1048 : i32 to vector<16xi32>
      %select_n3A_1050 = arith.select %gt3A_1046, %broadcast_in_dim3A_1049, %select_n3A_1018 : vector<16xi1>, vector<16xi32>
      %get3A_1051 = arith.index_cast %scan3A_890 : i32 to index
      %get3A_1052 = arith.constant 288 : index
      %get3A_1053 = tpu.vector_load %arg5[%get3A_1051, %get3A_1052] {strides = array<i32>} : memref<32x1024xf32, #tpu.memory_space<vmem>>, vector<16xf32>,
      %gt3A_1054 = arith.cmpf ogt, %get3A_1053, %select_n3A_1023 : vector<16xf32>
      %select_n3A_1055 = arith.select %gt3A_1054, %get3A_1053, %select_n3A_1023 : vector<16xi1>, vector<16xf32>
      %jit3A_1056 = arith.constant 18 : i32
      %broadcast_in_dim3A_1057 = vector.broadcast %jit3A_1056 : i32 to vector<16xi32>
      %select_n3A_1058 = arith.select %gt3A_1054, %broadcast_in_dim3A_1057, %select_n3A_1026 : vector<16xi1>, vector<16xi32>
      %get3A_1059 = arith.index_cast %scan3A_890 : i32 to index
      %get3A_1060 = arith.constant 304 : index
      %get3A_1061 = tpu.vector_load %arg5[%get3A_1059, %get3A_1060] {strides = array<i32>} : memref<32x1024xf32, #tpu.memory_space<vmem>>, vector<16xf32>,
      %gt3A_1062 = arith.cmpf ogt, %get3A_1061, %select_n3A_1031 : vector<16xf32>
      %select_n3A_1063 = arith.select %gt3A_1062, %get3A_1061, %select_n3A_1031 : vector<16xi1>, vector<16xf32>
      %jit3A_1064 = arith.constant 19 : i32
      %broadcast_in_dim3A_1065 = vector.broadcast %jit3A_1064 : i32 to vector<16xi32>
      %select_n3A_1066 = arith.select %gt3A_1062, %broadcast_in_dim3A_1065, %select_n3A_1034 : vector<16xi1>, vector<16xi32>
      %get3A_1067 = arith.index_cast %scan3A_890 : i32 to index
      %get3A_1068 = arith.constant 320 : index
      %get3A_1069 = tpu.vector_load %arg5[%get3A_1067, %get3A_1068] {strides = array<i32>} : memref<32x1024xf32, #tpu.memory_space<vmem>>, vector<16xf32>,
      %gt3A_1070 = arith.cmpf ogt, %get3A_1069, %select_n3A_1039 : vector<16xf32>
      %select_n3A_1071 = arith.select %gt3A_1070, %get3A_1069, %select_n3A_1039 : vector<16xi1>, vector<16xf32>
      %jit3A_1072 = arith.constant 20 : i32
      %broadcast_in_dim3A_1073 = vector.broadcast %jit3A_1072 : i32 to vector<16xi32>
      %select_n3A_1074 = arith.select %gt3A_1070, %broadcast_in_dim3A_1073, %select_n3A_1042 : vector<16xi1>, vector<16xi32>
      %get3A_1075 = arith.index_cast %scan3A_890 : i32 to index
      %get3A_1076 = arith.constant 336 : index
      %get3A_1077 = tpu.vector_load %arg5[%get3A_1075, %get3A_1076] {strides = array<i32>} : memref<32x1024xf32, #tpu.memory_space<vmem>>, vector<16xf32>,
      %gt3A_1078 = arith.cmpf ogt, %get3A_1077, %select_n3A_1047 : vector<16xf32>
      %select_n3A_1079 = arith.select %gt3A_1078, %get3A_1077, %select_n3A_1047 : vector<16xi1>, vector<16xf32>
      %jit3A_1080 = arith.constant 21 : i32
      %broadcast_in_dim3A_1081 = vector.broadcast %jit3A_1080 : i32 to vector<16xi32>
      %select_n3A_1082 = arith.select %gt3A_1078, %broadcast_in_dim3A_1081, %select_n3A_1050 : vector<16xi1>, vector<16xi32>
      %get3A_1083 = arith.index_cast %scan3A_890 : i32 to index
      %get3A_1084 = arith.constant 352 : index
      %get3A_1085 = tpu.vector_load %arg5[%get3A_1083, %get3A_1084] {strides = array<i32>} : memref<32x1024xf32, #tpu.memory_space<vmem>>, vector<16xf32>,
      %gt3A_1086 = arith.cmpf ogt, %get3A_1085, %select_n3A_1055 : vector<16xf32>
      %select_n3A_1087 = arith.select %gt3A_1086, %get3A_1085, %select_n3A_1055 : vector<16xi1>, vector<16xf32>
      %jit3A_1088 = arith.constant 22 : i32
      %broadcast_in_dim3A_1089 = vector.broadcast %jit3A_1088 : i32 to vector<16xi32>
      %select_n3A_1090 = arith.select %gt3A_1086, %broadcast_in_dim3A_1089, %select_n3A_1058 : vector<16xi1>, vector<16xi32>
      %get3A_1091 = arith.index_cast %scan3A_890 : i32 to index
      %get3A_1092 = arith.constant 368 : index
      %get3A_1093 = tpu.vector_load %arg5[%get3A_1091, %get3A_1092] {strides = array<i32>} : memref<32x1024xf32, #tpu.memory_space<vmem>>, vector<16xf32>,
      %gt3A_1094 = arith.cmpf ogt, %get3A_1093, %select_n3A_1063 : vector<16xf32>
      %select_n3A_1095 = arith.select %gt3A_1094, %get3A_1093, %select_n3A_1063 : vector<16xi1>, vector<16xf32>
      %jit3A_1096 = arith.constant 23 : i32
      %broadcast_in_dim3A_1097 = vector.broadcast %jit3A_1096 : i32 to vector<16xi32>
      %select_n3A_1098 = arith.select %gt3A_1094, %broadcast_in_dim3A_1097, %select_n3A_1066 : vector<16xi1>, vector<16xi32>
      %get3A_1099 = arith.index_cast %scan3A_890 : i32 to index
      %get3A_1100 = arith.constant 384 : index
      %get3A_1101 = tpu.vector_load %arg5[%get3A_1099, %get3A_1100] {strides = array<i32>} : memref<32x1024xf32, #tpu.memory_space<vmem>>, vector<16xf32>,
      %gt3A_1102 = arith.cmpf ogt, %get3A_1101, %select_n3A_1071 : vector<16xf32>
      %select_n3A_1103 = arith.select %gt3A_1102, %get3A_1101, %select_n3A_1071 : vector<16xi1>, vector<16xf32>
      %jit3A_1104 = arith.constant 24 : i32
      %broadcast_in_dim3A_1105 = vector.broadcast %jit3A_1104 : i32 to vector<16xi32>
      %select_n3A_1106 = arith.select %gt3A_1102, %broadcast_in_dim3A_1105, %select_n3A_1074 : vector<16xi1>, vector<16xi32>
      %get3A_1107 = arith.index_cast %scan3A_890 : i32 to index
      %get3A_1108 = arith.constant 400 : index
      %get3A_1109 = tpu.vector_load %arg5[%get3A_1107, %get3A_1108] {strides = array<i32>} : memref<32x1024xf32, #tpu.memory_space<vmem>>, vector<16xf32>,
      %gt3A_1110 = arith.cmpf ogt, %get3A_1109, %select_n3A_1079 : vector<16xf32>
      %select_n3A_1111 = arith.select %gt3A_1110, %get3A_1109, %select_n3A_1079 : vector<16xi1>, vector<16xf32>
      %jit3A_1112 = arith.constant 25 : i32
      %broadcast_in_dim3A_1113 = vector.broadcast %jit3A_1112 : i32 to vector<16xi32>
      %select_n3A_1114 = arith.select %gt3A_1110, %broadcast_in_dim3A_1113, %select_n3A_1082 : vector<16xi1>, vector<16xi32>
      %get3A_1115 = arith.index_cast %scan3A_890 : i32 to index
      %get3A_1116 = arith.constant 416 : index
      %get3A_1117 = tpu.vector_load %arg5[%get3A_1115, %get3A_1116] {strides = array<i32>} : memref<32x1024xf32, #tpu.memory_space<vmem>>, vector<16xf32>,
      %gt3A_1118 = arith.cmpf ogt, %get3A_1117, %select_n3A_1087 : vector<16xf32>
      %select_n3A_1119 = arith.select %gt3A_1118, %get3A_1117, %select_n3A_1087 : vector<16xi1>, vector<16xf32>
      %jit3A_1120 = arith.constant 26 : i32
      %broadcast_in_dim3A_1121 = vector.broadcast %jit3A_1120 : i32 to vector<16xi32>
      %select_n3A_1122 = arith.select %gt3A_1118, %broadcast_in_dim3A_1121, %select_n3A_1090 : vector<16xi1>, vector<16xi32>
      %get3A_1123 = arith.index_cast %scan3A_890 : i32 to index
      %get3A_1124 = arith.constant 432 : index
      %get3A_1125 = tpu.vector_load %arg5[%get3A_1123, %get3A_1124] {strides = array<i32>} : memref<32x1024xf32, #tpu.memory_space<vmem>>, vector<16xf32>,
      %gt3A_1126 = arith.cmpf ogt, %get3A_1125, %select_n3A_1095 : vector<16xf32>
      %select_n3A_1127 = arith.select %gt3A_1126, %get3A_1125, %select_n3A_1095 : vector<16xi1>, vector<16xf32>
      %jit3A_1128 = arith.constant 27 : i32
      %broadcast_in_dim3A_1129 = vector.broadcast %jit3A_1128 : i32 to vector<16xi32>
      %select_n3A_1130 = arith.select %gt3A_1126, %broadcast_in_dim3A_1129, %select_n3A_1098 : vector<16xi1>, vector<16xi32>
      %get3A_1131 = arith.index_cast %scan3A_890 : i32 to index
      %get3A_1132 = arith.constant 448 : index
      %get3A_1133 = tpu.vector_load %arg5[%get3A_1131, %get3A_1132] {strides = array<i32>} : memref<32x1024xf32, #tpu.memory_space<vmem>>, vector<16xf32>,
      %gt3A_1134 = arith.cmpf ogt, %get3A_1133, %select_n3A_1103 : vector<16xf32>
      %select_n3A_1135 = arith.select %gt3A_1134, %get3A_1133, %select_n3A_1103 : vector<16xi1>, vector<16xf32>
      %jit3A_1136 = arith.constant 28 : i32
      %broadcast_in_dim3A_1137 = vector.broadcast %jit3A_1136 : i32 to vector<16xi32>
      %select_n3A_1138 = arith.select %gt3A_1134, %broadcast_in_dim3A_1137, %select_n3A_1106 : vector<16xi1>, vector<16xi32>
      %get3A_1139 = arith.index_cast %scan3A_890 : i32 to index
      %get3A_1140 = arith.constant 464 : index
      %get3A_1141 = tpu.vector_load %arg5[%get3A_1139, %get3A_1140] {strides = array<i32>} : memref<32x1024xf32, #tpu.memory_space<vmem>>, vector<16xf32>,
      %gt3A_1142 = arith.cmpf ogt, %get3A_1141, %select_n3A_1111 : vector<16xf32>
      %select_n3A_1143 = arith.select %gt3A_1142, %get3A_1141, %select_n3A_1111 : vector<16xi1>, vector<16xf32>
      %jit3A_1144 = arith.constant 29 : i32
      %broadcast_in_dim3A_1145 = vector.broadcast %jit3A_1144 : i32 to vector<16xi32>
      %select_n3A_1146 = arith.select %gt3A_1142, %broadcast_in_dim3A_1145, %select_n3A_1114 : vector<16xi1>, vector<16xi32>
      %get3A_1147 = arith.index_cast %scan3A_890 : i32 to index
      %get3A_1148 = arith.constant 480 : index
      %get3A_1149 = tpu.vector_load %arg5[%get3A_1147, %get3A_1148] {strides = array<i32>} : memref<32x1024xf32, #tpu.memory_space<vmem>>, vector<16xf32>,
      %gt3A_1150 = arith.cmpf ogt, %get3A_1149, %select_n3A_1119 : vector<16xf32>
      %select_n3A_1151 = arith.select %gt3A_1150, %get3A_1149, %select_n3A_1119 : vector<16xi1>, vector<16xf32>
      %jit3A_1152 = arith.constant 30 : i32
      %broadcast_in_dim3A_1153 = vector.broadcast %jit3A_1152 : i32 to vector<16xi32>
      %select_n3A_1154 = arith.select %gt3A_1150, %broadcast_in_dim3A_1153, %select_n3A_1122 : vector<16xi1>, vector<16xi32>
      %get3A_1155 = arith.index_cast %scan3A_890 : i32 to index
      %get3A_1156 = arith.constant 496 : index
      %get3A_1157 = tpu.vector_load %arg5[%get3A_1155, %get3A_1156] {strides = array<i32>} : memref<32x1024xf32, #tpu.memory_space<vmem>>, vector<16xf32>,
      %gt3A_1158 = arith.cmpf ogt, %get3A_1157, %select_n3A_1127 : vector<16xf32>
      %select_n3A_1159 = arith.select %gt3A_1158, %get3A_1157, %select_n3A_1127 : vector<16xi1>, vector<16xf32>
      %jit3A_1160 = arith.constant 31 : i32
      %broadcast_in_dim3A_1161 = vector.broadcast %jit3A_1160 : i32 to vector<16xi32>
      %select_n3A_1162 = arith.select %gt3A_1158, %broadcast_in_dim3A_1161, %select_n3A_1130 : vector<16xi1>, vector<16xi32>
      %get3A_1163 = arith.index_cast %scan3A_890 : i32 to index
      %get3A_1164 = arith.constant 512 : index
      %get3A_1165 = tpu.vector_load %arg5[%get3A_1163, %get3A_1164] {strides = array<i32>} : memref<32x1024xf32, #tpu.memory_space<vmem>>, vector<16xf32>,
      %gt3A_1166 = arith.cmpf ogt, %get3A_1165, %select_n3A_1135 : vector<16xf32>
      %select_n3A_1167 = arith.select %gt3A_1166, %get3A_1165, %select_n3A_1135 : vector<16xi1>, vector<16xf32>
      %jit3A_1168 = arith.constant 32 : i32
      %broadcast_in_dim3A_1169 = vector.broadcast %jit3A_1168 : i32 to vector<16xi32>
      %select_n3A_1170 = arith.select %gt3A_1166, %broadcast_in_dim3A_1169, %select_n3A_1138 : vector<16xi1>, vector<16xi32>
      %get3A_1171 = arith.index_cast %scan3A_890 : i32 to index
      %get3A_1172 = arith.constant 528 : index
      %get3A_1173 = tpu.vector_load %arg5[%get3A_1171, %get3A_1172] {strides = array<i32>} : memref<32x1024xf32, #tpu.memory_space<vmem>>, vector<16xf32>,
      %gt3A_1174 = arith.cmpf ogt, %get3A_1173, %select_n3A_1143 : vector<16xf32>
      %select_n3A_1175 = arith.select %gt3A_1174, %get3A_1173, %select_n3A_1143 : vector<16xi1>, vector<16xf32>
      %jit3A_1176 = arith.constant 33 : i32
      %broadcast_in_dim3A_1177 = vector.broadcast %jit3A_1176 : i32 to vector<16xi32>
      %select_n3A_1178 = arith.select %gt3A_1174, %broadcast_in_dim3A_1177, %select_n3A_1146 : vector<16xi1>, vector<16xi32>
      %get3A_1179 = arith.index_cast %scan3A_890 : i32 to index
      %get3A_1180 = arith.constant 544 : index
      %get3A_1181 = tpu.vector_load %arg5[%get3A_1179, %get3A_1180] {strides = array<i32>} : memref<32x1024xf32, #tpu.memory_space<vmem>>, vector<16xf32>,
      %gt3A_1182 = arith.cmpf ogt, %get3A_1181, %select_n3A_1151 : vector<16xf32>
      %select_n3A_1183 = arith.select %gt3A_1182, %get3A_1181, %select_n3A_1151 : vector<16xi1>, vector<16xf32>
      %jit3A_1184 = arith.constant 34 : i32
      %broadcast_in_dim3A_1185 = vector.broadcast %jit3A_1184 : i32 to vector<16xi32>
      %select_n3A_1186 = arith.select %gt3A_1182, %broadcast_in_dim3A_1185, %select_n3A_1154 : vector<16xi1>, vector<16xi32>
      %get3A_1187 = arith.index_cast %scan3A_890 : i32 to index
      %get3A_1188 = arith.constant 560 : index
      %get3A_1189 = tpu.vector_load %arg5[%get3A_1187, %get3A_1188] {strides = array<i32>} : memref<32x1024xf32, #tpu.memory_space<vmem>>, vector<16xf32>,
      %gt3A_1190 = arith.cmpf ogt, %get3A_1189, %select_n3A_1159 : vector<16xf32>
      %select_n3A_1191 = arith.select %gt3A_1190, %get3A_1189, %select_n3A_1159 : vector<16xi1>, vector<16xf32>
      %jit3A_1192 = arith.constant 35 : i32
      %broadcast_in_dim3A_1193 = vector.broadcast %jit3A_1192 : i32 to vector<16xi32>
      %select_n3A_1194 = arith.select %gt3A_1190, %broadcast_in_dim3A_1193, %select_n3A_1162 : vector<16xi1>, vector<16xi32>
      %get3A_1195 = arith.index_cast %scan3A_890 : i32 to index
      %get3A_1196 = arith.constant 576 : index
      %get3A_1197 = tpu.vector_load %arg5[%get3A_1195, %get3A_1196] {strides = array<i32>} : memref<32x1024xf32, #tpu.memory_space<vmem>>, vector<16xf32>,
      %gt3A_1198 = arith.cmpf ogt, %get3A_1197, %select_n3A_1167 : vector<16xf32>
      %select_n3A_1199 = arith.select %gt3A_1198, %get3A_1197, %select_n3A_1167 : vector<16xi1>, vector<16xf32>
      %jit3A_1200 = arith.constant 36 : i32
      %broadcast_in_dim3A_1201 = vector.broadcast %jit3A_1200 : i32 to vector<16xi32>
      %select_n3A_1202 = arith.select %gt3A_1198, %broadcast_in_dim3A_1201, %select_n3A_1170 : vector<16xi1>, vector<16xi32>
      %get3A_1203 = arith.index_cast %scan3A_890 : i32 to index
      %get3A_1204 = arith.constant 592 : index
      %get3A_1205 = tpu.vector_load %arg5[%get3A_1203, %get3A_1204] {strides = array<i32>} : memref<32x1024xf32, #tpu.memory_space<vmem>>, vector<16xf32>,
      %gt3A_1206 = arith.cmpf ogt, %get3A_1205, %select_n3A_1175 : vector<16xf32>
      %select_n3A_1207 = arith.select %gt3A_1206, %get3A_1205, %select_n3A_1175 : vector<16xi1>, vector<16xf32>
      %jit3A_1208 = arith.constant 37 : i32
      %broadcast_in_dim3A_1209 = vector.broadcast %jit3A_1208 : i32 to vector<16xi32>
      %select_n3A_1210 = arith.select %gt3A_1206, %broadcast_in_dim3A_1209, %select_n3A_1178 : vector<16xi1>, vector<16xi32>
      %get3A_1211 = arith.index_cast %scan3A_890 : i32 to index
      %get3A_1212 = arith.constant 608 : index
      %get3A_1213 = tpu.vector_load %arg5[%get3A_1211, %get3A_1212] {strides = array<i32>} : memref<32x1024xf32, #tpu.memory_space<vmem>>, vector<16xf32>,
      %gt3A_1214 = arith.cmpf ogt, %get3A_1213, %select_n3A_1183 : vector<16xf32>
      %select_n3A_1215 = arith.select %gt3A_1214, %get3A_1213, %select_n3A_1183 : vector<16xi1>, vector<16xf32>
      %jit3A_1216 = arith.constant 38 : i32
      %broadcast_in_dim3A_1217 = vector.broadcast %jit3A_1216 : i32 to vector<16xi32>
      %select_n3A_1218 = arith.select %gt3A_1214, %broadcast_in_dim3A_1217, %select_n3A_1186 : vector<16xi1>, vector<16xi32>
      %get3A_1219 = arith.index_cast %scan3A_890 : i32 to index
      %get3A_1220 = arith.constant 624 : index
      %get3A_1221 = tpu.vector_load %arg5[%get3A_1219, %get3A_1220] {strides = array<i32>} : memref<32x1024xf32, #tpu.memory_space<vmem>>, vector<16xf32>,
      %gt3A_1222 = arith.cmpf ogt, %get3A_1221, %select_n3A_1191 : vector<16xf32>
      %select_n3A_1223 = arith.select %gt3A_1222, %get3A_1221, %select_n3A_1191 : vector<16xi1>, vector<16xf32>
      %jit3A_1224 = arith.constant 39 : i32
      %broadcast_in_dim3A_1225 = vector.broadcast %jit3A_1224 : i32 to vector<16xi32>
      %select_n3A_1226 = arith.select %gt3A_1222, %broadcast_in_dim3A_1225, %select_n3A_1194 : vector<16xi1>, vector<16xi32>
      %get3A_1227 = arith.index_cast %scan3A_890 : i32 to index
      %get3A_1228 = arith.constant 640 : index
      %get3A_1229 = tpu.vector_load %arg5[%get3A_1227, %get3A_1228] {strides = array<i32>} : memref<32x1024xf32, #tpu.memory_space<vmem>>, vector<16xf32>,
      %gt3A_1230 = arith.cmpf ogt, %get3A_1229, %select_n3A_1199 : vector<16xf32>
      %select_n3A_1231 = arith.select %gt3A_1230, %get3A_1229, %select_n3A_1199 : vector<16xi1>, vector<16xf32>
      %jit3A_1232 = arith.constant 40 : i32
      %broadcast_in_dim3A_1233 = vector.broadcast %jit3A_1232 : i32 to vector<16xi32>
      %select_n3A_1234 = arith.select %gt3A_1230, %broadcast_in_dim3A_1233, %select_n3A_1202 : vector<16xi1>, vector<16xi32>
      %get3A_1235 = arith.index_cast %scan3A_890 : i32 to index
      %get3A_1236 = arith.constant 656 : index
      %get3A_1237 = tpu.vector_load %arg5[%get3A_1235, %get3A_1236] {strides = array<i32>} : memref<32x1024xf32, #tpu.memory_space<vmem>>, vector<16xf32>,
      %gt3A_1238 = arith.cmpf ogt, %get3A_1237, %select_n3A_1207 : vector<16xf32>
      %select_n3A_1239 = arith.select %gt3A_1238, %get3A_1237, %select_n3A_1207 : vector<16xi1>, vector<16xf32>
      %jit3A_1240 = arith.constant 41 : i32
      %broadcast_in_dim3A_1241 = vector.broadcast %jit3A_1240 : i32 to vector<16xi32>
      %select_n3A_1242 = arith.select %gt3A_1238, %broadcast_in_dim3A_1241, %select_n3A_1210 : vector<16xi1>, vector<16xi32>
      %get3A_1243 = arith.index_cast %scan3A_890 : i32 to index
      %get3A_1244 = arith.constant 672 : index
      %get3A_1245 = tpu.vector_load %arg5[%get3A_1243, %get3A_1244] {strides = array<i32>} : memref<32x1024xf32, #tpu.memory_space<vmem>>, vector<16xf32>,
      %gt3A_1246 = arith.cmpf ogt, %get3A_1245, %select_n3A_1215 : vector<16xf32>
      %select_n3A_1247 = arith.select %gt3A_1246, %get3A_1245, %select_n3A_1215 : vector<16xi1>, vector<16xf32>
      %jit3A_1248 = arith.constant 42 : i32
      %broadcast_in_dim3A_1249 = vector.broadcast %jit3A_1248 : i32 to vector<16xi32>
      %select_n3A_1250 = arith.select %gt3A_1246, %broadcast_in_dim3A_1249, %select_n3A_1218 : vector<16xi1>, vector<16xi32>
      %get3A_1251 = arith.index_cast %scan3A_890 : i32 to index
      %get3A_1252 = arith.constant 688 : index
      %get3A_1253 = tpu.vector_load %arg5[%get3A_1251, %get3A_1252] {strides = array<i32>} : memref<32x1024xf32, #tpu.memory_space<vmem>>, vector<16xf32>,
      %gt3A_1254 = arith.cmpf ogt, %get3A_1253, %select_n3A_1223 : vector<16xf32>
      %select_n3A_1255 = arith.select %gt3A_1254, %get3A_1253, %select_n3A_1223 : vector<16xi1>, vector<16xf32>
      %jit3A_1256 = arith.constant 43 : i32
      %broadcast_in_dim3A_1257 = vector.broadcast %jit3A_1256 : i32 to vector<16xi32>
      %select_n3A_1258 = arith.select %gt3A_1254, %broadcast_in_dim3A_1257, %select_n3A_1226 : vector<16xi1>, vector<16xi32>
      %get3A_1259 = arith.index_cast %scan3A_890 : i32 to index
      %get3A_1260 = arith.constant 704 : index
      %get3A_1261 = tpu.vector_load %arg5[%get3A_1259, %get3A_1260] {strides = array<i32>} : memref<32x1024xf32, #tpu.memory_space<vmem>>, vector<16xf32>,
      %gt3A_1262 = arith.cmpf ogt, %get3A_1261, %select_n3A_1231 : vector<16xf32>
      %select_n3A_1263 = arith.select %gt3A_1262, %get3A_1261, %select_n3A_1231 : vector<16xi1>, vector<16xf32>
      %jit3A_1264 = arith.constant 44 : i32
      %broadcast_in_dim3A_1265 = vector.broadcast %jit3A_1264 : i32 to vector<16xi32>
      %select_n3A_1266 = arith.select %gt3A_1262, %broadcast_in_dim3A_1265, %select_n3A_1234 : vector<16xi1>, vector<16xi32>
      %get3A_1267 = arith.index_cast %scan3A_890 : i32 to index
      %get3A_1268 = arith.constant 720 : index
      %get3A_1269 = tpu.vector_load %arg5[%get3A_1267, %get3A_1268] {strides = array<i32>} : memref<32x1024xf32, #tpu.memory_space<vmem>>, vector<16xf32>,
      %gt3A_1270 = arith.cmpf ogt, %get3A_1269, %select_n3A_1239 : vector<16xf32>
      %select_n3A_1271 = arith.select %gt3A_1270, %get3A_1269, %select_n3A_1239 : vector<16xi1>, vector<16xf32>
      %jit3A_1272 = arith.constant 45 : i32
      %broadcast_in_dim3A_1273 = vector.broadcast %jit3A_1272 : i32 to vector<16xi32>
      %select_n3A_1274 = arith.select %gt3A_1270, %broadcast_in_dim3A_1273, %select_n3A_1242 : vector<16xi1>, vector<16xi32>
      %get3A_1275 = arith.index_cast %scan3A_890 : i32 to index
      %get3A_1276 = arith.constant 736 : index
      %get3A_1277 = tpu.vector_load %arg5[%get3A_1275, %get3A_1276] {strides = array<i32>} : memref<32x1024xf32, #tpu.memory_space<vmem>>, vector<16xf32>,
      %gt3A_1278 = arith.cmpf ogt, %get3A_1277, %select_n3A_1247 : vector<16xf32>
      %select_n3A_1279 = arith.select %gt3A_1278, %get3A_1277, %select_n3A_1247 : vector<16xi1>, vector<16xf32>
      %jit3A_1280 = arith.constant 46 : i32
      %broadcast_in_dim3A_1281 = vector.broadcast %jit3A_1280 : i32 to vector<16xi32>
      %select_n3A_1282 = arith.select %gt3A_1278, %broadcast_in_dim3A_1281, %select_n3A_1250 : vector<16xi1>, vector<16xi32>
      %get3A_1283 = arith.index_cast %scan3A_890 : i32 to index
      %get3A_1284 = arith.constant 752 : index
      %get3A_1285 = tpu.vector_load %arg5[%get3A_1283, %get3A_1284] {strides = array<i32>} : memref<32x1024xf32, #tpu.memory_space<vmem>>, vector<16xf32>,
      %gt3A_1286 = arith.cmpf ogt, %get3A_1285, %select_n3A_1255 : vector<16xf32>
      %select_n3A_1287 = arith.select %gt3A_1286, %get3A_1285, %select_n3A_1255 : vector<16xi1>, vector<16xf32>
      %jit3A_1288 = arith.constant 47 : i32
      %broadcast_in_dim3A_1289 = vector.broadcast %jit3A_1288 : i32 to vector<16xi32>
      %select_n3A_1290 = arith.select %gt3A_1286, %broadcast_in_dim3A_1289, %select_n3A_1258 : vector<16xi1>, vector<16xi32>
      %get3A_1291 = arith.index_cast %scan3A_890 : i32 to index
      %get3A_1292 = arith.constant 768 : index
      %get3A_1293 = tpu.vector_load %arg5[%get3A_1291, %get3A_1292] {strides = array<i32>} : memref<32x1024xf32, #tpu.memory_space<vmem>>, vector<16xf32>,
      %gt3A_1294 = arith.cmpf ogt, %get3A_1293, %select_n3A_1263 : vector<16xf32>
      %select_n3A_1295 = arith.select %gt3A_1294, %get3A_1293, %select_n3A_1263 : vector<16xi1>, vector<16xf32>
      %jit3A_1296 = arith.constant 48 : i32
      %broadcast_in_dim3A_1297 = vector.broadcast %jit3A_1296 : i32 to vector<16xi32>
      %select_n3A_1298 = arith.select %gt3A_1294, %broadcast_in_dim3A_1297, %select_n3A_1266 : vector<16xi1>, vector<16xi32>
      %get3A_1299 = arith.index_cast %scan3A_890 : i32 to index
      %get3A_1300 = arith.constant 784 : index
      %get3A_1301 = tpu.vector_load %arg5[%get3A_1299, %get3A_1300] {strides = array<i32>} : memref<32x1024xf32, #tpu.memory_space<vmem>>, vector<16xf32>,
      %gt3A_1302 = arith.cmpf ogt, %get3A_1301, %select_n3A_1271 : vector<16xf32>
      %select_n3A_1303 = arith.select %gt3A_1302, %get3A_1301, %select_n3A_1271 : vector<16xi1>, vector<16xf32>
      %jit3A_1304 = arith.constant 49 : i32
      %broadcast_in_dim3A_1305 = vector.broadcast %jit3A_1304 : i32 to vector<16xi32>
      %select_n3A_1306 = arith.select %gt3A_1302, %broadcast_in_dim3A_1305, %select_n3A_1274 : vector<16xi1>, vector<16xi32>
      %get3A_1307 = arith.index_cast %scan3A_890 : i32 to index
      %get3A_1308 = arith.constant 800 : index
      %get3A_1309 = tpu.vector_load %arg5[%get3A_1307, %get3A_1308] {strides = array<i32>} : memref<32x1024xf32, #tpu.memory_space<vmem>>, vector<16xf32>,
      %gt3A_1310 = arith.cmpf ogt, %get3A_1309, %select_n3A_1279 : vector<16xf32>
      %select_n3A_1311 = arith.select %gt3A_1310, %get3A_1309, %select_n3A_1279 : vector<16xi1>, vector<16xf32>
      %jit3A_1312 = arith.constant 50 : i32
      %broadcast_in_dim3A_1313 = vector.broadcast %jit3A_1312 : i32 to vector<16xi32>
      %select_n3A_1314 = arith.select %gt3A_1310, %broadcast_in_dim3A_1313, %select_n3A_1282 : vector<16xi1>, vector<16xi32>
      %get3A_1315 = arith.index_cast %scan3A_890 : i32 to index
      %get3A_1316 = arith.constant 816 : index
      %get3A_1317 = tpu.vector_load %arg5[%get3A_1315, %get3A_1316] {strides = array<i32>} : memref<32x1024xf32, #tpu.memory_space<vmem>>, vector<16xf32>,
      %gt3A_1318 = arith.cmpf ogt, %get3A_1317, %select_n3A_1287 : vector<16xf32>
      %select_n3A_1319 = arith.select %gt3A_1318, %get3A_1317, %select_n3A_1287 : vector<16xi1>, vector<16xf32>
      %jit3A_1320 = arith.constant 51 : i32
      %broadcast_in_dim3A_1321 = vector.broadcast %jit3A_1320 : i32 to vector<16xi32>
      %select_n3A_1322 = arith.select %gt3A_1318, %broadcast_in_dim3A_1321, %select_n3A_1290 : vector<16xi1>, vector<16xi32>
      %get3A_1323 = arith.index_cast %scan3A_890 : i32 to index
      %get3A_1324 = arith.constant 832 : index
      %get3A_1325 = tpu.vector_load %arg5[%get3A_1323, %get3A_1324] {strides = array<i32>} : memref<32x1024xf32, #tpu.memory_space<vmem>>, vector<16xf32>,
      %gt3A_1326 = arith.cmpf ogt, %get3A_1325, %select_n3A_1295 : vector<16xf32>
      %select_n3A_1327 = arith.select %gt3A_1326, %get3A_1325, %select_n3A_1295 : vector<16xi1>, vector<16xf32>
      %jit3A_1328 = arith.constant 52 : i32
      %broadcast_in_dim3A_1329 = vector.broadcast %jit3A_1328 : i32 to vector<16xi32>
      %select_n3A_1330 = arith.select %gt3A_1326, %broadcast_in_dim3A_1329, %select_n3A_1298 : vector<16xi1>, vector<16xi32>
      %get3A_1331 = arith.index_cast %scan3A_890 : i32 to index
      %get3A_1332 = arith.constant 848 : index
      %get3A_1333 = tpu.vector_load %arg5[%get3A_1331, %get3A_1332] {strides = array<i32>} : memref<32x1024xf32, #tpu.memory_space<vmem>>, vector<16xf32>,
      %gt3A_1334 = arith.cmpf ogt, %get3A_1333, %select_n3A_1303 : vector<16xf32>
      %select_n3A_1335 = arith.select %gt3A_1334, %get3A_1333, %select_n3A_1303 : vector<16xi1>, vector<16xf32>
      %jit3A_1336 = arith.constant 53 : i32
      %broadcast_in_dim3A_1337 = vector.broadcast %jit3A_1336 : i32 to vector<16xi32>
      %select_n3A_1338 = arith.select %gt3A_1334, %broadcast_in_dim3A_1337, %select_n3A_1306 : vector<16xi1>, vector<16xi32>
      %get3A_1339 = arith.index_cast %scan3A_890 : i32 to index
      %get3A_1340 = arith.constant 864 : index
      %get3A_1341 = tpu.vector_load %arg5[%get3A_1339, %get3A_1340] {strides = array<i32>} : memref<32x1024xf32, #tpu.memory_space<vmem>>, vector<16xf32>,
      %gt3A_1342 = arith.cmpf ogt, %get3A_1341, %select_n3A_1311 : vector<16xf32>
      %select_n3A_1343 = arith.select %gt3A_1342, %get3A_1341, %select_n3A_1311 : vector<16xi1>, vector<16xf32>
      %jit3A_1344 = arith.constant 54 : i32
      %broadcast_in_dim3A_1345 = vector.broadcast %jit3A_1344 : i32 to vector<16xi32>
      %select_n3A_1346 = arith.select %gt3A_1342, %broadcast_in_dim3A_1345, %select_n3A_1314 : vector<16xi1>, vector<16xi32>
      %get3A_1347 = arith.index_cast %scan3A_890 : i32 to index
      %get3A_1348 = arith.constant 880 : index
      %get3A_1349 = tpu.vector_load %arg5[%get3A_1347, %get3A_1348] {strides = array<i32>} : memref<32x1024xf32, #tpu.memory_space<vmem>>, vector<16xf32>,
      %gt3A_1350 = arith.cmpf ogt, %get3A_1349, %select_n3A_1319 : vector<16xf32>
      %select_n3A_1351 = arith.select %gt3A_1350, %get3A_1349, %select_n3A_1319 : vector<16xi1>, vector<16xf32>
      %jit3A_1352 = arith.constant 55 : i32
      %broadcast_in_dim3A_1353 = vector.broadcast %jit3A_1352 : i32 to vector<16xi32>
      %select_n3A_1354 = arith.select %gt3A_1350, %broadcast_in_dim3A_1353, %select_n3A_1322 : vector<16xi1>, vector<16xi32>
      %get3A_1355 = arith.index_cast %scan3A_890 : i32 to index
      %get3A_1356 = arith.constant 896 : index
      %get3A_1357 = tpu.vector_load %arg5[%get3A_1355, %get3A_1356] {strides = array<i32>} : memref<32x1024xf32, #tpu.memory_space<vmem>>, vector<16xf32>,
      %gt3A_1358 = arith.cmpf ogt, %get3A_1357, %select_n3A_1327 : vector<16xf32>
      %select_n3A_1359 = arith.select %gt3A_1358, %get3A_1357, %select_n3A_1327 : vector<16xi1>, vector<16xf32>
      %jit3A_1360 = arith.constant 56 : i32
      %broadcast_in_dim3A_1361 = vector.broadcast %jit3A_1360 : i32 to vector<16xi32>
      %select_n3A_1362 = arith.select %gt3A_1358, %broadcast_in_dim3A_1361, %select_n3A_1330 : vector<16xi1>, vector<16xi32>
      %get3A_1363 = arith.index_cast %scan3A_890 : i32 to index
      %get3A_1364 = arith.constant 912 : index
      %get3A_1365 = tpu.vector_load %arg5[%get3A_1363, %get3A_1364] {strides = array<i32>} : memref<32x1024xf32, #tpu.memory_space<vmem>>, vector<16xf32>,
      %gt3A_1366 = arith.cmpf ogt, %get3A_1365, %select_n3A_1335 : vector<16xf32>
      %select_n3A_1367 = arith.select %gt3A_1366, %get3A_1365, %select_n3A_1335 : vector<16xi1>, vector<16xf32>
      %jit3A_1368 = arith.constant 57 : i32
      %broadcast_in_dim3A_1369 = vector.broadcast %jit3A_1368 : i32 to vector<16xi32>
      %select_n3A_1370 = arith.select %gt3A_1366, %broadcast_in_dim3A_1369, %select_n3A_1338 : vector<16xi1>, vector<16xi32>
      %get3A_1371 = arith.index_cast %scan3A_890 : i32 to index
      %get3A_1372 = arith.constant 928 : index
      %get3A_1373 = tpu.vector_load %arg5[%get3A_1371, %get3A_1372] {strides = array<i32>} : memref<32x1024xf32, #tpu.memory_space<vmem>>, vector<16xf32>,
      %gt3A_1374 = arith.cmpf ogt, %get3A_1373, %select_n3A_1343 : vector<16xf32>
      %select_n3A_1375 = arith.select %gt3A_1374, %get3A_1373, %select_n3A_1343 : vector<16xi1>, vector<16xf32>
      %jit3A_1376 = arith.constant 58 : i32
      %broadcast_in_dim3A_1377 = vector.broadcast %jit3A_1376 : i32 to vector<16xi32>
      %select_n3A_1378 = arith.select %gt3A_1374, %broadcast_in_dim3A_1377, %select_n3A_1346 : vector<16xi1>, vector<16xi32>
      %get3A_1379 = arith.index_cast %scan3A_890 : i32 to index
      %get3A_1380 = arith.constant 944 : index
      %get3A_1381 = tpu.vector_load %arg5[%get3A_1379, %get3A_1380] {strides = array<i32>} : memref<32x1024xf32, #tpu.memory_space<vmem>>, vector<16xf32>,
      %gt3A_1382 = arith.cmpf ogt, %get3A_1381, %select_n3A_1351 : vector<16xf32>
      %select_n3A_1383 = arith.select %gt3A_1382, %get3A_1381, %select_n3A_1351 : vector<16xi1>, vector<16xf32>
      %jit3A_1384 = arith.constant 59 : i32
      %broadcast_in_dim3A_1385 = vector.broadcast %jit3A_1384 : i32 to vector<16xi32>
      %select_n3A_1386 = arith.select %gt3A_1382, %broadcast_in_dim3A_1385, %select_n3A_1354 : vector<16xi1>, vector<16xi32>
      %get3A_1387 = arith.index_cast %scan3A_890 : i32 to index
      %get3A_1388 = arith.constant 960 : index
      %get3A_1389 = tpu.vector_load %arg5[%get3A_1387, %get3A_1388] {strides = array<i32>} : memref<32x1024xf32, #tpu.memory_space<vmem>>, vector<16xf32>,
      %gt3A_1390 = arith.cmpf ogt, %get3A_1389, %select_n3A_1359 : vector<16xf32>
      %select_n3A_1391 = arith.select %gt3A_1390, %get3A_1389, %select_n3A_1359 : vector<16xi1>, vector<16xf32>
      %jit3A_1392 = arith.constant 60 : i32
      %broadcast_in_dim3A_1393 = vector.broadcast %jit3A_1392 : i32 to vector<16xi32>
      %select_n3A_1394 = arith.select %gt3A_1390, %broadcast_in_dim3A_1393, %select_n3A_1362 : vector<16xi1>, vector<16xi32>
      %get3A_1395 = arith.index_cast %scan3A_890 : i32 to index
      %get3A_1396 = arith.constant 976 : index
      %get3A_1397 = tpu.vector_load %arg5[%get3A_1395, %get3A_1396] {strides = array<i32>} : memref<32x1024xf32, #tpu.memory_space<vmem>>, vector<16xf32>,
      %gt3A_1398 = arith.cmpf ogt, %get3A_1397, %select_n3A_1367 : vector<16xf32>
      %select_n3A_1399 = arith.select %gt3A_1398, %get3A_1397, %select_n3A_1367 : vector<16xi1>, vector<16xf32>
      %jit3A_1400 = arith.constant 61 : i32
      %broadcast_in_dim3A_1401 = vector.broadcast %jit3A_1400 : i32 to vector<16xi32>
      %select_n3A_1402 = arith.select %gt3A_1398, %broadcast_in_dim3A_1401, %select_n3A_1370 : vector<16xi1>, vector<16xi32>
      %get3A_1403 = arith.index_cast %scan3A_890 : i32 to index
      %get3A_1404 = arith.constant 992 : index
      %get3A_1405 = tpu.vector_load %arg5[%get3A_1403, %get3A_1404] {strides = array<i32>} : memref<32x1024xf32, #tpu.memory_space<vmem>>, vector<16xf32>,
      %gt3A_1406 = arith.cmpf ogt, %get3A_1405, %select_n3A_1375 : vector<16xf32>
      %select_n3A_1407 = arith.select %gt3A_1406, %get3A_1405, %select_n3A_1375 : vector<16xi1>, vector<16xf32>
      %jit3A_1408 = arith.constant 62 : i32
      %broadcast_in_dim3A_1409 = vector.broadcast %jit3A_1408 : i32 to vector<16xi32>
      %select_n3A_1410 = arith.select %gt3A_1406, %broadcast_in_dim3A_1409, %select_n3A_1378 : vector<16xi1>, vector<16xi32>
      %get3A_1411 = arith.index_cast %scan3A_890 : i32 to index
      %get3A_1412 = arith.constant 1008 : index
      %get3A_1413 = tpu.vector_load %arg5[%get3A_1411, %get3A_1412] {strides = array<i32>} : memref<32x1024xf32, #tpu.memory_space<vmem>>, vector<16xf32>,
      %gt3A_1414 = arith.cmpf ogt, %get3A_1413, %select_n3A_1383 : vector<16xf32>
      %select_n3A_1415 = arith.select %gt3A_1414, %get3A_1413, %select_n3A_1383 : vector<16xi1>, vector<16xf32>
      %jit3A_1416 = arith.constant 63 : i32
      %broadcast_in_dim3A_1417 = vector.broadcast %jit3A_1416 : i32 to vector<16xi32>
      %select_n3A_1418 = arith.select %gt3A_1414, %broadcast_in_dim3A_1417, %select_n3A_1386 : vector<16xi1>, vector<16xi32>
      %mul3A_1419 = arith.constant 16 : i32
      %mul3A_1420 = vector.broadcast %mul3A_1419 : i32 to vector<16xi32>
      %mul3A_1421 = arith.muli %select_n3A_1394, %mul3A_1420 : vector<16xi32>
      %add3A_1422 = arith.addi %mul3A_1421, %iota3A : vector<16xi32>
      %mul3A_1423 = arith.constant 16 : i32
      %mul3A_1424 = vector.broadcast %mul3A_1423 : i32 to vector<16xi32>
      %mul3A_1425 = arith.muli %select_n3A_1402, %mul3A_1424 : vector<16xi32>
      %add3A_1426 = arith.addi %mul3A_1425, %iota3A : vector<16xi32>
      %mul3A_1427 = arith.constant 16 : i32
      %mul3A_1428 = vector.broadcast %mul3A_1427 : i32 to vector<16xi32>
      %mul3A_1429 = arith.muli %select_n3A_1410, %mul3A_1428 : vector<16xi32>
      %add3A_1430 = arith.addi %mul3A_1429, %iota3A : vector<16xi32>
      %mul3A_1431 = arith.constant 16 : i32
      %mul3A_1432 = vector.broadcast %mul3A_1431 : i32 to vector<16xi32>
      %mul3A_1433 = arith.muli %select_n3A_1418, %mul3A_1432 : vector<16xi32>
      %add3A_1434 = arith.addi %mul3A_1433, %iota3A : vector<16xi32>
      %gt3A_1435 = arith.cmpf ogt, %select_n3A_1399, %select_n3A_1391 : vector<16xf32>
      %eq3A_1436 = arith.cmpf oeq, %select_n3A_1399, %select_n3A_1391 : vector<16xf32>
      %lt3A_1437 = arith.cmpi slt, %add3A_1426, %add3A_1422 : vector<16xi32>
      %and3A_1438 = arith.andi %eq3A_1436, %lt3A_1437 : vector<16xi1>
      %or3A_1439 = arith.ori %gt3A_1435, %and3A_1438 : vector<16xi1>
      %select_n3A_1440 = arith.select %or3A_1439, %select_n3A_1399, %select_n3A_1391 : vector<16xi1>, vector<16xf32>
      %select_n3A_1441 = arith.select %or3A_1439, %add3A_1426, %add3A_1422 : vector<16xi1>, vector<16xi32>
      %gt3A_1442 = arith.cmpf ogt, %select_n3A_1415, %select_n3A_1407 : vector<16xf32>
      %eq3A_1443 = arith.cmpf oeq, %select_n3A_1415, %select_n3A_1407 : vector<16xf32>
      %lt3A_1444 = arith.cmpi slt, %add3A_1434, %add3A_1430 : vector<16xi32>
      %and3A_1445 = arith.andi %eq3A_1443, %lt3A_1444 : vector<16xi1>
      %or3A_1446 = arith.ori %gt3A_1442, %and3A_1445 : vector<16xi1>
      %select_n3A_1447 = arith.select %or3A_1446, %select_n3A_1415, %select_n3A_1407 : vector<16xi1>, vector<16xf32>
      %select_n3A_1448 = arith.select %or3A_1446, %add3A_1434, %add3A_1430 : vector<16xi1>, vector<16xi32>
      %gt3A_1449 = arith.cmpf ogt, %select_n3A_1447, %select_n3A_1440 : vector<16xf32>
      %eq3A_1450 = arith.cmpf oeq, %select_n3A_1447, %select_n3A_1440 : vector<16xf32>
      %lt3A_1451 = arith.cmpi slt, %select_n3A_1448, %select_n3A_1441 : vector<16xi32>
      %and3A_1452 = arith.andi %eq3A_1450, %lt3A_1451 : vector<16xi1>
      %or3A_1453 = arith.ori %gt3A_1449, %and3A_1452 : vector<16xi1>
      %select_n3A_1454 = arith.select %or3A_1453, %select_n3A_1447, %select_n3A_1440 : vector<16xi1>, vector<16xf32>
      %select_n3A_1455 = arith.select %or3A_1453, %select_n3A_1448, %select_n3A_1441 : vector<16xi1>, vector<16xi32>
      %reduce_max3A_1456 = arith.constant true
      %reduce_max3A_1457 = vector.broadcast %reduce_max3A_1456 : i1 to vector<16xi1>
      %reduce_max3A_1458 = tpu.scan <max>, %select_n3A_1454 masked %reduce_max3A_1457 : vector<16xf32>, vector<16xi1> -> vector<16xf32>
      %reduce_max3A_1459 = vector.extract %reduce_max3A_1458[15] : f32 from vector<16xf32>
      %eq3A_1460 = vector.broadcast %reduce_max3A_1459 : f32 to vector<16xf32>
      %eq3A_1461 = arith.cmpf oeq, %select_n3A_1454, %eq3A_1460 : vector<16xf32>
      %jit3A_1462 = arith.constant 2147483647 : i32
      %broadcast_in_dim3A_1463 = vector.broadcast %jit3A_1462 : i32 to vector<16xi32>
      %select_n3A_1464 = arith.select %eq3A_1461, %select_n3A_1455, %broadcast_in_dim3A_1463 : vector<16xi1>, vector<16xi32>
      %reduce_min3A_1465 = arith.constant true
      %reduce_min3A_1466 = vector.broadcast %reduce_min3A_1465 : i1 to vector<16xi1>
      %reduce_min3A_1467 = arith.constant -2147483648 : i32
      %reduce_min3A_1468 = vector.broadcast %reduce_min3A_1467 : i32 to vector<16xi32>
      %reduce_min3A_1469 = arith.xori %select_n3A_1464, %reduce_min3A_1468 : vector<16xi32>
      %reduce_min3A_1470 = tpu.scan <min>, %reduce_min3A_1469 masked %reduce_min3A_1466 : vector<16xi32>, vector<16xi1> -> vector<16xi32>
      %reduce_min3A_1471 = arith.xori %reduce_min3A_1470, %reduce_min3A_1468 : vector<16xi32>
      %reduce_min3A_1472 = vector.extract %reduce_min3A_1471[15] : i32 from vector<16xi32>
      %add3A_1473 = arith.constant 97 : i32
      %add3A_1474 = arith.addi %add3A_1473, %scan3A_890 : i32
      %add3A_1475 = vector.broadcast %add3A_1474 : i32 to vector<16xi32>
      %add3A_1476 = arith.addi %broadcast_in_dim3A_664, %add3A_1475 : vector<16xi32>
      %add3A_1477 = vector.broadcast %reduce_min3A_1472 : i32 to vector<16xi32>
      %add3A_1478 = arith.addi %broadcast_in_dim3A_664, %add3A_1477 : vector<16xi32>
      tpu.vector_store_idx %arg7[%add3A_1476], %add3A_1478 masked %eq3A_667 : memref<129xi32, #tpu.memory_space<vmem>>[vector<16xi32>], vector<16xi32>, vector<16xi1>
    }
    %scan3A_724 = arith.constant 32 : i32
    %add3A_725 = arith.constant 0 : i32
    %add3A_726 = vector.broadcast %add3A_725 : i32 to vector<16xi32>
    %add3A_727 = arith.addi %iota3A, %add3A_726 : vector<16xi32>
    %add3A_728 = arith.constant 1 : i32
    %add3A_729 = vector.broadcast %add3A_728 : i32 to vector<16xi32>
    %add3A_730 = arith.addi %add3A_727, %add3A_729 : vector<16xi32>
    %gather3A = tpu.vector_load_idx %arg7[%add3A_730] : memref<129xi32, #tpu.memory_space<vmem>>[vector<16xi32>], vector<16xi32>,
    %add3A_731 = arith.constant 0 : i32
    %add3A_732 = vector.broadcast %add3A_731 : i32 to vector<16xi32>
    %add3A_733 = arith.addi %iota3A, %add3A_732 : vector<16xi32>
    %gather3A_734 = tpu.vector_load_idx %arg7[%add3A_733] : memref<129xi32, #tpu.memory_space<vmem>>[vector<16xi32>], vector<16xi32>,
    %ne3A = arith.cmpi ne, %gather3A, %gather3A_734 : vector<16xi32>
    %ne3A_735 = arith.constant 0 : i32
    %ne3A_736 = vector.broadcast %ne3A_735 : i32 to vector<16xi32>
    %ne3A_737 = arith.cmpi ne, %gather3A, %ne3A_736 : vector<16xi32>
    %and3A_738 = arith.andi %ne3A, %ne3A_737 : vector<16xi1>
    %jit3A_739 = arith.constant -1 : i32
    %broadcast_in_dim3A_740 = vector.broadcast %jit3A_739 : i32 to vector<16xi32>
    %select_n3A_741 = arith.select %and3A_738, %gather3A, %broadcast_in_dim3A_740 : vector<16xi1>, vector<16xi32>
    %swap3A = arith.constant 0 : index
    %swap3A_742 = tpu.vector_load %arg8[%swap3A] {strides = array<i32>} : memref<128xi32, #tpu.memory_space<vmem>>, vector<16xi32>,
    tpu.vector_store %arg8[%swap3A], %select_n3A_741 {strides = array<i32>} : memref<128xi32, #tpu.memory_space<vmem>>, vector<16xi32>,
    %add3A_743 = arith.constant 16 : i32
    %add3A_744 = vector.broadcast %add3A_743 : i32 to vector<16xi32>
    %add3A_745 = arith.addi %iota3A, %add3A_744 : vector<16xi32>
    %add3A_746 = arith.constant 1 : i32
    %add3A_747 = vector.broadcast %add3A_746 : i32 to vector<16xi32>
    %add3A_748 = arith.addi %add3A_745, %add3A_747 : vector<16xi32>
    %gather3A_749 = tpu.vector_load_idx %arg7[%add3A_748] : memref<129xi32, #tpu.memory_space<vmem>>[vector<16xi32>], vector<16xi32>,
    %add3A_750 = arith.constant 16 : i32
    %add3A_751 = vector.broadcast %add3A_750 : i32 to vector<16xi32>
    %add3A_752 = arith.addi %iota3A, %add3A_751 : vector<16xi32>
    %gather3A_753 = tpu.vector_load_idx %arg7[%add3A_752] : memref<129xi32, #tpu.memory_space<vmem>>[vector<16xi32>], vector<16xi32>,
    %ne3A_754 = arith.cmpi ne, %gather3A_749, %gather3A_753 : vector<16xi32>
    %ne3A_755 = arith.constant 0 : i32
    %ne3A_756 = vector.broadcast %ne3A_755 : i32 to vector<16xi32>
    %ne3A_757 = arith.cmpi ne, %gather3A_749, %ne3A_756 : vector<16xi32>
    %and3A_758 = arith.andi %ne3A_754, %ne3A_757 : vector<16xi1>
    %jit3A_759 = arith.constant -1 : i32
    %broadcast_in_dim3A_760 = vector.broadcast %jit3A_759 : i32 to vector<16xi32>
    %select_n3A_761 = arith.select %and3A_758, %gather3A_749, %broadcast_in_dim3A_760 : vector<16xi1>, vector<16xi32>
    %swap3A_762 = arith.constant 16 : index
    %swap3A_763 = tpu.vector_load %arg8[%swap3A_762] {strides = array<i32>} : memref<128xi32, #tpu.memory_space<vmem>>, vector<16xi32>,
    tpu.vector_store %arg8[%swap3A_762], %select_n3A_761 {strides = array<i32>} : memref<128xi32, #tpu.memory_space<vmem>>, vector<16xi32>,
    %add3A_764 = arith.constant 32 : i32
    %add3A_765 = vector.broadcast %add3A_764 : i32 to vector<16xi32>
    %add3A_766 = arith.addi %iota3A, %add3A_765 : vector<16xi32>
    %add3A_767 = arith.constant 1 : i32
    %add3A_768 = vector.broadcast %add3A_767 : i32 to vector<16xi32>
    %add3A_769 = arith.addi %add3A_766, %add3A_768 : vector<16xi32>
    %gather3A_770 = tpu.vector_load_idx %arg7[%add3A_769] : memref<129xi32, #tpu.memory_space<vmem>>[vector<16xi32>], vector<16xi32>,
    %add3A_771 = arith.constant 32 : i32
    %add3A_772 = vector.broadcast %add3A_771 : i32 to vector<16xi32>
    %add3A_773 = arith.addi %iota3A, %add3A_772 : vector<16xi32>
    %gather3A_774 = tpu.vector_load_idx %arg7[%add3A_773] : memref<129xi32, #tpu.memory_space<vmem>>[vector<16xi32>], vector<16xi32>,
    %ne3A_775 = arith.cmpi ne, %gather3A_770, %gather3A_774 : vector<16xi32>
    %ne3A_776 = arith.constant 0 : i32
    %ne3A_777 = vector.broadcast %ne3A_776 : i32 to vector<16xi32>
    %ne3A_778 = arith.cmpi ne, %gather3A_770, %ne3A_777 : vector<16xi32>
    %and3A_779 = arith.andi %ne3A_775, %ne3A_778 : vector<16xi1>
    %jit3A_780 = arith.constant -1 : i32
    %broadcast_in_dim3A_781 = vector.broadcast %jit3A_780 : i32 to vector<16xi32>
    %select_n3A_782 = arith.select %and3A_779, %gather3A_770, %broadcast_in_dim3A_781 : vector<16xi1>, vector<16xi32>
    %swap3A_783 = arith.constant 32 : index
    %swap3A_784 = tpu.vector_load %arg8[%swap3A_783] {strides = array<i32>} : memref<128xi32, #tpu.memory_space<vmem>>, vector<16xi32>,
    tpu.vector_store %arg8[%swap3A_783], %select_n3A_782 {strides = array<i32>} : memref<128xi32, #tpu.memory_space<vmem>>, vector<16xi32>,
    %add3A_785 = arith.constant 48 : i32
    %add3A_786 = vector.broadcast %add3A_785 : i32 to vector<16xi32>
    %add3A_787 = arith.addi %iota3A, %add3A_786 : vector<16xi32>
    %add3A_788 = arith.constant 1 : i32
    %add3A_789 = vector.broadcast %add3A_788 : i32 to vector<16xi32>
    %add3A_790 = arith.addi %add3A_787, %add3A_789 : vector<16xi32>
    %gather3A_791 = tpu.vector_load_idx %arg7[%add3A_790] : memref<129xi32, #tpu.memory_space<vmem>>[vector<16xi32>], vector<16xi32>,
    %add3A_792 = arith.constant 48 : i32
    %add3A_793 = vector.broadcast %add3A_792 : i32 to vector<16xi32>
    %add3A_794 = arith.addi %iota3A, %add3A_793 : vector<16xi32>
    %gather3A_795 = tpu.vector_load_idx %arg7[%add3A_794] : memref<129xi32, #tpu.memory_space<vmem>>[vector<16xi32>], vector<16xi32>,
    %ne3A_796 = arith.cmpi ne, %gather3A_791, %gather3A_795 : vector<16xi32>
    %ne3A_797 = arith.constant 0 : i32
    %ne3A_798 = vector.broadcast %ne3A_797 : i32 to vector<16xi32>
    %ne3A_799 = arith.cmpi ne, %gather3A_791, %ne3A_798 : vector<16xi32>
    %and3A_800 = arith.andi %ne3A_796, %ne3A_799 : vector<16xi1>
    %jit3A_801 = arith.constant -1 : i32
    %broadcast_in_dim3A_802 = vector.broadcast %jit3A_801 : i32 to vector<16xi32>
    %select_n3A_803 = arith.select %and3A_800, %gather3A_791, %broadcast_in_dim3A_802 : vector<16xi1>, vector<16xi32>
    %swap3A_804 = arith.constant 48 : index
    %swap3A_805 = tpu.vector_load %arg8[%swap3A_804] {strides = array<i32>} : memref<128xi32, #tpu.memory_space<vmem>>, vector<16xi32>,
    tpu.vector_store %arg8[%swap3A_804], %select_n3A_803 {strides = array<i32>} : memref<128xi32, #tpu.memory_space<vmem>>, vector<16xi32>,
    %add3A_806 = arith.constant 64 : i32
    %add3A_807 = vector.broadcast %add3A_806 : i32 to vector<16xi32>
    %add3A_808 = arith.addi %iota3A, %add3A_807 : vector<16xi32>
    %add3A_809 = arith.constant 1 : i32
    %add3A_810 = vector.broadcast %add3A_809 : i32 to vector<16xi32>
    %add3A_811 = arith.addi %add3A_808, %add3A_810 : vector<16xi32>
    %gather3A_812 = tpu.vector_load_idx %arg7[%add3A_811] : memref<129xi32, #tpu.memory_space<vmem>>[vector<16xi32>], vector<16xi32>,
    %add3A_813 = arith.constant 64 : i32
    %add3A_814 = vector.broadcast %add3A_813 : i32 to vector<16xi32>
    %add3A_815 = arith.addi %iota3A, %add3A_814 : vector<16xi32>
    %gather3A_816 = tpu.vector_load_idx %arg7[%add3A_815] : memref<129xi32, #tpu.memory_space<vmem>>[vector<16xi32>], vector<16xi32>,
    %ne3A_817 = arith.cmpi ne, %gather3A_812, %gather3A_816 : vector<16xi32>
    %ne3A_818 = arith.constant 0 : i32
    %ne3A_819 = vector.broadcast %ne3A_818 : i32 to vector<16xi32>
    %ne3A_820 = arith.cmpi ne, %gather3A_812, %ne3A_819 : vector<16xi32>
    %and3A_821 = arith.andi %ne3A_817, %ne3A_820 : vector<16xi1>
    %jit3A_822 = arith.constant -1 : i32
    %broadcast_in_dim3A_823 = vector.broadcast %jit3A_822 : i32 to vector<16xi32>
    %select_n3A_824 = arith.select %and3A_821, %gather3A_812, %broadcast_in_dim3A_823 : vector<16xi1>, vector<16xi32>
    %swap3A_825 = arith.constant 64 : index
    %swap3A_826 = tpu.vector_load %arg8[%swap3A_825] {strides = array<i32>} : memref<128xi32, #tpu.memory_space<vmem>>, vector<16xi32>,
    tpu.vector_store %arg8[%swap3A_825], %select_n3A_824 {strides = array<i32>} : memref<128xi32, #tpu.memory_space<vmem>>, vector<16xi32>,
    %add3A_827 = arith.constant 80 : i32
    %add3A_828 = vector.broadcast %add3A_827 : i32 to vector<16xi32>
    %add3A_829 = arith.addi %iota3A, %add3A_828 : vector<16xi32>
    %add3A_830 = arith.constant 1 : i32
    %add3A_831 = vector.broadcast %add3A_830 : i32 to vector<16xi32>
    %add3A_832 = arith.addi %add3A_829, %add3A_831 : vector<16xi32>
    %gather3A_833 = tpu.vector_load_idx %arg7[%add3A_832] : memref<129xi32, #tpu.memory_space<vmem>>[vector<16xi32>], vector<16xi32>,
    %add3A_834 = arith.constant 80 : i32
    %add3A_835 = vector.broadcast %add3A_834 : i32 to vector<16xi32>
    %add3A_836 = arith.addi %iota3A, %add3A_835 : vector<16xi32>
    %gather3A_837 = tpu.vector_load_idx %arg7[%add3A_836] : memref<129xi32, #tpu.memory_space<vmem>>[vector<16xi32>], vector<16xi32>,
    %ne3A_838 = arith.cmpi ne, %gather3A_833, %gather3A_837 : vector<16xi32>
    %ne3A_839 = arith.constant 0 : i32
    %ne3A_840 = vector.broadcast %ne3A_839 : i32 to vector<16xi32>
    %ne3A_841 = arith.cmpi ne, %gather3A_833, %ne3A_840 : vector<16xi32>
    %and3A_842 = arith.andi %ne3A_838, %ne3A_841 : vector<16xi1>
    %jit3A_843 = arith.constant -1 : i32
    %broadcast_in_dim3A_844 = vector.broadcast %jit3A_843 : i32 to vector<16xi32>
    %select_n3A_845 = arith.select %and3A_842, %gather3A_833, %broadcast_in_dim3A_844 : vector<16xi1>, vector<16xi32>
    %swap3A_846 = arith.constant 80 : index
    %swap3A_847 = tpu.vector_load %arg8[%swap3A_846] {strides = array<i32>} : memref<128xi32, #tpu.memory_space<vmem>>, vector<16xi32>,
    tpu.vector_store %arg8[%swap3A_846], %select_n3A_845 {strides = array<i32>} : memref<128xi32, #tpu.memory_space<vmem>>, vector<16xi32>,
    %add3A_848 = arith.constant 96 : i32
    %add3A_849 = vector.broadcast %add3A_848 : i32 to vector<16xi32>
    %add3A_850 = arith.addi %iota3A, %add3A_849 : vector<16xi32>
    %add3A_851 = arith.constant 1 : i32
    %add3A_852 = vector.broadcast %add3A_851 : i32 to vector<16xi32>
    %add3A_853 = arith.addi %add3A_850, %add3A_852 : vector<16xi32>
    %gather3A_854 = tpu.vector_load_idx %arg7[%add3A_853] : memref<129xi32, #tpu.memory_space<vmem>>[vector<16xi32>], vector<16xi32>,
    %add3A_855 = arith.constant 96 : i32
    %add3A_856 = vector.broadcast %add3A_855 : i32 to vector<16xi32>
    %add3A_857 = arith.addi %iota3A, %add3A_856 : vector<16xi32>
    %gather3A_858 = tpu.vector_load_idx %arg7[%add3A_857] : memref<129xi32, #tpu.memory_space<vmem>>[vector<16xi32>], vector<16xi32>,
    %ne3A_859 = arith.cmpi ne, %gather3A_854, %gather3A_858 : vector<16xi32>
    %ne3A_860 = arith.constant 0 : i32
    %ne3A_861 = vector.broadcast %ne3A_860 : i32 to vector<16xi32>
    %ne3A_862 = arith.cmpi ne, %gather3A_854, %ne3A_861 : vector<16xi32>
    %and3A_863 = arith.andi %ne3A_859, %ne3A_862 : vector<16xi1>
    %jit3A_864 = arith.constant -1 : i32
    %broadcast_in_dim3A_865 = vector.broadcast %jit3A_864 : i32 to vector<16xi32>
    %select_n3A_866 = arith.select %and3A_863, %gather3A_854, %broadcast_in_dim3A_865 : vector<16xi1>, vector<16xi32>
    %swap3A_867 = arith.constant 96 : index
    %swap3A_868 = tpu.vector_load %arg8[%swap3A_867] {strides = array<i32>} : memref<128xi32, #tpu.memory_space<vmem>>, vector<16xi32>,
    tpu.vector_store %arg8[%swap3A_867], %select_n3A_866 {strides = array<i32>} : memref<128xi32, #tpu.memory_space<vmem>>, vector<16xi32>,
    %add3A_869 = arith.constant 112 : i32
    %add3A_870 = vector.broadcast %add3A_869 : i32 to vector<16xi32>
    %add3A_871 = arith.addi %iota3A, %add3A_870 : vector<16xi32>
    %add3A_872 = arith.constant 1 : i32
    %add3A_873 = vector.broadcast %add3A_872 : i32 to vector<16xi32>
    %add3A_874 = arith.addi %add3A_871, %add3A_873 : vector<16xi32>
    %gather3A_875 = tpu.vector_load_idx %arg7[%add3A_874] : memref<129xi32, #tpu.memory_space<vmem>>[vector<16xi32>], vector<16xi32>,
    %add3A_876 = arith.constant 112 : i32
    %add3A_877 = vector.broadcast %add3A_876 : i32 to vector<16xi32>
    %add3A_878 = arith.addi %iota3A, %add3A_877 : vector<16xi32>
    %gather3A_879 = tpu.vector_load_idx %arg7[%add3A_878] : memref<129xi32, #tpu.memory_space<vmem>>[vector<16xi32>], vector<16xi32>,
    %ne3A_880 = arith.cmpi ne, %gather3A_875, %gather3A_879 : vector<16xi32>
    %ne3A_881 = arith.constant 0 : i32
    %ne3A_882 = vector.broadcast %ne3A_881 : i32 to vector<16xi32>
    %ne3A_883 = arith.cmpi ne, %gather3A_875, %ne3A_882 : vector<16xi32>
    %and3A_884 = arith.andi %ne3A_880, %ne3A_883 : vector<16xi1>
    %jit3A_885 = arith.constant -1 : i32
    %broadcast_in_dim3A_886 = vector.broadcast %jit3A_885 : i32 to vector<16xi32>
    %select_n3A_887 = arith.select %and3A_884, %gather3A_875, %broadcast_in_dim3A_886 : vector<16xi1>, vector<16xi32>
    %swap3A_888 = arith.constant 112 : index
    %swap3A_889 = tpu.vector_load %arg8[%swap3A_888] {strides = array<i32>} : memref<128xi32, #tpu.memory_space<vmem>>, vector<16xi32>,
    tpu.vector_store %arg8[%swap3A_888], %select_n3A_887 {strides = array<i32>} : memref<128xi32, #tpu.memory_space<vmem>>, vector<16xi32>,
    "tpu.region"() ({
      %run_scoped3A = tpu.sem_alloc : memref<!tpu.dma_semaphore, #tpu.memory_space<semaphore_mem>>
      %dma_start3A_890 = tpu.memref_slice %arg3[%mul3A_2] : memref<4096xi32, #tpu.memory_space<hbm>> -> memref<128xi32, #tpu.memory_space<hbm>>
      %dma_start3A_891 = tpu.memref_slice %arg3[%mul3A_2] : memref<4096xi32, #tpu.memory_space<hbm>> -> memref<128xi32, #tpu.memory_space<hbm>>
      tpu.enqueue_dma source(%arg8 : memref<128xi32, #tpu.memory_space<vmem>>) target(%dma_start3A_891 : memref<128xi32, #tpu.memory_space<hbm>>) target_semaphore(%run_scoped3A : memref<!tpu.dma_semaphore, #tpu.memory_space<semaphore_mem>>)
      %dma_wait3A_892 = tpu.memref_slice %arg3[%mul3A_2] : memref<4096xi32, #tpu.memory_space<hbm>> -> memref<128xi32, #tpu.memory_space<hbm>>
      %dma_wait3A_893 = tpu.memref_slice %arg3[%mul3A_2] : memref<4096xi32, #tpu.memory_space<hbm>> -> memref<128xi32, #tpu.memory_space<hbm>>
      tpu.wait_dma2 semaphore(%run_scoped3A : memref<!tpu.dma_semaphore, #tpu.memory_space<semaphore_mem>>) src(%arg8 : memref<128xi32, #tpu.memory_space<vmem>>) dst(%dma_wait3A_893 : memref<128xi32, #tpu.memory_space<hbm>>)
      tpu.yield
    }) : () -> ()
    return
  }
}

</mosaic_0001>

<sc_bundles>
// kernel: kernel.3.cloned.1.call-start
scs
__scs_entry_jumppad:
0x0: {  	(pc) =	sbr.rel $0x88, $3  }
0x1: {  	(tag) =	ssettag $0x0;
	lr =	simm.s32 $0x1  }
0x2: {  	[smem:$0x3FA0] =	sst lr;
	_ =	strace $0xD0000000  }
0x3: {  	_ = 	snop  }
0x4: {  	_ = 	snop  }
0x5: {  	_ = 	snop  }
0x6: {  	_ = 	snop  }
0x7: {  	_ = 	snop  }
__scs_overlays_trampoline_lowered:
0x8: {  	[smem:$0x3FAF] =	sst s0  }
0x9: {  	[smem:$0x3FB0] =	sst s1  }
0xa: {  	[smem:$0x3FB1] =	sst s2  }
0xb: {  	[smem:$0x3FB2] =	sst s3  }
0xc: {  	[smem:$0x3FB3] =	sst s4  }
0xd: {  	[smem:$0x3FB4] =	sst s5  }
0xe: {  	[smem:$0x3FB5] =	sst s6  }
0xf: {  	[smem:$0x3FB6] =	sst s7  }
0x10: {  	[smem:$0x3FB7] =	sst s8  }
0x11: {  	[smem:$0x3FB8] =	sst s9;
	s0 =	simm.s32 @!p0 $0x0  }
0x12: {  	s1 =	sld [smem:$0x3F9E];
	s0 =	simm.s32 @p0 $0x1  }
0x13: {  	[smem:$0x3FB9] =	sst s0;
	s0 =	simm.s32 @!p1 $0x0  }
0x14: {  	s2 =	sld [smem:$0x3F9D];
	s0 =	simm.s32 @p1 $0x1  }
0x15: {  	[smem:$0x3FBA] =	sst s0;
	s0 =	simm.s32 @!p2 $0x0  }
0x16: {  	s3 =	sld [smem:$0x3FDB];
	s0 =	simm.s32 @p2 $0x1  }
0x17: {  	s4 =	simm.s32 $0x1BF5;
	[smem:$0x3FBC] =	sst s0  }
0x18: {  	s0 =	sld [smem:$0x3F9F];
	_ =	swait.ge [sflag:s4], $0x0  }
0x19: {  	s7 =	sld [smem:$0x3FA0]  }
0x1a: {  	s8 =	sadd.s32 $0xFFFFE003, lr  }
0x1b: {  	s9 =	sadd.s32 $0xFFFFFEF7, lr;
	s5 =	simm.s32 $0xFFFFFFFF;
	p2 =	slt.u32 s8, $0xFFFFF086  }
0x1c: {  	p1 =	slt.u32 s9, $0xF7A;
	s5 =	simm.s32 @!p2 $0x0  }
0x1d: {  	s5 =	simm.s32 @p1 $0x1;
	p0 =	seq.s32 s7, s2  }
0x1e: {  	s7 =	smul.u32 @!p0 $0xF7A, s2;
	p2 =	seq.s32 @!p0 s5, $0x0  }
0x1f: {  	s9 =	smul.u32 $0xF7A, s1;
	s8 =	simm.s32 @!p0 $0x1BF5;
	p2 =	por !p2, p0  }
0x20: {  	[sflag:s8] =	ssyncset.s32 @!p0 $0xFFFFF086;
	s6 =	sadd.s32 @!p0 s3, s7;
	s7 =	simm.s32 @!p0 $0x108  }
0x21: {  	s3 =	sadd.s32 s3, s9;
	s6 =	sadd.s32 @!p0 $0x88, s6;
	s7 =	simm.s32 @p2 $0x1082  }
0x22: {  	[simem:s7], [sflag:s8] =	dma.local @!p0 [hbm:s6], $0xF7A  }
0x23: {  	s9 =	sor.u32 $0xD0000000, s2;
	s6 =	simm.s32 $0x108;
	_ =	swait.ge @!p0 [sflag:s8], $0x0  }
0x24: {  	s3 =	sadd.s32 $0x88, s3;
	s6 =	simm.s32 @!p1 $0x1082;
	[sflag:s4] =	ssyncset.s32 $0xFFFFF086  }
0x25: {  	[simem:s6], [sflag:s4] =	dma.local [hbm:s3], $0xF7A  }
0x26: {  	[smem:$0x3FA0] =	sst s1;
	(tag) =	ssettag s2;
	_ =	strace s9  }
0x27: {  	s1 =	sld [smem:$0x3FB0]  }
0x28: {  	s2 =	sld [smem:$0x3FB1]  }
0x29: {  	s4 =	sld [smem:$0x3FB3]  }
0x2a: {  	p0 =	seq.s32 s5, $0x0;
	s5 =	sld [smem:$0x3FB4]  }
0x2b: {  	s6 =	sld [smem:$0x3FB5]  }
0x2c: {  	s7 =	sld [smem:$0x3FB6]  }
0x2d: {  	s3 =	simm.s32 $0x108;
	s8 =	sld [smem:$0x3FB7]  }
0x2e: {  	s3 =	simm.s32 @!p0 $0x1082;
	s9 =	sld [smem:$0x3FB8]  }
0x2f: {  	lr =	sadd.s32 s0, s3;
	s0 =	sld [smem:$0x3FAF]  }
0x30: {  	s3 =	sld [smem:$0x3FB2]  }
0x31: {  	[smem:$0x3FBB] =	sst s10  }
0x32: {  	s10 =	sld [smem:$0x3FB9];
	_ =	sdelay $0x3  }
0x33: {  	p0 =	seq.s32 s10, $0x1;
	s10 =	sld [smem:$0x3FBB];
	_ =	sdelay $0x3  }
0x34: {  	[smem:$0x3FBB] =	sst s10  }
0x35: {  	s10 =	sld [smem:$0x3FBA];
	_ =	sdelay $0x3  }
0x36: {  	p1 =	seq.s32 s10, $0x1;
	s10 =	sld [smem:$0x3FBB];
	_ =	sdelay $0x3  }
0x37: {  	[smem:$0x3FBB] =	sst s10  }
0x38: {  	s10 =	sld [smem:$0x3FBC]  }
0x39: {  	_ = 	snop;
	(pc) =	sbr.ind lr, $3  }
0x3a: {  	_ = 	snop  }
0x3b: {  	_ = 	snop  }
0x3c: {  	p2 =	seq.s32 s10, $0x1;
	s10 =	sld [smem:$0x3FBB]  }
0x3d: {  	_ =	shalt  }
0x3e: {  	_ =	shalt  }
0x3f: {  	_ =	shalt  }
0x40: {  	_ =	shalt  }
0x41: {  	_ =	shalt  }
0x42: {  	_ =	shalt  }
0x43: {  	_ =	shalt  }
0x44: {  	_ =	shalt  }
0x45: {  	_ =	shalt  }
0x46: {  	_ =	shalt  }
0x47: {  	_ =	shalt  }
0x48: {  	_ =	shalt  }
0x49: {  	_ =	shalt  }
0x4a: {  	_ =	shalt  }
0x4b: {  	_ =	shalt  }
0x4c: {  	_ =	shalt  }
0x4d: {  	_ =	shalt  }
0x4e: {  	_ =	shalt  }
0x4f: {  	_ =	shalt  }
0x50: {  	_ =	shalt  }
0x51: {  	_ =	shalt  }
0x52: {  	_ =	shalt  }
0x53: {  	_ =	shalt  }
0x54: {  	_ =	shalt  }
0x55: {  	_ =	shalt  }
0x56: {  	_ =	shalt  }
0x57: {  	_ =	shalt  }
0x58: {  	_ =	shalt  }
0x59: {  	_ =	shalt  }
0x5a: {  	_ =	shalt  }
0x5b: {  	_ =	shalt  }
0x5c: {  	_ =	shalt  }
0x5d: {  	_ =	shalt  }
0x5e: {  	_ =	shalt  }
0x5f: {  	_ =	shalt  }
0x60: {  	_ =	shalt  }
0x61: {  	_ =	shalt  }
0x62: {  	_ =	shalt  }
0x63: {  	_ =	shalt  }
0x64: {  	_ =	shalt  }
0x65: {  	_ =	shalt  }
0x66: {  	_ =	shalt  }
0x67: {  	_ =	shalt  }
0x68: {  	_ =	shalt  }
0x69: {  	_ =	shalt  }
0x6a: {  	_ =	shalt  }
0x6b: {  	_ =	shalt  }
0x6c: {  	_ =	shalt  }
0x6d: {  	_ =	shalt  }
0x6e: {  	_ =	shalt  }
0x6f: {  	_ =	shalt  }
0x70: {  	_ =	shalt  }
0x71: {  	_ =	shalt  }
0x72: {  	_ =	shalt  }
0x73: {  	_ =	shalt  }
0x74: {  	_ =	shalt  }
0x75: {  	_ =	shalt  }
0x76: {  	_ =	shalt  }
0x77: {  	_ =	shalt  }
0x78: {  	_ =	shalt  }
0x79: {  	_ =	shalt  }
0x7a: {  	_ =	shalt  }
0x7b: {  	_ =	shalt  }
0x7c: {  	_ =	shalt  }
0x7d: {  	_ =	shalt  }
0x7e: {  	_ =	shalt  }
0x7f: {  	_ =	shalt  }
0x80: {  	_ =	shalt  }
0x81: {  	_ =	shalt  }
0x82: {  	_ =	shalt  }
0x83: {  	_ =	shalt  }
0x84: {  	_ =	shalt  }
0x85: {  	_ =	shalt  }
0x86: {  	_ =	shalt  }
0x87: {  	_ =	shalt  }
.Lfunc_end0:
.L_simem_size_0:
called_computation_lowered:
.L_overlay_start_0:
0x88: {  	s2 =	sld [smem:$0x3FD9]  }
0x89: {  	s3 =	sld [smem:$0x3FFE];
	_ =	sdelay $0x1  }
0x8a: {  	s1 =	srdreg.scid  }
0x8b: {  	s0 =	sand.u32 $0x1, s1  }
0x8c: {  	s18 =	sshll.u32 s0, $0xA;
	s2 =	sadd.s32 s3, s2  }
0x8d: {  	s2 =	sadd.s32 s2, s18  }
0x8e: {  	[smem:$0x3FC7] =	sst s2  }
0x8f: {  	_ = 	snop  }
0x90: {  	s2 =	sld [smem:$0x3FC9]  }
0x91: {  	s19 =	sld [smem:$0x3FD0];
	(tm) =	ssettm $0x1  }
0x92: {  	s4 =	sld [smem:$0x3FFB];
	_ =	sdelay $0x3  }
0x93: {  	_ =	strace s4  }
0x94: {  	s4 =	sld [smem:$0x3FFC];
	_ =	sdelay $0x3  }
0x95: {  	_ =	strace s4  }
0x96: {  	s4 =	sld [smem:$0x3FFD];
	_ =	sdelay $0x3  }
0x97: {  	_ =	strace s4  }
0x98: {  	_ =	strace $0x8FFFFFFF  }
0x99: {  	s20 =	sld [smem:$0x3FDB];
	_ =	sdelay $0x1  }
0x9a: {  	s5 =	simm.s32 $_scs_section_size  }
0x9b: {  	s6 =	simm.s32 $_size__tile_overlayer_lowered;
	s7 =	simm.s32 $_tile_overlayer_lowered  }
0x9c: {  	s23 =	simm.s32 $0x1BFF;
	s22 =	sshll.u32 s7, $0x1;
	s4 =	sadd.s32 s5, s20  }
0x9d: {  	s8 =	simm.s32 $0x0;
	s21 =	sshll.u32 s6, $0x1;
	s6 =	sadd.s32 s22, s4  }
0x9e: {  	[timem:s8], [sflag:s23] =	dma.local [hbm:s6], s21  }
0x9f: {  	_ =	swait.ge [sflag:s23], s21  }
0xa0: {  	s5 =	ssub.s32 $0x0, s21;
	[sflag:s23] =	ssyncset.done $0x0  }
0xa1: {  	[sflag:s23] =	ssyncadd.s32 s5;
	_ =	sdelay $0x1  }
0xa2: {  	s24 =	simm.s32 $0x1B8B  }
0xa3: {  	_ =	swait.ge [sflag:s24], $0x1  }
0xa4: {  	[sflag:s24] =	ssyncset.done $0x0  }
0xa5: {  	s25 =	simm.s32 $0x1B8E;
	[sflag:s24] =	ssyncadd.s32 $0xFFFFFFFF  }
0xa6: {  	s26 =	simm.s32 $execute0_lowered;
	[smem:$0x3FD2] =	sst s25  }
0xa7: {  	s5 =	sshll.u32 s26, $0x1;
	_ =	strace $0x80000046;
	[dreg:$0x1] =	wrdreg $0xFFFFFFFF  }
0xa8: {  	s28 =	simm.s32 $_size_execute0_lowered;
	s4 =	sadd.s32 s4, s5;
	[dreg:$0x0] =	wrdreg $0x0  }
0xa9: {  	s5 =	sshll.u32 s28, $0x1;
	[dreg:$0x2] =	wrdreg s4  }
0xaa: {  	[dreg:$0x3] =	wrdreg s5  }
0xab: {  	[dreg:$0x4] =	wrdreg $0xC0  }
0xac: {  	_ =	task [dreg:s8], $0x5FFFF  }
0xad: {  	[dreg:$0x1] =	wrdreg $0xFFFFFFFF  }
0xae: {  	[dreg:$0x0] =	wrdreg $0x60  }
0xaf: {  	[dreg:$0x2] =	wrdreg s2  }
0xb0: {  	[dreg:$0x3] =	wrdreg s19  }
0xb1: {  	[dreg:$0x4] =	wrdreg $0x9  }
0xb2: {  	_ =	task.clear_ibuf [dreg:s8], $0x5FFFF;
	_ =	strace $0x90000046  }
0xb3: {  	s29 =	simm.s32 $0x9;
	_ =	strace $0x80000048  }
0xb4: {  	_ =	swait.ge [sflag:s29], $0x1  }
0xb5: {  	[sflag:s29] =	ssyncadd.s32 $0xFFFFFFFF  }
0xb6: {  	_ =	strace $0x90000048  }
0xb7: {  	_ =	sfence  }
0xb8: {  	s30 =	sld [smem:$0x0];
	_ =	sdelay $0x2  }
0xb9: {  	s31 =	sshll.u32 s1, $0xD;
	s1 =	sshrl.u32 s1, $0x2  }
0xba: {  	s3 =	sand.u32 $0x4000, s31;
	s1 =	sadd.s32 s1, s30  }
0xbb: {  	s0 =	sor.u32 s3, s0;
	s1 =	sshll.u32 s1, $0x11  }
0xbc: {  	s0 =	sor.u32 s1, s0  }
0xbd: {  	s0 =	sadd.s32 $0x8F2B, s0  }
0xbe: {  	[sflag:s0] =	ssyncadd.remote.s32 $0x1  }
0xbf: {  	_ =	sfence.sel $0xFFFF  }
0xc0: {  	[dreg:$0x0] =	wrdreg $0xFFFFFFFF;
	(pc) =	sbr.abs _section_cstart, $3  }
0xc1: {  	[dreg:$0x1] =	wrdreg $0xFFFFFFFF  }
0xc2: {  	_ =	task.clear_ibuf [dreg:s8], $0x2FFFF;
	_ =	strace $0x9FFFFFFF  }
0xc3: {  	(tm) =	ssettm $0x7FFFFFFF  }
tec
execute0_lowered:
.L_overlay_start_1:
0x0: {  	(tag) =	ssettag $0x1  }
0x1: {  	s4 =	rddreg [dreg:$0x0]  }
0x2: {  	v0 =	vlaneseq.u32;
	s8 =	rddreg [dreg:$0x1];
	s2 =	simm.s32 $0x0  }
0x3: {  	s1 =	srdreg.scid;
	[smem:$0x7FF] =	sst s2;
	v2 =	vor.u32 $0x2B0, v0  }
0x4: {  	v8 =	vor.u32 $0x50, v0;
	s3 =	sand.u32 $0x1, s1;
	s1 =	rddreg [dreg:$0x2];
	_ =	strace $0x80000047;
	[tilespmem:$0x1FE50] =	vst v2  }
0x5: {  	v9 =	vor.u32 $0x20, v0;
	[tilespmem:$0x1FEB0] =	vst v8  }
0x6: {  	v5 =	vor.u32 $0xE0, v0;
	[tilespmem:$0x1FEC0] =	vst v9  }
0x7: {  	v60 =	vor.u32 $0x160, v0;
	[tilespmem:$0x1FED0] =	vst v5  }
0x8: {  	v63 =	vor.u32 $0x1E0, v0;
	[tilespmem:$0x1FEE0] =	vst v60  }
0x9: {  	v3 =	vor.u32 $0x260, v0;
	[tilespmem:$0x1FEF0] =	vst v63  }
0xa: {  	v4 =	vor.u32 $0x2E0, v0;
	[tilespmem:$0x1FF00] =	vst v3  }
0xb: {  	v30 =	vor.u32 $0x360, v0;
	[tilespmem:$0x1FF10] =	vst v4  }
0xc: {  	v51 =	vor.u32 $0xB0, v0;
	[tilespmem:$0x1FF20] =	vst v30  }
0xd: {  	v11 =	vor.u32 $0x40, v0;
	v13 =	vor.u32 $0x80, v0;
	v19 =	vor.u32 $0x130, v0;
	[tilespmem:$0x1FF30] =	vst v51  }
0xe: {  	v14 =	vor.u32 $0xC0, v0;
	v20 =	vor.u32 $0x100, v0;
	v53 =	vor.u32 $0xF0, v0;
	[tilespmem:$0x1FF40] =	vst v19  }
0xf: {  	v21 =	vor.u32 $0x140, v0;
	v22 =	vor.u32 $0x180, v0;
	v55 =	vor.u32 $0x170, v0;
	[tilespmem:$0x1FF50] =	vst v53  }
0x10: {  	v23 =	vor.u32 $0x1C0, v0;
	v16 =	vor.u32 $0x200, v0;
	v57 =	vor.u32 $0x220, v0;
	[tilespmem:$0x1FF60] =	vst v55  }
0x11: {  	v24 =	vor.u32 $0x240, v0;
	v25 =	vor.u32 $0x280, v0;
	v48 =	vor.u32 $0x270, v0;
	[tilespmem:$0x1FF70] =	vst v57  }
0x12: {  	v17 =	vor.u32 $0x2C0, v0;
	v26 =	vor.u32 $0x300, v0;
	v18 =	vor.u32 $0x1B0, v0;
	[tilespmem:$0x1FF80] =	vst v48  }
0x13: {  	s0 =	stileid.u32;
	s12 =	simm.s32 $0x10000;
	v27 =	vor.u32 $0x340, v0;
	v28 =	vor.u32 $0x380, v0;
	v44 =	vor.u32 $0x10, v0;
	[tilespmem:$0x1FF90] =	vst v18  }
0x14: {  	s13 =	simm.s32 $0x3;
	s14 =	simm.s32 $0x10400;
	s15 =	simm.s32 $0x8000;
	v29 =	vor.u32 $0x3C0, v0;
	v33 =	vor.u32 $0x90, v0;
	v34 =	vor.u32 $0xD0, v0;
	[tilespmem:$0x1FFA0] =	vst v44  }
0x15: {  	s16 =	simm.s32 $0x2;
	s17 =	simm.s32 $0x1;
	s30 =	sshll.u32 s0, $0x1;
	v6 =	vor.u32 $0x110, v0;
	v7 =	vor.u32 $0x150, v0;
	v35 =	vor.u32 $0x190, v0;
	[tilespmem:$0x1FFB0] =	vst v33  }
0x16: {  	s18 =	simm.s32 $0x10500;
	s19 =	simm.s32 $0x4;
	v36 =	vor.u32 $0x1D0, v0;
	v59 =	vor.u32 $0x210, v0;
	v43 =	vor.u32 $0x390, v0;
	s10 =	sor.u32 s3, s30;
	[tilespmem:$0x1FFC0] =	vst v20  }
0x17: {  	s20 =	simm.s32 $0x0;
	v39 =	vor.u32 $0x250, v0;
	v32 =	vor.u32 $0x290, v0;
	v49 =	vor.u32 $0xA0, v0;
	s3 =	ssub.s32 $0x2, s3;
	[tilespmem:$0x1FFD0] =	vst v43;
	s5 =	sshll.u32 s10, $0x7  }
0x18: {  	v37 =	vor.u32 $0x2D0, v0;
	v38 =	vor.u32 $0x310, v0;
	v50 =	vor.u32 $0x120, v0;
	[tilespmem:$0x1FFE0] =	vst v49;
	s7 =	sshrl.u32 s3, $0x1;
	s31 =	sshll.u32 s10, $0xE;
	s5 =	smax.u32 s5, $0x1  }
0x19: {  	v42 =	vor.u32 $0x350, v0;
	v10 =	vor.u32 $0x3D0, v0;
	v2 =	vor.u32 $0x2F0, v0;
	[tilespmem:$0x1FFF0] =	vst v50;
	s11 =	sshll.u32 s10, $0x4;
	p0 =	seq.s32 s10, $0x0;
	s5 =	sadd.s32 $0xFFFFFFFF, s5  }
0x1a: {  	v47 =	vor.u32 $0x60, v0;
	v52 =	vor.u32 $0x1A0, v0;
	s10 =	simm.s32 $0x80;
	[tilespmem:$0x1FE60] =	vst v2;
	v2 =	vor.u32 $0x330, v0;
	s6 =	sshll.u32 s5, $0x7;
	s5 =	sshll.u32 s5, $0x4  }
0x1b: {  	v54 =	vor.u32 $0x2A0, v0;
	v56 =	vor.u32 $0x320, v0;
	s9 =	ssub.s32 s3, s7;
	[tilespmem:$0x1FE70] =	vst v2;
	v2 =	vor.u32 $0x370, v0;
	s6 =	sand.u32 $0x7FC00, s6;
	s5 =	sand.u32 $0x70, s5  }
0x1c: {  	v58 =	vor.u32 $0x3A0, v0;
	v12 =	vor.u32 $0x3E0, v0;
	s8 =	sadd.s32 s8, s11;
	s11 =	simm.s32 $0x400;
	[tilespmem:$0x1FE80] =	vst v2;
	v2 =	vor.u32 $0x3B0, v0;
	s5 =	sor.u32 s5, s6  }
0x1d: {  	v61 =	vor.u32 $0x30, v0;
	v62 =	vor.u32 $0x70, v0;
	s9 =	smax.u32 s9, $0x1;
	[tilespmem:$0x1FE90] =	vst v2;
	v2 =	vor.u32 $0x3F0, v0;
	s3 =	sadd.s32 s4, s5;
	s4 =	sadd.s32 s4, s31  }
0x1e: {  	v15 =	vor.u32 $0x1F0, v0;
	v45 =	vor.u32 $0x230, v0;
	[tilespmem:$0x1FEA0] =	vst v2;
	s5 =	sadd.s32 $0x1000, s4;
	s6 =	sadd.s32 $0x2000, s4;
	s7 =	sadd.s32 $0x3000, s4  }
.LBB2_1:
0x1f: {  	[tilespmem:s12], [sflag:$0x3] =	stream.strided.gather [hbm4b:s3+s10], $0x400, s11, s10, $0x38;
	[tilespmem:$0x10580] =	vst v63  }
0x20: {  	_ = 	snop  }
0x21: {  	[tilespmem:s2], [sflag:$0x1] =	stream.linear.gather [hbm4b:s4+s2], $0x8000, $0x38;
	[tilespmem:$0x10580] =	vst v63  }
0x22: {  	_ =	swait.ge [sflag:s13], $0x400  }
0x23: {  	[sflag:s13] =	ssyncset.done $0x0  }
0x24: {  	[sflag:s13] =	ssyncadd.s32 $0xFFFFFC00  }
0x25: {  	v2 =	vld [tilespmem:$0x10000];
	_ =	sdelay $0x1  }
0x26: {  	v3 =	vld [tilespmem:$0x10040];
	_ =	sdelay $0x1  }
0x27: {  	v4 =	vld [tilespmem:$0x10080]  }
0x28: {  	vm0 =	vgt.f32 v2, $-Inf  }
0x29: {  	v5 =	vld [tilespmem:$0x100C0];
	v2 =	vnsel vm0, $0xFF800000, v2  }
0x2a: {  	vm8 =	vgt.f32 v3, v2  }
0x2b: {  	v2 =	vsel vm8, v3, v2;
	v3 =	vld [tilespmem:$0x10100]  }
0x2c: {  	vm3 =	vgt.f32 v4, v2  }
0x2d: {  	v46 =	vmov v20;
	v50 =	vld [tilespmem:$0x10140];
	v2 =	vsel vm3, v4, v2  }
0x2e: {  	v20 =	vmovc v42;
	v42 =	vmovc v38;
	v38 =	vmov v35;
	v35 =	vmov v6;
	v6 =	vld [tilespmem:$0x10010];
	vm5 =	vgt.f32 v5, v2  }
0x2f: {  	v49 =	vld [tilespmem:$0x10180];
	v2 =	vsel vm5, v5, v2  }
0x30: {  	v40 =	vmovc v32;
	v32 =	vmovc v39;
	v39 =	vmov v36;
	v36 =	vmov v7;
	v7 =	vld [tilespmem:$0x10020];
	vm4 =	vgt.f32 v3, v2  }
0x31: {  	v2 =	vsel vm4, v3, v2;
	v3 =	vld [tilespmem:$0x101C0]  }
0x32: {  	v31 =	vld [tilespmem:$0x10030];
	vm7 =	vgt.f32 v50, v2  }
0x33: {  	v4 =	vld [tilespmem:$0x10200];
	v2 =	vsel vm7, v50, v2  }
0x34: {  	vm6 =	vgt.f32 v49, v2  }
0x35: {  	v41 =	vmovc v37;
	v37 =	vmov v34;
	v34 =	vld [tilespmem:$0x10240];
	vm12 =	vlt.f32 v6, $-Inf;
	v2 =	vsel vm6, v49, v2  }
0x36: {  	vm1 =	vgt.f32 v6, $-Inf;
	vm13 =	vlt.f32 v7, $-Inf;
	v5 =	vld [tilespmem:$0x10050];
	vm9 =	vgt.f32 v3, v2  }
0x37: {  	v43 =	vld [tilespmem:$0x10280];
	vm14 =	vgt.f32 v7, $-Inf;
	vm10 =	vlt.f32 v31, $-Inf;
	v2 =	vsel vm9, v3, v2  }
0x38: {  	vm2 =	vmor vm1, vm12;
	vm1 =	vmor vm14, vm13;
	v49 =	vld [tilespmem:$0x10090];
	vm15 =	vgt.f32 v4, v2  }
0x39: {  	v6 =	vnsel vm2, $0xFF800000, v6;
	v3 =	vsel vm8, v11, v0;
	v2 =	vsel vm15, v4, v2;
	v4 =	vld [tilespmem:$0x102C0]  }
0x3a: {  	v1 =	vnsel vm1, $0xFF800000, v7;
	v7 =	vld [tilespmem:$0x100D0];
	v3 =	vsel vm3, v13, v3;
	vm12 =	vgt.f32 v34, v2  }
0x3b: {  	vm3 =	vgt.f32 v5, v6;
	v3 =	vsel vm5, v14, v3;
	v2 =	vsel vm12, v34, v2;
	v34 =	vld [tilespmem:$0x10300]  }
0x3c: {  	v5 =	vsel vm3, v5, v6;
	v6 =	vld [tilespmem:$0x10110];
	v3 =	vsel vm4, v46, v3;
	vm13 =	vgt.f32 v43, v2  }
0x3d: {  	vm5 =	vgt.f32 v49, v5;
	v3 =	vsel vm7, v21, v3;
	v2 =	vsel vm13, v43, v2;
	v43 =	vld [tilespmem:$0x10340]  }
0x3e: {  	v5 =	vsel vm5, v49, v5;
	v49 =	vld [tilespmem:$0x10150];
	v3 =	vsel vm6, v22, v3;
	vm14 =	vgt.f32 v4, v2  }
0x3f: {  	v46 =	vld [tilespmem:$0x10380];
	vm6 =	vgt.f32 v7, v5;
	v3 =	vsel vm9, v23, v3;
	v2 =	vsel vm14, v4, v2  }
0x40: {  	v5 =	vsel vm6, v7, v5;
	v7 =	vld [tilespmem:$0x10190];
	v3 =	vsel vm15, v16, v3;
	vm15 =	vgt.f32 v34, v2  }
0x41: {  	vm7 =	vgt.f32 v6, v5;
	v3 =	vsel vm12, v24, v3;
	v4 =	vld [tilespmem:$0x103C0];
	v2 =	vsel vm15, v34, v2  }
0x42: {  	v5 =	vsel vm7, v6, v5;
	v6 =	vld [tilespmem:$0x101D0];
	v3 =	vsel vm13, v25, v3;
	vm12 =	vgt.f32 v43, v2  }
0x43: {  	v50 =	vld [tilespmem:$0x10210];
	vm8 =	vgt.f32 v49, v5;
	v3 =	vsel vm14, v17, v3;
	v2 =	vsel vm12, v43, v2  }
0x44: {  	v34 =	vld [tilespmem:$0x10060];
	v5 =	vsel vm8, v49, v5;
	v3 =	vsel vm15, v26, v3;
	vm13 =	vgt.f32 v46, v2  }
0x45: {  	vm9 =	vgt.f32 v7, v5;
	v43 =	vld [tilespmem:$0x10070];
	v3 =	vsel vm12, v27, v3;
	v2 =	vsel vm13, v46, v2  }
0x46: {  	v5 =	vsel vm9, v7, v5;
	v7 =	vld [tilespmem:$0x10250];
	v3 =	vsel vm13, v28, v3;
	vm14 =	vgt.f32 v4, v2  }
0x47: {  	vm15 =	vgt.f32 v6, v5;
	v46 =	vsel vm14, v4, v2;
	v2 =	vsel vm14, v29, v3  }
0x48: {  	vm11 =	vgt.f32 v31, $-Inf;
	v49 =	vld [tilespmem:$0x100A0];
	v5 =	vsel vm15, v6, v5;
	[tilespmem:$0x1FE40] =	vst v2;
	v2 =	vsel vm2, v44, v0  }
0x49: {  	vm0 =	vmor vm11, vm10;
	v6 =	vld [tilespmem:$0x10290];
	vm12 =	vgt.f32 v50, v5;
	v2 =	vsel vm3, v8, v2  }
0x4a: {  	v4 =	vnsel vm0, $0xFF800000, v31;
	v5 =	vsel vm12, v50, v5;
	v2 =	vsel vm5, v33, v2;
	v33 =	vld [tilespmem:$0x100E0]  }
0x4b: {  	vm4 =	vgt.f32 v34, v1;
	v3 =	vld [tilespmem:$0x102D0];
	vm2 =	vgt.f32 v43, v4;
	vm13 =	vgt.f32 v7, v5  }
0x4c: {  	v8 =	vsel vm4, v34, v1;
	v4 =	vsel vm2, v43, v4;
	v43 =	vld [tilespmem:$0x10120];
	v2 =	vsel vm6, v37, v2  }
0x4d: {  	v50 =	vld [tilespmem:$0x10310];
	v5 =	vsel vm13, v7, v5;
	vm6 =	vgt.f32 v49, v8;
	v2 =	vsel vm7, v35, v2  }
0x4e: {  	v31 =	vld [tilespmem:$0x100B0];
	vm14 =	vgt.f32 v6, v5;
	v8 =	vsel vm6, v49, v8;
	v2 =	vsel vm8, v36, v2  }
0x4f: {  	v5 =	vsel vm14, v6, v5;
	v6 =	vld [tilespmem:$0x10350];
	v2 =	vsel vm9, v38, v2;
	vm7 =	vgt.f32 v33, v8  }
0x50: {  	v1 =	vld [tilespmem:$0x10160];
	v2 =	vsel vm15, v39, v2;
	vm15 =	vgt.f32 v3, v5;
	v8 =	vsel vm7, v33, v8  }
0x51: {  	v3 =	vsel vm15, v3, v5;
	v5 =	vld [tilespmem:$0x10390];
	v2 =	vsel vm12, v59, v2;
	vm8 =	vgt.f32 v43, v8  }
0x52: {  	v2 =	vsel vm13, v32, v2;
	vm12 =	vgt.f32 v50, v3;
	v8 =	vsel vm8, v43, v8;
	v43 =	vld [tilespmem:$0x1FFD0]  }
0x53: {  	v44 =	vld [tilespmem:$0x100F0];
	v3 =	vsel vm12, v50, v3;
	v2 =	vsel vm14, v40, v2  }
0x54: {  	v2 =	vsel vm15, v41, v2;
	vm13 =	vgt.f32 v6, v3  }
0x55: {  	vm3 =	vgt.f32 v31, v4;
	v49 =	vld [tilespmem:$0x10130];
	v3 =	vsel vm13, v6, v3;
	v2 =	vsel vm12, v42, v2  }
0x56: {  	vm10 =	vgt.f32 v1, v8;
	v2 =	vsel vm13, v20, v2;
	vm14 =	vgt.f32 v5, v3  }
0x57: {  	v31 =	vsel vm3, v31, v4;
	v8 =	vsel vm10, v1, v8;
	v1 =	vsel vm14, v43, v2  }
0x58: {  	v4 =	vld [tilespmem:$0x101A0];
	vm5 =	vgt.f32 v44, v31  }
0x59: {  	v50 =	vld [tilespmem:$0x10170];
	v33 =	vsel vm14, v5, v3;
	v5 =	vsel vm1, v9, v0;
	v9 =	vsel vm5, v44, v31  }
0x5a: {  	vm1 =	vgt.f32 v49, v9;
	[tilespmem:$0x1FE30] =	vst v1;
	v1 =	vmov v49;
	v49 =	vld [tilespmem:$0x1FFE0]  }
0x5b: {  	v9 =	vsel vm1, v1, v9;
	v1 =	vld [tilespmem:$0x1FED0]  }
0x5c: {  	v7 =	vld [tilespmem:$0x101E0]  }
0x5d: {  	v6 =	vld [tilespmem:$0x10220];
	vm15 =	vgt.f32 v4, v8  }
0x5e: {  	v4 =	vsel vm15, v4, v8;
	v8 =	vld [tilespmem:$0x10260];
	v5 =	vsel vm4, v47, v5  }
0x5f: {  	v2 =	vld [tilespmem:$0x101B0];
	v5 =	vsel vm6, v49, v5  }
0x60: {  	vm4 =	vgt.f32 v50, v9;
	v5 =	vsel vm7, v1, v5;
	v1 =	vmov v50;
	v50 =	vld [tilespmem:$0x1FFF0]  }
0x61: {  	v34 =	vmovc v37;
	v37 =	vmovc v38;
	v38 =	vmov v39;
	v39 =	vmov v32;
	v3 =	vld [tilespmem:$0x101F0];
	vm12 =	vgt.f32 v7, v4  }
0x62: {  	v32 =	vmovc v40;
	v40 =	vmovc v41;
	v41 =	vmov v42;
	v42 =	vmov v20;
	v20 =	vld [tilespmem:$0x10230];
	v4 =	vsel vm12, v7, v4  }
0x63: {  	v7 =	vld [tilespmem:$0x102A0];
	vm13 =	vgt.f32 v6, v4;
	v9 =	vsel vm4, v1, v9  }
0x64: {  	v44 =	vld [tilespmem:$0x102E0];
	v4 =	vsel vm13, v6, v4;
	vm6 =	vgt.f32 v2, v9  }
0x65: {  	vm14 =	vgt.f32 v8, v4;
	v1 =	vld [tilespmem:$0x1FF00];
	v2 =	vsel vm6, v2, v9;
	v5 =	vsel vm8, v50, v5  }
0x66: {  	v4 =	vsel vm14, v8, v4;
	v8 =	vld [tilespmem:$0x10270];
	vm7 =	vgt.f32 v3, v2;
	v5 =	vsel vm10, v60, v5  }
0x67: {  	v31 =	vld [tilespmem:$0x102F0];
	v2 =	vsel vm7, v3, v2;
	v5 =	vsel vm15, v52, v5  }
0x68: {  	v9 =	vld [tilespmem:$0x10320];
	vm8 =	vgt.f32 v20, v2;
	vm15 =	vgt.f32 v7, v4;
	v5 =	vsel vm12, v63, v5  }
0x69: {  	v2 =	vsel vm8, v20, v2;
	v3 =	vsel vm15, v7, v4;
	v5 =	vsel vm13, v57, v5;
	v57 =	vld [tilespmem:$0x102B0]  }
0x6a: {  	v63 =	vsel vm0, v61, v0;
	vm12 =	vgt.f32 v44, v3;
	v5 =	vsel vm14, v1, v5;
	v1 =	vld [tilespmem:$0x1FF10]  }
0x6b: {  	v4 =	vsel vm2, v62, v63;
	vm13 =	vgt.f32 v8, v2;
	v3 =	vsel vm12, v44, v3;
	v44 =	vld [tilespmem:$0x10360]  }
0x6c: {  	v2 =	vsel vm13, v8, v2;
	v4 =	vsel vm3, v51, v4;
	v8 =	vld [tilespmem:$0x10330]  }
0x6d: {  	v51 =	vld [tilespmem:$0x1FE60];
	v60 =	vsel vm15, v54, v5;
	vm14 =	vgt.f32 v9, v3;
	v4 =	vsel vm5, v53, v4  }
0x6e: {  	v3 =	vsel vm14, v9, v3;
	v9 =	vld [tilespmem:$0x103A0];
	v4 =	vsel vm1, v19, v4;
	vm15 =	vgt.f32 v57, v2  }
0x6f: {  	v4 =	vsel vm4, v55, v4;
	v7 =	vsel vm12, v1, v60;
	v2 =	vsel vm15, v57, v2;
	v1 =	vld [tilespmem:$0x10370]  }
0x70: {  	v55 =	vld [tilespmem:$0x103B0];
	v4 =	vsel vm6, v18, v4;
	vm9 =	vgt.f32 v31, v2  }
0x71: {  	vm10 =	vgt.f32 v44, v3;
	v4 =	vsel vm7, v15, v4;
	v60 =	vld [tilespmem:$0x103E0];
	v2 =	vsel vm9, v31, v2  }
0x72: {  	v57 =	vld [tilespmem:$0x103D0];
	v20 =	vsel vm14, v56, v7;
	v3 =	vsel vm10, v44, v3;
	vm11 =	vgt.f32 v8, v2  }
0x73: {  	v4 =	vsel vm8, v45, v4;
	v18 =	vsel vm10, v30, v20;
	v30 =	vld [tilespmem:$0x1FE50];
	v2 =	vsel vm11, v8, v2  }
0x74: {  	v53 =	vld [tilespmem:$0x1FE70];
	vm12 =	vgt.f32 v9, v3;
	v4 =	vsel vm13, v48, v4;
	vm13 =	vgt.f32 v1, v2  }
0x75: {  	v3 =	vsel vm12, v9, v3;
	v2 =	vsel vm13, v1, v2;
	v1 =	vld [tilespmem:$0x1FE30]  }
0x76: {  	v8 =	vld [tilespmem:$0x103F0];
	vm4 =	vgt.f32 v60, v3  }
0x77: {  	v3 =	vsel vm4, v60, v3;
	v60 =	vld [tilespmem:$0x1FE40];
	vm14 =	vgt.f32 v55, v2  }
0x78: {  	v4 =	vsel vm15, v30, v4;
	vm15 =	vgt.f32 v57, v33;
	v2 =	vsel vm14, v55, v2;
	v55 =	vld [tilespmem:$0x1FE80]  }
0x79: {  	v5 =	vsel vm15, v57, v33;
	v57 =	vld [tilespmem:$0x1FE90]  }
0x7a: {  	v63 =	vsel vm15, v10, v1;
	v1 =	vld [tilespmem:$0x1FEA0]  }
0x7b: {  	v4 =	vsel vm9, v51, v4  }
0x7c: {  	v9 =	vsel vm12, v58, v18;
	v4 =	vsel vm11, v53, v4  }
0x7d: {  	v33 =	vsel vm4, v12, v9;
	vm5 =	vgt.f32 v8, v2;
	v4 =	vsel vm13, v55, v4  }
0x7e: {  	vm6 =	vgt.f32 v5, v46;
	vm7 =	veq.f32 v5, v46;
	v4 =	vsel vm14, v57, v4  }
0x7f: {  	v2 =	vsel vm5, v8, v2;
	vm8 =	vlt.u32 v63, v60;
	v4 =	vsel vm5, v1, v4  }
0x80: {  	vm9 =	veq.f32 v2, v3;
	vm1 =	vmand vm7, vm8;
	vm10 =	vlt.u32 v4, v33  }
0x81: {  	v31 =	vmovc v46;
	vm12 =	vgt.f32 v2, v3;
	vm0 =	vmor vm6, vm1;
	vm11 =	vmand vm9, vm10  }
0x82: {  	v5 =	vsel vm0, v5, v31;
	vm1 =	vmor vm12, vm11  }
0x83: {  	v6 =	vsel vm0, v63, v60;
	v2 =	vsel vm1, v2, v3;
	v3 =	vsel vm1, v4, v33  }
0x84: {  	vm13 =	veq.f32 v2, v5;
	vm1 =	vlt.u32 v3, v6  }
0x85: {  	vm14 =	vgt.f32 v2, v5;
	vm0 =	vmand vm13, vm1  }
0x86: {  	vm0 =	vmor vm14, vm0  }
0x87: {  	v2 =	vsel vm0, v2, v5  }
0x88: {  	(xrf0) =	vmax.scan.msk.f32 $0xffff, v2;
	_ =	sdelay $0x5  }
0x89: {  	v63, _, _ =	vpop (xrf0)  }
0x8a: {  	v4 =	vbroadcast v63, $0xF  }
0x8b: {  	v3 =	vsel vm0, v3, v6  }
0x8c: {  	vm15 =	veq.f32 v2, v4;
	v2 =	vxor.u32 $0x80000000, v3  }
0x8d: {  	v2 =	vnsel vm15, $0xFFFFFFFF, v2  }
0x8e: {  	(xrf0) =	vmin.scan.msk.u32 $0xffff, v2;
	_ =	sdelay $0x5  }
0x8f: {  	v2, _, _ =	vpop (xrf0)  }
0x90: {  	(v2sf) =	vpush v2, $0xF;
	_ =	sdelay $0xd  }
0x91: {  	v1 =	vimm.s32 $0x0  }
0x92: {  	s21 =	spop (v2sf)  }
0x93: {  	s21 =	sxor.u32 $0x80000000, s21  }
0x94: {  	s21 =	simm.s32 @p0 $0xFFFFFFFF  }
0x95: {  	v2 =	vmov s21  }
0x96: {  	[tilespmem:v1+s14+$0x0] =	vst.idx.msk $0x1, v2  }
0x97: {  	[tilespmem:s15], [sflag:$0x2] =	stream.linear.gather [hbm4b:s5+s2], $0x8000, $0x38;
	[tilespmem:$0x10580] =	vst v63  }
0x98: {  	_ =	swait.ge [sflag:s17], $0x8000  }
0x99: {  	v20 =	vld [tilespmem:$0x1FFC0]  }
0x9a: {  	s22 =	simm.s32 $0x0;
	s23 =	simm.s32 $0x0;
	[sflag:s17] =	ssyncset.done $0x0;
	v33 =	vld [tilespmem:$0x1FFB0]  }
0x9b: {  	s24 =	simm.s32 $0x1;
	v46 =	vmov v15;
	v60 =	vmov v59;
	v31 =	vmov v45;
	s21 =	simm.s32 $0x0;
	v59 =	vld [tilespmem:$0x1FFA0];
	[sflag:s17] =	ssyncadd.s32 $0xFFFF8000  }
.LBB2_2:
0x9c: {  	s25 =	sand.u32 $0x6000, s22;
	s26 =	sand.u32 $0x380, s23  }
0x9d: {  	s25 =	sor.u32 s26, s25  }
0x9e: {  	v2 =	vld [tilespmem:s25+$0x0];
	_ =	sdelay $0x1  }
0x9f: {  	v3 =	vld [tilespmem:s25+$0x40];
	_ =	sdelay $0x1  }
0xa0: {  	v4 =	vld [tilespmem:s25+$0x400]  }
0xa1: {  	vm0 =	vgt.f32 v2, $-Inf  }
0xa2: {  	v5 =	vld [tilespmem:s25+$0x440];
	v2 =	vnsel vm0, $0xFF800000, v2  }
0xa3: {  	vm9 =	vgt.f32 v3, v2  }
0xa4: {  	v2 =	vsel vm9, v3, v2;
	v3 =	vld [tilespmem:s25+$0x800]  }
0xa5: {  	vm3 =	vgt.f32 v4, v2  }
0xa6: {  	v44 =	vld [tilespmem:s25+$0x840];
	v2 =	vsel vm3, v4, v2  }
0xa7: {  	v6 =	vld [tilespmem:s25+$0x10];
	vm7 =	vgt.f32 v5, v2  }
0xa8: {  	v45 =	vld [tilespmem:s25+$0xC00];
	v2 =	vsel vm7, v5, v2  }
0xa9: {  	v7 =	vld [tilespmem:s25+$0x20];
	vm4 =	vgt.f32 v3, v2  }
0xaa: {  	v2 =	vsel vm4, v3, v2;
	v3 =	vld [tilespmem:s25+$0xC40]  }
0xab: {  	vm5 =	vgt.f32 v44, v2  }
0xac: {  	v63 =	vld [tilespmem:s25+$0x1000];
	v2 =	vsel vm5, v44, v2  }
0xad: {  	v9 =	vld [tilespmem:s25+$0x50];
	vm6 =	vgt.f32 v45, v2  }
0xae: {  	vm12 =	vlt.f32 v6, $-Inf;
	v5 =	vld [tilespmem:s25+$0x1040];
	v2 =	vsel vm6, v45, v2  }
0xaf: {  	vm1 =	vgt.f32 v6, $-Inf;
	vm13 =	vlt.f32 v7, $-Inf;
	v45 =	vmovc v10;
	v10 =	vld [tilespmem:s25+$0x410];
	vm8 =	vgt.f32 v3, v2  }
0xb0: {  	vm14 =	vgt.f32 v7, $-Inf;
	vm2 =	vmor vm1, vm12;
	v2 =	vsel vm8, v3, v2;
	v3 =	vld [tilespmem:s25+$0x1400]  }
0xb1: {  	v15 =	vmovc v11;
	v8 =	vld [tilespmem:s25+$0x30];
	vm1 =	vmor vm14, vm13;
	v11 =	vsel vm9, v11, v0;
	vm15 =	vgt.f32 v63, v2  }
0xb2: {  	v6 =	vnsel vm2, $0xFF800000, v6;
	v11 =	vsel vm3, v13, v11;
	v44 =	vld [tilespmem:s25+$0x1440];
	v2 =	vsel vm15, v63, v2  }
0xb3: {  	vm3 =	vgt.f32 v9, v6;
	v11 =	vsel vm7, v14, v11;
	v63 =	vmovc v12;
	v12 =	vld [tilespmem:s25+$0x450];
	vm12 =	vgt.f32 v5, v2  }
0xb4: {  	s30 =	sand.u32 $0x7, s21;
	v6 =	vsel vm3, v9, v6;
	v9 =	vld [tilespmem:s25+$0x810];
	v11 =	vsel vm4, v20, v11;
	v2 =	vsel vm12, v5, v2  }
0xb5: {  	s26 =	sshll.u32 s30, $0x7;
	v11 =	vsel vm5, v21, v11;
	vm5 =	vgt.f32 v10, v6;
	v5 =	vld [tilespmem:s25+$0x1800];
	vm13 =	vgt.f32 v3, v2  }
0xb6: {  	s26 =	sadd.s32 s26, s22;
	v6 =	vsel vm5, v10, v6;
	v10 =	vld [tilespmem:s25+$0x850];
	v2 =	vsel vm13, v3, v2  }
0xb7: {  	s28 =	sor.u32 $0x1C00, s26;
	vm10 =	vlt.f32 v8, $-Inf;
	v3 =	vld [tilespmem:s25+$0x1840];
	vm14 =	vgt.f32 v44, v2  }
0xb8: {  	v11 =	vsel vm6, v22, v11;
	vm6 =	vgt.f32 v12, v6;
	v2 =	vsel vm14, v44, v2;
	v44 =	vld [tilespmem:s28+$0x0]  }
0xb9: {  	vm11 =	vgt.f32 v8, $-Inf;
	v11 =	vsel vm8, v23, v11;
	v6 =	vsel vm6, v12, v6;
	v12 =	vld [tilespmem:s25+$0xC10]  }
0xba: {  	v18 =	vmovc v13;
	v13 =	vld [tilespmem:s25+$0x60];
	v11 =	vsel vm15, v16, v11;
	vm15 =	vgt.f32 v5, v2;
	vm7 =	vgt.f32 v9, v6  }
0xbb: {  	s31 =	sor.u32 $0x1C40, s26;
	vm0 =	vmor vm11, vm10;
	v2 =	vsel vm15, v5, v2;
	v6 =	vsel vm7, v9, v6;
	v9 =	vld [tilespmem:s25+$0xC50]  }
0xbc: {  	v11 =	vsel vm12, v24, v11;
	v5 =	vld [tilespmem:s31+$0x0];
	vm12 =	vgt.f32 v3, v2;
	vm8 =	vgt.f32 v10, v6  }
0xbd: {  	v11 =	vsel vm13, v25, v11;
	v2 =	vsel vm12, v3, v2;
	v3 =	vsel vm8, v10, v6;
	v6 =	vld [tilespmem:s25+$0x1010]  }
0xbe: {  	v1 =	vld [tilespmem:$0x1FEB0];
	v11 =	vsel vm14, v17, v11;
	vm13 =	vgt.f32 v44, v2;
	vm9 =	vgt.f32 v12, v3  }
0xbf: {  	v10 =	vsel vm15, v26, v11;
	v2 =	vsel vm13, v44, v2;
	v44 =	vsel vm9, v12, v3;
	v12 =	vld [tilespmem:s25+$0x1050]  }
0xc0: {  	v7 =	vnsel vm1, $0xFF800000, v7;
	v11 =	vld [tilespmem:s25+$0x70];
	v10 =	vsel vm12, v27, v10;
	vm15 =	vgt.f32 v9, v44  }
0xc1: {  	vm4 =	vgt.f32 v13, v7;
	v3 =	vsel vm13, v28, v10;
	v10 =	vld [tilespmem:s25+$0x420];
	v4 =	vsel vm15, v9, v44  }
0xc2: {  	v19 =	vmovc v14;
	v14 =	vld [tilespmem:s25+$0x430];
	v7 =	vsel vm4, v13, v7;
	vm14 =	vgt.f32 v5, v2;
	vm12 =	vgt.f32 v6, v4  }
0xc3: {  	v13 =	vld [tilespmem:s25+$0x460];
	v2 =	vsel vm14, v5, v2;
	v9 =	vsel vm2, v59, v0;
	v4 =	vsel vm12, v6, v4  }
0xc4: {  	v5 =	vnsel vm0, $0xFF800000, v8;
	v8 =	vld [tilespmem:s25+$0x1410];
	v9 =	vsel vm3, v1, v9;
	vm13 =	vgt.f32 v12, v4  }
0xc5: {  	v3 =	vsel vm14, v29, v3;
	v9 =	vsel vm5, v33, v9;
	v4 =	vsel vm13, v12, v4;
	v12 =	vld [tilespmem:s25+$0x820]  }
0xc6: {  	v44 =	vld [tilespmem:s25+$0x1450];
	vm2 =	vgt.f32 v11, v5;
	v9 =	vsel vm6, v34, v9;
	vm6 =	vgt.f32 v10, v7  }
0xc7: {  	v5 =	vsel vm2, v11, v5;
	v9 =	vsel vm7, v35, v9;
	v7 =	vsel vm6, v10, v7;
	v10 =	vld [tilespmem:s25+$0x860]  }
0xc8: {  	v11 =	vld [tilespmem:s25+$0x1810];
	vm3 =	vgt.f32 v14, v5;
	v9 =	vsel vm8, v36, v9;
	vm7 =	vgt.f32 v13, v7  }
0xc9: {  	vm14 =	vgt.f32 v8, v4;
	v9 =	vsel vm9, v37, v9;
	v7 =	vsel vm7, v13, v7;
	v13 =	vld [tilespmem:s25+$0xC20]  }
0xca: {  	v4 =	vsel vm14, v8, v4;
	v8 =	vld [tilespmem:s25+$0x1850];
	v9 =	vsel vm15, v38, v9;
	vm8 =	vgt.f32 v12, v7  }
0xcb: {  	s29 =	sor.u32 $0x1C10, s26;
	vm15 =	vgt.f32 v44, v4;
	v9 =	vsel vm12, v60, v9;
	v7 =	vsel vm8, v12, v7;
	v12 =	vld [tilespmem:s25+$0xC60]  }
0xcc: {  	v4 =	vsel vm15, v44, v4;
	v44 =	vld [tilespmem:s29+$0x0];
	v9 =	vsel vm13, v39, v9;
	vm10 =	vgt.f32 v10, v7  }
0xcd: {  	vm12 =	vgt.f32 v11, v4;
	v9 =	vsel vm14, v32, v9;
	v7 =	vsel vm10, v10, v7;
	v10 =	vld [tilespmem:s25+$0x1020]  }
0xce: {  	v1 =	vld [tilespmem:$0x1FEC0];
	v4 =	vsel vm12, v11, v4;
	v9 =	vsel vm15, v40, v9;
	vm15 =	vgt.f32 v13, v7  }
0xcf: {  	v5 =	vsel vm3, v14, v5;
	v14 =	vld [tilespmem:s25+$0x470];
	vm13 =	vgt.f32 v8, v4;
	v7 =	vsel vm15, v13, v7  }
0xd0: {  	v4 =	vsel vm13, v8, v4;
	v8 =	vsel vm12, v41, v9;
	vm12 =	vgt.f32 v12, v7  }
0xd1: {  	v7 =	vsel vm12, v12, v7;
	v12 =	vld [tilespmem:$0x1FED0]  }
0xd2: {  	v11 =	vld [tilespmem:s25+$0x830];
	v8 =	vsel vm13, v42, v8;
	vm14 =	vgt.f32 v44, v4;
	vm13 =	vgt.f32 v10, v7  }
0xd3: {  	v6 =	vsel vm14, v43, v8;
	v8 =	vsel vm1, v1, v0;
	v7 =	vsel vm13, v10, v7;
	v10 =	vld [tilespmem:$0x1FEE0]  }
0xd4: {  	vm5 =	vgt.f32 v14, v5;
	v9 =	vld [tilespmem:s25+$0x870];
	v8 =	vsel vm4, v47, v8  }
0xd5: {  	v5 =	vsel vm5, v14, v5;
	v14 =	vld [tilespmem:s25+$0xC70];
	v8 =	vsel vm6, v49, v8  }
0xd6: {  	v1 =	vld [tilespmem:s25+$0xC30];
	v8 =	vsel vm7, v12, v8  }
0xd7: {  	v13 =	vld [tilespmem:s25+$0x1060];
	vm1 =	vgt.f32 v11, v5;
	v8 =	vsel vm8, v50, v8  }
0xd8: {  	v5 =	vsel vm1, v11, v5;
	v8 =	vsel vm10, v10, v8;
	v10 =	vld [tilespmem:$0x1FEF0]  }
0xd9: {  	vm4 =	vgt.f32 v9, v5  }
0xda: {  	v5 =	vsel vm4, v9, v5;
	v12 =	vld [tilespmem:s25+$0x1030]  }
0xdb: {  	v4 =	vsel vm14, v44, v4;
	v44 =	vld [tilespmem:s25+$0x1070];
	vm6 =	vgt.f32 v1, v5  }
0xdc: {  	v11 =	vld [tilespmem:s25+$0x1420];
	v1 =	vsel vm6, v1, v5;
	v8 =	vsel vm15, v52, v8  }
0xdd: {  	vm14 =	vgt.f32 v13, v7;
	vm7 =	vgt.f32 v14, v1;
	v8 =	vsel vm12, v10, v8;
	v10 =	vld [tilespmem:$0x1FF70]  }
0xde: {  	v5 =	vsel vm14, v13, v7;
	v13 =	vld [tilespmem:$0x1FF00];
	v1 =	vsel vm7, v14, v1  }
0xdf: {  	v9 =	vld [tilespmem:s25+$0x1460];
	vm8 =	vgt.f32 v12, v1  }
0xe0: {  	v1 =	vsel vm8, v12, v1;
	v12 =	vld [tilespmem:$0x1FF10];
	_ =	sdelay $0x1  }
0xe1: {  	v14 =	vsel vm0, v61, v0;
	vm15 =	vgt.f32 v11, v5;
	v8 =	vsel vm13, v10, v8  }
0xe2: {  	v5 =	vsel vm15, v11, v5;
	vm13 =	vgt.f32 v44, v1;
	v8 =	vsel vm14, v13, v8  }
0xe3: {  	vm12 =	vgt.f32 v9, v5;
	v1 =	vsel vm13, v44, v1;
	v44 =	vld [tilespmem:$0x1FF30];
	v8 =	vsel vm15, v54, v8  }
0xe4: {  	v8 =	vsel vm12, v12, v8;
	v12 =	vsel vm2, v62, v14;
	v14 =	vld [tilespmem:$0x1FF50]  }
0xe5: {  	v11 =	vld [tilespmem:s25+$0x1430];
	_ =	sdelay $0x1  }
0xe6: {  	v13 =	vld [tilespmem:s25+$0x1470]  }
0xe7: {  	v7 =	vsel vm3, v44, v12  }
0xe8: {  	v7 =	vsel vm5, v14, v7;
	v14 =	vld [tilespmem:$0x1FF40]  }
0xe9: {  	v10 =	vld [tilespmem:s25+$0x1820];
	vm15 =	vgt.f32 v11, v1  }
0xea: {  	v1 =	vsel vm15, v11, v1  }
0xeb: {  	v5 =	vsel vm12, v9, v5;
	v9 =	vld [tilespmem:s25+$0x1860];
	vm9 =	vgt.f32 v13, v1  }
0xec: {  	v1 =	vsel vm9, v13, v1;
	v13 =	vld [tilespmem:$0x1FF20]  }
0xed: {  	v7 =	vsel vm1, v14, v7;
	v14 =	vld [tilespmem:$0x1FF60]  }
0xee: {  	vm14 =	vgt.f32 v10, v5;
	v44 =	vld [tilespmem:$0x1FF90]  }
0xef: {  	s30 =	sor.u32 $0x1C20, s26;
	v12 =	vld [tilespmem:s25+$0x1830];
	v5 =	vsel vm14, v10, v5  }
0xf0: {  	s28 =	sor.u32 $0x1C50, s26;
	v10 =	vld [tilespmem:s30+$0x0];
	vm10 =	vgt.f32 v9, v5  }
0xf1: {  	s29 =	sor.u32 $0x1C60, s26;
	v8 =	vsel vm14, v56, v8;
	v5 =	vsel vm10, v9, v5;
	v9 =	vld [tilespmem:s28+$0x0]  }
0xf2: {  	v8 =	vsel vm10, v13, v8;
	v13 =	vld [tilespmem:s29+$0x0];
	v7 =	vsel vm4, v14, v7  }
0xf3: {  	v11 =	vld [tilespmem:s25+$0x1870];
	v7 =	vsel vm6, v44, v7  }
0xf4: {  	s31 =	sor.u32 $0x1C30, s26;
	vm11 =	vgt.f32 v12, v1;
	v7 =	vsel vm7, v46, v7  }
0xf5: {  	vm12 =	vgt.f32 v10, v5;
	v1 =	vsel vm11, v12, v1;
	v14 =	vld [tilespmem:s31+$0x0];
	v7 =	vsel vm8, v31, v7  }
0xf6: {  	s30 =	sor.u32 $0x1C70, s26;
	v5 =	vsel vm12, v10, v5;
	v8 =	vsel vm12, v58, v8;
	v7 =	vsel vm13, v48, v7  }
0xf7: {  	v12 =	vld [tilespmem:s30+$0x0];
	vm4 =	vgt.f32 v13, v5;
	v7 =	vsel vm15, v30, v7;
	vm15 =	vgt.f32 v9, v4  }
0xf8: {  	v5 =	vsel vm4, v13, v5;
	vm13 =	vgt.f32 v11, v1;
	v4 =	vsel vm15, v9, v4;
	v9 =	vld [tilespmem:$0x1FEA0]  }
0xf9: {  	v8 =	vsel vm4, v63, v8;
	v1 =	vsel vm13, v11, v1;
	v7 =	vsel vm9, v51, v7  }
0xfa: {  	vm14 =	vgt.f32 v14, v1;
	v6 =	vsel vm15, v45, v6;
	v7 =	vsel vm11, v53, v7  }
0xfb: {  	v1 =	vsel vm14, v14, v1;
	vm6 =	vgt.f32 v4, v2;
	v7 =	vsel vm13, v55, v7  }
0xfc: {  	vm7 =	veq.f32 v4, v2;
	vm5 =	vgt.f32 v12, v1;
	v7 =	vsel vm14, v57, v7  }
0xfd: {  	vm8 =	vlt.u32 v6, v3;
	v1 =	vsel vm5, v12, v1;
	v7 =	vsel vm5, v9, v7  }
0xfe: {  	vm1 =	vmand vm7, vm8;
	vm9 =	veq.f32 v1, v5;
	vm10 =	vlt.u32 v7, v8  }
0xff: {  	vm0 =	vmor vm6, vm1;
	vm12 =	vgt.f32 v1, v5;
	vm11 =	vmand vm9, vm10  }
0x100: {  	v2 =	vsel vm0, v4, v2;
	vm1 =	vmor vm12, vm11  }
0x101: {  	v3 =	vsel vm0, v6, v3;
	v1 =	vsel vm1, v1, v5;
	v44 =	vsel vm1, v7, v8  }
0x102: {  	vm13 =	veq.f32 v1, v2;
	vm1 =	vlt.u32 v44, v3  }
0x103: {  	vm14 =	vgt.f32 v1, v2;
	vm0 =	vmand vm13, vm1  }
0x104: {  	vm0 =	vmor vm14, vm0  }
0x105: {  	v1 =	vsel vm0, v1, v2  }
0x106: {  	(xrf0) =	vmax.scan.msk.f32 $0xffff, v1;
	_ =	sdelay $0x5  }
0x107: {  	v2, _, _ =	vpop (xrf0)  }
0x108: {  	v2 =	vbroadcast v2, $0xF  }
0x109: {  	v3 =	vsel vm0, v44, v3  }
0x10a: {  	vm15 =	veq.f32 v1, v2;
	v1 =	vxor.u32 $0x80000000, v3  }
0x10b: {  	v1 =	vnsel vm15, $0xFFFFFFFF, v1  }
0x10c: {  	(xrf0) =	vmin.scan.msk.u32 $0xffff, v1;
	_ =	sdelay $0x5  }
0x10d: {  	v1, _, _ =	vpop (xrf0)  }
0x10e: {  	(v2sf) =	vpush v1, $0xF;
	_ =	sdelay $0xc  }
0x10f: {  	p1 =	sne.s32 s24, $0x20;
	v1 =	vmov s24  }
.Ltmp0:
0x110: {  	_ = 	snop;
	(pc) =	sbr.rel @p1 .LBB2_2-.Ltmp0, $4  }
0x111: {  	s31 =	spop (v2sf)  }
0x112: {  	s25 =	sxor.u32 $0x80000000, s31  }
0x113: {  	s23 =	sadd.s32 $0x80, s23;
	v2 =	vmov s25  }
0x114: {  	s21 =	sadd.s32 $0x1, s21;
	s22 =	sadd.s32 $0x400, s22;
	v10 =	vmovc v45;
	v13 =	vmovc v18;
	v11 =	vmov v15;
	v14 =	vmov v19;
	v12 =	vmov v63;
	s24 =	sadd.s32 $0x1, s24;
	[tilespmem:v1+s14+$0x0] =	vst.idx.msk $0x1, v2  }
0x115: {  	s21 =	simm.s32 $0x0  }
0x116: {  	[tilespmem:s21], [sflag:$0x1] =	stream.linear.gather [hbm4b:s6+s21], $0x8000, $0x38;
	[tilespmem:$0x10580] =	vst v63  }
0x117: {  	_ =	swait.ge [sflag:s16], $0x8000  }
0x118: {  	s22 =	simm.s32 $0x21;
	[sflag:s16] =	ssyncset.done $0x0  }
0x119: {  	s23 =	simm.s32 $0x0;
	s24 =	simm.s32 $0x0;
	[sflag:s16] =	ssyncadd.s32 $0xFFFF8000  }
.LBB2_4:
0x11a: {  	s25 =	sand.u32 $0x6000, s23;
	s26 =	sand.u32 $0x380, s24  }
0x11b: {  	s25 =	sor.u32 s26, s25  }
0x11c: {  	v1 =	vld [tilespmem:s25+$0x8000];
	_ =	sdelay $0x1  }
0x11d: {  	v2 =	vld [tilespmem:s25+$0x8040];
	_ =	sdelay $0x1  }
0x11e: {  	v3 =	vld [tilespmem:s25+$0x8400]  }
0x11f: {  	vm0 =	vgt.f32 v1, $-Inf  }
0x120: {  	v4 =	vld [tilespmem:s25+$0x8440];
	v1 =	vnsel vm0, $0xFF800000, v1  }
0x121: {  	vm9 =	vgt.f32 v2, v1  }
0x122: {  	v1 =	vsel vm9, v2, v1;
	v2 =	vld [tilespmem:s25+$0x8800]  }
0x123: {  	v5 =	vld [tilespmem:s25+$0x8010];
	vm3 =	vgt.f32 v3, v1  }
0x124: {  	v1 =	vsel vm3, v3, v1;
	v3 =	vld [tilespmem:s25+$0x8840]  }
0x125: {  	v44 =	vld [tilespmem:s25+$0x8C00];
	vm7 =	vgt.f32 v4, v1  }
0x126: {  	v6 =	vld [tilespmem:s25+$0x8020];
	v1 =	vsel vm7, v4, v1  }
0x127: {  	v7 =	vld [tilespmem:s25+$0x8030];
	vm4 =	vgt.f32 v2, v1  }
0x128: {  	v1 =	vsel vm4, v2, v1;
	v2 =	vld [tilespmem:s25+$0x8C40]  }
0x129: {  	v8 =	vld [tilespmem:s25+$0x8050];
	vm5 =	vgt.f32 v3, v1  }
0x12a: {  	vm12 =	vlt.f32 v5, $-Inf;
	v1 =	vsel vm5, v3, v1;
	v3 =	vld [tilespmem:s25+$0x9000]  }
0x12b: {  	v9 =	vld [tilespmem:s25+$0x8410];
	vm1 =	vgt.f32 v5, $-Inf;
	vm13 =	vlt.f32 v6, $-Inf;
	vm6 =	vgt.f32 v44, v1  }
0x12c: {  	vm14 =	vgt.f32 v6, $-Inf;
	vm10 =	vlt.f32 v7, $-Inf;
	v1 =	vsel vm6, v44, v1;
	v44 =	vld [tilespmem:s25+$0x9040]  }
0x12d: {  	v12 =	vld [tilespmem:s25+$0x8060];
	vm11 =	vgt.f32 v7, $-Inf;
	vm2 =	vmor vm1, vm12;
	vm8 =	vgt.f32 v2, v1  }
0x12e: {  	vm1 =	vmor vm14, vm13;
	v10 =	vsel vm9, v11, v0;
	v1 =	vsel vm8, v2, v1;
	v2 =	vld [tilespmem:s25+$0x9400]  }
0x12f: {  	v5 =	vnsel vm2, $0xFF800000, v5;
	v11 =	vld [tilespmem:s25+$0x8450];
	v10 =	vsel vm3, v13, v10;
	vm15 =	vgt.f32 v3, v1  }
0x130: {  	vm3 =	vgt.f32 v8, v5;
	v10 =	vsel vm7, v14, v10;
	v1 =	vsel vm15, v3, v1;
	v3 =	vld [tilespmem:s25+$0x9440]  }
0x131: {  	v5 =	vsel vm3, v8, v5;
	v8 =	vld [tilespmem:s25+$0x8810];
	v10 =	vsel vm4, v20, v10;
	vm12 =	vgt.f32 v44, v1  }
0x132: {  	s30 =	sand.u32 $0x7, s21;
	v10 =	vsel vm5, v21, v10;
	vm5 =	vgt.f32 v9, v5;
	v1 =	vsel vm12, v44, v1;
	v44 =	vld [tilespmem:s25+$0x9800]  }
0x133: {  	s26 =	sshll.u32 s30, $0x7;
	v6 =	vnsel vm1, $0xFF800000, v6;
	v5 =	vsel vm5, v9, v5;
	v9 =	vld [tilespmem:s25+$0x8850];
	vm13 =	vgt.f32 v2, v1  }
0x134: {  	s26 =	sadd.s32 s26, s23;
	vm0 =	vmor vm11, vm10;
	vm4 =	vgt.f32 v12, v6;
	v1 =	vsel vm13, v2, v1;
	v2 =	vld [tilespmem:s25+$0x9840]  }
0x135: {  	s28 =	sor.u32 $0x1C00, s26;
	v14 =	vld [tilespmem:$0x1FEB0];
	v10 =	vsel vm6, v22, v10;
	vm6 =	vgt.f32 v11, v5;
	vm14 =	vgt.f32 v3, v1  }
0x136: {  	v5 =	vsel vm6, v11, v5;
	v10 =	vsel vm8, v23, v10;
	v1 =	vsel vm14, v3, v1;
	v3 =	vld [tilespmem:s28+$0x8000]  }
0x137: {  	s31 =	sor.u32 $0x1C40, s26;
	v11 =	vld [tilespmem:s25+$0x8C10];
	vm7 =	vgt.f32 v8, v5;
	v10 =	vsel vm15, v16, v10;
	vm15 =	vgt.f32 v44, v1  }
0x138: {  	v5 =	vsel vm7, v8, v5;
	v10 =	vsel vm12, v24, v10;
	v1 =	vsel vm15, v44, v1;
	v44 =	vld [tilespmem:s31+$0x8000]  }
0x139: {  	v8 =	vld [tilespmem:s25+$0x8C50];
	vm8 =	vgt.f32 v9, v5;
	v10 =	vsel vm13, v25, v10;
	vm12 =	vgt.f32 v2, v1  }
0x13a: {  	v10 =	vsel vm14, v17, v10;
	v1 =	vsel vm12, v2, v1;
	v2 =	vsel vm8, v9, v5;
	v5 =	vld [tilespmem:s25+$0x9010]  }
0x13b: {  	v6 =	vsel vm4, v12, v6;
	v9 =	vsel vm15, v26, v10;
	v10 =	vld [tilespmem:s25+$0x8070];
	vm13 =	vgt.f32 v3, v1  }
0x13c: {  	v13 =	vld [tilespmem:s25+$0x9050];
	v9 =	vsel vm12, v27, v9;
	vm9 =	vgt.f32 v11, v2;
	v1 =	vsel vm13, v3, v1  }
0x13d: {  	v11 =	vsel vm9, v11, v2;
	v3 =	vsel vm13, v28, v9;
	v9 =	vld [tilespmem:s25+$0x8420];
	vm14 =	vgt.f32 v44, v1  }
0x13e: {  	vm15 =	vgt.f32 v8, v11;
	v2 =	vsel vm14, v44, v1;
	v3 =	vsel vm14, v29, v3;
	v44 =	vld [tilespmem:s25+$0x9410]  }
0x13f: {  	v1 =	vnsel vm0, $0xFF800000, v7;
	v4 =	vsel vm15, v8, v11;
	v8 =	vsel vm2, v59, v0;
	v11 =	vld [tilespmem:s25+$0x8430]  }
0x140: {  	v12 =	vld [tilespmem:s25+$0x8460];
	v8 =	vsel vm3, v14, v8;
	vm12 =	vgt.f32 v5, v4;
	vm2 =	vgt.f32 v10, v1  }
0x141: {  	v4 =	vsel vm12, v5, v4;
	v5 =	vld [tilespmem:s25+$0x9450];
	v8 =	vsel vm5, v33, v8;
	v1 =	vsel vm2, v10, v1  }
0x142: {  	v10 =	vld [tilespmem:s25+$0x9810];
	v8 =	vsel vm6, v34, v8;
	vm13 =	vgt.f32 v13, v4;
	vm6 =	vgt.f32 v9, v6  }
0x143: {  	v4 =	vsel vm13, v13, v4;
	v8 =	vsel vm7, v35, v8;
	v13 =	vld [tilespmem:s25+$0x8820];
	v6 =	vsel vm6, v9, v6  }
0x144: {  	v9 =	vld [tilespmem:s25+$0x8860];
	v8 =	vsel vm8, v36, v8;
	vm14 =	vgt.f32 v44, v4;
	vm3 =	vgt.f32 v11, v1  }
0x145: {  	vm7 =	vgt.f32 v12, v6;
	v4 =	vsel vm14, v44, v4;
	v44 =	vld [tilespmem:s25+$0x9850];
	v8 =	vsel vm9, v37, v8  }
0x146: {  	v1 =	vsel vm3, v11, v1;
	v11 =	vld [tilespmem:s25+$0x8470];
	v8 =	vsel vm15, v38, v8;
	vm15 =	vgt.f32 v5, v4  }
0x147: {  	s29 =	sor.u32 $0x1C10, s26;
	v6 =	vsel vm7, v12, v6;
	v12 =	vld [tilespmem:s25+$0x8C20];
	v4 =	vsel vm15, v5, v4;
	v8 =	vsel vm12, v60, v8  }
0x148: {  	v5 =	vld [tilespmem:s29+$0x8000];
	v8 =	vsel vm13, v39, v8;
	vm12 =	vgt.f32 v10, v4;
	vm8 =	vgt.f32 v13, v6  }
0x149: {  	v4 =	vsel vm12, v10, v4;
	v8 =	vsel vm14, v32, v8;
	v6 =	vsel vm8, v13, v6;
	v13 =	vld [tilespmem:s25+$0x8C60]  }
0x14a: {  	v10 =	vld [tilespmem:s25+$0x8830];
	v8 =	vsel vm15, v40, v8;
	vm13 =	vgt.f32 v44, v4;
	vm10 =	vgt.f32 v9, v6  }
0x14b: {  	v4 =	vsel vm13, v44, v4;
	v44 =	vsel vm12, v41, v8;
	v6 =	vsel vm10, v9, v6;
	v9 =	vld [tilespmem:s25+$0x9020]  }
0x14c: {  	vm5 =	vgt.f32 v11, v1;
	v7 =	vsel vm13, v42, v44;
	v44 =	vld [tilespmem:$0x1FEC0];
	vm15 =	vgt.f32 v12, v6  }
0x14d: {  	v1 =	vsel vm5, v11, v1;
	v11 =	vld [tilespmem:s25+$0x9060];
	v6 =	vsel vm15, v12, v6  }
0x14e: {  	v8 =	vld [tilespmem:s25+$0x8870];
	vm12 =	vgt.f32 v13, v6  }
0x14f: {  	vm14 =	vgt.f32 v5, v4;
	v6 =	vsel vm12, v13, v6;
	v13 =	vld [tilespmem:$0x1FED0]  }
0x150: {  	v14 =	vld [tilespmem:s25+$0x8C30];
	v4 =	vsel vm14, v5, v4;
	vm13 =	vgt.f32 v9, v6  }
0x151: {  	v5 =	vsel vm14, v43, v7;
	v7 =	vsel vm1, v44, v0;
	v6 =	vsel vm13, v9, v6;
	v9 =	vld [tilespmem:$0x1FEE0]  }
0x152: {  	v12 =	vld [tilespmem:s25+$0x8C70];
	vm1 =	vgt.f32 v10, v1;
	v7 =	vsel vm4, v47, v7;
	vm14 =	vgt.f32 v11, v6  }
0x153: {  	v1 =	vsel vm1, v10, v1;
	v7 =	vsel vm6, v49, v7;
	v6 =	vsel vm14, v11, v6;
	v11 =	vld [tilespmem:$0x1FEF0]  }
0x154: {  	vm4 =	vgt.f32 v8, v1;
	v7 =	vsel vm7, v13, v7  }
0x155: {  	v13 =	vld [tilespmem:s25+$0x9030];
	v1 =	vsel vm4, v8, v1;
	v7 =	vsel vm8, v50, v7  }
0x156: {  	v10 =	vld [tilespmem:s25+$0x9420];
	vm6 =	vgt.f32 v14, v1;
	v7 =	vsel vm10, v9, v7  }
0x157: {  	v1 =	vsel vm6, v14, v1;
	v9 =	vld [tilespmem:s25+$0x9070];
	v7 =	vsel vm15, v52, v7  }
0x158: {  	vm7 =	vgt.f32 v12, v1;
	v7 =	vsel vm12, v11, v7;
	v11 =	vld [tilespmem:$0x1FF70]  }
0x159: {  	v1 =	vsel vm7, v12, v1;
	v12 =	vld [tilespmem:$0x1FF00]  }
0x15a: {  	v8 =	vld [tilespmem:s25+$0x9460];
	vm8 =	vgt.f32 v13, v1  }
0x15b: {  	v1 =	vsel vm8, v13, v1;
	v13 =	vld [tilespmem:$0x1FF10];
	_ =	sdelay $0x1  }
0x15c: {  	v14 =	vsel vm0, v61, v0;
	vm15 =	vgt.f32 v10, v6;
	v7 =	vsel vm13, v11, v7  }
0x15d: {  	v6 =	vsel vm15, v10, v6;
	vm13 =	vgt.f32 v9, v1;
	v7 =	vsel vm14, v12, v7  }
0x15e: {  	vm12 =	vgt.f32 v8, v6;
	v1 =	vsel vm13, v9, v1;
	v9 =	vld [tilespmem:$0x1FF30];
	v7 =	vsel vm15, v54, v7  }
0x15f: {  	v7 =	vsel vm12, v13, v7;
	v13 =	vsel vm2, v62, v14;
	v14 =	vld [tilespmem:$0x1FF50];
	_ =	sdelay $0x2  }
0x160: {  	v10 =	vld [tilespmem:s25+$0x9430]  }
0x161: {  	v12 =	vld [tilespmem:s25+$0x9470];
	v9 =	vsel vm3, v9, v13  }
0x162: {  	v9 =	vsel vm5, v14, v9;
	v14 =	vld [tilespmem:$0x1FF40];
	_ =	sdelay $0x1  }
0x163: {  	v11 =	vld [tilespmem:s25+$0x9820]  }
0x164: {  	v44 =	vld [tilespmem:$0x1FF90];
	vm15 =	vgt.f32 v10, v1  }
0x165: {  	v6 =	vsel vm12, v8, v6;
	v8 =	vld [tilespmem:s25+$0x9860];
	v1 =	vsel vm15, v10, v1  }
0x166: {  	vm9 =	vgt.f32 v12, v1;
	v9 =	vsel vm1, v14, v9;
	v14 =	vld [tilespmem:$0x1FF60]  }
0x167: {  	v1 =	vsel vm9, v12, v1;
	v12 =	vld [tilespmem:$0x1FF20]  }
0x168: {  	vm14 =	vgt.f32 v11, v6  }
0x169: {  	s30 =	sor.u32 $0x1C20, s26;
	v13 =	vld [tilespmem:s25+$0x9830];
	v6 =	vsel vm14, v11, v6  }
0x16a: {  	s28 =	sor.u32 $0x1C50, s26;
	v11 =	vld [tilespmem:s30+$0x8000];
	vm10 =	vgt.f32 v8, v6  }
0x16b: {  	s29 =	sor.u32 $0x1C60, s26;
	v7 =	vsel vm14, v56, v7;
	v6 =	vsel vm10, v8, v6;
	v8 =	vld [tilespmem:s28+$0x8000];
	v9 =	vsel vm4, v14, v9  }
0x16c: {  	v7 =	vsel vm10, v12, v7;
	v12 =	vld [tilespmem:s29+$0x8000];
	v9 =	vsel vm6, v44, v9  }
0x16d: {  	v10 =	vld [tilespmem:s25+$0x9870];
	v9 =	vsel vm7, v46, v9  }
0x16e: {  	s31 =	sor.u32 $0x1C30, s26;
	v9 =	vsel vm8, v31, v9  }
0x16f: {  	vm11 =	vgt.f32 v13, v1;
	vm12 =	vgt.f32 v11, v6;
	v14 =	vld [tilespmem:s31+$0x8000];
	v9 =	vsel vm13, v48, v9  }
0x170: {  	s30 =	sor.u32 $0x1C70, s26;
	v1 =	vsel vm11, v13, v1;
	v6 =	vsel vm12, v11, v6;
	v9 =	vsel vm15, v30, v9  }
0x171: {  	v13 =	vld [tilespmem:s30+$0x8000];
	vm4 =	vgt.f32 v12, v6;
	vm15 =	vgt.f32 v8, v4;
	v9 =	vsel vm9, v51, v9  }
0x172: {  	vm13 =	vgt.f32 v10, v1;
	v4 =	vsel vm15, v8, v4;
	v8 =	vsel vm11, v53, v9;
	v9 =	vld [tilespmem:$0x1FEA0]  }
0x173: {  	v7 =	vsel vm12, v58, v7;
	v6 =	vsel vm4, v12, v6;
	v1 =	vsel vm13, v10, v1  }
0x174: {  	v7 =	vsel vm4, v63, v7;
	vm14 =	vgt.f32 v14, v1;
	v5 =	vsel vm15, v45, v5  }
0x175: {  	v1 =	vsel vm14, v14, v1;
	vm6 =	vgt.f32 v4, v2;
	v8 =	vsel vm13, v55, v8  }
0x176: {  	vm7 =	veq.f32 v4, v2;
	vm5 =	vgt.f32 v13, v1;
	v8 =	vsel vm14, v57, v8  }
0x177: {  	vm8 =	vlt.u32 v5, v3;
	v1 =	vsel vm5, v13, v1;
	v8 =	vsel vm5, v9, v8  }
0x178: {  	vm1 =	vmand vm7, vm8;
	vm9 =	veq.f32 v1, v6;
	vm10 =	vlt.u32 v8, v7  }
0x179: {  	vm0 =	vmor vm6, vm1;
	vm12 =	vgt.f32 v1, v6;
	vm11 =	vmand vm9, vm10  }
0x17a: {  	v2 =	vsel vm0, v4, v2;
	vm1 =	vmor vm12, vm11  }
0x17b: {  	v3 =	vsel vm0, v5, v3;
	v1 =	vsel vm1, v1, v6;
	v44 =	vsel vm1, v8, v7  }
0x17c: {  	vm13 =	veq.f32 v1, v2;
	vm1 =	vlt.u32 v44, v3  }
0x17d: {  	vm14 =	vgt.f32 v1, v2;
	vm0 =	vmand vm13, vm1  }
0x17e: {  	vm0 =	vmor vm14, vm0  }
0x17f: {  	v1 =	vsel vm0, v1, v2  }
0x180: {  	(xrf0) =	vmax.scan.msk.f32 $0xffff, v1;
	_ =	sdelay $0x5  }
0x181: {  	v2, _, _ =	vpop (xrf0)  }
0x182: {  	v2 =	vbroadcast v2, $0xF  }
0x183: {  	v3 =	vsel vm0, v44, v3  }
0x184: {  	vm15 =	veq.f32 v1, v2;
	v1 =	vxor.u32 $0x80000000, v3  }
0x185: {  	v1 =	vnsel vm15, $0xFFFFFFFF, v1  }
0x186: {  	(xrf0) =	vmin.scan.msk.u32 $0xffff, v1;
	_ =	sdelay $0x5  }
0x187: {  	v1, _, _ =	vpop (xrf0)  }
0x188: {  	(v2sf) =	vpush v1, $0xF;
	_ =	sdelay $0xc  }
0x189: {  	p1 =	sne.s32 s22, $0x40;
	v1 =	vmov s22  }
.Ltmp1:
0x18a: {  	_ = 	snop;
	(pc) =	sbr.rel @p1 .LBB2_4-.Ltmp1, $4  }
0x18b: {  	s31 =	spop (v2sf)  }
0x18c: {  	s25 =	sxor.u32 $0x80000000, s31  }
0x18d: {  	s24 =	sadd.s32 $0x80, s24;
	v2 =	vmov s25  }
0x18e: {  	s21 =	sadd.s32 $0x1, s21;
	s23 =	sadd.s32 $0x400, s23;
	v11 =	vmov v15;
	v14 =	vmov v19;
	v13 =	vmov v18;
	s22 =	sadd.s32 $0x1, s22;
	[tilespmem:v1+s14+$0x0] =	vst.idx.msk $0x1, v2  }
0x18f: {  	s21 =	simm.s32 $0x0  }
0x190: {  	[tilespmem:s15], [sflag:$0x2] =	stream.linear.gather [hbm4b:s7+s21], $0x8000, $0x38;
	[tilespmem:$0x10580] =	vst v63  }
0x191: {  	_ =	swait.ge [sflag:s17], $0x8000  }
0x192: {  	s22 =	simm.s32 $0x41;
	[sflag:s17] =	ssyncset.done $0x0  }
0x193: {  	s23 =	simm.s32 $0x0;
	s24 =	simm.s32 $0x0;
	v48 =	vmov v59;
	[sflag:s17] =	ssyncadd.s32 $0xFFFF8000  }
.LBB2_6:
0x194: {  	s25 =	sand.u32 $0x6000, s23;
	s26 =	sand.u32 $0x380, s24  }
0x195: {  	s25 =	sor.u32 s26, s25  }
0x196: {  	v1 =	vld [tilespmem:s25+$0x0];
	_ =	sdelay $0x1  }
0x197: {  	v2 =	vld [tilespmem:s25+$0x40];
	_ =	sdelay $0x1  }
0x198: {  	v3 =	vld [tilespmem:s25+$0x400]  }
0x199: {  	vm0 =	vgt.f32 v1, $-Inf  }
0x19a: {  	v4 =	vld [tilespmem:s25+$0x440];
	v1 =	vnsel vm0, $0xFF800000, v1  }
0x19b: {  	vm9 =	vgt.f32 v2, v1  }
0x19c: {  	v1 =	vsel vm9, v2, v1;
	v2 =	vld [tilespmem:s25+$0x800]  }
0x19d: {  	v5 =	vld [tilespmem:s25+$0x10];
	vm3 =	vgt.f32 v3, v1  }
0x19e: {  	v1 =	vsel vm3, v3, v1;
	v3 =	vld [tilespmem:s25+$0x840]  }
0x19f: {  	v59 =	vld [tilespmem:s25+$0xC00];
	vm7 =	vgt.f32 v4, v1  }
0x1a0: {  	v6 =	vld [tilespmem:s25+$0x20];
	v1 =	vsel vm7, v4, v1  }
0x1a1: {  	v7 =	vld [tilespmem:s25+$0x30];
	vm4 =	vgt.f32 v2, v1  }
0x1a2: {  	v1 =	vsel vm4, v2, v1;
	v2 =	vld [tilespmem:s25+$0xC40]  }
0x1a3: {  	v44 =	vld [tilespmem:s25+$0x1040];
	vm5 =	vgt.f32 v3, v1  }
0x1a4: {  	v1 =	vsel vm5, v3, v1;
	v3 =	vld [tilespmem:s25+$0x1000]  }
0x1a5: {  	v8 =	vld [tilespmem:s25+$0x50];
	vm12 =	vlt.f32 v5, $-Inf;
	vm1 =	vgt.f32 v5, $-Inf;
	vm6 =	vgt.f32 v59, v1  }
0x1a6: {  	v9 =	vld [tilespmem:s25+$0x410];
	vm13 =	vlt.f32 v6, $-Inf;
	vm14 =	vgt.f32 v6, $-Inf;
	v1 =	vsel vm6, v59, v1  }
0x1a7: {  	v12 =	vld [tilespmem:s25+$0x60];
	vm10 =	vlt.f32 v7, $-Inf;
	vm11 =	vgt.f32 v7, $-Inf;
	vm8 =	vgt.f32 v2, v1  }
0x1a8: {  	vm2 =	vmor vm1, vm12;
	vm1 =	vmor vm14, vm13;
	v1 =	vsel vm8, v2, v1;
	v2 =	vld [tilespmem:s25+$0x1400]  }
0x1a9: {  	vm0 =	vmor vm11, vm10;
	v10 =	vsel vm9, v11, v0;
	v11 =	vld [tilespmem:s25+$0x450];
	vm15 =	vgt.f32 v3, v1  }
0x1aa: {  	v5 =	vnsel vm2, $0xFF800000, v5;
	v6 =	vnsel vm1, $0xFF800000, v6;
	v1 =	vsel vm15, v3, v1;
	v3 =	vld [tilespmem:s25+$0x1440]  }
0x1ab: {  	v10 =	vsel vm3, v13, v10;
	vm3 =	vgt.f32 v8, v5;
	v13 =	vld [tilespmem:s25+$0x1050];
	vm12 =	vgt.f32 v44, v1  }
0x1ac: {  	s30 =	sand.u32 $0x7, s21;
	v5 =	vsel vm3, v8, v5;
	v10 =	vsel vm7, v14, v10;
	v59 =	vld [tilespmem:s25+$0x1800];
	v1 =	vsel vm12, v44, v1  }
0x1ad: {  	s26 =	sshll.u32 s30, $0x7;
	v8 =	vld [tilespmem:s25+$0x810];
	v10 =	vsel vm4, v20, v10;
	vm4 =	vgt.f32 v12, v6;
	vm13 =	vgt.f32 v2, v1  }
0x1ae: {  	s26 =	sadd.s32 s26, s23;
	v10 =	vsel vm5, v21, v10;
	vm5 =	vgt.f32 v9, v5;
	v1 =	vsel vm13, v2, v1;
	v2 =	vld [tilespmem:s25+$0x1840]  }
0x1af: {  	s28 =	sor.u32 $0x1C00, s26;
	v5 =	vsel vm5, v9, v5;
	v9 =	vld [tilespmem:s25+$0x850];
	v10 =	vsel vm6, v22, v10;
	vm14 =	vgt.f32 v3, v1  }
0x1b0: {  	vm6 =	vgt.f32 v11, v5;
	v10 =	vsel vm8, v23, v10;
	v1 =	vsel vm14, v3, v1;
	v3 =	vld [tilespmem:s28+$0x0]  }
0x1b1: {  	s31 =	sor.u32 $0x1C40, s26;
	v5 =	vsel vm6, v11, v5;
	v11 =	vld [tilespmem:s25+$0xC10];
	v10 =	vsel vm15, v16, v10;
	vm15 =	vgt.f32 v59, v1  }
0x1b2: {  	v6 =	vsel vm4, v12, v6;
	vm7 =	vgt.f32 v8, v5;
	v44 =	vld [tilespmem:s31+$0x0];
	v1 =	vsel vm15, v59, v1  }
0x1b3: {  	v5 =	vsel vm7, v8, v5;
	v8 =	vld [tilespmem:s25+$0xC50];
	v10 =	vsel vm12, v24, v10;
	vm12 =	vgt.f32 v2, v1  }
0x1b4: {  	v14 =	vld [tilespmem:$0x1FEB0];
	vm8 =	vgt.f32 v9, v5;
	v10 =	vsel vm13, v25, v10;
	v1 =	vsel vm12, v2, v1  }
0x1b5: {  	v10 =	vsel vm14, v17, v10;
	v2 =	vsel vm8, v9, v5;
	v5 =	vld [tilespmem:s25+$0x1010];
	vm13 =	vgt.f32 v3, v1  }
0x1b6: {  	v9 =	vsel vm15, v26, v10;
	v10 =	vld [tilespmem:s25+$0x70];
	vm9 =	vgt.f32 v11, v2;
	v1 =	vsel vm13, v3, v1  }
0x1b7: {  	v12 =	vld [tilespmem:s25+$0x460];
	v9 =	vsel vm12, v27, v9;
	v11 =	vsel vm9, v11, v2;
	vm14 =	vgt.f32 v44, v1  }
0x1b8: {  	v3 =	vsel vm13, v28, v9;
	v9 =	vld [tilespmem:s25+$0x420];
	vm15 =	vgt.f32 v8, v11;
	v2 =	vsel vm14, v44, v1  }
0x1b9: {  	v3 =	vsel vm14, v29, v3;
	v59 =	vsel vm15, v8, v11;
	v44 =	vld [tilespmem:s25+$0x1410];
	v8 =	vsel vm2, v48, v0  }
0x1ba: {  	v1 =	vnsel vm0, $0xFF800000, v7;
	v11 =	vld [tilespmem:s25+$0x430];
	v8 =	vsel vm3, v14, v8;
	vm12 =	vgt.f32 v5, v59  }
0x1bb: {  	vm2 =	vgt.f32 v10, v1;
	v4 =	vsel vm12, v5, v59;
	v59 =	vld [tilespmem:s25+$0x1450];
	v8 =	vsel vm5, v33, v8  }
0x1bc: {  	v1 =	vsel vm2, v10, v1;
	v10 =	vld [tilespmem:s25+$0x1810];
	v8 =	vsel vm6, v34, v8;
	vm13 =	vgt.f32 v13, v4  }
0x1bd: {  	vm6 =	vgt.f32 v9, v6;
	v4 =	vsel vm13, v13, v4;
	v8 =	vsel vm7, v35, v8;
	v13 =	vld [tilespmem:s25+$0x820]  }
0x1be: {  	v6 =	vsel vm6, v9, v6;
	v9 =	vld [tilespmem:s25+$0x860];
	v8 =	vsel vm8, v36, v8;
	vm14 =	vgt.f32 v44, v4  }
0x1bf: {  	vm3 =	vgt.f32 v11, v1;
	v4 =	vsel vm14, v44, v4;
	v44 =	vld [tilespmem:s25+$0x1850];
	v8 =	vsel vm9, v37, v8  }
0x1c0: {  	s29 =	sor.u32 $0x1C10, s26;
	v1 =	vsel vm3, v11, v1;
	v11 =	vld [tilespmem:s25+$0x470];
	v8 =	vsel vm15, v38, v8;
	vm15 =	vgt.f32 v59, v4  }
0x1c1: {  	vm7 =	vgt.f32 v12, v6;
	v4 =	vsel vm15, v59, v4;
	v59 =	vld [tilespmem:s29+$0x0]  }
0x1c2: {  	v6 =	vsel vm7, v12, v6;
	v12 =	vld [tilespmem:s25+$0xC20];
	v8 =	vsel vm12, v60, v8;
	vm12 =	vgt.f32 v10, v4  }
0x1c3: {  	vm8 =	vgt.f32 v13, v6;
	v4 =	vsel vm12, v10, v4  }
0x1c4: {  	v8 =	vsel vm13, v39, v8;
	v6 =	vsel vm8, v13, v6;
	v13 =	vld [tilespmem:s25+$0xC60];
	vm13 =	vgt.f32 v44, v4  }
0x1c5: {  	v8 =	vsel vm14, v32, v8;
	v10 =	vld [tilespmem:s25+$0x830];
	vm10 =	vgt.f32 v9, v6;
	v4 =	vsel vm13, v44, v4  }
0x1c6: {  	v8 =	vsel vm15, v40, v8;
	v6 =	vsel vm10, v9, v6;
	v9 =	vld [tilespmem:s25+$0x1020];
	vm14 =	vgt.f32 v59, v4  }
0x1c7: {  	vm5 =	vgt.f32 v11, v1;
	vm15 =	vgt.f32 v12, v6;
	v4 =	vsel vm14, v59, v4;
	v59 =	vld [tilespmem:$0x1FEC0]  }
0x1c8: {  	v1 =	vsel vm5, v11, v1;
	v11 =	vld [tilespmem:s25+$0x1060];
	v6 =	vsel vm15, v12, v6  }
0x1c9: {  	v44 =	vsel vm12, v41, v8;
	v8 =	vld [tilespmem:s25+$0x870];
	vm12 =	vgt.f32 v13, v6  }
0x1ca: {  	v6 =	vsel vm12, v13, v6;
	v13 =	vld [tilespmem:$0x1FED0]  }
0x1cb: {  	v14 =	vld [tilespmem:s25+$0xC30];
	v7 =	vsel vm13, v42, v44;
	vm13 =	vgt.f32 v9, v6  }
0x1cc: {  	v5 =	vsel vm14, v43, v7;
	v6 =	vsel vm13, v9, v6;
	v9 =	vld [tilespmem:$0x1FEE0];
	v7 =	vsel vm1, v59, v0  }
0x1cd: {  	v12 =	vld [tilespmem:s25+$0xC70];
	vm1 =	vgt.f32 v10, v1;
	vm14 =	vgt.f32 v11, v6;
	v7 =	vsel vm4, v47, v7  }
0x1ce: {  	v1 =	vsel vm1, v10, v1;
	v6 =	vsel vm14, v11, v6;
	v11 =	vld [tilespmem:$0x1FEF0];
	v7 =	vsel vm6, v49, v7  }
0x1cf: {  	vm4 =	vgt.f32 v8, v1;
	v7 =	vsel vm7, v13, v7  }
0x1d0: {  	v13 =	vld [tilespmem:s25+$0x1030];
	v1 =	vsel vm4, v8, v1;
	v7 =	vsel vm8, v50, v7  }
0x1d1: {  	v10 =	vld [tilespmem:s25+$0x1420];
	vm6 =	vgt.f32 v14, v1;
	v7 =	vsel vm10, v9, v7  }
0x1d2: {  	v1 =	vsel vm6, v14, v1;
	v9 =	vld [tilespmem:s25+$0x1070];
	v7 =	vsel vm15, v52, v7  }
0x1d3: {  	vm7 =	vgt.f32 v12, v1;
	v7 =	vsel vm12, v11, v7;
	v11 =	vld [tilespmem:$0x1FF70]  }
0x1d4: {  	v1 =	vsel vm7, v12, v1;
	v12 =	vld [tilespmem:$0x1FF00]  }
0x1d5: {  	v8 =	vld [tilespmem:s25+$0x1460];
	vm8 =	vgt.f32 v13, v1  }
0x1d6: {  	v1 =	vsel vm8, v13, v1;
	v13 =	vld [tilespmem:$0x1FF10];
	_ =	sdelay $0x1  }
0x1d7: {  	v14 =	vsel vm0, v61, v0;
	vm15 =	vgt.f32 v10, v6;
	v7 =	vsel vm13, v11, v7  }
0x1d8: {  	v6 =	vsel vm15, v10, v6;
	v10 =	vld [tilespmem:s25+$0x1430];
	vm13 =	vgt.f32 v9, v1;
	v7 =	vsel vm14, v12, v7  }
0x1d9: {  	vm12 =	vgt.f32 v8, v6;
	v1 =	vsel vm13, v9, v1;
	v9 =	vld [tilespmem:$0x1FF30];
	v7 =	vsel vm15, v54, v7  }
0x1da: {  	v7 =	vsel vm12, v13, v7;
	v13 =	vsel vm2, v62, v14;
	v14 =	vld [tilespmem:$0x1FF50];
	_ =	sdelay $0x1  }
0x1db: {  	v12 =	vld [tilespmem:s25+$0x1470];
	_ =	sdelay $0x1  }
0x1dc: {  	v11 =	vld [tilespmem:s25+$0x1820];
	v9 =	vsel vm3, v9, v13  }
0x1dd: {  	vm15 =	vgt.f32 v10, v1;
	v9 =	vsel vm5, v14, v9;
	v14 =	vld [tilespmem:$0x1FF40]  }
0x1de: {  	v44 =	vld [tilespmem:$0x1FF90];
	v1 =	vsel vm15, v10, v1  }
0x1df: {  	v6 =	vsel vm12, v8, v6;
	v8 =	vld [tilespmem:s25+$0x1860];
	vm9 =	vgt.f32 v12, v1  }
0x1e0: {  	v1 =	vsel vm9, v12, v1;
	v12 =	vld [tilespmem:$0x1FF20]  }
0x1e1: {  	v13 =	vld [tilespmem:s25+$0x1830]  }
0x1e2: {  	s30 =	sor.u32 $0x1C20, s26;
	vm14 =	vgt.f32 v11, v6;
	v9 =	vsel vm1, v14, v9;
	v14 =	vld [tilespmem:$0x1FF60]  }
0x1e3: {  	v6 =	vsel vm14, v11, v6;
	v11 =	vld [tilespmem:s30+$0x0]  }
0x1e4: {  	s29 =	sor.u32 $0x1C60, s26;
	v59 =	vld [tilespmem:$0x1FF80];
	v7 =	vsel vm14, v56, v7;
	vm10 =	vgt.f32 v8, v6  }
0x1e5: {  	v7 =	vsel vm10, v12, v7;
	v12 =	vld [tilespmem:s29+$0x0]  }
0x1e6: {  	s28 =	sor.u32 $0x1C50, s26;
	v10 =	vld [tilespmem:s25+$0x1870]  }
0x1e7: {  	s31 =	sor.u32 $0x1C30, s26;
	v6 =	vsel vm10, v8, v6;
	v8 =	vld [tilespmem:s28+$0x0];
	v9 =	vsel vm4, v14, v9  }
0x1e8: {  	vm11 =	vgt.f32 v13, v1;
	vm12 =	vgt.f32 v11, v6;
	v14 =	vld [tilespmem:s31+$0x0];
	v9 =	vsel vm6, v44, v9  }
0x1e9: {  	v1 =	vsel vm11, v13, v1;
	v6 =	vsel vm12, v11, v6;
	v9 =	vsel vm7, v46, v9  }
0x1ea: {  	s30 =	sor.u32 $0x1C70, s26;
	v7 =	vsel vm12, v58, v7;
	vm4 =	vgt.f32 v12, v6;
	v9 =	vsel vm8, v31, v9  }
0x1eb: {  	v13 =	vld [tilespmem:s30+$0x0];
	v6 =	vsel vm4, v12, v6;
	v9 =	vsel vm13, v59, v9;
	vm13 =	vgt.f32 v10, v1  }
0x1ec: {  	v7 =	vsel vm4, v63, v7;
	v59 =	vld [tilespmem:$0x1FEA0];
	v1 =	vsel vm13, v10, v1;
	v9 =	vsel vm15, v30, v9  }
0x1ed: {  	vm15 =	vgt.f32 v8, v4;
	vm14 =	vgt.f32 v14, v1;
	v9 =	vsel vm9, v51, v9  }
0x1ee: {  	v4 =	vsel vm15, v8, v4;
	v5 =	vsel vm15, v45, v5;
	v8 =	vsel vm11, v53, v9  }
0x1ef: {  	v1 =	vsel vm14, v14, v1;
	vm6 =	vgt.f32 v4, v2;
	v8 =	vsel vm13, v55, v8  }
0x1f0: {  	vm7 =	veq.f32 v4, v2;
	vm5 =	vgt.f32 v13, v1;
	v8 =	vsel vm14, v57, v8  }
0x1f1: {  	vm8 =	vlt.u32 v5, v3;
	v1 =	vsel vm5, v13, v1;
	v8 =	vsel vm5, v59, v8  }
0x1f2: {  	vm1 =	vmand vm7, vm8;
	vm9 =	veq.f32 v1, v6;
	vm10 =	vlt.u32 v8, v7  }
0x1f3: {  	vm0 =	vmor vm6, vm1;
	vm12 =	vgt.f32 v1, v6;
	vm11 =	vmand vm9, vm10  }
0x1f4: {  	v2 =	vsel vm0, v4, v2;
	vm1 =	vmor vm12, vm11  }
0x1f5: {  	v3 =	vsel vm0, v5, v3;
	v1 =	vsel vm1, v1, v6;
	v44 =	vsel vm1, v8, v7  }
0x1f6: {  	vm13 =	veq.f32 v1, v2;
	vm1 =	vlt.u32 v44, v3  }
0x1f7: {  	vm14 =	vgt.f32 v1, v2;
	vm0 =	vmand vm13, vm1  }
0x1f8: {  	vm0 =	vmor vm14, vm0  }
0x1f9: {  	v1 =	vsel vm0, v1, v2  }
0x1fa: {  	(xrf0) =	vmax.scan.msk.f32 $0xffff, v1;
	_ =	sdelay $0x5  }
0x1fb: {  	v2, _, _ =	vpop (xrf0)  }
0x1fc: {  	v2 =	vbroadcast v2, $0xF  }
0x1fd: {  	v3 =	vsel vm0, v44, v3  }
0x1fe: {  	vm15 =	veq.f32 v1, v2;
	v1 =	vxor.u32 $0x80000000, v3  }
0x1ff: {  	v1 =	vnsel vm15, $0xFFFFFFFF, v1  }
0x200: {  	(xrf0) =	vmin.scan.msk.u32 $0xffff, v1;
	_ =	sdelay $0x5  }
0x201: {  	v1, _, _ =	vpop (xrf0)  }
0x202: {  	(v2sf) =	vpush v1, $0xF;
	_ =	sdelay $0xc  }
0x203: {  	p1 =	sne.s32 s22, $0x60;
	v1 =	vmov s22  }
.Ltmp2:
0x204: {  	_ = 	snop;
	(pc) =	sbr.rel @p1 .LBB2_6-.Ltmp2, $4  }
0x205: {  	s31 =	spop (v2sf)  }
0x206: {  	s25 =	sxor.u32 $0x80000000, s31  }
0x207: {  	s24 =	sadd.s32 $0x80, s24;
	v2 =	vmov s25  }
0x208: {  	s21 =	sadd.s32 $0x1, s21;
	s23 =	sadd.s32 $0x400, s23;
	v11 =	vmov v15;
	v14 =	vmov v19;
	v13 =	vmov v18;
	s22 =	sadd.s32 $0x1, s22;
	[tilespmem:v1+s14+$0x0] =	vst.idx.msk $0x1, v2  }
0x209: {  	_ =	swait.ge [sflag:s16], $0x8000  }
0x20a: {  	s21 =	simm.s32 $0x61;
	s22 =	simm.s32 $0x0;
	[sflag:s16] =	ssyncset.done $0x0  }
0x20b: {  	s23 =	simm.s32 $0x0;
	s24 =	simm.s32 $0x0;
	[sflag:s16] =	ssyncadd.s32 $0xFFFF8000  }
.LBB2_8:
0x20c: {  	s25 =	sand.u32 $0x6000, s23;
	s26 =	sand.u32 $0x380, s24  }
0x20d: {  	s25 =	sor.u32 s26, s25  }
0x20e: {  	v1 =	vld [tilespmem:s25+$0x8000];
	_ =	sdelay $0x1  }
0x20f: {  	v2 =	vld [tilespmem:s25+$0x8040];
	_ =	sdelay $0x1  }
0x210: {  	v3 =	vld [tilespmem:s25+$0x8400]  }
0x211: {  	vm0 =	vgt.f32 v1, $-Inf  }
0x212: {  	v4 =	vld [tilespmem:s25+$0x8440];
	v1 =	vnsel vm0, $0xFF800000, v1  }
0x213: {  	vm9 =	vgt.f32 v2, v1  }
0x214: {  	v1 =	vsel vm9, v2, v1;
	v2 =	vld [tilespmem:s25+$0x8800]  }
0x215: {  	v5 =	vld [tilespmem:s25+$0x8010];
	vm3 =	vgt.f32 v3, v1  }
0x216: {  	v1 =	vsel vm3, v3, v1;
	v3 =	vld [tilespmem:s25+$0x8840]  }
0x217: {  	v44 =	vld [tilespmem:s25+$0x8C00];
	vm7 =	vgt.f32 v4, v1  }
0x218: {  	v6 =	vld [tilespmem:s25+$0x8020];
	v1 =	vsel vm7, v4, v1  }
0x219: {  	v7 =	vld [tilespmem:s25+$0x8030];
	vm4 =	vgt.f32 v2, v1  }
0x21a: {  	v1 =	vsel vm4, v2, v1;
	v2 =	vld [tilespmem:s25+$0x8C40]  }
0x21b: {  	v8 =	vld [tilespmem:s25+$0x8050];
	vm5 =	vgt.f32 v3, v1  }
0x21c: {  	vm12 =	vlt.f32 v5, $-Inf;
	v1 =	vsel vm5, v3, v1;
	v3 =	vld [tilespmem:s25+$0x9000]  }
0x21d: {  	v9 =	vld [tilespmem:s25+$0x8410];
	vm1 =	vgt.f32 v5, $-Inf;
	vm13 =	vlt.f32 v6, $-Inf;
	vm6 =	vgt.f32 v44, v1  }
0x21e: {  	vm14 =	vgt.f32 v6, $-Inf;
	vm10 =	vlt.f32 v7, $-Inf;
	v1 =	vsel vm6, v44, v1;
	v44 =	vld [tilespmem:s25+$0x9040]  }
0x21f: {  	v12 =	vld [tilespmem:s25+$0x8060];
	vm11 =	vgt.f32 v7, $-Inf;
	vm2 =	vmor vm1, vm12;
	vm8 =	vgt.f32 v2, v1  }
0x220: {  	vm1 =	vmor vm14, vm13;
	v10 =	vsel vm9, v11, v0;
	v1 =	vsel vm8, v2, v1;
	v2 =	vld [tilespmem:s25+$0x9400]  }
0x221: {  	v5 =	vnsel vm2, $0xFF800000, v5;
	v11 =	vld [tilespmem:s25+$0x8450];
	v10 =	vsel vm3, v13, v10;
	vm15 =	vgt.f32 v3, v1  }
0x222: {  	vm3 =	vgt.f32 v8, v5;
	v10 =	vsel vm7, v14, v10;
	v1 =	vsel vm15, v3, v1;
	v3 =	vld [tilespmem:s25+$0x9440]  }
0x223: {  	v5 =	vsel vm3, v8, v5;
	v8 =	vld [tilespmem:s25+$0x8810];
	v10 =	vsel vm4, v20, v10;
	vm12 =	vgt.f32 v44, v1  }
0x224: {  	s30 =	sand.u32 $0x7, s22;
	v10 =	vsel vm5, v21, v10;
	vm5 =	vgt.f32 v9, v5;
	v1 =	vsel vm12, v44, v1;
	v44 =	vld [tilespmem:s25+$0x9800]  }
0x225: {  	s26 =	sshll.u32 s30, $0x7;
	v6 =	vnsel vm1, $0xFF800000, v6;
	v5 =	vsel vm5, v9, v5;
	v9 =	vld [tilespmem:s25+$0x8850];
	vm13 =	vgt.f32 v2, v1  }
0x226: {  	s26 =	sadd.s32 s26, s23;
	vm0 =	vmor vm11, vm10;
	vm4 =	vgt.f32 v12, v6;
	v1 =	vsel vm13, v2, v1;
	v2 =	vld [tilespmem:s25+$0x9840]  }
0x227: {  	s28 =	sor.u32 $0x1C00, s26;
	v14 =	vld [tilespmem:$0x1FEB0];
	v10 =	vsel vm6, v22, v10;
	vm6 =	vgt.f32 v11, v5;
	vm14 =	vgt.f32 v3, v1  }
0x228: {  	v5 =	vsel vm6, v11, v5;
	v10 =	vsel vm8, v23, v10;
	v1 =	vsel vm14, v3, v1;
	v3 =	vld [tilespmem:s28+$0x8000]  }
0x229: {  	s31 =	sor.u32 $0x1C40, s26;
	v11 =	vld [tilespmem:s25+$0x8C10];
	vm7 =	vgt.f32 v8, v5;
	v10 =	vsel vm15, v16, v10;
	vm15 =	vgt.f32 v44, v1  }
0x22a: {  	v5 =	vsel vm7, v8, v5;
	v10 =	vsel vm12, v24, v10;
	v1 =	vsel vm15, v44, v1;
	v44 =	vld [tilespmem:s31+$0x8000]  }
0x22b: {  	v8 =	vld [tilespmem:s25+$0x8C50];
	vm8 =	vgt.f32 v9, v5;
	v10 =	vsel vm13, v25, v10;
	vm12 =	vgt.f32 v2, v1  }
0x22c: {  	v10 =	vsel vm14, v17, v10;
	v1 =	vsel vm12, v2, v1;
	v2 =	vsel vm8, v9, v5;
	v5 =	vld [tilespmem:s25+$0x9010]  }
0x22d: {  	v6 =	vsel vm4, v12, v6;
	v9 =	vsel vm15, v26, v10;
	v10 =	vld [tilespmem:s25+$0x8070];
	vm13 =	vgt.f32 v3, v1  }
0x22e: {  	v13 =	vld [tilespmem:s25+$0x9050];
	v9 =	vsel vm12, v27, v9;
	vm9 =	vgt.f32 v11, v2;
	v1 =	vsel vm13, v3, v1  }
0x22f: {  	v11 =	vsel vm9, v11, v2;
	v3 =	vsel vm13, v28, v9;
	v9 =	vld [tilespmem:s25+$0x8420];
	vm14 =	vgt.f32 v44, v1  }
0x230: {  	vm15 =	vgt.f32 v8, v11;
	v2 =	vsel vm14, v44, v1;
	v3 =	vsel vm14, v29, v3;
	v44 =	vld [tilespmem:s25+$0x9410]  }
0x231: {  	v1 =	vnsel vm0, $0xFF800000, v7;
	v4 =	vsel vm15, v8, v11;
	v8 =	vsel vm2, v48, v0;
	v11 =	vld [tilespmem:s25+$0x8430]  }
0x232: {  	v12 =	vld [tilespmem:s25+$0x8460];
	v8 =	vsel vm3, v14, v8;
	vm12 =	vgt.f32 v5, v4;
	vm2 =	vgt.f32 v10, v1  }
0x233: {  	v4 =	vsel vm12, v5, v4;
	v5 =	vld [tilespmem:s25+$0x9450];
	v8 =	vsel vm5, v33, v8;
	v1 =	vsel vm2, v10, v1  }
0x234: {  	v10 =	vld [tilespmem:s25+$0x9810];
	v8 =	vsel vm6, v34, v8;
	vm13 =	vgt.f32 v13, v4;
	vm6 =	vgt.f32 v9, v6  }
0x235: {  	v4 =	vsel vm13, v13, v4;
	v8 =	vsel vm7, v35, v8;
	v13 =	vld [tilespmem:s25+$0x8820];
	v6 =	vsel vm6, v9, v6  }
0x236: {  	v9 =	vld [tilespmem:s25+$0x8860];
	v8 =	vsel vm8, v36, v8;
	vm14 =	vgt.f32 v44, v4;
	vm3 =	vgt.f32 v11, v1  }
0x237: {  	vm7 =	vgt.f32 v12, v6;
	v4 =	vsel vm14, v44, v4;
	v44 =	vld [tilespmem:s25+$0x9850];
	v8 =	vsel vm9, v37, v8  }
0x238: {  	v1 =	vsel vm3, v11, v1;
	v11 =	vld [tilespmem:s25+$0x8470];
	v8 =	vsel vm15, v38, v8;
	vm15 =	vgt.f32 v5, v4  }
0x239: {  	s29 =	sor.u32 $0x1C10, s26;
	v6 =	vsel vm7, v12, v6;
	v12 =	vld [tilespmem:s25+$0x8C20];
	v4 =	vsel vm15, v5, v4;
	v8 =	vsel vm12, v60, v8  }
0x23a: {  	v5 =	vld [tilespmem:s29+$0x8000];
	v8 =	vsel vm13, v39, v8;
	vm12 =	vgt.f32 v10, v4;
	vm8 =	vgt.f32 v13, v6  }
0x23b: {  	v4 =	vsel vm12, v10, v4;
	v8 =	vsel vm14, v32, v8;
	v6 =	vsel vm8, v13, v6;
	v13 =	vld [tilespmem:s25+$0x8C60]  }
0x23c: {  	v10 =	vld [tilespmem:s25+$0x8830];
	v8 =	vsel vm15, v40, v8;
	vm13 =	vgt.f32 v44, v4;
	vm10 =	vgt.f32 v9, v6  }
0x23d: {  	v4 =	vsel vm13, v44, v4;
	v44 =	vsel vm12, v41, v8;
	v6 =	vsel vm10, v9, v6;
	v9 =	vld [tilespmem:s25+$0x9020]  }
0x23e: {  	vm5 =	vgt.f32 v11, v1;
	v7 =	vsel vm13, v42, v44;
	v44 =	vld [tilespmem:$0x1FEC0];
	vm15 =	vgt.f32 v12, v6  }
0x23f: {  	v1 =	vsel vm5, v11, v1;
	v11 =	vld [tilespmem:s25+$0x9060];
	v6 =	vsel vm15, v12, v6  }
0x240: {  	v8 =	vld [tilespmem:s25+$0x8870];
	vm12 =	vgt.f32 v13, v6  }
0x241: {  	vm14 =	vgt.f32 v5, v4;
	v6 =	vsel vm12, v13, v6;
	v13 =	vld [tilespmem:$0x1FED0]  }
0x242: {  	v14 =	vld [tilespmem:s25+$0x8C30];
	v4 =	vsel vm14, v5, v4;
	vm13 =	vgt.f32 v9, v6  }
0x243: {  	v5 =	vsel vm14, v43, v7;
	v7 =	vsel vm1, v44, v0;
	v6 =	vsel vm13, v9, v6;
	v9 =	vld [tilespmem:$0x1FEE0]  }
0x244: {  	v12 =	vld [tilespmem:s25+$0x8C70];
	vm1 =	vgt.f32 v10, v1;
	v7 =	vsel vm4, v47, v7;
	vm14 =	vgt.f32 v11, v6  }
0x245: {  	v1 =	vsel vm1, v10, v1;
	v7 =	vsel vm6, v49, v7;
	v6 =	vsel vm14, v11, v6;
	v11 =	vld [tilespmem:$0x1FEF0]  }
0x246: {  	vm4 =	vgt.f32 v8, v1;
	v7 =	vsel vm7, v13, v7  }
0x247: {  	v13 =	vld [tilespmem:s25+$0x9030];
	v1 =	vsel vm4, v8, v1;
	v7 =	vsel vm8, v50, v7  }
0x248: {  	v10 =	vld [tilespmem:s25+$0x9420];
	vm6 =	vgt.f32 v14, v1;
	v7 =	vsel vm10, v9, v7  }
0x249: {  	v1 =	vsel vm6, v14, v1;
	v9 =	vld [tilespmem:s25+$0x9070];
	v7 =	vsel vm15, v52, v7  }
0x24a: {  	vm7 =	vgt.f32 v12, v1;
	v7 =	vsel vm12, v11, v7;
	v11 =	vld [tilespmem:$0x1FF70]  }
0x24b: {  	v1 =	vsel vm7, v12, v1;
	v12 =	vld [tilespmem:$0x1FF00]  }
0x24c: {  	v8 =	vld [tilespmem:s25+$0x9460];
	vm8 =	vgt.f32 v13, v1  }
0x24d: {  	v1 =	vsel vm8, v13, v1;
	v13 =	vld [tilespmem:$0x1FF10];
	_ =	sdelay $0x1  }
0x24e: {  	v14 =	vsel vm0, v61, v0;
	vm15 =	vgt.f32 v10, v6;
	v7 =	vsel vm13, v11, v7  }
0x24f: {  	v6 =	vsel vm15, v10, v6;
	vm13 =	vgt.f32 v9, v1;
	v7 =	vsel vm14, v12, v7  }
0x250: {  	vm12 =	vgt.f32 v8, v6;
	v1 =	vsel vm13, v9, v1;
	v9 =	vld [tilespmem:$0x1FF30];
	v7 =	vsel vm15, v54, v7  }
0x251: {  	v7 =	vsel vm12, v13, v7;
	v13 =	vsel vm2, v62, v14;
	v14 =	vld [tilespmem:$0x1FF50]  }
0x252: {  	v10 =	vld [tilespmem:s25+$0x9430];
	_ =	sdelay $0x1  }
0x253: {  	v12 =	vld [tilespmem:s25+$0x9470]  }
0x254: {  	v9 =	vsel vm3, v9, v13  }
0x255: {  	v9 =	vsel vm5, v14, v9;
	v14 =	vld [tilespmem:$0x1FF40]  }
0x256: {  	vm15 =	vgt.f32 v10, v1  }
0x257: {  	v11 =	vld [tilespmem:s25+$0x9820];
	v1 =	vsel vm15, v10, v1  }
0x258: {  	v6 =	vsel vm12, v8, v6;
	v8 =	vld [tilespmem:s25+$0x9860];
	vm9 =	vgt.f32 v12, v1  }
0x259: {  	v1 =	vsel vm9, v12, v1;
	v12 =	vld [tilespmem:$0x1FF20]  }
0x25a: {  	v9 =	vsel vm1, v14, v9;
	v14 =	vld [tilespmem:$0x1FF60]  }
0x25b: {  	v44 =	vld [tilespmem:$0x1FF90]  }
0x25c: {  	vm14 =	vgt.f32 v11, v6  }
0x25d: {  	v6 =	vsel vm14, v11, v6  }
0x25e: {  	v7 =	vsel vm14, v56, v7;
	vm10 =	vgt.f32 v8, v6  }
0x25f: {  	v7 =	vsel vm10, v12, v7;
	v9 =	vsel vm4, v14, v9  }
0x260: {  	s30 =	sor.u32 $0x1C20, s26;
	v13 =	vld [tilespmem:s25+$0x9830];
	v9 =	vsel vm6, v44, v9;
	v44 =	vmovc v43;
	v43 =	vmovc v42;
	v42 =	vmov v41;
	v41 =	vmov v40  }
0x261: {  	s29 =	sor.u32 $0x1C60, s26;
	v11 =	vld [tilespmem:s30+$0x8000];
	v40 =	vmovc v39;
	v39 =	vmovc v38;
	v38 =	vmov v37;
	v37 =	vmov v36;
	v36 =	vmov v35  }
0x262: {  	v12 =	vld [tilespmem:s29+$0x8000];
	v35 =	vmovc v34;
	v34 =	vmovc v33;
	v33 =	vmov v32;
	v32 =	vmov v60;
	v60 =	vmov v58  }
0x263: {  	v58 =	vmovc v56;
	v56 =	vmovc v54;
	v54 =	vmov v52;
	v52 =	vmov v50;
	v50 =	vmov v49;
	v49 =	vld [tilespmem:$0x1FF80];
	_ =	sdelay $0x1  }
0x264: {  	s28 =	sor.u32 $0x1C50, s26;
	v10 =	vld [tilespmem:s25+$0x9870];
	v6 =	vsel vm10, v8, v6  }
0x265: {  	s31 =	sor.u32 $0x1C30, s26;
	v8 =	vld [tilespmem:s28+$0x8000];
	vm12 =	vgt.f32 v11, v6;
	v9 =	vsel vm7, v46, v9  }
0x266: {  	vm11 =	vgt.f32 v13, v1;
	v6 =	vsel vm12, v11, v6;
	v14 =	vld [tilespmem:s31+$0x8000];
	v9 =	vsel vm8, v31, v9  }
0x267: {  	v1 =	vsel vm11, v13, v1;
	vm4 =	vgt.f32 v12, v6;
	v9 =	vsel vm13, v49, v9;
	v49 =	vmovc v50  }
0x268: {  	s30 =	sor.u32 $0x1C70, s26;
	v50 =	vmovc v52;
	v52 =	vmovc v54;
	v54 =	vmov v56;
	v56 =	vmov v58;
	v58 =	vmov v60  }
0x269: {  	v13 =	vld [tilespmem:s30+$0x8000];
	v6 =	vsel vm4, v12, v6;
	vm13 =	vgt.f32 v10, v1;
	v7 =	vsel vm12, v58, v7  }
0x26a: {  	v1 =	vsel vm13, v10, v1;
	v9 =	vsel vm15, v30, v9;
	vm15 =	vgt.f32 v8, v4  }
0x26b: {  	v60 =	vmovc v32;
	vm14 =	vgt.f32 v14, v1;
	v9 =	vsel vm9, v51, v9;
	v4 =	vsel vm15, v8, v4  }
0x26c: {  	v32 =	vmovc v33;
	v5 =	vsel vm15, v45, v5;
	v7 =	vsel vm4, v63, v7;
	v8 =	vsel vm11, v53, v9  }
0x26d: {  	v33 =	vmovc v34;
	v1 =	vsel vm14, v14, v1;
	vm6 =	vgt.f32 v4, v2;
	v8 =	vsel vm13, v55, v8  }
0x26e: {  	v34 =	vmovc v35;
	vm7 =	veq.f32 v4, v2;
	vm5 =	vgt.f32 v13, v1;
	v8 =	vsel vm14, v57, v8  }
0x26f: {  	v35 =	vmovc v36;
	vm8 =	vlt.u32 v5, v3;
	v1 =	vsel vm5, v13, v1;
	v8 =	vsel vm5, v59, v8  }
0x270: {  	v36 =	vmovc v37;
	v37 =	vmovc v38;
	vm1 =	vmand vm7, vm8;
	vm9 =	veq.f32 v1, v6;
	vm10 =	vlt.u32 v8, v7  }
0x271: {  	v38 =	vmovc v39;
	v39 =	vmovc v40;
	vm0 =	vmor vm6, vm1;
	vm12 =	vgt.f32 v1, v6;
	vm11 =	vmand vm9, vm10  }
0x272: {  	v40 =	vmovc v41;
	v41 =	vmovc v42;
	v42 =	vmov v43;
	v2 =	vsel vm0, v4, v2;
	vm1 =	vmor vm12, vm11  }
0x273: {  	v43 =	vmovc v44;
	v3 =	vsel vm0, v5, v3;
	v1 =	vsel vm1, v1, v6;
	v44 =	vsel vm1, v8, v7  }
0x274: {  	vm13 =	veq.f32 v1, v2;
	vm1 =	vlt.u32 v44, v3  }
0x275: {  	vm14 =	vgt.f32 v1, v2;
	vm0 =	vmand vm13, vm1  }
0x276: {  	vm0 =	vmor vm14, vm0  }
0x277: {  	v1 =	vsel vm0, v1, v2  }
0x278: {  	(xrf0) =	vmax.scan.msk.f32 $0xffff, v1;
	_ =	sdelay $0x5  }
0x279: {  	v2, _, _ =	vpop (xrf0)  }
0x27a: {  	v2 =	vbroadcast v2, $0xF  }
0x27b: {  	v3 =	vsel vm0, v44, v3  }
0x27c: {  	vm15 =	veq.f32 v1, v2;
	v1 =	vxor.u32 $0x80000000, v3  }
0x27d: {  	v1 =	vnsel vm15, $0xFFFFFFFF, v1  }
0x27e: {  	(xrf0) =	vmin.scan.msk.u32 $0xffff, v1;
	_ =	sdelay $0x5  }
0x27f: {  	v1, _, _ =	vpop (xrf0)  }
0x280: {  	(v2sf) =	vpush v1, $0xF;
	_ =	sdelay $0xc  }
0x281: {  	p1 =	sne.s32 s21, $0x80;
	v1 =	vmov s21  }
.Ltmp3:
0x282: {  	_ = 	snop;
	(pc) =	sbr.rel @p1 .LBB2_8-.Ltmp3, $4  }
0x283: {  	s31 =	spop (v2sf)  }
0x284: {  	s25 =	sxor.u32 $0x80000000, s31  }
0x285: {  	s24 =	sadd.s32 $0x80, s24;
	v2 =	vmov s25  }
0x286: {  	s22 =	sadd.s32 $0x1, s22;
	s23 =	sadd.s32 $0x400, s23;
	v11 =	vmov v15;
	v14 =	vmov v19;
	v13 =	vmov v18;
	s21 =	sadd.s32 $0x1, s21;
	[tilespmem:v1+s14+$0x0] =	vst.idx.msk $0x1, v2  }
0x287: {  	v1 =	vadd.s32 $0x1, v0;
	_ =	sdelay $0x3  }
0x288: {  	v2 =	vld.idx.msk [tilespmem:v0+s14+$0x0], $0xffff  }
0x289: {  	v1 =	vld.idx.msk [tilespmem:v1+s14+$0x0], $0xffff;
	_ =	sdelay $0x3  }
0x28a: {  	v3 =	vadd.s32 $0x11, v0  }
0x28b: {  	vm0 =	vne.s32 v1, v2;
	vm1 =	vne.s32 v1, $0x0  }
0x28c: {  	vm0 =	vmand vm1, vm0  }
0x28d: {  	v1 =	vnsel vm0, $0xFFFFFFFF, v1  }
0x28e: {  	[tilespmem:$0x10500] =	vst v1  }
0x28f: {  	v1 =	vld.idx.msk [tilespmem:v3+s14+$0x0], $0xffff  }
0x290: {  	v2 =	vld.idx.msk [tilespmem:v48+s14+$0x0], $0xffff;
	_ =	sdelay $0x1  }
0x291: {  	v9 =	vld [tilespmem:$0x1FEC0];
	_ =	sdelay $0x1  }
0x292: {  	v3 =	vadd.s32 $0x21, v0  }
0x293: {  	vm14 =	vne.s32 v1, v2;
	vm15 =	vne.s32 v1, $0x0  }
0x294: {  	vm0 =	vmand vm15, vm14  }
0x295: {  	v1 =	vnsel vm0, $0xFFFFFFFF, v1  }
0x296: {  	[tilespmem:$0x10510] =	vst v1  }
0x297: {  	v1 =	vld.idx.msk [tilespmem:v3+s14+$0x0], $0xffff  }
0x298: {  	v2 =	vld.idx.msk [tilespmem:v9+s14+$0x0], $0xffff;
	_ =	sdelay $0x3  }
0x299: {  	v3 =	vadd.s32 $0x31, v0  }
0x29a: {  	vm4 =	vne.s32 v1, v2;
	vm5 =	vne.s32 v1, $0x0  }
0x29b: {  	vm0 =	vmand vm5, vm4  }
0x29c: {  	v1 =	vnsel vm0, $0xFFFFFFFF, v1  }
0x29d: {  	[tilespmem:$0x10520] =	vst v1  }
0x29e: {  	v1 =	vld.idx.msk [tilespmem:v3+s14+$0x0], $0xffff  }
0x29f: {  	v2 =	vld.idx.msk [tilespmem:v61+s14+$0x0], $0xffff;
	_ =	sdelay $0x3  }
0x2a0: {  	v3 =	vadd.s32 $0x41, v0  }
0x2a1: {  	vm6 =	vne.s32 v1, v2;
	vm7 =	vne.s32 v1, $0x0  }
0x2a2: {  	vm0 =	vmand vm7, vm6  }
0x2a3: {  	v1 =	vnsel vm0, $0xFFFFFFFF, v1  }
0x2a4: {  	[tilespmem:$0x10530] =	vst v1  }
0x2a5: {  	v1 =	vld.idx.msk [tilespmem:v3+s14+$0x0], $0xffff  }
0x2a6: {  	v2 =	vld.idx.msk [tilespmem:v11+s14+$0x0], $0xffff;
	_ =	sdelay $0x1  }
0x2a7: {  	v8 =	vld [tilespmem:$0x1FEB0];
	_ =	sdelay $0x1  }
0x2a8: {  	v3 =	vadd.s32 $0x51, v0  }
0x2a9: {  	vm8 =	vne.s32 v1, v2;
	vm9 =	vne.s32 v1, $0x0  }
0x2aa: {  	vm0 =	vmand vm9, vm8  }
0x2ab: {  	v1 =	vnsel vm0, $0xFFFFFFFF, v1  }
0x2ac: {  	[tilespmem:$0x10540] =	vst v1  }
0x2ad: {  	v1 =	vld.idx.msk [tilespmem:v3+s14+$0x0], $0xffff  }
0x2ae: {  	v2 =	vld.idx.msk [tilespmem:v8+s14+$0x0], $0xffff;
	_ =	sdelay $0x3  }
0x2af: {  	v3 =	vadd.s32 $0x61, v0  }
0x2b0: {  	vm10 =	vne.s32 v1, v2;
	vm11 =	vne.s32 v1, $0x0  }
0x2b1: {  	vm0 =	vmand vm11, vm10  }
0x2b2: {  	v1 =	vnsel vm0, $0xFFFFFFFF, v1  }
0x2b3: {  	[tilespmem:$0x10550] =	vst v1  }
0x2b4: {  	v1 =	vld.idx.msk [tilespmem:v3+s14+$0x0], $0xffff  }
0x2b5: {  	v2 =	vld.idx.msk [tilespmem:v47+s14+$0x0], $0xffff;
	_ =	sdelay $0x3  }
0x2b6: {  	v3 =	vadd.s32 $0x71, v0  }
0x2b7: {  	vm12 =	vne.s32 v1, v2;
	vm13 =	vne.s32 v1, $0x0  }
0x2b8: {  	vm0 =	vmand vm13, vm12  }
0x2b9: {  	v1 =	vnsel vm0, $0xFFFFFFFF, v1  }
0x2ba: {  	[tilespmem:$0x10560] =	vst v1  }
0x2bb: {  	v1 =	vld.idx.msk [tilespmem:v3+s14+$0x0], $0xffff  }
0x2bc: {  	v2 =	vld.idx.msk [tilespmem:v62+s14+$0x0], $0xffff;
	_ =	sdelay $0x4  }
0x2bd: {  	vm14 =	vne.s32 v1, v2;
	vm15 =	vne.s32 v1, $0x0  }
0x2be: {  	vm0 =	vmand vm15, vm14  }
0x2bf: {  	v1 =	vnsel vm0, $0xFFFFFFFF, v1  }
0x2c0: {  	[tilespmem:$0x10570] =	vst v1  }
0x2c1: {  	[hbm4b:s8+s2] =	stream.linear.scatter [tilespmem:s18], [sflag:$0x4], $0x80, $0x38;
	[tilespmem:$0x10580] =	vst v63  }
0x2c2: {  	_ =	swait.ge [sflag:s19], $0x80  }
0x2c3: {  	v59 =	vmov v60;
	v60 =	vld [tilespmem:$0x1FEE0]  }
0x2c4: {  	v12 =	vmov v63;
	v63 =	vld [tilespmem:$0x1FEF0]  }
0x2c5: {  	v57 =	vld [tilespmem:$0x1FF70]  }
0x2c6: {  	s20 =	sadd.s32 $0x1, s20;
	v30 =	vld [tilespmem:$0x1FF20]  }
0x2c7: {  	p1 =	sne.s32 s20, s9;
	v51 =	vld [tilespmem:$0x1FF30]  }
.Ltmp4:
0x2c8: {  	v53 =	vld [tilespmem:$0x1FF50];
	(pc) =	sbr.rel @p1 .LBB2_1-.Ltmp4, $4  }
0x2c9: {  	v19 =	vld [tilespmem:$0x1FF40]  }
0x2ca: {  	v55 =	vld [tilespmem:$0x1FF60]  }
0x2cb: {  	v10 =	vmovc v45;
	v44 =	vmovc v48;
	v6 =	vmov v35;
	v7 =	vmov v36;
	v35 =	vmov v37;
	[sflag:s19] =	ssyncset.done $0x0;
	v18 =	vld [tilespmem:$0x1FF90]  }
0x2cc: {  	v36 =	vmovc v38;
	v37 =	vmovc v40;
	v38 =	vmov v41;
	v15 =	vmov v46;
	v45 =	vmov v31;
	v48 =	vld [tilespmem:$0x1FF80];
	[sflag:s19] =	ssyncadd.s32 $0xFFFFFF80  }
0x2cd: {  	_ =	sfence.sel $0x180000  }
0x2ce: {  	[bflag:$0x0] =	sbarrier.arrive $0xFFFF  }
0x2cf: {  	p0 =	sne.s32 s0, $0x0;
	_ =	strace $0x90000047  }
0x2d0: {  	s0 =	sadd.s32 @!p0 $0x100000, s1;
	[bflag:$0x2] =	sbarrier.arrive $0xFFFF  }
0x2d1: {  	[sflag:s0] =	ssyncadd.tile.s32 @!p0 $0x1;
	_ =	shalt  }
.Lfunc_end2:
_tile_overlayer_lowered:
.L_overlay_start_2:
0x2d2: {  	(tag) =	ssettag $0x2  }
0x2d3: {  	s0 =	rddreg [dreg:$0x0];
	s2 =	stileid.u32  }
0x2d4: {  	s1 =	rddreg [dreg:$0x1];
	p0 =	sne.s32 s2, $0x0  }
0x2d5: {  	s3 =	rddreg [dreg:$0x2];
	[bflag:$0x3] =	sbarrier.arrive $0xFFFF;
	s2 =	simm.s32 @!p0 $0x1C04  }
0x2d6: {  	[timem:s3], [sflag:s2] =	dma.local @!p0 [hbm:s0], s1  }
0x2d7: {  	s0 =	simm.s32 @!p0 $0x4  }
0x2d8: {  	_ =	swait.ge @!p0 [sflag:s0], s1  }
0x2d9: {  	s1 =	ssub.s32 @!p0 $0x0, s1;
	[sflag:s0] =	ssyncset.done @!p0 $0x0  }
0x2da: {  	[sflag:s0] =	ssyncadd.s32 @!p0 s1  }
0x2db: {  	[bflag:$0x3] =	sbarrier.arrive $0xFFFF  }
0x2dc: {  	_ =	shalt  }

</sc_bundles>
